<compile_context>
chip_gen: v7x
topology: tpu7x:2x2x1
jax: 0.10.2.dev20260603
libtpu: 0.0.44.dev20260713+nightly
codegen_flags: <defaults>
</compile_context>

<pallas_src>
import functools

import jax
import jax.numpy as jnp
from jax import lax
from jax.experimental import pallas as pl
from jax.experimental.pallas import tpu as pltpu
from jax.experimental.pallas import tpu_sc as plsc

B, S, D, R = 16384, 50, 32, 1000000
NC, NS = 2, 16
NW = NC * NS
RJF = 7812
DUMMY = RJF * 32 + 32
PJ = DUMMY + 32
APW = 123
NU = RJF // 2
UBPW = (S * 128) // NW

_mesh = plsc.VectorSubcoreMesh(core_axis_name="c", subcore_axis_name="s")
_params = pltpu.CompilerParams(use_tc_tiling_on_sc=True, needs_layout_passes=False)


@functools.partial(
    pl.kernel,
    mesh=_mesh,
    out_type=jax.ShapeDtypeStruct((PJ, 128), jnp.float32),
    compiler_params=_params,
    scratch_types=[
        pltpu.VMEM((64, 128), jnp.float32),
        pltpu.VMEM((64, 128), jnp.float32),
        pltpu.VMEM((64, 128), jnp.float32),
        pltpu.VMEM((64, 128), jnp.float32),
        pltpu.SemaphoreType.DMA,
        pltpu.SemaphoreType.DMA,
        pltpu.SemaphoreType.DMA,
        pltpu.SemaphoreType.DMA,
    ],
)
def _pack(wt_hbm, p_hbm, t0, t1, p0, p1, ain0, ain1, aout0, aout1):
    wid = lax.axis_index("s") * NC + lax.axis_index("c")
    lanes = lax.iota(jnp.int32, 16)
    rowbase = lax.shift_right_logical(lanes, 2)
    colbase = lax.shift_left(lax.bitwise_and(lanes, jnp.int32(3)), 5)
    tiles = (t0, t1)
    packs = (p0, p1)
    ains = (ain0, ain1)
    aouts = (aout0, aout1)

    def src_j(n):
        jj = wid + NW * n
        return jnp.where(jj < NU, jj, 0), jj < NU

    def fire_in(n, par):
        u, _ = src_j(n)
        for b in range(2):
            for i in range(4):
                pltpu.async_copy(
                    wt_hbm.at[pl.ds(i * 8, 8),
                              pl.ds(pl.multiple_of(u * 256 + b * 128, 128),
                                    128)],
                    tiles[par].at[pl.ds(b * 32 + i * 8, 8)],
                    ains[par],
                )

    def drain_in(par):
        for i in range(8):
            pltpu.make_async_copy(
                wt_hbm.at[pl.ds(0, 8), pl.ds(0, 128)],
                tiles[par].at[pl.ds(i * 8, 8)],
                ains[par],
            ).wait()

    rows8 = tuple(rowbase + 4 * g for g in range(8))

    def scatter(par):
        tl = tiles[par]
        pk = packs[par]

        @plsc.parallel_loop(0, 64, unroll=8)
        def _(d2):
            b = d2 >> 5
            d = d2 & 31
            cols = colbase + d
            rof = b * 32
            for g in range(8):
                v = tl[d2, pl.ds(g * 16, 16)]
                plsc.store_scatter(pk, [rows8[g] + rof, cols], v)

    def fire_out(n, par):
        u, valid = src_j(n)
        dst = jnp.where(valid, u * 64, DUMMY)
        pltpu.async_copy(
            packs[par], p_hbm.at[pl.ds(pl.multiple_of(dst, 8), 64)],
            aouts[par]
        )

    def drain_out(par):
        pltpu.make_async_copy(
            packs[par], p_hbm.at[pl.ds(0, 64)], aouts[par]
        ).wait()

    fire_in(0, 0)

    def body(m, carry):
        n0 = 2 * m
        fire_in(n0 + 1, 1)
        drain_in(0)

        @pl.when(m > 0)
        def _():
            drain_out(0)

        scatter(0)
        fire_out(n0, 0)
        fire_in(n0 + 2, 0)
        drain_in(1)

        @pl.when(m > 0)
        def _():
            drain_out(1)

        scatter(1)
        fire_out(n0 + 1, 1)
        return carry

    lax.fori_loop(0, APW // 2, body, 0)
    drain_in(0)
    drain_out(0)
    scatter(0)
    fire_out(APW - 1, 0)
    drain_out(1)
    drain_out(0)

    @pl.when(wid == 0)
    def _():
        for i in range(4):
            pltpu.async_copy(
                wt_hbm.at[pl.ds(i * 8, 8),
                          pl.ds(pl.multiple_of(RJF * 128, 128), 128)],
                t0.at[pl.ds(i * 8, 8)],
                ain0,
            )
        for i in range(4):
            pltpu.make_async_copy(
                wt_hbm.at[pl.ds(i * 8, 8), pl.ds(0, 128)],
                t0.at[pl.ds(i * 8, 8)],
                ain0,
            ).wait()
        for d in range(32):
            cols = colbase + d
            for g in range(4):
                v = t0[d, pl.ds(g * 16, 16)]
                plsc.store_scatter(p0, [rows8[g], cols], v)
        pltpu.async_copy(
            p0.at[pl.ds(0, 16)], p_hbm.at[pl.ds(RJF * 32, 16)], aout0
        )
        pltpu.make_async_copy(
            p0.at[pl.ds(0, 16)], p_hbm.at[pl.ds(0, 16)], aout0
        ).wait()


@functools.partial(
    pl.kernel,
    mesh=_mesh,
    out_type=jax.ShapeDtypeStruct((S, D, B), jnp.float32),
    compiler_params=_params,
    scratch_types=[
        pltpu.VMEM((128,), jnp.int32),
        pltpu.VMEM((128,), jnp.int32),
        pltpu.VMEM((128,), jnp.int32),
        pltpu.VMEM((128,), jnp.int32),
        pltpu.VMEM((128,), jnp.int32),
        pltpu.VMEM((128,), jnp.int32),
        pltpu.VMEM((128, 128), jnp.float32),
        pltpu.VMEM((128, 128), jnp.float32),
        pltpu.VMEM((32, 128), jnp.float32),
        pltpu.VMEM((32, 128), jnp.float32),
        pltpu.SemaphoreType.DMA,
        pltpu.SemaphoreType.DMA,
        pltpu.SemaphoreType.DMA,
        pltpu.SemaphoreType.DMA,
        pltpu.SemaphoreType.DMA,
        pltpu.SemaphoreType.DMA,
    ],
)
def _gather(tt_hbm, p_hbm, out_hbm, i0, i1, f0, f1, c0, c1, st0, st1,
            ob0, ob1, si0, si1, sg0, sg1, so0, so1):
    wid = lax.axis_index("s") * NC + lax.axis_index("c")
    idxs = (i0, i1)
    j4s = (f0, f1)
    cbs = (c0, c1)
    stages = (st0, st1)
    outbs = (ob0, ob1)
    sis = (si0, si1)
    sgs = (sg0, sg1)
    sos = (so0, so1)
    lanes = lax.iota(jnp.int32, 16)
    lanes16 = tuple(lanes + g * 16 for g in range(8))

    def ub_sj(n):
        ub = wid * UBPW + n
        return ub // 128, ub % 128

    def fire_idx(n, par):
        s, j = ub_sj(n)
        pltpu.async_copy(
            tt_hbm.at[s, pl.ds(pl.multiple_of(j * 128, 128), 128)],
            idxs[par], sis[par]
        )

    def drain_idx(par):
        pltpu.make_async_copy(
            tt_hbm.at[0, pl.ds(0, 128)], idxs[par], sis[par]
        ).wait()

    def prep(n, par):
        for g in range(8):
            t = idxs[par][pl.ds(g * 16, 16)]
            j4s[par][pl.ds(g * 16, 16)] = lax.shift_right_logical(t, 2)
            cbs[par][pl.ds(g * 16, 16)] = lax.shift_left(
                lax.bitwise_and(t, jnp.int32(3)), 5)

    def fire_gather(par):
        pltpu.async_copy(p_hbm.at[j4s[par]], stages[par], sgs[par])

    def drain_gather(par):
        pltpu.make_async_copy(
            p_hbm.at[j4s[par]], stages[par], sgs[par]
        ).wait()

    def extract(par):
        st = stages[par]
        ob = outbs[par]
        cb = cbs[par]
        for g in range(8):
            rows = lanes16[g]
            csub = cb[pl.ds(g * 16, 16)]

            @plsc.parallel_loop(0, 32, unroll=8)
            def _(d, _rows=rows, _csub=csub, _g=g):
                v = plsc.load_gather(st, [_rows, _csub + d])
                ob[d, pl.ds(_g * 16, 16)] = v

    def fire_out(n, par):
        s, j = ub_sj(n)
        pltpu.async_copy(
            outbs[par],
            out_hbm.at[s, pl.ds(0, 32),
                       pl.ds(pl.multiple_of(j * 128, 128), 128)],
            sos[par],
        )

    def drain_out(par):
        pltpu.make_async_copy(
            outbs[par], out_hbm.at[0, pl.ds(0, 32), pl.ds(0, 128)], sos[par]
        ).wait()

    fire_idx(0, 0)
    fire_idx(1, 1)
    drain_idx(0)
    prep(0, 0)
    fire_gather(0)

    def body(m, carry):
        n0 = 2 * m
        drain_idx(1)
        prep(n0 + 1, 1)

        @pl.when(n0 + 2 < UBPW)
        def _():
            fire_idx(n0 + 2, 0)

        fire_gather(1)
        drain_gather(0)

        @pl.when(m > 0)
        def _():
            drain_out(0)

        extract(0)
        fire_out(n0, 0)

        @pl.when(n0 + 2 < UBPW)
        def _():
            drain_idx(0)
            prep(n0 + 2, 0)
            fire_gather(0)

        @pl.when(n0 + 3 < UBPW)
        def _():
            fire_idx(n0 + 3, 1)

        drain_gather(1)

        @pl.when(m > 0)
        def _():
            drain_out(1)

        extract(1)
        fire_out(n0 + 1, 1)
        return carry

    lax.fori_loop(0, UBPW // 2, body, 0)
    drain_out(0)
    drain_out(1)


def kernel(token_ids, weight):
    tT = token_ids.T.astype(jnp.int32)
    wT = weight.T
    p = _pack(wT)
    out = _gather(tT, p)
    return out.transpose(2, 0, 1)

# --- scband reference (transcript-rebuilt; emitter-appended) ---
"""Pipeline reference for scband-manual-embedding-81535659147983 (READ-ONLY COPY).

The authoritative reference and input builder live on the scoring server;
editing this copy changes nothing except your own understanding.
"""

import jax, jax.numpy as jnp
import numpy as np

NUM_EMBEDDINGS = 1000000
EMBEDDING_DIM = 32
PAD_IDX = 0

def setup_inputs(seed: int = 0) -> dict:
    key = jax.random.key(seed)
    k_ids, k_w = jax.random.split(key)
    token_ids = jax.random.randint(k_ids, (16384, 50), 0, NUM_EMBEDDINGS, dtype=jnp.int64 if jax.config.read('jax_enable_x64') else jnp.int32)
    weight = jax.random.normal(k_w, (NUM_EMBEDDINGS, EMBEDDING_DIM), dtype=jnp.float32) * 0.1
    weight = weight.at[PAD_IDX].set(0.0)
    return {"token_ids": token_ids, "weight": weight}

def reference(token_ids, weight):
    # ManualEmbedding.forward: self.weight[token_ids]
    return jnp.take(weight, token_ids, axis=0)

if __name__ == "__main__":
    import jax
    _d = setup_inputs()
    print(jax.jit(kernel)(*tuple(_d.values())))

</pallas_src>

<mosaic_0001>
#map = affine_map<(d0, d1) -> (0, 0)>
module attributes {stable_mosaic.version = 14 : i64} {
  func.func @_pack(%arg0: i32, %arg1: i32, %arg2: memref<32x1000000xf32, #tpu.memory_space<hbm>>, %arg3: memref<250048x128xf32, #tpu.memory_space<hbm>>, %arg4: memref<64x128xf32, #tpu.memory_space<vmem>>, %arg5: memref<64x128xf32, #tpu.memory_space<vmem>>, %arg6: memref<64x128xf32, #tpu.memory_space<vmem>>, %arg7: memref<64x128xf32, #tpu.memory_space<vmem>>, %arg8: memref<!tpu.dma_semaphore, #tpu.memory_space<semaphore_mem>>, %arg9: memref<!tpu.dma_semaphore, #tpu.memory_space<semaphore_mem>>, %arg10: memref<!tpu.dma_semaphore, #tpu.memory_space<semaphore_mem>>, %arg11: memref<!tpu.dma_semaphore, #tpu.memory_space<semaphore_mem>>) attributes {dimension_semantics = [#tpu.dimension_semantics<core_parallel>, #tpu.dimension_semantics<subcore_parallel>], iteration_bounds = array<i64: 2, 16>, scalar_prefetch = 0 : i64, scratch_operands = 8 : i64, tpu.core_type = #tpu.core_type<sc_vector_subcore>, window_params = [{transform_indices = #map}, {transform_indices = #map}]} {
    %mul3A = arith.constant 2 : i32
    %mul3A_0 = arith.muli %arg1, %mul3A : i32
    %add3A = arith.addi %mul3A_0, %arg0 : i32
    %iota3A = tpu.iota {dimensions = array<i32: 0>} : vector<16xi32>
    %shift_right_logical3A = arith.constant 2 : i32
    %shift_right_logical3A_1 = vector.broadcast %shift_right_logical3A : i32 to vector<16xi32>
    %shift_right_logical3A_2 = arith.shrui %iota3A, %shift_right_logical3A_1 : vector<16xi32>
    %and3A = arith.constant 3 : i32
    %and3A_3 = vector.broadcast %and3A : i32 to vector<16xi32>
    %and3A_4 = arith.andi %iota3A, %and3A_3 : vector<16xi32>
    %shift_left3A = arith.constant 5 : i32
    %shift_left3A_5 = vector.broadcast %shift_left3A : i32 to vector<16xi32>
    %shift_left3A_6 = arith.shli %and3A_4, %shift_left3A_5 : vector<16xi32>
    %add3A_7 = arith.constant 0 : i32
    %add3A_8 = vector.broadcast %add3A_7 : i32 to vector<16xi32>
    %add3A_9 = arith.addi %shift_right_logical3A_2, %add3A_8 : vector<16xi32>
    %add3A_10 = arith.constant 4 : i32
    %add3A_11 = vector.broadcast %add3A_10 : i32 to vector<16xi32>
    %add3A_12 = arith.addi %shift_right_logical3A_2, %add3A_11 : vector<16xi32>
    %add3A_13 = arith.constant 8 : i32
    %add3A_14 = vector.broadcast %add3A_13 : i32 to vector<16xi32>
    %add3A_15 = arith.addi %shift_right_logical3A_2, %add3A_14 : vector<16xi32>
    %add3A_16 = arith.constant 12 : i32
    %add3A_17 = vector.broadcast %add3A_16 : i32 to vector<16xi32>
    %add3A_18 = arith.addi %shift_right_logical3A_2, %add3A_17 : vector<16xi32>
    %add3A_19 = arith.constant 16 : i32
    %add3A_20 = vector.broadcast %add3A_19 : i32 to vector<16xi32>
    %add3A_21 = arith.addi %shift_right_logical3A_2, %add3A_20 : vector<16xi32>
    %add3A_22 = arith.constant 20 : i32
    %add3A_23 = vector.broadcast %add3A_22 : i32 to vector<16xi32>
    %add3A_24 = arith.addi %shift_right_logical3A_2, %add3A_23 : vector<16xi32>
    %add3A_25 = arith.constant 24 : i32
    %add3A_26 = vector.broadcast %add3A_25 : i32 to vector<16xi32>
    %add3A_27 = arith.addi %shift_right_logical3A_2, %add3A_26 : vector<16xi32>
    %add3A_28 = arith.constant 28 : i32
    %add3A_29 = vector.broadcast %add3A_28 : i32 to vector<16xi32>
    %add3A_30 = arith.addi %shift_right_logical3A_2, %add3A_29 : vector<16xi32>
    %add3A_31 = arith.constant 0 : i32
    %add3A_32 = arith.addi %add3A, %add3A_31 : i32
    %lt3A = arith.constant 3906 : i32
    %lt3A_33 = arith.cmpi slt, %add3A_32, %lt3A : i32
    %jit3A = arith.constant 0 : i32
    %select_n3A = arith.select %lt3A_33, %add3A_32, %jit3A : i32
    %lt3A_34 = arith.constant 3906 : i32
    %lt3A_35 = arith.cmpi slt, %add3A_32, %lt3A_34 : i32
    %mul3A_36 = arith.constant 256 : i32
    %mul3A_37 = arith.muli %select_n3A, %mul3A_36 : i32
    %add3A_38 = arith.constant 0 : i32
    %add3A_39 = arith.addi %mul3A_37, %add3A_38 : i32
    %multiple_of3A = tpu.assume_multiple %add3A_39, 128 : i32
    %dma_start3A = arith.constant 0 : i32
    %dma_start3A_40 = arith.constant 0 : i32
    %dma_start3A_41 = tpu.memref_slice %arg4[%dma_start3A, %dma_start3A_40] : memref<64x128xf32, #tpu.memory_space<vmem>> -> memref<8x128xf32, #tpu.memory_space<vmem>>
    %dma_start3A_42 = arith.constant 0 : i32
    %dma_start3A_43 = tpu.memref_slice %arg2[%dma_start3A_42, %multiple_of3A] : memref<32x1000000xf32, #tpu.memory_space<hbm>> -> memref<8x128xf32, #tpu.memory_space<hbm>>
    %dma_start3A_44 = arith.constant 0 : i32
    %dma_start3A_45 = arith.constant 0 : i32
    %dma_start3A_46 = tpu.memref_slice %arg4[%dma_start3A_44, %dma_start3A_45] : memref<64x128xf32, #tpu.memory_space<vmem>> -> memref<8x128xf32, #tpu.memory_space<vmem>>
    %dma_start3A_47 = arith.constant 0 : i32
    %dma_start3A_48 = tpu.memref_slice %arg2[%dma_start3A_47, %multiple_of3A] : memref<32x1000000xf32, #tpu.memory_space<hbm>> -> memref<8x128xf32, #tpu.memory_space<hbm>>
    tpu.enqueue_dma source(%dma_start3A_48 : memref<8x128xf32, #tpu.memory_space<hbm>>) target(%dma_start3A_46 : memref<8x128xf32, #tpu.memory_space<vmem>>) target_semaphore(%arg8 : memref<!tpu.dma_semaphore, #tpu.memory_space<semaphore_mem>>)
    %mul3A_49 = arith.constant 256 : i32
    %mul3A_50 = arith.muli %select_n3A, %mul3A_49 : i32
    %add3A_51 = arith.constant 0 : i32
    %add3A_52 = arith.addi %mul3A_50, %add3A_51 : i32
    %multiple_of3A_53 = tpu.assume_multiple %add3A_52, 128 : i32
    %dma_start3A_54 = arith.constant 8 : i32
    %dma_start3A_55 = arith.constant 0 : i32
    %dma_start3A_56 = tpu.memref_slice %arg4[%dma_start3A_54, %dma_start3A_55] : memref<64x128xf32, #tpu.memory_space<vmem>> -> memref<8x128xf32, #tpu.memory_space<vmem>>
    %dma_start3A_57 = arith.constant 8 : i32
    %dma_start3A_58 = tpu.memref_slice %arg2[%dma_start3A_57, %multiple_of3A_53] : memref<32x1000000xf32, #tpu.memory_space<hbm>> -> memref<8x128xf32, #tpu.memory_space<hbm>>
    %dma_start3A_59 = arith.constant 8 : i32
    %dma_start3A_60 = arith.constant 0 : i32
    %dma_start3A_61 = tpu.memref_slice %arg4[%dma_start3A_59, %dma_start3A_60] : memref<64x128xf32, #tpu.memory_space<vmem>> -> memref<8x128xf32, #tpu.memory_space<vmem>>
    %dma_start3A_62 = arith.constant 8 : i32
    %dma_start3A_63 = tpu.memref_slice %arg2[%dma_start3A_62, %multiple_of3A_53] : memref<32x1000000xf32, #tpu.memory_space<hbm>> -> memref<8x128xf32, #tpu.memory_space<hbm>>
    tpu.enqueue_dma source(%dma_start3A_63 : memref<8x128xf32, #tpu.memory_space<hbm>>) target(%dma_start3A_61 : memref<8x128xf32, #tpu.memory_space<vmem>>) target_semaphore(%arg8 : memref<!tpu.dma_semaphore, #tpu.memory_space<semaphore_mem>>)
    %mul3A_64 = arith.constant 256 : i32
    %mul3A_65 = arith.muli %select_n3A, %mul3A_64 : i32
    %add3A_66 = arith.constant 0 : i32
    %add3A_67 = arith.addi %mul3A_65, %add3A_66 : i32
    %multiple_of3A_68 = tpu.assume_multiple %add3A_67, 128 : i32
    %dma_start3A_69 = arith.constant 16 : i32
    %dma_start3A_70 = arith.constant 0 : i32
    %dma_start3A_71 = tpu.memref_slice %arg4[%dma_start3A_69, %dma_start3A_70] : memref<64x128xf32, #tpu.memory_space<vmem>> -> memref<8x128xf32, #tpu.memory_space<vmem>>
    %dma_start3A_72 = arith.constant 16 : i32
    %dma_start3A_73 = tpu.memref_slice %arg2[%dma_start3A_72, %multiple_of3A_68] : memref<32x1000000xf32, #tpu.memory_space<hbm>> -> memref<8x128xf32, #tpu.memory_space<hbm>>
    %dma_start3A_74 = arith.constant 16 : i32
    %dma_start3A_75 = arith.constant 0 : i32
    %dma_start3A_76 = tpu.memref_slice %arg4[%dma_start3A_74, %dma_start3A_75] : memref<64x128xf32, #tpu.memory_space<vmem>> -> memref<8x128xf32, #tpu.memory_space<vmem>>
    %dma_start3A_77 = arith.constant 16 : i32
    %dma_start3A_78 = tpu.memref_slice %arg2[%dma_start3A_77, %multiple_of3A_68] : memref<32x1000000xf32, #tpu.memory_space<hbm>> -> memref<8x128xf32, #tpu.memory_space<hbm>>
    tpu.enqueue_dma source(%dma_start3A_78 : memref<8x128xf32, #tpu.memory_space<hbm>>) target(%dma_start3A_76 : memref<8x128xf32, #tpu.memory_space<vmem>>) target_semaphore(%arg8 : memref<!tpu.dma_semaphore, #tpu.memory_space<semaphore_mem>>)
    %mul3A_79 = arith.constant 256 : i32
    %mul3A_80 = arith.muli %select_n3A, %mul3A_79 : i32
    %add3A_81 = arith.constant 0 : i32
    %add3A_82 = arith.addi %mul3A_80, %add3A_81 : i32
    %multiple_of3A_83 = tpu.assume_multiple %add3A_82, 128 : i32
    %dma_start3A_84 = arith.constant 24 : i32
    %dma_start3A_85 = arith.constant 0 : i32
    %dma_start3A_86 = tpu.memref_slice %arg4[%dma_start3A_84, %dma_start3A_85] : memref<64x128xf32, #tpu.memory_space<vmem>> -> memref<8x128xf32, #tpu.memory_space<vmem>>
    %dma_start3A_87 = arith.constant 24 : i32
    %dma_start3A_88 = tpu.memref_slice %arg2[%dma_start3A_87, %multiple_of3A_83] : memref<32x1000000xf32, #tpu.memory_space<hbm>> -> memref<8x128xf32, #tpu.memory_space<hbm>>
    %dma_start3A_89 = arith.constant 24 : i32
    %dma_start3A_90 = arith.constant 0 : i32
    %dma_start3A_91 = tpu.memref_slice %arg4[%dma_start3A_89, %dma_start3A_90] : memref<64x128xf32, #tpu.memory_space<vmem>> -> memref<8x128xf32, #tpu.memory_space<vmem>>
    %dma_start3A_92 = arith.constant 24 : i32
    %dma_start3A_93 = tpu.memref_slice %arg2[%dma_start3A_92, %multiple_of3A_83] : memref<32x1000000xf32, #tpu.memory_space<hbm>> -> memref<8x128xf32, #tpu.memory_space<hbm>>
    tpu.enqueue_dma source(%dma_start3A_93 : memref<8x128xf32, #tpu.memory_space<hbm>>) target(%dma_start3A_91 : memref<8x128xf32, #tpu.memory_space<vmem>>) target_semaphore(%arg8 : memref<!tpu.dma_semaphore, #tpu.memory_space<semaphore_mem>>)
    %mul3A_94 = arith.constant 256 : i32
    %mul3A_95 = arith.muli %select_n3A, %mul3A_94 : i32
    %add3A_96 = arith.constant 128 : i32
    %add3A_97 = arith.addi %mul3A_95, %add3A_96 : i32
    %multiple_of3A_98 = tpu.assume_multiple %add3A_97, 128 : i32
    %dma_start3A_99 = arith.constant 32 : i32
    %dma_start3A_100 = arith.constant 0 : i32
    %dma_start3A_101 = tpu.memref_slice %arg4[%dma_start3A_99, %dma_start3A_100] : memref<64x128xf32, #tpu.memory_space<vmem>> -> memref<8x128xf32, #tpu.memory_space<vmem>>
    %dma_start3A_102 = arith.constant 0 : i32
    %dma_start3A_103 = tpu.memref_slice %arg2[%dma_start3A_102, %multiple_of3A_98] : memref<32x1000000xf32, #tpu.memory_space<hbm>> -> memref<8x128xf32, #tpu.memory_space<hbm>>
    %dma_start3A_104 = arith.constant 32 : i32
    %dma_start3A_105 = arith.constant 0 : i32
    %dma_start3A_106 = tpu.memref_slice %arg4[%dma_start3A_104, %dma_start3A_105] : memref<64x128xf32, #tpu.memory_space<vmem>> -> memref<8x128xf32, #tpu.memory_space<vmem>>
    %dma_start3A_107 = arith.constant 0 : i32
    %dma_start3A_108 = tpu.memref_slice %arg2[%dma_start3A_107, %multiple_of3A_98] : memref<32x1000000xf32, #tpu.memory_space<hbm>> -> memref<8x128xf32, #tpu.memory_space<hbm>>
    tpu.enqueue_dma source(%dma_start3A_108 : memref<8x128xf32, #tpu.memory_space<hbm>>) target(%dma_start3A_106 : memref<8x128xf32, #tpu.memory_space<vmem>>) target_semaphore(%arg8 : memref<!tpu.dma_semaphore, #tpu.memory_space<semaphore_mem>>)
    %mul3A_109 = arith.constant 256 : i32
    %mul3A_110 = arith.muli %select_n3A, %mul3A_109 : i32
    %add3A_111 = arith.constant 128 : i32
    %add3A_112 = arith.addi %mul3A_110, %add3A_111 : i32
    %multiple_of3A_113 = tpu.assume_multiple %add3A_112, 128 : i32
    %dma_start3A_114 = arith.constant 40 : i32
    %dma_start3A_115 = arith.constant 0 : i32
    %dma_start3A_116 = tpu.memref_slice %arg4[%dma_start3A_114, %dma_start3A_115] : memref<64x128xf32, #tpu.memory_space<vmem>> -> memref<8x128xf32, #tpu.memory_space<vmem>>
    %dma_start3A_117 = arith.constant 8 : i32
    %dma_start3A_118 = tpu.memref_slice %arg2[%dma_start3A_117, %multiple_of3A_113] : memref<32x1000000xf32, #tpu.memory_space<hbm>> -> memref<8x128xf32, #tpu.memory_space<hbm>>
    %dma_start3A_119 = arith.constant 40 : i32
    %dma_start3A_120 = arith.constant 0 : i32
    %dma_start3A_121 = tpu.memref_slice %arg4[%dma_start3A_119, %dma_start3A_120] : memref<64x128xf32, #tpu.memory_space<vmem>> -> memref<8x128xf32, #tpu.memory_space<vmem>>
    %dma_start3A_122 = arith.constant 8 : i32
    %dma_start3A_123 = tpu.memref_slice %arg2[%dma_start3A_122, %multiple_of3A_113] : memref<32x1000000xf32, #tpu.memory_space<hbm>> -> memref<8x128xf32, #tpu.memory_space<hbm>>
    tpu.enqueue_dma source(%dma_start3A_123 : memref<8x128xf32, #tpu.memory_space<hbm>>) target(%dma_start3A_121 : memref<8x128xf32, #tpu.memory_space<vmem>>) target_semaphore(%arg8 : memref<!tpu.dma_semaphore, #tpu.memory_space<semaphore_mem>>)
    %mul3A_124 = arith.constant 256 : i32
    %mul3A_125 = arith.muli %select_n3A, %mul3A_124 : i32
    %add3A_126 = arith.constant 128 : i32
    %add3A_127 = arith.addi %mul3A_125, %add3A_126 : i32
    %multiple_of3A_128 = tpu.assume_multiple %add3A_127, 128 : i32
    %dma_start3A_129 = arith.constant 48 : i32
    %dma_start3A_130 = arith.constant 0 : i32
    %dma_start3A_131 = tpu.memref_slice %arg4[%dma_start3A_129, %dma_start3A_130] : memref<64x128xf32, #tpu.memory_space<vmem>> -> memref<8x128xf32, #tpu.memory_space<vmem>>
    %dma_start3A_132 = arith.constant 16 : i32
    %dma_start3A_133 = tpu.memref_slice %arg2[%dma_start3A_132, %multiple_of3A_128] : memref<32x1000000xf32, #tpu.memory_space<hbm>> -> memref<8x128xf32, #tpu.memory_space<hbm>>
    %dma_start3A_134 = arith.constant 48 : i32
    %dma_start3A_135 = arith.constant 0 : i32
    %dma_start3A_136 = tpu.memref_slice %arg4[%dma_start3A_134, %dma_start3A_135] : memref<64x128xf32, #tpu.memory_space<vmem>> -> memref<8x128xf32, #tpu.memory_space<vmem>>
    %dma_start3A_137 = arith.constant 16 : i32
    %dma_start3A_138 = tpu.memref_slice %arg2[%dma_start3A_137, %multiple_of3A_128] : memref<32x1000000xf32, #tpu.memory_space<hbm>> -> memref<8x128xf32, #tpu.memory_space<hbm>>
    tpu.enqueue_dma source(%dma_start3A_138 : memref<8x128xf32, #tpu.memory_space<hbm>>) target(%dma_start3A_136 : memref<8x128xf32, #tpu.memory_space<vmem>>) target_semaphore(%arg8 : memref<!tpu.dma_semaphore, #tpu.memory_space<semaphore_mem>>)
    %mul3A_139 = arith.constant 256 : i32
    %mul3A_140 = arith.muli %select_n3A, %mul3A_139 : i32
    %add3A_141 = arith.constant 128 : i32
    %add3A_142 = arith.addi %mul3A_140, %add3A_141 : i32
    %multiple_of3A_143 = tpu.assume_multiple %add3A_142, 128 : i32
    %dma_start3A_144 = arith.constant 56 : i32
    %dma_start3A_145 = arith.constant 0 : i32
    %dma_start3A_146 = tpu.memref_slice %arg4[%dma_start3A_144, %dma_start3A_145] : memref<64x128xf32, #tpu.memory_space<vmem>> -> memref<8x128xf32, #tpu.memory_space<vmem>>
    %dma_start3A_147 = arith.constant 24 : i32
    %dma_start3A_148 = tpu.memref_slice %arg2[%dma_start3A_147, %multiple_of3A_143] : memref<32x1000000xf32, #tpu.memory_space<hbm>> -> memref<8x128xf32, #tpu.memory_space<hbm>>
    %dma_start3A_149 = arith.constant 56 : i32
    %dma_start3A_150 = arith.constant 0 : i32
    %dma_start3A_151 = tpu.memref_slice %arg4[%dma_start3A_149, %dma_start3A_150] : memref<64x128xf32, #tpu.memory_space<vmem>> -> memref<8x128xf32, #tpu.memory_space<vmem>>
    %dma_start3A_152 = arith.constant 24 : i32
    %dma_start3A_153 = tpu.memref_slice %arg2[%dma_start3A_152, %multiple_of3A_143] : memref<32x1000000xf32, #tpu.memory_space<hbm>> -> memref<8x128xf32, #tpu.memory_space<hbm>>
    tpu.enqueue_dma source(%dma_start3A_153 : memref<8x128xf32, #tpu.memory_space<hbm>>) target(%dma_start3A_151 : memref<8x128xf32, #tpu.memory_space<vmem>>) target_semaphore(%arg8 : memref<!tpu.dma_semaphore, #tpu.memory_space<semaphore_mem>>)
    %scan3A = arith.constant 0 : i32
    %scan3A_154 = arith.constant 0 : i32
    %scan3A_155 = arith.constant 61 : i32
    %scan3A_156 = arith.addi %scan3A_154, %scan3A_155 : i32
    %scan3A_157 = arith.constant 1 : i32
    scf.for %scan3A_293 = %scan3A_154 to %scan3A_156 step %scan3A_157  : i32 {
      %mul3A_294 = arith.constant 2 : i32
      %mul3A_295 = arith.muli %mul3A_294, %scan3A_293 : i32
      %add3A_296 = arith.constant 1 : i32
      %add3A_297 = arith.addi %mul3A_295, %add3A_296 : i32
      %mul3A_298 = arith.constant 32 : i32
      %mul3A_299 = arith.muli %mul3A_298, %add3A_297 : i32
      %add3A_300 = arith.addi %add3A, %mul3A_299 : i32
      %lt3A_301 = arith.constant 3906 : i32
      %lt3A_302 = arith.cmpi slt, %add3A_300, %lt3A_301 : i32
      %jit3A_303 = arith.constant 0 : i32
      %select_n3A_304 = arith.select %lt3A_302, %add3A_300, %jit3A_303 : i32
      %lt3A_305 = arith.constant 3906 : i32
      %lt3A_306 = arith.cmpi slt, %add3A_300, %lt3A_305 : i32
      %mul3A_307 = arith.constant 256 : i32
      %mul3A_308 = arith.muli %select_n3A_304, %mul3A_307 : i32
      %add3A_309 = arith.constant 0 : i32
      %add3A_310 = arith.addi %mul3A_308, %add3A_309 : i32
      %multiple_of3A_311 = tpu.assume_multiple %add3A_310, 128 : i32
      %dma_start3A_312 = arith.constant 0 : i32
      %dma_start3A_313 = arith.constant 0 : i32
      %dma_start3A_314 = tpu.memref_slice %arg5[%dma_start3A_312, %dma_start3A_313] : memref<64x128xf32, #tpu.memory_space<vmem>> -> memref<8x128xf32, #tpu.memory_space<vmem>>
      %dma_start3A_315 = arith.constant 0 : i32
      %dma_start3A_316 = tpu.memref_slice %arg2[%dma_start3A_315, %multiple_of3A_311] : memref<32x1000000xf32, #tpu.memory_space<hbm>> -> memref<8x128xf32, #tpu.memory_space<hbm>>
      %dma_start3A_317 = arith.constant 0 : i32
      %dma_start3A_318 = arith.constant 0 : i32
      %dma_start3A_319 = tpu.memref_slice %arg5[%dma_start3A_317, %dma_start3A_318] : memref<64x128xf32, #tpu.memory_space<vmem>> -> memref<8x128xf32, #tpu.memory_space<vmem>>
      %dma_start3A_320 = arith.constant 0 : i32
      %dma_start3A_321 = tpu.memref_slice %arg2[%dma_start3A_320, %multiple_of3A_311] : memref<32x1000000xf32, #tpu.memory_space<hbm>> -> memref<8x128xf32, #tpu.memory_space<hbm>>
      tpu.enqueue_dma source(%dma_start3A_321 : memref<8x128xf32, #tpu.memory_space<hbm>>) target(%dma_start3A_319 : memref<8x128xf32, #tpu.memory_space<vmem>>) target_semaphore(%arg9 : memref<!tpu.dma_semaphore, #tpu.memory_space<semaphore_mem>>)
      %mul3A_322 = arith.constant 256 : i32
      %mul3A_323 = arith.muli %select_n3A_304, %mul3A_322 : i32
      %add3A_324 = arith.constant 0 : i32
      %add3A_325 = arith.addi %mul3A_323, %add3A_324 : i32
      %multiple_of3A_326 = tpu.assume_multiple %add3A_325, 128 : i32
      %dma_start3A_327 = arith.constant 8 : i32
      %dma_start3A_328 = arith.constant 0 : i32
      %dma_start3A_329 = tpu.memref_slice %arg5[%dma_start3A_327, %dma_start3A_328] : memref<64x128xf32, #tpu.memory_space<vmem>> -> memref<8x128xf32, #tpu.memory_space<vmem>>
      %dma_start3A_330 = arith.constant 8 : i32
      %dma_start3A_331 = tpu.memref_slice %arg2[%dma_start3A_330, %multiple_of3A_326] : memref<32x1000000xf32, #tpu.memory_space<hbm>> -> memref<8x128xf32, #tpu.memory_space<hbm>>
      %dma_start3A_332 = arith.constant 8 : i32
      %dma_start3A_333 = arith.constant 0 : i32
      %dma_start3A_334 = tpu.memref_slice %arg5[%dma_start3A_332, %dma_start3A_333] : memref<64x128xf32, #tpu.memory_space<vmem>> -> memref<8x128xf32, #tpu.memory_space<vmem>>
      %dma_start3A_335 = arith.constant 8 : i32
      %dma_start3A_336 = tpu.memref_slice %arg2[%dma_start3A_335, %multiple_of3A_326] : memref<32x1000000xf32, #tpu.memory_space<hbm>> -> memref<8x128xf32, #tpu.memory_space<hbm>>
      tpu.enqueue_dma source(%dma_start3A_336 : memref<8x128xf32, #tpu.memory_space<hbm>>) target(%dma_start3A_334 : memref<8x128xf32, #tpu.memory_space<vmem>>) target_semaphore(%arg9 : memref<!tpu.dma_semaphore, #tpu.memory_space<semaphore_mem>>)
      %mul3A_337 = arith.constant 256 : i32
      %mul3A_338 = arith.muli %select_n3A_304, %mul3A_337 : i32
      %add3A_339 = arith.constant 0 : i32
      %add3A_340 = arith.addi %mul3A_338, %add3A_339 : i32
      %multiple_of3A_341 = tpu.assume_multiple %add3A_340, 128 : i32
      %dma_start3A_342 = arith.constant 16 : i32
      %dma_start3A_343 = arith.constant 0 : i32
      %dma_start3A_344 = tpu.memref_slice %arg5[%dma_start3A_342, %dma_start3A_343] : memref<64x128xf32, #tpu.memory_space<vmem>> -> memref<8x128xf32, #tpu.memory_space<vmem>>
      %dma_start3A_345 = arith.constant 16 : i32
      %dma_start3A_346 = tpu.memref_slice %arg2[%dma_start3A_345, %multiple_of3A_341] : memref<32x1000000xf32, #tpu.memory_space<hbm>> -> memref<8x128xf32, #tpu.memory_space<hbm>>
      %dma_start3A_347 = arith.constant 16 : i32
      %dma_start3A_348 = arith.constant 0 : i32
      %dma_start3A_349 = tpu.memref_slice %arg5[%dma_start3A_347, %dma_start3A_348] : memref<64x128xf32, #tpu.memory_space<vmem>> -> memref<8x128xf32, #tpu.memory_space<vmem>>
      %dma_start3A_350 = arith.constant 16 : i32
      %dma_start3A_351 = tpu.memref_slice %arg2[%dma_start3A_350, %multiple_of3A_341] : memref<32x1000000xf32, #tpu.memory_space<hbm>> -> memref<8x128xf32, #tpu.memory_space<hbm>>
      tpu.enqueue_dma source(%dma_start3A_351 : memref<8x128xf32, #tpu.memory_space<hbm>>) target(%dma_start3A_349 : memref<8x128xf32, #tpu.memory_space<vmem>>) target_semaphore(%arg9 : memref<!tpu.dma_semaphore, #tpu.memory_space<semaphore_mem>>)
      %mul3A_352 = arith.constant 256 : i32
      %mul3A_353 = arith.muli %select_n3A_304, %mul3A_352 : i32
      %add3A_354 = arith.constant 0 : i32
      %add3A_355 = arith.addi %mul3A_353, %add3A_354 : i32
      %multiple_of3A_356 = tpu.assume_multiple %add3A_355, 128 : i32
      %dma_start3A_357 = arith.constant 24 : i32
      %dma_start3A_358 = arith.constant 0 : i32
      %dma_start3A_359 = tpu.memref_slice %arg5[%dma_start3A_357, %dma_start3A_358] : memref<64x128xf32, #tpu.memory_space<vmem>> -> memref<8x128xf32, #tpu.memory_space<vmem>>
      %dma_start3A_360 = arith.constant 24 : i32
      %dma_start3A_361 = tpu.memref_slice %arg2[%dma_start3A_360, %multiple_of3A_356] : memref<32x1000000xf32, #tpu.memory_space<hbm>> -> memref<8x128xf32, #tpu.memory_space<hbm>>
      %dma_start3A_362 = arith.constant 24 : i32
      %dma_start3A_363 = arith.constant 0 : i32
      %dma_start3A_364 = tpu.memref_slice %arg5[%dma_start3A_362, %dma_start3A_363] : memref<64x128xf32, #tpu.memory_space<vmem>> -> memref<8x128xf32, #tpu.memory_space<vmem>>
      %dma_start3A_365 = arith.constant 24 : i32
      %dma_start3A_366 = tpu.memref_slice %arg2[%dma_start3A_365, %multiple_of3A_356] : memref<32x1000000xf32, #tpu.memory_space<hbm>> -> memref<8x128xf32, #tpu.memory_space<hbm>>
      tpu.enqueue_dma source(%dma_start3A_366 : memref<8x128xf32, #tpu.memory_space<hbm>>) target(%dma_start3A_364 : memref<8x128xf32, #tpu.memory_space<vmem>>) target_semaphore(%arg9 : memref<!tpu.dma_semaphore, #tpu.memory_space<semaphore_mem>>)
      %mul3A_367 = arith.constant 256 : i32
      %mul3A_368 = arith.muli %select_n3A_304, %mul3A_367 : i32
      %add3A_369 = arith.constant 128 : i32
      %add3A_370 = arith.addi %mul3A_368, %add3A_369 : i32
      %multiple_of3A_371 = tpu.assume_multiple %add3A_370, 128 : i32
      %dma_start3A_372 = arith.constant 32 : i32
      %dma_start3A_373 = arith.constant 0 : i32
      %dma_start3A_374 = tpu.memref_slice %arg5[%dma_start3A_372, %dma_start3A_373] : memref<64x128xf32, #tpu.memory_space<vmem>> -> memref<8x128xf32, #tpu.memory_space<vmem>>
      %dma_start3A_375 = arith.constant 0 : i32
      %dma_start3A_376 = tpu.memref_slice %arg2[%dma_start3A_375, %multiple_of3A_371] : memref<32x1000000xf32, #tpu.memory_space<hbm>> -> memref<8x128xf32, #tpu.memory_space<hbm>>
      %dma_start3A_377 = arith.constant 32 : i32
      %dma_start3A_378 = arith.constant 0 : i32
      %dma_start3A_379 = tpu.memref_slice %arg5[%dma_start3A_377, %dma_start3A_378] : memref<64x128xf32, #tpu.memory_space<vmem>> -> memref<8x128xf32, #tpu.memory_space<vmem>>
      %dma_start3A_380 = arith.constant 0 : i32
      %dma_start3A_381 = tpu.memref_slice %arg2[%dma_start3A_380, %multiple_of3A_371] : memref<32x1000000xf32, #tpu.memory_space<hbm>> -> memref<8x128xf32, #tpu.memory_space<hbm>>
      tpu.enqueue_dma source(%dma_start3A_381 : memref<8x128xf32, #tpu.memory_space<hbm>>) target(%dma_start3A_379 : memref<8x128xf32, #tpu.memory_space<vmem>>) target_semaphore(%arg9 : memref<!tpu.dma_semaphore, #tpu.memory_space<semaphore_mem>>)
      %mul3A_382 = arith.constant 256 : i32
      %mul3A_383 = arith.muli %select_n3A_304, %mul3A_382 : i32
      %add3A_384 = arith.constant 128 : i32
      %add3A_385 = arith.addi %mul3A_383, %add3A_384 : i32
      %multiple_of3A_386 = tpu.assume_multiple %add3A_385, 128 : i32
      %dma_start3A_387 = arith.constant 40 : i32
      %dma_start3A_388 = arith.constant 0 : i32
      %dma_start3A_389 = tpu.memref_slice %arg5[%dma_start3A_387, %dma_start3A_388] : memref<64x128xf32, #tpu.memory_space<vmem>> -> memref<8x128xf32, #tpu.memory_space<vmem>>
      %dma_start3A_390 = arith.constant 8 : i32
      %dma_start3A_391 = tpu.memref_slice %arg2[%dma_start3A_390, %multiple_of3A_386] : memref<32x1000000xf32, #tpu.memory_space<hbm>> -> memref<8x128xf32, #tpu.memory_space<hbm>>
      %dma_start3A_392 = arith.constant 40 : i32
      %dma_start3A_393 = arith.constant 0 : i32
      %dma_start3A_394 = tpu.memref_slice %arg5[%dma_start3A_392, %dma_start3A_393] : memref<64x128xf32, #tpu.memory_space<vmem>> -> memref<8x128xf32, #tpu.memory_space<vmem>>
      %dma_start3A_395 = arith.constant 8 : i32
      %dma_start3A_396 = tpu.memref_slice %arg2[%dma_start3A_395, %multiple_of3A_386] : memref<32x1000000xf32, #tpu.memory_space<hbm>> -> memref<8x128xf32, #tpu.memory_space<hbm>>
      tpu.enqueue_dma source(%dma_start3A_396 : memref<8x128xf32, #tpu.memory_space<hbm>>) target(%dma_start3A_394 : memref<8x128xf32, #tpu.memory_space<vmem>>) target_semaphore(%arg9 : memref<!tpu.dma_semaphore, #tpu.memory_space<semaphore_mem>>)
      %mul3A_397 = arith.constant 256 : i32
      %mul3A_398 = arith.muli %select_n3A_304, %mul3A_397 : i32
      %add3A_399 = arith.constant 128 : i32
      %add3A_400 = arith.addi %mul3A_398, %add3A_399 : i32
      %multiple_of3A_401 = tpu.assume_multiple %add3A_400, 128 : i32
      %dma_start3A_402 = arith.constant 48 : i32
      %dma_start3A_403 = arith.constant 0 : i32
      %dma_start3A_404 = tpu.memref_slice %arg5[%dma_start3A_402, %dma_start3A_403] : memref<64x128xf32, #tpu.memory_space<vmem>> -> memref<8x128xf32, #tpu.memory_space<vmem>>
      %dma_start3A_405 = arith.constant 16 : i32
      %dma_start3A_406 = tpu.memref_slice %arg2[%dma_start3A_405, %multiple_of3A_401] : memref<32x1000000xf32, #tpu.memory_space<hbm>> -> memref<8x128xf32, #tpu.memory_space<hbm>>
      %dma_start3A_407 = arith.constant 48 : i32
      %dma_start3A_408 = arith.constant 0 : i32
      %dma_start3A_409 = tpu.memref_slice %arg5[%dma_start3A_407, %dma_start3A_408] : memref<64x128xf32, #tpu.memory_space<vmem>> -> memref<8x128xf32, #tpu.memory_space<vmem>>
      %dma_start3A_410 = arith.constant 16 : i32
      %dma_start3A_411 = tpu.memref_slice %arg2[%dma_start3A_410, %multiple_of3A_401] : memref<32x1000000xf32, #tpu.memory_space<hbm>> -> memref<8x128xf32, #tpu.memory_space<hbm>>
      tpu.enqueue_dma source(%dma_start3A_411 : memref<8x128xf32, #tpu.memory_space<hbm>>) target(%dma_start3A_409 : memref<8x128xf32, #tpu.memory_space<vmem>>) target_semaphore(%arg9 : memref<!tpu.dma_semaphore, #tpu.memory_space<semaphore_mem>>)
      %mul3A_412 = arith.constant 256 : i32
      %mul3A_413 = arith.muli %select_n3A_304, %mul3A_412 : i32
      %add3A_414 = arith.constant 128 : i32
      %add3A_415 = arith.addi %mul3A_413, %add3A_414 : i32
      %multiple_of3A_416 = tpu.assume_multiple %add3A_415, 128 : i32
      %dma_start3A_417 = arith.constant 56 : i32
      %dma_start3A_418 = arith.constant 0 : i32
      %dma_start3A_419 = tpu.memref_slice %arg5[%dma_start3A_417, %dma_start3A_418] : memref<64x128xf32, #tpu.memory_space<vmem>> -> memref<8x128xf32, #tpu.memory_space<vmem>>
      %dma_start3A_420 = arith.constant 24 : i32
      %dma_start3A_421 = tpu.memref_slice %arg2[%dma_start3A_420, %multiple_of3A_416] : memref<32x1000000xf32, #tpu.memory_space<hbm>> -> memref<8x128xf32, #tpu.memory_space<hbm>>
      %dma_start3A_422 = arith.constant 56 : i32
      %dma_start3A_423 = arith.constant 0 : i32
      %dma_start3A_424 = tpu.memref_slice %arg5[%dma_start3A_422, %dma_start3A_423] : memref<64x128xf32, #tpu.memory_space<vmem>> -> memref<8x128xf32, #tpu.memory_space<vmem>>
      %dma_start3A_425 = arith.constant 24 : i32
      %dma_start3A_426 = tpu.memref_slice %arg2[%dma_start3A_425, %multiple_of3A_416] : memref<32x1000000xf32, #tpu.memory_space<hbm>> -> memref<8x128xf32, #tpu.memory_space<hbm>>
      tpu.enqueue_dma source(%dma_start3A_426 : memref<8x128xf32, #tpu.memory_space<hbm>>) target(%dma_start3A_424 : memref<8x128xf32, #tpu.memory_space<vmem>>) target_semaphore(%arg9 : memref<!tpu.dma_semaphore, #tpu.memory_space<semaphore_mem>>)
      %dma_wait3A_427 = arith.constant 0 : i32
      %dma_wait3A_428 = arith.constant 0 : i32
      %dma_wait3A_429 = tpu.memref_slice %arg4[%dma_wait3A_427, %dma_wait3A_428] : memref<64x128xf32, #tpu.memory_space<vmem>> -> memref<8x128xf32, #tpu.memory_space<vmem>>
      %dma_wait3A_430 = arith.constant 0 : i32
      %dma_wait3A_431 = arith.constant 0 : i32
      %dma_wait3A_432 = tpu.memref_slice %arg2[%dma_wait3A_430, %dma_wait3A_431] : memref<32x1000000xf32, #tpu.memory_space<hbm>> -> memref<8x128xf32, #tpu.memory_space<hbm>>
      %dma_wait3A_433 = arith.constant 0 : i32
      %dma_wait3A_434 = arith.constant 0 : i32
      %dma_wait3A_435 = tpu.memref_slice %arg4[%dma_wait3A_433, %dma_wait3A_434] : memref<64x128xf32, #tpu.memory_space<vmem>> -> memref<8x128xf32, #tpu.memory_space<vmem>>
      %dma_wait3A_436 = arith.constant 0 : i32
      %dma_wait3A_437 = arith.constant 0 : i32
      %dma_wait3A_438 = tpu.memref_slice %arg2[%dma_wait3A_436, %dma_wait3A_437] : memref<32x1000000xf32, #tpu.memory_space<hbm>> -> memref<8x128xf32, #tpu.memory_space<hbm>>
      tpu.wait_dma2 semaphore(%arg8 : memref<!tpu.dma_semaphore, #tpu.memory_space<semaphore_mem>>) src(%dma_wait3A_438 : memref<8x128xf32, #tpu.memory_space<hbm>>) dst(%dma_wait3A_435 : memref<8x128xf32, #tpu.memory_space<vmem>>)
      %dma_wait3A_439 = arith.constant 8 : i32
      %dma_wait3A_440 = arith.constant 0 : i32
      %dma_wait3A_441 = tpu.memref_slice %arg4[%dma_wait3A_439, %dma_wait3A_440] : memref<64x128xf32, #tpu.memory_space<vmem>> -> memref<8x128xf32, #tpu.memory_space<vmem>>
      %dma_wait3A_442 = arith.constant 0 : i32
      %dma_wait3A_443 = arith.constant 0 : i32
      %dma_wait3A_444 = tpu.memref_slice %arg2[%dma_wait3A_442, %dma_wait3A_443] : memref<32x1000000xf32, #tpu.memory_space<hbm>> -> memref<8x128xf32, #tpu.memory_space<hbm>>
      %dma_wait3A_445 = arith.constant 8 : i32
      %dma_wait3A_446 = arith.constant 0 : i32
      %dma_wait3A_447 = tpu.memref_slice %arg4[%dma_wait3A_445, %dma_wait3A_446] : memref<64x128xf32, #tpu.memory_space<vmem>> -> memref<8x128xf32, #tpu.memory_space<vmem>>
      %dma_wait3A_448 = arith.constant 0 : i32
      %dma_wait3A_449 = arith.constant 0 : i32
      %dma_wait3A_450 = tpu.memref_slice %arg2[%dma_wait3A_448, %dma_wait3A_449] : memref<32x1000000xf32, #tpu.memory_space<hbm>> -> memref<8x128xf32, #tpu.memory_space<hbm>>
      tpu.wait_dma2 semaphore(%arg8 : memref<!tpu.dma_semaphore, #tpu.memory_space<semaphore_mem>>) src(%dma_wait3A_450 : memref<8x128xf32, #tpu.memory_space<hbm>>) dst(%dma_wait3A_447 : memref<8x128xf32, #tpu.memory_space<vmem>>)
      %dma_wait3A_451 = arith.constant 16 : i32
      %dma_wait3A_452 = arith.constant 0 : i32
      %dma_wait3A_453 = tpu.memref_slice %arg4[%dma_wait3A_451, %dma_wait3A_452] : memref<64x128xf32, #tpu.memory_space<vmem>> -> memref<8x128xf32, #tpu.memory_space<vmem>>
      %dma_wait3A_454 = arith.constant 0 : i32
      %dma_wait3A_455 = arith.constant 0 : i32
      %dma_wait3A_456 = tpu.memref_slice %arg2[%dma_wait3A_454, %dma_wait3A_455] : memref<32x1000000xf32, #tpu.memory_space<hbm>> -> memref<8x128xf32, #tpu.memory_space<hbm>>
      %dma_wait3A_457 = arith.constant 16 : i32
      %dma_wait3A_458 = arith.constant 0 : i32
      %dma_wait3A_459 = tpu.memref_slice %arg4[%dma_wait3A_457, %dma_wait3A_458] : memref<64x128xf32, #tpu.memory_space<vmem>> -> memref<8x128xf32, #tpu.memory_space<vmem>>
      %dma_wait3A_460 = arith.constant 0 : i32
      %dma_wait3A_461 = arith.constant 0 : i32
      %dma_wait3A_462 = tpu.memref_slice %arg2[%dma_wait3A_460, %dma_wait3A_461] : memref<32x1000000xf32, #tpu.memory_space<hbm>> -> memref<8x128xf32, #tpu.memory_space<hbm>>
      tpu.wait_dma2 semaphore(%arg8 : memref<!tpu.dma_semaphore, #tpu.memory_space<semaphore_mem>>) src(%dma_wait3A_462 : memref<8x128xf32, #tpu.memory_space<hbm>>) dst(%dma_wait3A_459 : memref<8x128xf32, #tpu.memory_space<vmem>>)
      %dma_wait3A_463 = arith.constant 24 : i32
      %dma_wait3A_464 = arith.constant 0 : i32
      %dma_wait3A_465 = tpu.memref_slice %arg4[%dma_wait3A_463, %dma_wait3A_464] : memref<64x128xf32, #tpu.memory_space<vmem>> -> memref<8x128xf32, #tpu.memory_space<vmem>>
      %dma_wait3A_466 = arith.constant 0 : i32
      %dma_wait3A_467 = arith.constant 0 : i32
      %dma_wait3A_468 = tpu.memref_slice %arg2[%dma_wait3A_466, %dma_wait3A_467] : memref<32x1000000xf32, #tpu.memory_space<hbm>> -> memref<8x128xf32, #tpu.memory_space<hbm>>
      %dma_wait3A_469 = arith.constant 24 : i32
      %dma_wait3A_470 = arith.constant 0 : i32
      %dma_wait3A_471 = tpu.memref_slice %arg4[%dma_wait3A_469, %dma_wait3A_470] : memref<64x128xf32, #tpu.memory_space<vmem>> -> memref<8x128xf32, #tpu.memory_space<vmem>>
      %dma_wait3A_472 = arith.constant 0 : i32
      %dma_wait3A_473 = arith.constant 0 : i32
      %dma_wait3A_474 = tpu.memref_slice %arg2[%dma_wait3A_472, %dma_wait3A_473] : memref<32x1000000xf32, #tpu.memory_space<hbm>> -> memref<8x128xf32, #tpu.memory_space<hbm>>
      tpu.wait_dma2 semaphore(%arg8 : memref<!tpu.dma_semaphore, #tpu.memory_space<semaphore_mem>>) src(%dma_wait3A_474 : memref<8x128xf32, #tpu.memory_space<hbm>>) dst(%dma_wait3A_471 : memref<8x128xf32, #tpu.memory_space<vmem>>)
      %dma_wait3A_475 = arith.constant 32 : i32
      %dma_wait3A_476 = arith.constant 0 : i32
      %dma_wait3A_477 = tpu.memref_slice %arg4[%dma_wait3A_475, %dma_wait3A_476] : memref<64x128xf32, #tpu.memory_space<vmem>> -> memref<8x128xf32, #tpu.memory_space<vmem>>
      %dma_wait3A_478 = arith.constant 0 : i32
      %dma_wait3A_479 = arith.constant 0 : i32
      %dma_wait3A_480 = tpu.memref_slice %arg2[%dma_wait3A_478, %dma_wait3A_479] : memref<32x1000000xf32, #tpu.memory_space<hbm>> -> memref<8x128xf32, #tpu.memory_space<hbm>>
      %dma_wait3A_481 = arith.constant 32 : i32
      %dma_wait3A_482 = arith.constant 0 : i32
      %dma_wait3A_483 = tpu.memref_slice %arg4[%dma_wait3A_481, %dma_wait3A_482] : memref<64x128xf32, #tpu.memory_space<vmem>> -> memref<8x128xf32, #tpu.memory_space<vmem>>
      %dma_wait3A_484 = arith.constant 0 : i32
      %dma_wait3A_485 = arith.constant 0 : i32
      %dma_wait3A_486 = tpu.memref_slice %arg2[%dma_wait3A_484, %dma_wait3A_485] : memref<32x1000000xf32, #tpu.memory_space<hbm>> -> memref<8x128xf32, #tpu.memory_space<hbm>>
      tpu.wait_dma2 semaphore(%arg8 : memref<!tpu.dma_semaphore, #tpu.memory_space<semaphore_mem>>) src(%dma_wait3A_486 : memref<8x128xf32, #tpu.memory_space<hbm>>) dst(%dma_wait3A_483 : memref<8x128xf32, #tpu.memory_space<vmem>>)
      %dma_wait3A_487 = arith.constant 40 : i32
      %dma_wait3A_488 = arith.constant 0 : i32
      %dma_wait3A_489 = tpu.memref_slice %arg4[%dma_wait3A_487, %dma_wait3A_488] : memref<64x128xf32, #tpu.memory_space<vmem>> -> memref<8x128xf32, #tpu.memory_space<vmem>>
      %dma_wait3A_490 = arith.constant 0 : i32
      %dma_wait3A_491 = arith.constant 0 : i32
      %dma_wait3A_492 = tpu.memref_slice %arg2[%dma_wait3A_490, %dma_wait3A_491] : memref<32x1000000xf32, #tpu.memory_space<hbm>> -> memref<8x128xf32, #tpu.memory_space<hbm>>
      %dma_wait3A_493 = arith.constant 40 : i32
      %dma_wait3A_494 = arith.constant 0 : i32
      %dma_wait3A_495 = tpu.memref_slice %arg4[%dma_wait3A_493, %dma_wait3A_494] : memref<64x128xf32, #tpu.memory_space<vmem>> -> memref<8x128xf32, #tpu.memory_space<vmem>>
      %dma_wait3A_496 = arith.constant 0 : i32
      %dma_wait3A_497 = arith.constant 0 : i32
      %dma_wait3A_498 = tpu.memref_slice %arg2[%dma_wait3A_496, %dma_wait3A_497] : memref<32x1000000xf32, #tpu.memory_space<hbm>> -> memref<8x128xf32, #tpu.memory_space<hbm>>
      tpu.wait_dma2 semaphore(%arg8 : memref<!tpu.dma_semaphore, #tpu.memory_space<semaphore_mem>>) src(%dma_wait3A_498 : memref<8x128xf32, #tpu.memory_space<hbm>>) dst(%dma_wait3A_495 : memref<8x128xf32, #tpu.memory_space<vmem>>)
      %dma_wait3A_499 = arith.constant 48 : i32
      %dma_wait3A_500 = arith.constant 0 : i32
      %dma_wait3A_501 = tpu.memref_slice %arg4[%dma_wait3A_499, %dma_wait3A_500] : memref<64x128xf32, #tpu.memory_space<vmem>> -> memref<8x128xf32, #tpu.memory_space<vmem>>
      %dma_wait3A_502 = arith.constant 0 : i32
      %dma_wait3A_503 = arith.constant 0 : i32
      %dma_wait3A_504 = tpu.memref_slice %arg2[%dma_wait3A_502, %dma_wait3A_503] : memref<32x1000000xf32, #tpu.memory_space<hbm>> -> memref<8x128xf32, #tpu.memory_space<hbm>>
      %dma_wait3A_505 = arith.constant 48 : i32
      %dma_wait3A_506 = arith.constant 0 : i32
      %dma_wait3A_507 = tpu.memref_slice %arg4[%dma_wait3A_505, %dma_wait3A_506] : memref<64x128xf32, #tpu.memory_space<vmem>> -> memref<8x128xf32, #tpu.memory_space<vmem>>
      %dma_wait3A_508 = arith.constant 0 : i32
      %dma_wait3A_509 = arith.constant 0 : i32
      %dma_wait3A_510 = tpu.memref_slice %arg2[%dma_wait3A_508, %dma_wait3A_509] : memref<32x1000000xf32, #tpu.memory_space<hbm>> -> memref<8x128xf32, #tpu.memory_space<hbm>>
      tpu.wait_dma2 semaphore(%arg8 : memref<!tpu.dma_semaphore, #tpu.memory_space<semaphore_mem>>) src(%dma_wait3A_510 : memref<8x128xf32, #tpu.memory_space<hbm>>) dst(%dma_wait3A_507 : memref<8x128xf32, #tpu.memory_space<vmem>>)
      %dma_wait3A_511 = arith.constant 56 : i32
      %dma_wait3A_512 = arith.constant 0 : i32
      %dma_wait3A_513 = tpu.memref_slice %arg4[%dma_wait3A_511, %dma_wait3A_512] : memref<64x128xf32, #tpu.memory_space<vmem>> -> memref<8x128xf32, #tpu.memory_space<vmem>>
      %dma_wait3A_514 = arith.constant 0 : i32
      %dma_wait3A_515 = arith.constant 0 : i32
      %dma_wait3A_516 = tpu.memref_slice %arg2[%dma_wait3A_514, %dma_wait3A_515] : memref<32x1000000xf32, #tpu.memory_space<hbm>> -> memref<8x128xf32, #tpu.memory_space<hbm>>
      %dma_wait3A_517 = arith.constant 56 : i32
      %dma_wait3A_518 = arith.constant 0 : i32
      %dma_wait3A_519 = tpu.memref_slice %arg4[%dma_wait3A_517, %dma_wait3A_518] : memref<64x128xf32, #tpu.memory_space<vmem>> -> memref<8x128xf32, #tpu.memory_space<vmem>>
      %dma_wait3A_520 = arith.constant 0 : i32
      %dma_wait3A_521 = arith.constant 0 : i32
      %dma_wait3A_522 = tpu.memref_slice %arg2[%dma_wait3A_520, %dma_wait3A_521] : memref<32x1000000xf32, #tpu.memory_space<hbm>> -> memref<8x128xf32, #tpu.memory_space<hbm>>
      tpu.wait_dma2 semaphore(%arg8 : memref<!tpu.dma_semaphore, #tpu.memory_space<semaphore_mem>>) src(%dma_wait3A_522 : memref<8x128xf32, #tpu.memory_space<hbm>>) dst(%dma_wait3A_519 : memref<8x128xf32, #tpu.memory_space<vmem>>)
      %gt3A = arith.constant 0 : i32
      %gt3A_523 = arith.cmpi sgt, %scan3A_293, %gt3A : i32
      %convert_element_type3A_524 = arith.extui %gt3A_523 : i1 to i32
      %cond3A_525 = arith.constant 0 : i32
      %cond3A_526 = arith.cmpi ne, %convert_element_type3A_524, %cond3A_525 : i32
      scf.if %cond3A_526 {
        %dma_wait3A_803 = arith.constant 0 : i32
        %dma_wait3A_804 = arith.constant 0 : i32
        %dma_wait3A_805 = tpu.memref_slice %arg3[%dma_wait3A_803, %dma_wait3A_804] : memref<250048x128xf32, #tpu.memory_space<hbm>> -> memref<64x128xf32, #tpu.memory_space<hbm>>
        %dma_wait3A_806 = arith.constant 0 : i32
        %dma_wait3A_807 = arith.constant 0 : i32
        %dma_wait3A_808 = tpu.memref_slice %arg3[%dma_wait3A_806, %dma_wait3A_807] : memref<250048x128xf32, #tpu.memory_space<hbm>> -> memref<64x128xf32, #tpu.memory_space<hbm>>
        tpu.wait_dma2 semaphore(%arg10 : memref<!tpu.dma_semaphore, #tpu.memory_space<semaphore_mem>>) src(%arg6 : memref<64x128xf32, #tpu.memory_space<vmem>>) dst(%dma_wait3A_808 : memref<64x128xf32, #tpu.memory_space<hbm>>)
      } else {
      }
      %parallel_loop3A_527 = arith.constant 0 : i32
      %parallel_loop3A_528 = arith.constant 64 : i32
      %parallel_loop3A_529 = arith.constant 1 : i32
      scf.for %parallel_loop3A_803 = %parallel_loop3A_527 to %parallel_loop3A_528 step %parallel_loop3A_529  : i32 {
        %parallel_loop3A_804 = arith.constant 5 : i32
        %parallel_loop3A_805 = arith.shrsi %parallel_loop3A_803, %parallel_loop3A_804 : i32
        %parallel_loop3A_806 = arith.constant 31 : i32
        %parallel_loop3A_807 = arith.andi %parallel_loop3A_803, %parallel_loop3A_806 : i32
        %parallel_loop3A_808 = vector.broadcast %parallel_loop3A_807 : i32 to vector<16xi32>
        %parallel_loop3A_809 = arith.addi %shift_left3A_6, %parallel_loop3A_808 : vector<16xi32>
        %parallel_loop3A_810 = arith.constant 32 : i32
        %parallel_loop3A_811 = arith.muli %parallel_loop3A_805, %parallel_loop3A_810 : i32
        %parallel_loop3A_812 = arith.index_cast %parallel_loop3A_803 : i32 to index
        %parallel_loop3A_813 = arith.constant 0 : index
        %parallel_loop3A_814 = tpu.vector_load %arg4[%parallel_loop3A_812, %parallel_loop3A_813] {strides = array<i32>} : memref<64x128xf32, #tpu.memory_space<vmem>>, vector<16xf32>,
        %parallel_loop3A_815 = vector.broadcast %parallel_loop3A_811 : i32 to vector<16xi32>
        %parallel_loop3A_816 = arith.addi %add3A_9, %parallel_loop3A_815 : vector<16xi32>
        tpu.vector_store_idx %arg6[%parallel_loop3A_816, %parallel_loop3A_809], %parallel_loop3A_814 : memref<64x128xf32, #tpu.memory_space<vmem>>[vector<16xi32>, vector<16xi32>], vector<16xf32>,
        %parallel_loop3A_817 = arith.index_cast %parallel_loop3A_803 : i32 to index
        %parallel_loop3A_818 = arith.constant 16 : index
        %parallel_loop3A_819 = tpu.vector_load %arg4[%parallel_loop3A_817, %parallel_loop3A_818] {strides = array<i32>} : memref<64x128xf32, #tpu.memory_space<vmem>>, vector<16xf32>,
        %parallel_loop3A_820 = vector.broadcast %parallel_loop3A_811 : i32 to vector<16xi32>
        %parallel_loop3A_821 = arith.addi %add3A_12, %parallel_loop3A_820 : vector<16xi32>
        tpu.vector_store_idx %arg6[%parallel_loop3A_821, %parallel_loop3A_809], %parallel_loop3A_819 : memref<64x128xf32, #tpu.memory_space<vmem>>[vector<16xi32>, vector<16xi32>], vector<16xf32>,
        %parallel_loop3A_822 = arith.index_cast %parallel_loop3A_803 : i32 to index
        %parallel_loop3A_823 = arith.constant 32 : index
        %parallel_loop3A_824 = tpu.vector_load %arg4[%parallel_loop3A_822, %parallel_loop3A_823] {strides = array<i32>} : memref<64x128xf32, #tpu.memory_space<vmem>>, vector<16xf32>,
        %parallel_loop3A_825 = vector.broadcast %parallel_loop3A_811 : i32 to vector<16xi32>
        %parallel_loop3A_826 = arith.addi %add3A_15, %parallel_loop3A_825 : vector<16xi32>
        tpu.vector_store_idx %arg6[%parallel_loop3A_826, %parallel_loop3A_809], %parallel_loop3A_824 : memref<64x128xf32, #tpu.memory_space<vmem>>[vector<16xi32>, vector<16xi32>], vector<16xf32>,
        %parallel_loop3A_827 = arith.index_cast %parallel_loop3A_803 : i32 to index
        %parallel_loop3A_828 = arith.constant 48 : index
        %parallel_loop3A_829 = tpu.vector_load %arg4[%parallel_loop3A_827, %parallel_loop3A_828] {strides = array<i32>} : memref<64x128xf32, #tpu.memory_space<vmem>>, vector<16xf32>,
        %parallel_loop3A_830 = vector.broadcast %parallel_loop3A_811 : i32 to vector<16xi32>
        %parallel_loop3A_831 = arith.addi %add3A_18, %parallel_loop3A_830 : vector<16xi32>
        tpu.vector_store_idx %arg6[%parallel_loop3A_831, %parallel_loop3A_809], %parallel_loop3A_829 : memref<64x128xf32, #tpu.memory_space<vmem>>[vector<16xi32>, vector<16xi32>], vector<16xf32>,
        %parallel_loop3A_832 = arith.index_cast %parallel_loop3A_803 : i32 to index
        %parallel_loop3A_833 = arith.constant 64 : index
        %parallel_loop3A_834 = tpu.vector_load %arg4[%parallel_loop3A_832, %parallel_loop3A_833] {strides = array<i32>} : memref<64x128xf32, #tpu.memory_space<vmem>>, vector<16xf32>,
        %parallel_loop3A_835 = vector.broadcast %parallel_loop3A_811 : i32 to vector<16xi32>
        %parallel_loop3A_836 = arith.addi %add3A_21, %parallel_loop3A_835 : vector<16xi32>
        tpu.vector_store_idx %arg6[%parallel_loop3A_836, %parallel_loop3A_809], %parallel_loop3A_834 : memref<64x128xf32, #tpu.memory_space<vmem>>[vector<16xi32>, vector<16xi32>], vector<16xf32>,
        %parallel_loop3A_837 = arith.index_cast %parallel_loop3A_803 : i32 to index
        %parallel_loop3A_838 = arith.constant 80 : index
        %parallel_loop3A_839 = tpu.vector_load %arg4[%parallel_loop3A_837, %parallel_loop3A_838] {strides = array<i32>} : memref<64x128xf32, #tpu.memory_space<vmem>>, vector<16xf32>,
        %parallel_loop3A_840 = vector.broadcast %parallel_loop3A_811 : i32 to vector<16xi32>
        %parallel_loop3A_841 = arith.addi %add3A_24, %parallel_loop3A_840 : vector<16xi32>
        tpu.vector_store_idx %arg6[%parallel_loop3A_841, %parallel_loop3A_809], %parallel_loop3A_839 : memref<64x128xf32, #tpu.memory_space<vmem>>[vector<16xi32>, vector<16xi32>], vector<16xf32>,
        %parallel_loop3A_842 = arith.index_cast %parallel_loop3A_803 : i32 to index
        %parallel_loop3A_843 = arith.constant 96 : index
        %parallel_loop3A_844 = tpu.vector_load %arg4[%parallel_loop3A_842, %parallel_loop3A_843] {strides = array<i32>} : memref<64x128xf32, #tpu.memory_space<vmem>>, vector<16xf32>,
        %parallel_loop3A_845 = vector.broadcast %parallel_loop3A_811 : i32 to vector<16xi32>
        %parallel_loop3A_846 = arith.addi %add3A_27, %parallel_loop3A_845 : vector<16xi32>
        tpu.vector_store_idx %arg6[%parallel_loop3A_846, %parallel_loop3A_809], %parallel_loop3A_844 : memref<64x128xf32, #tpu.memory_space<vmem>>[vector<16xi32>, vector<16xi32>], vector<16xf32>,
        %parallel_loop3A_847 = arith.index_cast %parallel_loop3A_803 : i32 to index
        %parallel_loop3A_848 = arith.constant 112 : index
        %parallel_loop3A_849 = tpu.vector_load %arg4[%parallel_loop3A_847, %parallel_loop3A_848] {strides = array<i32>} : memref<64x128xf32, #tpu.memory_space<vmem>>, vector<16xf32>,
        %parallel_loop3A_850 = vector.broadcast %parallel_loop3A_811 : i32 to vector<16xi32>
        %parallel_loop3A_851 = arith.addi %add3A_30, %parallel_loop3A_850 : vector<16xi32>
        tpu.vector_store_idx %arg6[%parallel_loop3A_851, %parallel_loop3A_809], %parallel_loop3A_849 : memref<64x128xf32, #tpu.memory_space<vmem>>[vector<16xi32>, vector<16xi32>], vector<16xf32>,
      } {sc.loop_unroll_factor = 8 : i64, sc.parallel_access}
      %mul3A_530 = arith.constant 32 : i32
      %mul3A_531 = arith.muli %mul3A_530, %mul3A_295 : i32
      %add3A_532 = arith.addi %add3A, %mul3A_531 : i32
      %lt3A_533 = arith.constant 3906 : i32
      %lt3A_534 = arith.cmpi slt, %add3A_532, %lt3A_533 : i32
      %jit3A_535 = arith.constant 0 : i32
      %select_n3A_536 = arith.select %lt3A_534, %add3A_532, %jit3A_535 : i32
      %lt3A_537 = arith.constant 3906 : i32
      %lt3A_538 = arith.cmpi slt, %add3A_532, %lt3A_537 : i32
      %mul3A_539 = arith.constant 64 : i32
      %mul3A_540 = arith.muli %select_n3A_536, %mul3A_539 : i32
      %jit3A_541 = arith.constant 250016 : i32
      %select_n3A_542 = arith.select %lt3A_538, %mul3A_540, %jit3A_541 : i32
      %multiple_of3A_543 = tpu.assume_multiple %select_n3A_542, 8 : i32
      %dma_start3A_544 = arith.constant 0 : i32
      %dma_start3A_545 = tpu.memref_slice %arg3[%multiple_of3A_543, %dma_start3A_544] : memref<250048x128xf32, #tpu.memory_space<hbm>> -> memref<64x128xf32, #tpu.memory_space<hbm>>
      %dma_start3A_546 = arith.constant 0 : i32
      %dma_start3A_547 = tpu.memref_slice %arg3[%multiple_of3A_543, %dma_start3A_546] : memref<250048x128xf32, #tpu.memory_space<hbm>> -> memref<64x128xf32, #tpu.memory_space<hbm>>
      tpu.enqueue_dma source(%arg6 : memref<64x128xf32, #tpu.memory_space<vmem>>) target(%dma_start3A_547 : memref<64x128xf32, #tpu.memory_space<hbm>>) target_semaphore(%arg10 : memref<!tpu.dma_semaphore, #tpu.memory_space<semaphore_mem>>)
      %add3A_548 = arith.constant 2 : i32
      %add3A_549 = arith.addi %mul3A_295, %add3A_548 : i32
      %mul3A_550 = arith.constant 32 : i32
      %mul3A_551 = arith.muli %mul3A_550, %add3A_549 : i32
      %add3A_552 = arith.addi %add3A, %mul3A_551 : i32
      %lt3A_553 = arith.constant 3906 : i32
      %lt3A_554 = arith.cmpi slt, %add3A_552, %lt3A_553 : i32
      %jit3A_555 = arith.constant 0 : i32
      %select_n3A_556 = arith.select %lt3A_554, %add3A_552, %jit3A_555 : i32
      %lt3A_557 = arith.constant 3906 : i32
      %lt3A_558 = arith.cmpi slt, %add3A_552, %lt3A_557 : i32
      %mul3A_559 = arith.constant 256 : i32
      %mul3A_560 = arith.muli %select_n3A_556, %mul3A_559 : i32
      %add3A_561 = arith.constant 0 : i32
      %add3A_562 = arith.addi %mul3A_560, %add3A_561 : i32
      %multiple_of3A_563 = tpu.assume_multiple %add3A_562, 128 : i32
      %dma_start3A_564 = arith.constant 0 : i32
      %dma_start3A_565 = arith.constant 0 : i32
      %dma_start3A_566 = tpu.memref_slice %arg4[%dma_start3A_564, %dma_start3A_565] : memref<64x128xf32, #tpu.memory_space<vmem>> -> memref<8x128xf32, #tpu.memory_space<vmem>>
      %dma_start3A_567 = arith.constant 0 : i32
      %dma_start3A_568 = tpu.memref_slice %arg2[%dma_start3A_567, %multiple_of3A_563] : memref<32x1000000xf32, #tpu.memory_space<hbm>> -> memref<8x128xf32, #tpu.memory_space<hbm>>
      %dma_start3A_569 = arith.constant 0 : i32
      %dma_start3A_570 = arith.constant 0 : i32
      %dma_start3A_571 = tpu.memref_slice %arg4[%dma_start3A_569, %dma_start3A_570] : memref<64x128xf32, #tpu.memory_space<vmem>> -> memref<8x128xf32, #tpu.memory_space<vmem>>
      %dma_start3A_572 = arith.constant 0 : i32
      %dma_start3A_573 = tpu.memref_slice %arg2[%dma_start3A_572, %multiple_of3A_563] : memref<32x1000000xf32, #tpu.memory_space<hbm>> -> memref<8x128xf32, #tpu.memory_space<hbm>>
      tpu.enqueue_dma source(%dma_start3A_573 : memref<8x128xf32, #tpu.memory_space<hbm>>) target(%dma_start3A_571 : memref<8x128xf32, #tpu.memory_space<vmem>>) target_semaphore(%arg8 : memref<!tpu.dma_semaphore, #tpu.memory_space<semaphore_mem>>)
      %mul3A_574 = arith.constant 256 : i32
      %mul3A_575 = arith.muli %select_n3A_556, %mul3A_574 : i32
      %add3A_576 = arith.constant 0 : i32
      %add3A_577 = arith.addi %mul3A_575, %add3A_576 : i32
      %multiple_of3A_578 = tpu.assume_multiple %add3A_577, 128 : i32
      %dma_start3A_579 = arith.constant 8 : i32
      %dma_start3A_580 = arith.constant 0 : i32
      %dma_start3A_581 = tpu.memref_slice %arg4[%dma_start3A_579, %dma_start3A_580] : memref<64x128xf32, #tpu.memory_space<vmem>> -> memref<8x128xf32, #tpu.memory_space<vmem>>
      %dma_start3A_582 = arith.constant 8 : i32
      %dma_start3A_583 = tpu.memref_slice %arg2[%dma_start3A_582, %multiple_of3A_578] : memref<32x1000000xf32, #tpu.memory_space<hbm>> -> memref<8x128xf32, #tpu.memory_space<hbm>>
      %dma_start3A_584 = arith.constant 8 : i32
      %dma_start3A_585 = arith.constant 0 : i32
      %dma_start3A_586 = tpu.memref_slice %arg4[%dma_start3A_584, %dma_start3A_585] : memref<64x128xf32, #tpu.memory_space<vmem>> -> memref<8x128xf32, #tpu.memory_space<vmem>>
      %dma_start3A_587 = arith.constant 8 : i32
      %dma_start3A_588 = tpu.memref_slice %arg2[%dma_start3A_587, %multiple_of3A_578] : memref<32x1000000xf32, #tpu.memory_space<hbm>> -> memref<8x128xf32, #tpu.memory_space<hbm>>
      tpu.enqueue_dma source(%dma_start3A_588 : memref<8x128xf32, #tpu.memory_space<hbm>>) target(%dma_start3A_586 : memref<8x128xf32, #tpu.memory_space<vmem>>) target_semaphore(%arg8 : memref<!tpu.dma_semaphore, #tpu.memory_space<semaphore_mem>>)
      %mul3A_589 = arith.constant 256 : i32
      %mul3A_590 = arith.muli %select_n3A_556, %mul3A_589 : i32
      %add3A_591 = arith.constant 0 : i32
      %add3A_592 = arith.addi %mul3A_590, %add3A_591 : i32
      %multiple_of3A_593 = tpu.assume_multiple %add3A_592, 128 : i32
      %dma_start3A_594 = arith.constant 16 : i32
      %dma_start3A_595 = arith.constant 0 : i32
      %dma_start3A_596 = tpu.memref_slice %arg4[%dma_start3A_594, %dma_start3A_595] : memref<64x128xf32, #tpu.memory_space<vmem>> -> memref<8x128xf32, #tpu.memory_space<vmem>>
      %dma_start3A_597 = arith.constant 16 : i32
      %dma_start3A_598 = tpu.memref_slice %arg2[%dma_start3A_597, %multiple_of3A_593] : memref<32x1000000xf32, #tpu.memory_space<hbm>> -> memref<8x128xf32, #tpu.memory_space<hbm>>
      %dma_start3A_599 = arith.constant 16 : i32
      %dma_start3A_600 = arith.constant 0 : i32
      %dma_start3A_601 = tpu.memref_slice %arg4[%dma_start3A_599, %dma_start3A_600] : memref<64x128xf32, #tpu.memory_space<vmem>> -> memref<8x128xf32, #tpu.memory_space<vmem>>
      %dma_start3A_602 = arith.constant 16 : i32
      %dma_start3A_603 = tpu.memref_slice %arg2[%dma_start3A_602, %multiple_of3A_593] : memref<32x1000000xf32, #tpu.memory_space<hbm>> -> memref<8x128xf32, #tpu.memory_space<hbm>>
      tpu.enqueue_dma source(%dma_start3A_603 : memref<8x128xf32, #tpu.memory_space<hbm>>) target(%dma_start3A_601 : memref<8x128xf32, #tpu.memory_space<vmem>>) target_semaphore(%arg8 : memref<!tpu.dma_semaphore, #tpu.memory_space<semaphore_mem>>)
      %mul3A_604 = arith.constant 256 : i32
      %mul3A_605 = arith.muli %select_n3A_556, %mul3A_604 : i32
      %add3A_606 = arith.constant 0 : i32
      %add3A_607 = arith.addi %mul3A_605, %add3A_606 : i32
      %multiple_of3A_608 = tpu.assume_multiple %add3A_607, 128 : i32
      %dma_start3A_609 = arith.constant 24 : i32
      %dma_start3A_610 = arith.constant 0 : i32
      %dma_start3A_611 = tpu.memref_slice %arg4[%dma_start3A_609, %dma_start3A_610] : memref<64x128xf32, #tpu.memory_space<vmem>> -> memref<8x128xf32, #tpu.memory_space<vmem>>
      %dma_start3A_612 = arith.constant 24 : i32
      %dma_start3A_613 = tpu.memref_slice %arg2[%dma_start3A_612, %multiple_of3A_608] : memref<32x1000000xf32, #tpu.memory_space<hbm>> -> memref<8x128xf32, #tpu.memory_space<hbm>>
      %dma_start3A_614 = arith.constant 24 : i32
      %dma_start3A_615 = arith.constant 0 : i32
      %dma_start3A_616 = tpu.memref_slice %arg4[%dma_start3A_614, %dma_start3A_615] : memref<64x128xf32, #tpu.memory_space<vmem>> -> memref<8x128xf32, #tpu.memory_space<vmem>>
      %dma_start3A_617 = arith.constant 24 : i32
      %dma_start3A_618 = tpu.memref_slice %arg2[%dma_start3A_617, %multiple_of3A_608] : memref<32x1000000xf32, #tpu.memory_space<hbm>> -> memref<8x128xf32, #tpu.memory_space<hbm>>
      tpu.enqueue_dma source(%dma_start3A_618 : memref<8x128xf32, #tpu.memory_space<hbm>>) target(%dma_start3A_616 : memref<8x128xf32, #tpu.memory_space<vmem>>) target_semaphore(%arg8 : memref<!tpu.dma_semaphore, #tpu.memory_space<semaphore_mem>>)
      %mul3A_619 = arith.constant 256 : i32
      %mul3A_620 = arith.muli %select_n3A_556, %mul3A_619 : i32
      %add3A_621 = arith.constant 128 : i32
      %add3A_622 = arith.addi %mul3A_620, %add3A_621 : i32
      %multiple_of3A_623 = tpu.assume_multiple %add3A_622, 128 : i32
      %dma_start3A_624 = arith.constant 32 : i32
      %dma_start3A_625 = arith.constant 0 : i32
      %dma_start3A_626 = tpu.memref_slice %arg4[%dma_start3A_624, %dma_start3A_625] : memref<64x128xf32, #tpu.memory_space<vmem>> -> memref<8x128xf32, #tpu.memory_space<vmem>>
      %dma_start3A_627 = arith.constant 0 : i32
      %dma_start3A_628 = tpu.memref_slice %arg2[%dma_start3A_627, %multiple_of3A_623] : memref<32x1000000xf32, #tpu.memory_space<hbm>> -> memref<8x128xf32, #tpu.memory_space<hbm>>
      %dma_start3A_629 = arith.constant 32 : i32
      %dma_start3A_630 = arith.constant 0 : i32
      %dma_start3A_631 = tpu.memref_slice %arg4[%dma_start3A_629, %dma_start3A_630] : memref<64x128xf32, #tpu.memory_space<vmem>> -> memref<8x128xf32, #tpu.memory_space<vmem>>
      %dma_start3A_632 = arith.constant 0 : i32
      %dma_start3A_633 = tpu.memref_slice %arg2[%dma_start3A_632, %multiple_of3A_623] : memref<32x1000000xf32, #tpu.memory_space<hbm>> -> memref<8x128xf32, #tpu.memory_space<hbm>>
      tpu.enqueue_dma source(%dma_start3A_633 : memref<8x128xf32, #tpu.memory_space<hbm>>) target(%dma_start3A_631 : memref<8x128xf32, #tpu.memory_space<vmem>>) target_semaphore(%arg8 : memref<!tpu.dma_semaphore, #tpu.memory_space<semaphore_mem>>)
      %mul3A_634 = arith.constant 256 : i32
      %mul3A_635 = arith.muli %select_n3A_556, %mul3A_634 : i32
      %add3A_636 = arith.constant 128 : i32
      %add3A_637 = arith.addi %mul3A_635, %add3A_636 : i32
      %multiple_of3A_638 = tpu.assume_multiple %add3A_637, 128 : i32
      %dma_start3A_639 = arith.constant 40 : i32
      %dma_start3A_640 = arith.constant 0 : i32
      %dma_start3A_641 = tpu.memref_slice %arg4[%dma_start3A_639, %dma_start3A_640] : memref<64x128xf32, #tpu.memory_space<vmem>> -> memref<8x128xf32, #tpu.memory_space<vmem>>
      %dma_start3A_642 = arith.constant 8 : i32
      %dma_start3A_643 = tpu.memref_slice %arg2[%dma_start3A_642, %multiple_of3A_638] : memref<32x1000000xf32, #tpu.memory_space<hbm>> -> memref<8x128xf32, #tpu.memory_space<hbm>>
      %dma_start3A_644 = arith.constant 40 : i32
      %dma_start3A_645 = arith.constant 0 : i32
      %dma_start3A_646 = tpu.memref_slice %arg4[%dma_start3A_644, %dma_start3A_645] : memref<64x128xf32, #tpu.memory_space<vmem>> -> memref<8x128xf32, #tpu.memory_space<vmem>>
      %dma_start3A_647 = arith.constant 8 : i32
      %dma_start3A_648 = tpu.memref_slice %arg2[%dma_start3A_647, %multiple_of3A_638] : memref<32x1000000xf32, #tpu.memory_space<hbm>> -> memref<8x128xf32, #tpu.memory_space<hbm>>
      tpu.enqueue_dma source(%dma_start3A_648 : memref<8x128xf32, #tpu.memory_space<hbm>>) target(%dma_start3A_646 : memref<8x128xf32, #tpu.memory_space<vmem>>) target_semaphore(%arg8 : memref<!tpu.dma_semaphore, #tpu.memory_space<semaphore_mem>>)
      %mul3A_649 = arith.constant 256 : i32
      %mul3A_650 = arith.muli %select_n3A_556, %mul3A_649 : i32
      %add3A_651 = arith.constant 128 : i32
      %add3A_652 = arith.addi %mul3A_650, %add3A_651 : i32
      %multiple_of3A_653 = tpu.assume_multiple %add3A_652, 128 : i32
      %dma_start3A_654 = arith.constant 48 : i32
      %dma_start3A_655 = arith.constant 0 : i32
      %dma_start3A_656 = tpu.memref_slice %arg4[%dma_start3A_654, %dma_start3A_655] : memref<64x128xf32, #tpu.memory_space<vmem>> -> memref<8x128xf32, #tpu.memory_space<vmem>>
      %dma_start3A_657 = arith.constant 16 : i32
      %dma_start3A_658 = tpu.memref_slice %arg2[%dma_start3A_657, %multiple_of3A_653] : memref<32x1000000xf32, #tpu.memory_space<hbm>> -> memref<8x128xf32, #tpu.memory_space<hbm>>
      %dma_start3A_659 = arith.constant 48 : i32
      %dma_start3A_660 = arith.constant 0 : i32
      %dma_start3A_661 = tpu.memref_slice %arg4[%dma_start3A_659, %dma_start3A_660] : memref<64x128xf32, #tpu.memory_space<vmem>> -> memref<8x128xf32, #tpu.memory_space<vmem>>
      %dma_start3A_662 = arith.constant 16 : i32
      %dma_start3A_663 = tpu.memref_slice %arg2[%dma_start3A_662, %multiple_of3A_653] : memref<32x1000000xf32, #tpu.memory_space<hbm>> -> memref<8x128xf32, #tpu.memory_space<hbm>>
      tpu.enqueue_dma source(%dma_start3A_663 : memref<8x128xf32, #tpu.memory_space<hbm>>) target(%dma_start3A_661 : memref<8x128xf32, #tpu.memory_space<vmem>>) target_semaphore(%arg8 : memref<!tpu.dma_semaphore, #tpu.memory_space<semaphore_mem>>)
      %mul3A_664 = arith.constant 256 : i32
      %mul3A_665 = arith.muli %select_n3A_556, %mul3A_664 : i32
      %add3A_666 = arith.constant 128 : i32
      %add3A_667 = arith.addi %mul3A_665, %add3A_666 : i32
      %multiple_of3A_668 = tpu.assume_multiple %add3A_667, 128 : i32
      %dma_start3A_669 = arith.constant 56 : i32
      %dma_start3A_670 = arith.constant 0 : i32
      %dma_start3A_671 = tpu.memref_slice %arg4[%dma_start3A_669, %dma_start3A_670] : memref<64x128xf32, #tpu.memory_space<vmem>> -> memref<8x128xf32, #tpu.memory_space<vmem>>
      %dma_start3A_672 = arith.constant 24 : i32
      %dma_start3A_673 = tpu.memref_slice %arg2[%dma_start3A_672, %multiple_of3A_668] : memref<32x1000000xf32, #tpu.memory_space<hbm>> -> memref<8x128xf32, #tpu.memory_space<hbm>>
      %dma_start3A_674 = arith.constant 56 : i32
      %dma_start3A_675 = arith.constant 0 : i32
      %dma_start3A_676 = tpu.memref_slice %arg4[%dma_start3A_674, %dma_start3A_675] : memref<64x128xf32, #tpu.memory_space<vmem>> -> memref<8x128xf32, #tpu.memory_space<vmem>>
      %dma_start3A_677 = arith.constant 24 : i32
      %dma_start3A_678 = tpu.memref_slice %arg2[%dma_start3A_677, %multiple_of3A_668] : memref<32x1000000xf32, #tpu.memory_space<hbm>> -> memref<8x128xf32, #tpu.memory_space<hbm>>
      tpu.enqueue_dma source(%dma_start3A_678 : memref<8x128xf32, #tpu.memory_space<hbm>>) target(%dma_start3A_676 : memref<8x128xf32, #tpu.memory_space<vmem>>) target_semaphore(%arg8 : memref<!tpu.dma_semaphore, #tpu.memory_space<semaphore_mem>>)
      %dma_wait3A_679 = arith.constant 0 : i32
      %dma_wait3A_680 = arith.constant 0 : i32
      %dma_wait3A_681 = tpu.memref_slice %arg5[%dma_wait3A_679, %dma_wait3A_680] : memref<64x128xf32, #tpu.memory_space<vmem>> -> memref<8x128xf32, #tpu.memory_space<vmem>>
      %dma_wait3A_682 = arith.constant 0 : i32
      %dma_wait3A_683 = arith.constant 0 : i32
      %dma_wait3A_684 = tpu.memref_slice %arg2[%dma_wait3A_682, %dma_wait3A_683] : memref<32x1000000xf32, #tpu.memory_space<hbm>> -> memref<8x128xf32, #tpu.memory_space<hbm>>
      %dma_wait3A_685 = arith.constant 0 : i32
      %dma_wait3A_686 = arith.constant 0 : i32
      %dma_wait3A_687 = tpu.memref_slice %arg5[%dma_wait3A_685, %dma_wait3A_686] : memref<64x128xf32, #tpu.memory_space<vmem>> -> memref<8x128xf32, #tpu.memory_space<vmem>>
      %dma_wait3A_688 = arith.constant 0 : i32
      %dma_wait3A_689 = arith.constant 0 : i32
      %dma_wait3A_690 = tpu.memref_slice %arg2[%dma_wait3A_688, %dma_wait3A_689] : memref<32x1000000xf32, #tpu.memory_space<hbm>> -> memref<8x128xf32, #tpu.memory_space<hbm>>
      tpu.wait_dma2 semaphore(%arg9 : memref<!tpu.dma_semaphore, #tpu.memory_space<semaphore_mem>>) src(%dma_wait3A_690 : memref<8x128xf32, #tpu.memory_space<hbm>>) dst(%dma_wait3A_687 : memref<8x128xf32, #tpu.memory_space<vmem>>)
      %dma_wait3A_691 = arith.constant 8 : i32
      %dma_wait3A_692 = arith.constant 0 : i32
      %dma_wait3A_693 = tpu.memref_slice %arg5[%dma_wait3A_691, %dma_wait3A_692] : memref<64x128xf32, #tpu.memory_space<vmem>> -> memref<8x128xf32, #tpu.memory_space<vmem>>
      %dma_wait3A_694 = arith.constant 0 : i32
      %dma_wait3A_695 = arith.constant 0 : i32
      %dma_wait3A_696 = tpu.memref_slice %arg2[%dma_wait3A_694, %dma_wait3A_695] : memref<32x1000000xf32, #tpu.memory_space<hbm>> -> memref<8x128xf32, #tpu.memory_space<hbm>>
      %dma_wait3A_697 = arith.constant 8 : i32
      %dma_wait3A_698 = arith.constant 0 : i32
      %dma_wait3A_699 = tpu.memref_slice %arg5[%dma_wait3A_697, %dma_wait3A_698] : memref<64x128xf32, #tpu.memory_space<vmem>> -> memref<8x128xf32, #tpu.memory_space<vmem>>
      %dma_wait3A_700 = arith.constant 0 : i32
      %dma_wait3A_701 = arith.constant 0 : i32
      %dma_wait3A_702 = tpu.memref_slice %arg2[%dma_wait3A_700, %dma_wait3A_701] : memref<32x1000000xf32, #tpu.memory_space<hbm>> -> memref<8x128xf32, #tpu.memory_space<hbm>>
      tpu.wait_dma2 semaphore(%arg9 : memref<!tpu.dma_semaphore, #tpu.memory_space<semaphore_mem>>) src(%dma_wait3A_702 : memref<8x128xf32, #tpu.memory_space<hbm>>) dst(%dma_wait3A_699 : memref<8x128xf32, #tpu.memory_space<vmem>>)
      %dma_wait3A_703 = arith.constant 16 : i32
      %dma_wait3A_704 = arith.constant 0 : i32
      %dma_wait3A_705 = tpu.memref_slice %arg5[%dma_wait3A_703, %dma_wait3A_704] : memref<64x128xf32, #tpu.memory_space<vmem>> -> memref<8x128xf32, #tpu.memory_space<vmem>>
      %dma_wait3A_706 = arith.constant 0 : i32
      %dma_wait3A_707 = arith.constant 0 : i32
      %dma_wait3A_708 = tpu.memref_slice %arg2[%dma_wait3A_706, %dma_wait3A_707] : memref<32x1000000xf32, #tpu.memory_space<hbm>> -> memref<8x128xf32, #tpu.memory_space<hbm>>
      %dma_wait3A_709 = arith.constant 16 : i32
      %dma_wait3A_710 = arith.constant 0 : i32
      %dma_wait3A_711 = tpu.memref_slice %arg5[%dma_wait3A_709, %dma_wait3A_710] : memref<64x128xf32, #tpu.memory_space<vmem>> -> memref<8x128xf32, #tpu.memory_space<vmem>>
      %dma_wait3A_712 = arith.constant 0 : i32
      %dma_wait3A_713 = arith.constant 0 : i32
      %dma_wait3A_714 = tpu.memref_slice %arg2[%dma_wait3A_712, %dma_wait3A_713] : memref<32x1000000xf32, #tpu.memory_space<hbm>> -> memref<8x128xf32, #tpu.memory_space<hbm>>
      tpu.wait_dma2 semaphore(%arg9 : memref<!tpu.dma_semaphore, #tpu.memory_space<semaphore_mem>>) src(%dma_wait3A_714 : memref<8x128xf32, #tpu.memory_space<hbm>>) dst(%dma_wait3A_711 : memref<8x128xf32, #tpu.memory_space<vmem>>)
      %dma_wait3A_715 = arith.constant 24 : i32
      %dma_wait3A_716 = arith.constant 0 : i32
      %dma_wait3A_717 = tpu.memref_slice %arg5[%dma_wait3A_715, %dma_wait3A_716] : memref<64x128xf32, #tpu.memory_space<vmem>> -> memref<8x128xf32, #tpu.memory_space<vmem>>
      %dma_wait3A_718 = arith.constant 0 : i32
      %dma_wait3A_719 = arith.constant 0 : i32
      %dma_wait3A_720 = tpu.memref_slice %arg2[%dma_wait3A_718, %dma_wait3A_719] : memref<32x1000000xf32, #tpu.memory_space<hbm>> -> memref<8x128xf32, #tpu.memory_space<hbm>>
      %dma_wait3A_721 = arith.constant 24 : i32
      %dma_wait3A_722 = arith.constant 0 : i32
      %dma_wait3A_723 = tpu.memref_slice %arg5[%dma_wait3A_721, %dma_wait3A_722] : memref<64x128xf32, #tpu.memory_space<vmem>> -> memref<8x128xf32, #tpu.memory_space<vmem>>
      %dma_wait3A_724 = arith.constant 0 : i32
      %dma_wait3A_725 = arith.constant 0 : i32
      %dma_wait3A_726 = tpu.memref_slice %arg2[%dma_wait3A_724, %dma_wait3A_725] : memref<32x1000000xf32, #tpu.memory_space<hbm>> -> memref<8x128xf32, #tpu.memory_space<hbm>>
      tpu.wait_dma2 semaphore(%arg9 : memref<!tpu.dma_semaphore, #tpu.memory_space<semaphore_mem>>) src(%dma_wait3A_726 : memref<8x128xf32, #tpu.memory_space<hbm>>) dst(%dma_wait3A_723 : memref<8x128xf32, #tpu.memory_space<vmem>>)
      %dma_wait3A_727 = arith.constant 32 : i32
      %dma_wait3A_728 = arith.constant 0 : i32
      %dma_wait3A_729 = tpu.memref_slice %arg5[%dma_wait3A_727, %dma_wait3A_728] : memref<64x128xf32, #tpu.memory_space<vmem>> -> memref<8x128xf32, #tpu.memory_space<vmem>>
      %dma_wait3A_730 = arith.constant 0 : i32
      %dma_wait3A_731 = arith.constant 0 : i32
      %dma_wait3A_732 = tpu.memref_slice %arg2[%dma_wait3A_730, %dma_wait3A_731] : memref<32x1000000xf32, #tpu.memory_space<hbm>> -> memref<8x128xf32, #tpu.memory_space<hbm>>
      %dma_wait3A_733 = arith.constant 32 : i32
      %dma_wait3A_734 = arith.constant 0 : i32
      %dma_wait3A_735 = tpu.memref_slice %arg5[%dma_wait3A_733, %dma_wait3A_734] : memref<64x128xf32, #tpu.memory_space<vmem>> -> memref<8x128xf32, #tpu.memory_space<vmem>>
      %dma_wait3A_736 = arith.constant 0 : i32
      %dma_wait3A_737 = arith.constant 0 : i32
      %dma_wait3A_738 = tpu.memref_slice %arg2[%dma_wait3A_736, %dma_wait3A_737] : memref<32x1000000xf32, #tpu.memory_space<hbm>> -> memref<8x128xf32, #tpu.memory_space<hbm>>
      tpu.wait_dma2 semaphore(%arg9 : memref<!tpu.dma_semaphore, #tpu.memory_space<semaphore_mem>>) src(%dma_wait3A_738 : memref<8x128xf32, #tpu.memory_space<hbm>>) dst(%dma_wait3A_735 : memref<8x128xf32, #tpu.memory_space<vmem>>)
      %dma_wait3A_739 = arith.constant 40 : i32
      %dma_wait3A_740 = arith.constant 0 : i32
      %dma_wait3A_741 = tpu.memref_slice %arg5[%dma_wait3A_739, %dma_wait3A_740] : memref<64x128xf32, #tpu.memory_space<vmem>> -> memref<8x128xf32, #tpu.memory_space<vmem>>
      %dma_wait3A_742 = arith.constant 0 : i32
      %dma_wait3A_743 = arith.constant 0 : i32
      %dma_wait3A_744 = tpu.memref_slice %arg2[%dma_wait3A_742, %dma_wait3A_743] : memref<32x1000000xf32, #tpu.memory_space<hbm>> -> memref<8x128xf32, #tpu.memory_space<hbm>>
      %dma_wait3A_745 = arith.constant 40 : i32
      %dma_wait3A_746 = arith.constant 0 : i32
      %dma_wait3A_747 = tpu.memref_slice %arg5[%dma_wait3A_745, %dma_wait3A_746] : memref<64x128xf32, #tpu.memory_space<vmem>> -> memref<8x128xf32, #tpu.memory_space<vmem>>
      %dma_wait3A_748 = arith.constant 0 : i32
      %dma_wait3A_749 = arith.constant 0 : i32
      %dma_wait3A_750 = tpu.memref_slice %arg2[%dma_wait3A_748, %dma_wait3A_749] : memref<32x1000000xf32, #tpu.memory_space<hbm>> -> memref<8x128xf32, #tpu.memory_space<hbm>>
      tpu.wait_dma2 semaphore(%arg9 : memref<!tpu.dma_semaphore, #tpu.memory_space<semaphore_mem>>) src(%dma_wait3A_750 : memref<8x128xf32, #tpu.memory_space<hbm>>) dst(%dma_wait3A_747 : memref<8x128xf32, #tpu.memory_space<vmem>>)
      %dma_wait3A_751 = arith.constant 48 : i32
      %dma_wait3A_752 = arith.constant 0 : i32
      %dma_wait3A_753 = tpu.memref_slice %arg5[%dma_wait3A_751, %dma_wait3A_752] : memref<64x128xf32, #tpu.memory_space<vmem>> -> memref<8x128xf32, #tpu.memory_space<vmem>>
      %dma_wait3A_754 = arith.constant 0 : i32
      %dma_wait3A_755 = arith.constant 0 : i32
      %dma_wait3A_756 = tpu.memref_slice %arg2[%dma_wait3A_754, %dma_wait3A_755] : memref<32x1000000xf32, #tpu.memory_space<hbm>> -> memref<8x128xf32, #tpu.memory_space<hbm>>
      %dma_wait3A_757 = arith.constant 48 : i32
      %dma_wait3A_758 = arith.constant 0 : i32
      %dma_wait3A_759 = tpu.memref_slice %arg5[%dma_wait3A_757, %dma_wait3A_758] : memref<64x128xf32, #tpu.memory_space<vmem>> -> memref<8x128xf32, #tpu.memory_space<vmem>>
      %dma_wait3A_760 = arith.constant 0 : i32
      %dma_wait3A_761 = arith.constant 0 : i32
      %dma_wait3A_762 = tpu.memref_slice %arg2[%dma_wait3A_760, %dma_wait3A_761] : memref<32x1000000xf32, #tpu.memory_space<hbm>> -> memref<8x128xf32, #tpu.memory_space<hbm>>
      tpu.wait_dma2 semaphore(%arg9 : memref<!tpu.dma_semaphore, #tpu.memory_space<semaphore_mem>>) src(%dma_wait3A_762 : memref<8x128xf32, #tpu.memory_space<hbm>>) dst(%dma_wait3A_759 : memref<8x128xf32, #tpu.memory_space<vmem>>)
      %dma_wait3A_763 = arith.constant 56 : i32
      %dma_wait3A_764 = arith.constant 0 : i32
      %dma_wait3A_765 = tpu.memref_slice %arg5[%dma_wait3A_763, %dma_wait3A_764] : memref<64x128xf32, #tpu.memory_space<vmem>> -> memref<8x128xf32, #tpu.memory_space<vmem>>
      %dma_wait3A_766 = arith.constant 0 : i32
      %dma_wait3A_767 = arith.constant 0 : i32
      %dma_wait3A_768 = tpu.memref_slice %arg2[%dma_wait3A_766, %dma_wait3A_767] : memref<32x1000000xf32, #tpu.memory_space<hbm>> -> memref<8x128xf32, #tpu.memory_space<hbm>>
      %dma_wait3A_769 = arith.constant 56 : i32
      %dma_wait3A_770 = arith.constant 0 : i32
      %dma_wait3A_771 = tpu.memref_slice %arg5[%dma_wait3A_769, %dma_wait3A_770] : memref<64x128xf32, #tpu.memory_space<vmem>> -> memref<8x128xf32, #tpu.memory_space<vmem>>
      %dma_wait3A_772 = arith.constant 0 : i32
      %dma_wait3A_773 = arith.constant 0 : i32
      %dma_wait3A_774 = tpu.memref_slice %arg2[%dma_wait3A_772, %dma_wait3A_773] : memref<32x1000000xf32, #tpu.memory_space<hbm>> -> memref<8x128xf32, #tpu.memory_space<hbm>>
      tpu.wait_dma2 semaphore(%arg9 : memref<!tpu.dma_semaphore, #tpu.memory_space<semaphore_mem>>) src(%dma_wait3A_774 : memref<8x128xf32, #tpu.memory_space<hbm>>) dst(%dma_wait3A_771 : memref<8x128xf32, #tpu.memory_space<vmem>>)
      %gt3A_775 = arith.constant 0 : i32
      %gt3A_776 = arith.cmpi sgt, %scan3A_293, %gt3A_775 : i32
      %convert_element_type3A_777 = arith.extui %gt3A_776 : i1 to i32
      %cond3A_778 = arith.constant 0 : i32
      %cond3A_779 = arith.cmpi ne, %convert_element_type3A_777, %cond3A_778 : i32
      scf.if %cond3A_779 {
        %dma_wait3A_803 = arith.constant 0 : i32
        %dma_wait3A_804 = arith.constant 0 : i32
        %dma_wait3A_805 = tpu.memref_slice %arg3[%dma_wait3A_803, %dma_wait3A_804] : memref<250048x128xf32, #tpu.memory_space<hbm>> -> memref<64x128xf32, #tpu.memory_space<hbm>>
        %dma_wait3A_806 = arith.constant 0 : i32
        %dma_wait3A_807 = arith.constant 0 : i32
        %dma_wait3A_808 = tpu.memref_slice %arg3[%dma_wait3A_806, %dma_wait3A_807] : memref<250048x128xf32, #tpu.memory_space<hbm>> -> memref<64x128xf32, #tpu.memory_space<hbm>>
        tpu.wait_dma2 semaphore(%arg11 : memref<!tpu.dma_semaphore, #tpu.memory_space<semaphore_mem>>) src(%arg7 : memref<64x128xf32, #tpu.memory_space<vmem>>) dst(%dma_wait3A_808 : memref<64x128xf32, #tpu.memory_space<hbm>>)
      } else {
      }
      %parallel_loop3A_780 = arith.constant 0 : i32
      %parallel_loop3A_781 = arith.constant 64 : i32
      %parallel_loop3A_782 = arith.constant 1 : i32
      scf.for %parallel_loop3A_803 = %parallel_loop3A_780 to %parallel_loop3A_781 step %parallel_loop3A_782  : i32 {
        %parallel_loop3A_804 = arith.constant 5 : i32
        %parallel_loop3A_805 = arith.shrsi %parallel_loop3A_803, %parallel_loop3A_804 : i32
        %parallel_loop3A_806 = arith.constant 31 : i32
        %parallel_loop3A_807 = arith.andi %parallel_loop3A_803, %parallel_loop3A_806 : i32
        %parallel_loop3A_808 = vector.broadcast %parallel_loop3A_807 : i32 to vector<16xi32>
        %parallel_loop3A_809 = arith.addi %shift_left3A_6, %parallel_loop3A_808 : vector<16xi32>
        %parallel_loop3A_810 = arith.constant 32 : i32
        %parallel_loop3A_811 = arith.muli %parallel_loop3A_805, %parallel_loop3A_810 : i32
        %parallel_loop3A_812 = arith.index_cast %parallel_loop3A_803 : i32 to index
        %parallel_loop3A_813 = arith.constant 0 : index
        %parallel_loop3A_814 = tpu.vector_load %arg5[%parallel_loop3A_812, %parallel_loop3A_813] {strides = array<i32>} : memref<64x128xf32, #tpu.memory_space<vmem>>, vector<16xf32>,
        %parallel_loop3A_815 = vector.broadcast %parallel_loop3A_811 : i32 to vector<16xi32>
        %parallel_loop3A_816 = arith.addi %add3A_9, %parallel_loop3A_815 : vector<16xi32>
        tpu.vector_store_idx %arg7[%parallel_loop3A_816, %parallel_loop3A_809], %parallel_loop3A_814 : memref<64x128xf32, #tpu.memory_space<vmem>>[vector<16xi32>, vector<16xi32>], vector<16xf32>,
        %parallel_loop3A_817 = arith.index_cast %parallel_loop3A_803 : i32 to index
        %parallel_loop3A_818 = arith.constant 16 : index
        %parallel_loop3A_819 = tpu.vector_load %arg5[%parallel_loop3A_817, %parallel_loop3A_818] {strides = array<i32>} : memref<64x128xf32, #tpu.memory_space<vmem>>, vector<16xf32>,
        %parallel_loop3A_820 = vector.broadcast %parallel_loop3A_811 : i32 to vector<16xi32>
        %parallel_loop3A_821 = arith.addi %add3A_12, %parallel_loop3A_820 : vector<16xi32>
        tpu.vector_store_idx %arg7[%parallel_loop3A_821, %parallel_loop3A_809], %parallel_loop3A_819 : memref<64x128xf32, #tpu.memory_space<vmem>>[vector<16xi32>, vector<16xi32>], vector<16xf32>,
        %parallel_loop3A_822 = arith.index_cast %parallel_loop3A_803 : i32 to index
        %parallel_loop3A_823 = arith.constant 32 : index
        %parallel_loop3A_824 = tpu.vector_load %arg5[%parallel_loop3A_822, %parallel_loop3A_823] {strides = array<i32>} : memref<64x128xf32, #tpu.memory_space<vmem>>, vector<16xf32>,
        %parallel_loop3A_825 = vector.broadcast %parallel_loop3A_811 : i32 to vector<16xi32>
        %parallel_loop3A_826 = arith.addi %add3A_15, %parallel_loop3A_825 : vector<16xi32>
        tpu.vector_store_idx %arg7[%parallel_loop3A_826, %parallel_loop3A_809], %parallel_loop3A_824 : memref<64x128xf32, #tpu.memory_space<vmem>>[vector<16xi32>, vector<16xi32>], vector<16xf32>,
        %parallel_loop3A_827 = arith.index_cast %parallel_loop3A_803 : i32 to index
        %parallel_loop3A_828 = arith.constant 48 : index
        %parallel_loop3A_829 = tpu.vector_load %arg5[%parallel_loop3A_827, %parallel_loop3A_828] {strides = array<i32>} : memref<64x128xf32, #tpu.memory_space<vmem>>, vector<16xf32>,
        %parallel_loop3A_830 = vector.broadcast %parallel_loop3A_811 : i32 to vector<16xi32>
        %parallel_loop3A_831 = arith.addi %add3A_18, %parallel_loop3A_830 : vector<16xi32>
        tpu.vector_store_idx %arg7[%parallel_loop3A_831, %parallel_loop3A_809], %parallel_loop3A_829 : memref<64x128xf32, #tpu.memory_space<vmem>>[vector<16xi32>, vector<16xi32>], vector<16xf32>,
        %parallel_loop3A_832 = arith.index_cast %parallel_loop3A_803 : i32 to index
        %parallel_loop3A_833 = arith.constant 64 : index
        %parallel_loop3A_834 = tpu.vector_load %arg5[%parallel_loop3A_832, %parallel_loop3A_833] {strides = array<i32>} : memref<64x128xf32, #tpu.memory_space<vmem>>, vector<16xf32>,
        %parallel_loop3A_835 = vector.broadcast %parallel_loop3A_811 : i32 to vector<16xi32>
        %parallel_loop3A_836 = arith.addi %add3A_21, %parallel_loop3A_835 : vector<16xi32>
        tpu.vector_store_idx %arg7[%parallel_loop3A_836, %parallel_loop3A_809], %parallel_loop3A_834 : memref<64x128xf32, #tpu.memory_space<vmem>>[vector<16xi32>, vector<16xi32>], vector<16xf32>,
        %parallel_loop3A_837 = arith.index_cast %parallel_loop3A_803 : i32 to index
        %parallel_loop3A_838 = arith.constant 80 : index
        %parallel_loop3A_839 = tpu.vector_load %arg5[%parallel_loop3A_837, %parallel_loop3A_838] {strides = array<i32>} : memref<64x128xf32, #tpu.memory_space<vmem>>, vector<16xf32>,
        %parallel_loop3A_840 = vector.broadcast %parallel_loop3A_811 : i32 to vector<16xi32>
        %parallel_loop3A_841 = arith.addi %add3A_24, %parallel_loop3A_840 : vector<16xi32>
        tpu.vector_store_idx %arg7[%parallel_loop3A_841, %parallel_loop3A_809], %parallel_loop3A_839 : memref<64x128xf32, #tpu.memory_space<vmem>>[vector<16xi32>, vector<16xi32>], vector<16xf32>,
        %parallel_loop3A_842 = arith.index_cast %parallel_loop3A_803 : i32 to index
        %parallel_loop3A_843 = arith.constant 96 : index
        %parallel_loop3A_844 = tpu.vector_load %arg5[%parallel_loop3A_842, %parallel_loop3A_843] {strides = array<i32>} : memref<64x128xf32, #tpu.memory_space<vmem>>, vector<16xf32>,
        %parallel_loop3A_845 = vector.broadcast %parallel_loop3A_811 : i32 to vector<16xi32>
        %parallel_loop3A_846 = arith.addi %add3A_27, %parallel_loop3A_845 : vector<16xi32>
        tpu.vector_store_idx %arg7[%parallel_loop3A_846, %parallel_loop3A_809], %parallel_loop3A_844 : memref<64x128xf32, #tpu.memory_space<vmem>>[vector<16xi32>, vector<16xi32>], vector<16xf32>,
        %parallel_loop3A_847 = arith.index_cast %parallel_loop3A_803 : i32 to index
        %parallel_loop3A_848 = arith.constant 112 : index
        %parallel_loop3A_849 = tpu.vector_load %arg5[%parallel_loop3A_847, %parallel_loop3A_848] {strides = array<i32>} : memref<64x128xf32, #tpu.memory_space<vmem>>, vector<16xf32>,
        %parallel_loop3A_850 = vector.broadcast %parallel_loop3A_811 : i32 to vector<16xi32>
        %parallel_loop3A_851 = arith.addi %add3A_30, %parallel_loop3A_850 : vector<16xi32>
        tpu.vector_store_idx %arg7[%parallel_loop3A_851, %parallel_loop3A_809], %parallel_loop3A_849 : memref<64x128xf32, #tpu.memory_space<vmem>>[vector<16xi32>, vector<16xi32>], vector<16xf32>,
      } {sc.loop_unroll_factor = 8 : i64, sc.parallel_access}
      %add3A_783 = arith.constant 1 : i32
      %add3A_784 = arith.addi %mul3A_295, %add3A_783 : i32
      %mul3A_785 = arith.constant 32 : i32
      %mul3A_786 = arith.muli %mul3A_785, %add3A_784 : i32
      %add3A_787 = arith.addi %add3A, %mul3A_786 : i32
      %lt3A_788 = arith.constant 3906 : i32
      %lt3A_789 = arith.cmpi slt, %add3A_787, %lt3A_788 : i32
      %jit3A_790 = arith.constant 0 : i32
      %select_n3A_791 = arith.select %lt3A_789, %add3A_787, %jit3A_790 : i32
      %lt3A_792 = arith.constant 3906 : i32
      %lt3A_793 = arith.cmpi slt, %add3A_787, %lt3A_792 : i32
      %mul3A_794 = arith.constant 64 : i32
      %mul3A_795 = arith.muli %select_n3A_791, %mul3A_794 : i32
      %jit3A_796 = arith.constant 250016 : i32
      %select_n3A_797 = arith.select %lt3A_793, %mul3A_795, %jit3A_796 : i32
      %multiple_of3A_798 = tpu.assume_multiple %select_n3A_797, 8 : i32
      %dma_start3A_799 = arith.constant 0 : i32
      %dma_start3A_800 = tpu.memref_slice %arg3[%multiple_of3A_798, %dma_start3A_799] : memref<250048x128xf32, #tpu.memory_space<hbm>> -> memref<64x128xf32, #tpu.memory_space<hbm>>
      %dma_start3A_801 = arith.constant 0 : i32
      %dma_start3A_802 = tpu.memref_slice %arg3[%multiple_of3A_798, %dma_start3A_801] : memref<250048x128xf32, #tpu.memory_space<hbm>> -> memref<64x128xf32, #tpu.memory_space<hbm>>
      tpu.enqueue_dma source(%arg7 : memref<64x128xf32, #tpu.memory_space<vmem>>) target(%dma_start3A_802 : memref<64x128xf32, #tpu.memory_space<hbm>>) target_semaphore(%arg11 : memref<!tpu.dma_semaphore, #tpu.memory_space<semaphore_mem>>)
    }
    %scan3A_158 = arith.constant 61 : i32
    %dma_wait3A = arith.constant 0 : i32
    %dma_wait3A_159 = arith.constant 0 : i32
    %dma_wait3A_160 = tpu.memref_slice %arg4[%dma_wait3A, %dma_wait3A_159] : memref<64x128xf32, #tpu.memory_space<vmem>> -> memref<8x128xf32, #tpu.memory_space<vmem>>
    %dma_wait3A_161 = arith.constant 0 : i32
    %dma_wait3A_162 = arith.constant 0 : i32
    %dma_wait3A_163 = tpu.memref_slice %arg2[%dma_wait3A_161, %dma_wait3A_162] : memref<32x1000000xf32, #tpu.memory_space<hbm>> -> memref<8x128xf32, #tpu.memory_space<hbm>>
    %dma_wait3A_164 = arith.constant 0 : i32
    %dma_wait3A_165 = arith.constant 0 : i32
    %dma_wait3A_166 = tpu.memref_slice %arg4[%dma_wait3A_164, %dma_wait3A_165] : memref<64x128xf32, #tpu.memory_space<vmem>> -> memref<8x128xf32, #tpu.memory_space<vmem>>
    %dma_wait3A_167 = arith.constant 0 : i32
    %dma_wait3A_168 = arith.constant 0 : i32
    %dma_wait3A_169 = tpu.memref_slice %arg2[%dma_wait3A_167, %dma_wait3A_168] : memref<32x1000000xf32, #tpu.memory_space<hbm>> -> memref<8x128xf32, #tpu.memory_space<hbm>>
    tpu.wait_dma2 semaphore(%arg8 : memref<!tpu.dma_semaphore, #tpu.memory_space<semaphore_mem>>) src(%dma_wait3A_169 : memref<8x128xf32, #tpu.memory_space<hbm>>) dst(%dma_wait3A_166 : memref<8x128xf32, #tpu.memory_space<vmem>>)
    %dma_wait3A_170 = arith.constant 8 : i32
    %dma_wait3A_171 = arith.constant 0 : i32
    %dma_wait3A_172 = tpu.memref_slice %arg4[%dma_wait3A_170, %dma_wait3A_171] : memref<64x128xf32, #tpu.memory_space<vmem>> -> memref<8x128xf32, #tpu.memory_space<vmem>>
    %dma_wait3A_173 = arith.constant 0 : i32
    %dma_wait3A_174 = arith.constant 0 : i32
    %dma_wait3A_175 = tpu.memref_slice %arg2[%dma_wait3A_173, %dma_wait3A_174] : memref<32x1000000xf32, #tpu.memory_space<hbm>> -> memref<8x128xf32, #tpu.memory_space<hbm>>
    %dma_wait3A_176 = arith.constant 8 : i32
    %dma_wait3A_177 = arith.constant 0 : i32
    %dma_wait3A_178 = tpu.memref_slice %arg4[%dma_wait3A_176, %dma_wait3A_177] : memref<64x128xf32, #tpu.memory_space<vmem>> -> memref<8x128xf32, #tpu.memory_space<vmem>>
    %dma_wait3A_179 = arith.constant 0 : i32
    %dma_wait3A_180 = arith.constant 0 : i32
    %dma_wait3A_181 = tpu.memref_slice %arg2[%dma_wait3A_179, %dma_wait3A_180] : memref<32x1000000xf32, #tpu.memory_space<hbm>> -> memref<8x128xf32, #tpu.memory_space<hbm>>
    tpu.wait_dma2 semaphore(%arg8 : memref<!tpu.dma_semaphore, #tpu.memory_space<semaphore_mem>>) src(%dma_wait3A_181 : memref<8x128xf32, #tpu.memory_space<hbm>>) dst(%dma_wait3A_178 : memref<8x128xf32, #tpu.memory_space<vmem>>)
    %dma_wait3A_182 = arith.constant 16 : i32
    %dma_wait3A_183 = arith.constant 0 : i32
    %dma_wait3A_184 = tpu.memref_slice %arg4[%dma_wait3A_182, %dma_wait3A_183] : memref<64x128xf32, #tpu.memory_space<vmem>> -> memref<8x128xf32, #tpu.memory_space<vmem>>
    %dma_wait3A_185 = arith.constant 0 : i32
    %dma_wait3A_186 = arith.constant 0 : i32
    %dma_wait3A_187 = tpu.memref_slice %arg2[%dma_wait3A_185, %dma_wait3A_186] : memref<32x1000000xf32, #tpu.memory_space<hbm>> -> memref<8x128xf32, #tpu.memory_space<hbm>>
    %dma_wait3A_188 = arith.constant 16 : i32
    %dma_wait3A_189 = arith.constant 0 : i32
    %dma_wait3A_190 = tpu.memref_slice %arg4[%dma_wait3A_188, %dma_wait3A_189] : memref<64x128xf32, #tpu.memory_space<vmem>> -> memref<8x128xf32, #tpu.memory_space<vmem>>
    %dma_wait3A_191 = arith.constant 0 : i32
    %dma_wait3A_192 = arith.constant 0 : i32
    %dma_wait3A_193 = tpu.memref_slice %arg2[%dma_wait3A_191, %dma_wait3A_192] : memref<32x1000000xf32, #tpu.memory_space<hbm>> -> memref<8x128xf32, #tpu.memory_space<hbm>>
    tpu.wait_dma2 semaphore(%arg8 : memref<!tpu.dma_semaphore, #tpu.memory_space<semaphore_mem>>) src(%dma_wait3A_193 : memref<8x128xf32, #tpu.memory_space<hbm>>) dst(%dma_wait3A_190 : memref<8x128xf32, #tpu.memory_space<vmem>>)
    %dma_wait3A_194 = arith.constant 24 : i32
    %dma_wait3A_195 = arith.constant 0 : i32
    %dma_wait3A_196 = tpu.memref_slice %arg4[%dma_wait3A_194, %dma_wait3A_195] : memref<64x128xf32, #tpu.memory_space<vmem>> -> memref<8x128xf32, #tpu.memory_space<vmem>>
    %dma_wait3A_197 = arith.constant 0 : i32
    %dma_wait3A_198 = arith.constant 0 : i32
    %dma_wait3A_199 = tpu.memref_slice %arg2[%dma_wait3A_197, %dma_wait3A_198] : memref<32x1000000xf32, #tpu.memory_space<hbm>> -> memref<8x128xf32, #tpu.memory_space<hbm>>
    %dma_wait3A_200 = arith.constant 24 : i32
    %dma_wait3A_201 = arith.constant 0 : i32
    %dma_wait3A_202 = tpu.memref_slice %arg4[%dma_wait3A_200, %dma_wait3A_201] : memref<64x128xf32, #tpu.memory_space<vmem>> -> memref<8x128xf32, #tpu.memory_space<vmem>>
    %dma_wait3A_203 = arith.constant 0 : i32
    %dma_wait3A_204 = arith.constant 0 : i32
    %dma_wait3A_205 = tpu.memref_slice %arg2[%dma_wait3A_203, %dma_wait3A_204] : memref<32x1000000xf32, #tpu.memory_space<hbm>> -> memref<8x128xf32, #tpu.memory_space<hbm>>
    tpu.wait_dma2 semaphore(%arg8 : memref<!tpu.dma_semaphore, #tpu.memory_space<semaphore_mem>>) src(%dma_wait3A_205 : memref<8x128xf32, #tpu.memory_space<hbm>>) dst(%dma_wait3A_202 : memref<8x128xf32, #tpu.memory_space<vmem>>)
    %dma_wait3A_206 = arith.constant 32 : i32
    %dma_wait3A_207 = arith.constant 0 : i32
    %dma_wait3A_208 = tpu.memref_slice %arg4[%dma_wait3A_206, %dma_wait3A_207] : memref<64x128xf32, #tpu.memory_space<vmem>> -> memref<8x128xf32, #tpu.memory_space<vmem>>
    %dma_wait3A_209 = arith.constant 0 : i32
    %dma_wait3A_210 = arith.constant 0 : i32
    %dma_wait3A_211 = tpu.memref_slice %arg2[%dma_wait3A_209, %dma_wait3A_210] : memref<32x1000000xf32, #tpu.memory_space<hbm>> -> memref<8x128xf32, #tpu.memory_space<hbm>>
    %dma_wait3A_212 = arith.constant 32 : i32
    %dma_wait3A_213 = arith.constant 0 : i32
    %dma_wait3A_214 = tpu.memref_slice %arg4[%dma_wait3A_212, %dma_wait3A_213] : memref<64x128xf32, #tpu.memory_space<vmem>> -> memref<8x128xf32, #tpu.memory_space<vmem>>
    %dma_wait3A_215 = arith.constant 0 : i32
    %dma_wait3A_216 = arith.constant 0 : i32
    %dma_wait3A_217 = tpu.memref_slice %arg2[%dma_wait3A_215, %dma_wait3A_216] : memref<32x1000000xf32, #tpu.memory_space<hbm>> -> memref<8x128xf32, #tpu.memory_space<hbm>>
    tpu.wait_dma2 semaphore(%arg8 : memref<!tpu.dma_semaphore, #tpu.memory_space<semaphore_mem>>) src(%dma_wait3A_217 : memref<8x128xf32, #tpu.memory_space<hbm>>) dst(%dma_wait3A_214 : memref<8x128xf32, #tpu.memory_space<vmem>>)
    %dma_wait3A_218 = arith.constant 40 : i32
    %dma_wait3A_219 = arith.constant 0 : i32
    %dma_wait3A_220 = tpu.memref_slice %arg4[%dma_wait3A_218, %dma_wait3A_219] : memref<64x128xf32, #tpu.memory_space<vmem>> -> memref<8x128xf32, #tpu.memory_space<vmem>>
    %dma_wait3A_221 = arith.constant 0 : i32
    %dma_wait3A_222 = arith.constant 0 : i32
    %dma_wait3A_223 = tpu.memref_slice %arg2[%dma_wait3A_221, %dma_wait3A_222] : memref<32x1000000xf32, #tpu.memory_space<hbm>> -> memref<8x128xf32, #tpu.memory_space<hbm>>
    %dma_wait3A_224 = arith.constant 40 : i32
    %dma_wait3A_225 = arith.constant 0 : i32
    %dma_wait3A_226 = tpu.memref_slice %arg4[%dma_wait3A_224, %dma_wait3A_225] : memref<64x128xf32, #tpu.memory_space<vmem>> -> memref<8x128xf32, #tpu.memory_space<vmem>>
    %dma_wait3A_227 = arith.constant 0 : i32
    %dma_wait3A_228 = arith.constant 0 : i32
    %dma_wait3A_229 = tpu.memref_slice %arg2[%dma_wait3A_227, %dma_wait3A_228] : memref<32x1000000xf32, #tpu.memory_space<hbm>> -> memref<8x128xf32, #tpu.memory_space<hbm>>
    tpu.wait_dma2 semaphore(%arg8 : memref<!tpu.dma_semaphore, #tpu.memory_space<semaphore_mem>>) src(%dma_wait3A_229 : memref<8x128xf32, #tpu.memory_space<hbm>>) dst(%dma_wait3A_226 : memref<8x128xf32, #tpu.memory_space<vmem>>)
    %dma_wait3A_230 = arith.constant 48 : i32
    %dma_wait3A_231 = arith.constant 0 : i32
    %dma_wait3A_232 = tpu.memref_slice %arg4[%dma_wait3A_230, %dma_wait3A_231] : memref<64x128xf32, #tpu.memory_space<vmem>> -> memref<8x128xf32, #tpu.memory_space<vmem>>
    %dma_wait3A_233 = arith.constant 0 : i32
    %dma_wait3A_234 = arith.constant 0 : i32
    %dma_wait3A_235 = tpu.memref_slice %arg2[%dma_wait3A_233, %dma_wait3A_234] : memref<32x1000000xf32, #tpu.memory_space<hbm>> -> memref<8x128xf32, #tpu.memory_space<hbm>>
    %dma_wait3A_236 = arith.constant 48 : i32
    %dma_wait3A_237 = arith.constant 0 : i32
    %dma_wait3A_238 = tpu.memref_slice %arg4[%dma_wait3A_236, %dma_wait3A_237] : memref<64x128xf32, #tpu.memory_space<vmem>> -> memref<8x128xf32, #tpu.memory_space<vmem>>
    %dma_wait3A_239 = arith.constant 0 : i32
    %dma_wait3A_240 = arith.constant 0 : i32
    %dma_wait3A_241 = tpu.memref_slice %arg2[%dma_wait3A_239, %dma_wait3A_240] : memref<32x1000000xf32, #tpu.memory_space<hbm>> -> memref<8x128xf32, #tpu.memory_space<hbm>>
    tpu.wait_dma2 semaphore(%arg8 : memref<!tpu.dma_semaphore, #tpu.memory_space<semaphore_mem>>) src(%dma_wait3A_241 : memref<8x128xf32, #tpu.memory_space<hbm>>) dst(%dma_wait3A_238 : memref<8x128xf32, #tpu.memory_space<vmem>>)
    %dma_wait3A_242 = arith.constant 56 : i32
    %dma_wait3A_243 = arith.constant 0 : i32
    %dma_wait3A_244 = tpu.memref_slice %arg4[%dma_wait3A_242, %dma_wait3A_243] : memref<64x128xf32, #tpu.memory_space<vmem>> -> memref<8x128xf32, #tpu.memory_space<vmem>>
    %dma_wait3A_245 = arith.constant 0 : i32
    %dma_wait3A_246 = arith.constant 0 : i32
    %dma_wait3A_247 = tpu.memref_slice %arg2[%dma_wait3A_245, %dma_wait3A_246] : memref<32x1000000xf32, #tpu.memory_space<hbm>> -> memref<8x128xf32, #tpu.memory_space<hbm>>
    %dma_wait3A_248 = arith.constant 56 : i32
    %dma_wait3A_249 = arith.constant 0 : i32
    %dma_wait3A_250 = tpu.memref_slice %arg4[%dma_wait3A_248, %dma_wait3A_249] : memref<64x128xf32, #tpu.memory_space<vmem>> -> memref<8x128xf32, #tpu.memory_space<vmem>>
    %dma_wait3A_251 = arith.constant 0 : i32
    %dma_wait3A_252 = arith.constant 0 : i32
    %dma_wait3A_253 = tpu.memref_slice %arg2[%dma_wait3A_251, %dma_wait3A_252] : memref<32x1000000xf32, #tpu.memory_space<hbm>> -> memref<8x128xf32, #tpu.memory_space<hbm>>
    tpu.wait_dma2 semaphore(%arg8 : memref<!tpu.dma_semaphore, #tpu.memory_space<semaphore_mem>>) src(%dma_wait3A_253 : memref<8x128xf32, #tpu.memory_space<hbm>>) dst(%dma_wait3A_250 : memref<8x128xf32, #tpu.memory_space<vmem>>)
    %dma_wait3A_254 = arith.constant 0 : i32
    %dma_wait3A_255 = arith.constant 0 : i32
    %dma_wait3A_256 = tpu.memref_slice %arg3[%dma_wait3A_254, %dma_wait3A_255] : memref<250048x128xf32, #tpu.memory_space<hbm>> -> memref<64x128xf32, #tpu.memory_space<hbm>>
    %dma_wait3A_257 = arith.constant 0 : i32
    %dma_wait3A_258 = arith.constant 0 : i32
    %dma_wait3A_259 = tpu.memref_slice %arg3[%dma_wait3A_257, %dma_wait3A_258] : memref<250048x128xf32, #tpu.memory_space<hbm>> -> memref<64x128xf32, #tpu.memory_space<hbm>>
    tpu.wait_dma2 semaphore(%arg10 : memref<!tpu.dma_semaphore, #tpu.memory_space<semaphore_mem>>) src(%arg6 : memref<64x128xf32, #tpu.memory_space<vmem>>) dst(%dma_wait3A_259 : memref<64x128xf32, #tpu.memory_space<hbm>>)
    %parallel_loop3A = arith.constant 0 : i32
    %parallel_loop3A_260 = arith.constant 64 : i32
    %parallel_loop3A_261 = arith.constant 1 : i32
    scf.for %parallel_loop3A_293 = %parallel_loop3A to %parallel_loop3A_260 step %parallel_loop3A_261  : i32 {
      %parallel_loop3A_294 = arith.constant 5 : i32
      %parallel_loop3A_295 = arith.shrsi %parallel_loop3A_293, %parallel_loop3A_294 : i32
      %parallel_loop3A_296 = arith.constant 31 : i32
      %parallel_loop3A_297 = arith.andi %parallel_loop3A_293, %parallel_loop3A_296 : i32
      %parallel_loop3A_298 = vector.broadcast %parallel_loop3A_297 : i32 to vector<16xi32>
      %parallel_loop3A_299 = arith.addi %shift_left3A_6, %parallel_loop3A_298 : vector<16xi32>
      %parallel_loop3A_300 = arith.constant 32 : i32
      %parallel_loop3A_301 = arith.muli %parallel_loop3A_295, %parallel_loop3A_300 : i32
      %parallel_loop3A_302 = arith.index_cast %parallel_loop3A_293 : i32 to index
      %parallel_loop3A_303 = arith.constant 0 : index
      %parallel_loop3A_304 = tpu.vector_load %arg4[%parallel_loop3A_302, %parallel_loop3A_303] {strides = array<i32>} : memref<64x128xf32, #tpu.memory_space<vmem>>, vector<16xf32>,
      %parallel_loop3A_305 = vector.broadcast %parallel_loop3A_301 : i32 to vector<16xi32>
      %parallel_loop3A_306 = arith.addi %add3A_9, %parallel_loop3A_305 : vector<16xi32>
      tpu.vector_store_idx %arg6[%parallel_loop3A_306, %parallel_loop3A_299], %parallel_loop3A_304 : memref<64x128xf32, #tpu.memory_space<vmem>>[vector<16xi32>, vector<16xi32>], vector<16xf32>,
      %parallel_loop3A_307 = arith.index_cast %parallel_loop3A_293 : i32 to index
      %parallel_loop3A_308 = arith.constant 16 : index
      %parallel_loop3A_309 = tpu.vector_load %arg4[%parallel_loop3A_307, %parallel_loop3A_308] {strides = array<i32>} : memref<64x128xf32, #tpu.memory_space<vmem>>, vector<16xf32>,
      %parallel_loop3A_310 = vector.broadcast %parallel_loop3A_301 : i32 to vector<16xi32>
      %parallel_loop3A_311 = arith.addi %add3A_12, %parallel_loop3A_310 : vector<16xi32>
      tpu.vector_store_idx %arg6[%parallel_loop3A_311, %parallel_loop3A_299], %parallel_loop3A_309 : memref<64x128xf32, #tpu.memory_space<vmem>>[vector<16xi32>, vector<16xi32>], vector<16xf32>,
      %parallel_loop3A_312 = arith.index_cast %parallel_loop3A_293 : i32 to index
      %parallel_loop3A_313 = arith.constant 32 : index
      %parallel_loop3A_314 = tpu.vector_load %arg4[%parallel_loop3A_312, %parallel_loop3A_313] {strides = array<i32>} : memref<64x128xf32, #tpu.memory_space<vmem>>, vector<16xf32>,
      %parallel_loop3A_315 = vector.broadcast %parallel_loop3A_301 : i32 to vector<16xi32>
      %parallel_loop3A_316 = arith.addi %add3A_15, %parallel_loop3A_315 : vector<16xi32>
      tpu.vector_store_idx %arg6[%parallel_loop3A_316, %parallel_loop3A_299], %parallel_loop3A_314 : memref<64x128xf32, #tpu.memory_space<vmem>>[vector<16xi32>, vector<16xi32>], vector<16xf32>,
      %parallel_loop3A_317 = arith.index_cast %parallel_loop3A_293 : i32 to index
      %parallel_loop3A_318 = arith.constant 48 : index
      %parallel_loop3A_319 = tpu.vector_load %arg4[%parallel_loop3A_317, %parallel_loop3A_318] {strides = array<i32>} : memref<64x128xf32, #tpu.memory_space<vmem>>, vector<16xf32>,
      %parallel_loop3A_320 = vector.broadcast %parallel_loop3A_301 : i32 to vector<16xi32>
      %parallel_loop3A_321 = arith.addi %add3A_18, %parallel_loop3A_320 : vector<16xi32>
      tpu.vector_store_idx %arg6[%parallel_loop3A_321, %parallel_loop3A_299], %parallel_loop3A_319 : memref<64x128xf32, #tpu.memory_space<vmem>>[vector<16xi32>, vector<16xi32>], vector<16xf32>,
      %parallel_loop3A_322 = arith.index_cast %parallel_loop3A_293 : i32 to index
      %parallel_loop3A_323 = arith.constant 64 : index
      %parallel_loop3A_324 = tpu.vector_load %arg4[%parallel_loop3A_322, %parallel_loop3A_323] {strides = array<i32>} : memref<64x128xf32, #tpu.memory_space<vmem>>, vector<16xf32>,
      %parallel_loop3A_325 = vector.broadcast %parallel_loop3A_301 : i32 to vector<16xi32>
      %parallel_loop3A_326 = arith.addi %add3A_21, %parallel_loop3A_325 : vector<16xi32>
      tpu.vector_store_idx %arg6[%parallel_loop3A_326, %parallel_loop3A_299], %parallel_loop3A_324 : memref<64x128xf32, #tpu.memory_space<vmem>>[vector<16xi32>, vector<16xi32>], vector<16xf32>,
      %parallel_loop3A_327 = arith.index_cast %parallel_loop3A_293 : i32 to index
      %parallel_loop3A_328 = arith.constant 80 : index
      %parallel_loop3A_329 = tpu.vector_load %arg4[%parallel_loop3A_327, %parallel_loop3A_328] {strides = array<i32>} : memref<64x128xf32, #tpu.memory_space<vmem>>, vector<16xf32>,
      %parallel_loop3A_330 = vector.broadcast %parallel_loop3A_301 : i32 to vector<16xi32>
      %parallel_loop3A_331 = arith.addi %add3A_24, %parallel_loop3A_330 : vector<16xi32>
      tpu.vector_store_idx %arg6[%parallel_loop3A_331, %parallel_loop3A_299], %parallel_loop3A_329 : memref<64x128xf32, #tpu.memory_space<vmem>>[vector<16xi32>, vector<16xi32>], vector<16xf32>,
      %parallel_loop3A_332 = arith.index_cast %parallel_loop3A_293 : i32 to index
      %parallel_loop3A_333 = arith.constant 96 : index
      %parallel_loop3A_334 = tpu.vector_load %arg4[%parallel_loop3A_332, %parallel_loop3A_333] {strides = array<i32>} : memref<64x128xf32, #tpu.memory_space<vmem>>, vector<16xf32>,
      %parallel_loop3A_335 = vector.broadcast %parallel_loop3A_301 : i32 to vector<16xi32>
      %parallel_loop3A_336 = arith.addi %add3A_27, %parallel_loop3A_335 : vector<16xi32>
      tpu.vector_store_idx %arg6[%parallel_loop3A_336, %parallel_loop3A_299], %parallel_loop3A_334 : memref<64x128xf32, #tpu.memory_space<vmem>>[vector<16xi32>, vector<16xi32>], vector<16xf32>,
      %parallel_loop3A_337 = arith.index_cast %parallel_loop3A_293 : i32 to index
      %parallel_loop3A_338 = arith.constant 112 : index
      %parallel_loop3A_339 = tpu.vector_load %arg4[%parallel_loop3A_337, %parallel_loop3A_338] {strides = array<i32>} : memref<64x128xf32, #tpu.memory_space<vmem>>, vector<16xf32>,
      %parallel_loop3A_340 = vector.broadcast %parallel_loop3A_301 : i32 to vector<16xi32>
      %parallel_loop3A_341 = arith.addi %add3A_30, %parallel_loop3A_340 : vector<16xi32>
      tpu.vector_store_idx %arg6[%parallel_loop3A_341, %parallel_loop3A_299], %parallel_loop3A_339 : memref<64x128xf32, #tpu.memory_space<vmem>>[vector<16xi32>, vector<16xi32>], vector<16xf32>,
    } {sc.loop_unroll_factor = 8 : i64, sc.parallel_access}
    %add3A_262 = arith.constant 3904 : i32
    %add3A_263 = arith.addi %add3A, %add3A_262 : i32
    %lt3A_264 = arith.constant 3906 : i32
    %lt3A_265 = arith.cmpi slt, %add3A_263, %lt3A_264 : i32
    %jit3A_266 = arith.constant 0 : i32
    %select_n3A_267 = arith.select %lt3A_265, %add3A_263, %jit3A_266 : i32
    %lt3A_268 = arith.constant 3906 : i32
    %lt3A_269 = arith.cmpi slt, %add3A_263, %lt3A_268 : i32
    %mul3A_270 = arith.constant 64 : i32
    %mul3A_271 = arith.muli %select_n3A_267, %mul3A_270 : i32
    %jit3A_272 = arith.constant 250016 : i32
    %select_n3A_273 = arith.select %lt3A_269, %mul3A_271, %jit3A_272 : i32
    %multiple_of3A_274 = tpu.assume_multiple %select_n3A_273, 8 : i32
    %dma_start3A_275 = arith.constant 0 : i32
    %dma_start3A_276 = tpu.memref_slice %arg3[%multiple_of3A_274, %dma_start3A_275] : memref<250048x128xf32, #tpu.memory_space<hbm>> -> memref<64x128xf32, #tpu.memory_space<hbm>>
    %dma_start3A_277 = arith.constant 0 : i32
    %dma_start3A_278 = tpu.memref_slice %arg3[%multiple_of3A_274, %dma_start3A_277] : memref<250048x128xf32, #tpu.memory_space<hbm>> -> memref<64x128xf32, #tpu.memory_space<hbm>>
    tpu.enqueue_dma source(%arg6 : memref<64x128xf32, #tpu.memory_space<vmem>>) target(%dma_start3A_278 : memref<64x128xf32, #tpu.memory_space<hbm>>) target_semaphore(%arg10 : memref<!tpu.dma_semaphore, #tpu.memory_space<semaphore_mem>>)
    %dma_wait3A_279 = arith.constant 0 : i32
    %dma_wait3A_280 = arith.constant 0 : i32
    %dma_wait3A_281 = tpu.memref_slice %arg3[%dma_wait3A_279, %dma_wait3A_280] : memref<250048x128xf32, #tpu.memory_space<hbm>> -> memref<64x128xf32, #tpu.memory_space<hbm>>
    %dma_wait3A_282 = arith.constant 0 : i32
    %dma_wait3A_283 = arith.constant 0 : i32
    %dma_wait3A_284 = tpu.memref_slice %arg3[%dma_wait3A_282, %dma_wait3A_283] : memref<250048x128xf32, #tpu.memory_space<hbm>> -> memref<64x128xf32, #tpu.memory_space<hbm>>
    tpu.wait_dma2 semaphore(%arg11 : memref<!tpu.dma_semaphore, #tpu.memory_space<semaphore_mem>>) src(%arg7 : memref<64x128xf32, #tpu.memory_space<vmem>>) dst(%dma_wait3A_284 : memref<64x128xf32, #tpu.memory_space<hbm>>)
    %dma_wait3A_285 = arith.constant 0 : i32
    %dma_wait3A_286 = arith.constant 0 : i32
    %dma_wait3A_287 = tpu.memref_slice %arg3[%dma_wait3A_285, %dma_wait3A_286] : memref<250048x128xf32, #tpu.memory_space<hbm>> -> memref<64x128xf32, #tpu.memory_space<hbm>>
    %dma_wait3A_288 = arith.constant 0 : i32
    %dma_wait3A_289 = arith.constant 0 : i32
    %dma_wait3A_290 = tpu.memref_slice %arg3[%dma_wait3A_288, %dma_wait3A_289] : memref<250048x128xf32, #tpu.memory_space<hbm>> -> memref<64x128xf32, #tpu.memory_space<hbm>>
    tpu.wait_dma2 semaphore(%arg10 : memref<!tpu.dma_semaphore, #tpu.memory_space<semaphore_mem>>) src(%arg6 : memref<64x128xf32, #tpu.memory_space<vmem>>) dst(%dma_wait3A_290 : memref<64x128xf32, #tpu.memory_space<hbm>>)
    %eq3A = arith.constant 0 : i32
    %eq3A_291 = arith.cmpi eq, %add3A, %eq3A : i32
    %convert_element_type3A = arith.extui %eq3A_291 : i1 to i32
    %cond3A = arith.constant 0 : i32
    %cond3A_292 = arith.cmpi ne, %convert_element_type3A, %cond3A : i32
    scf.if %cond3A_292 {
      %multiple_of3A_293 = arith.constant 999936 : i32
      %multiple_of3A_294 = tpu.assume_multiple %multiple_of3A_293, 128 : i32
      %dma_start3A_295 = arith.constant 0 : i32
      %dma_start3A_296 = arith.constant 0 : i32
      %dma_start3A_297 = tpu.memref_slice %arg4[%dma_start3A_295, %dma_start3A_296] : memref<64x128xf32, #tpu.memory_space<vmem>> -> memref<8x128xf32, #tpu.memory_space<vmem>>
      %dma_start3A_298 = arith.constant 0 : i32
      %dma_start3A_299 = tpu.memref_slice %arg2[%dma_start3A_298, %multiple_of3A_294] : memref<32x1000000xf32, #tpu.memory_space<hbm>> -> memref<8x128xf32, #tpu.memory_space<hbm>>
      %dma_start3A_300 = arith.constant 0 : i32
      %dma_start3A_301 = arith.constant 0 : i32
      %dma_start3A_302 = tpu.memref_slice %arg4[%dma_start3A_300, %dma_start3A_301] : memref<64x128xf32, #tpu.memory_space<vmem>> -> memref<8x128xf32, #tpu.memory_space<vmem>>
      %dma_start3A_303 = arith.constant 0 : i32
      %dma_start3A_304 = tpu.memref_slice %arg2[%dma_start3A_303, %multiple_of3A_294] : memref<32x1000000xf32, #tpu.memory_space<hbm>> -> memref<8x128xf32, #tpu.memory_space<hbm>>
      tpu.enqueue_dma source(%dma_start3A_304 : memref<8x128xf32, #tpu.memory_space<hbm>>) target(%dma_start3A_302 : memref<8x128xf32, #tpu.memory_space<vmem>>) target_semaphore(%arg8 : memref<!tpu.dma_semaphore, #tpu.memory_space<semaphore_mem>>)
      %multiple_of3A_305 = arith.constant 999936 : i32
      %multiple_of3A_306 = tpu.assume_multiple %multiple_of3A_305, 128 : i32
      %dma_start3A_307 = arith.constant 8 : i32
      %dma_start3A_308 = arith.constant 0 : i32
      %dma_start3A_309 = tpu.memref_slice %arg4[%dma_start3A_307, %dma_start3A_308] : memref<64x128xf32, #tpu.memory_space<vmem>> -> memref<8x128xf32, #tpu.memory_space<vmem>>
      %dma_start3A_310 = arith.constant 8 : i32
      %dma_start3A_311 = tpu.memref_slice %arg2[%dma_start3A_310, %multiple_of3A_306] : memref<32x1000000xf32, #tpu.memory_space<hbm>> -> memref<8x128xf32, #tpu.memory_space<hbm>>
      %dma_start3A_312 = arith.constant 8 : i32
      %dma_start3A_313 = arith.constant 0 : i32
      %dma_start3A_314 = tpu.memref_slice %arg4[%dma_start3A_312, %dma_start3A_313] : memref<64x128xf32, #tpu.memory_space<vmem>> -> memref<8x128xf32, #tpu.memory_space<vmem>>
      %dma_start3A_315 = arith.constant 8 : i32
      %dma_start3A_316 = tpu.memref_slice %arg2[%dma_start3A_315, %multiple_of3A_306] : memref<32x1000000xf32, #tpu.memory_space<hbm>> -> memref<8x128xf32, #tpu.memory_space<hbm>>
      tpu.enqueue_dma source(%dma_start3A_316 : memref<8x128xf32, #tpu.memory_space<hbm>>) target(%dma_start3A_314 : memref<8x128xf32, #tpu.memory_space<vmem>>) target_semaphore(%arg8 : memref<!tpu.dma_semaphore, #tpu.memory_space<semaphore_mem>>)
      %multiple_of3A_317 = arith.constant 999936 : i32
      %multiple_of3A_318 = tpu.assume_multiple %multiple_of3A_317, 128 : i32
      %dma_start3A_319 = arith.constant 16 : i32
      %dma_start3A_320 = arith.constant 0 : i32
      %dma_start3A_321 = tpu.memref_slice %arg4[%dma_start3A_319, %dma_start3A_320] : memref<64x128xf32, #tpu.memory_space<vmem>> -> memref<8x128xf32, #tpu.memory_space<vmem>>
      %dma_start3A_322 = arith.constant 16 : i32
      %dma_start3A_323 = tpu.memref_slice %arg2[%dma_start3A_322, %multiple_of3A_318] : memref<32x1000000xf32, #tpu.memory_space<hbm>> -> memref<8x128xf32, #tpu.memory_space<hbm>>
      %dma_start3A_324 = arith.constant 16 : i32
      %dma_start3A_325 = arith.constant 0 : i32
      %dma_start3A_326 = tpu.memref_slice %arg4[%dma_start3A_324, %dma_start3A_325] : memref<64x128xf32, #tpu.memory_space<vmem>> -> memref<8x128xf32, #tpu.memory_space<vmem>>
      %dma_start3A_327 = arith.constant 16 : i32
      %dma_start3A_328 = tpu.memref_slice %arg2[%dma_start3A_327, %multiple_of3A_318] : memref<32x1000000xf32, #tpu.memory_space<hbm>> -> memref<8x128xf32, #tpu.memory_space<hbm>>
      tpu.enqueue_dma source(%dma_start3A_328 : memref<8x128xf32, #tpu.memory_space<hbm>>) target(%dma_start3A_326 : memref<8x128xf32, #tpu.memory_space<vmem>>) target_semaphore(%arg8 : memref<!tpu.dma_semaphore, #tpu.memory_space<semaphore_mem>>)
      %multiple_of3A_329 = arith.constant 999936 : i32
      %multiple_of3A_330 = tpu.assume_multiple %multiple_of3A_329, 128 : i32
      %dma_start3A_331 = arith.constant 24 : i32
      %dma_start3A_332 = arith.constant 0 : i32
      %dma_start3A_333 = tpu.memref_slice %arg4[%dma_start3A_331, %dma_start3A_332] : memref<64x128xf32, #tpu.memory_space<vmem>> -> memref<8x128xf32, #tpu.memory_space<vmem>>
      %dma_start3A_334 = arith.constant 24 : i32
      %dma_start3A_335 = tpu.memref_slice %arg2[%dma_start3A_334, %multiple_of3A_330] : memref<32x1000000xf32, #tpu.memory_space<hbm>> -> memref<8x128xf32, #tpu.memory_space<hbm>>
      %dma_start3A_336 = arith.constant 24 : i32
      %dma_start3A_337 = arith.constant 0 : i32
      %dma_start3A_338 = tpu.memref_slice %arg4[%dma_start3A_336, %dma_start3A_337] : memref<64x128xf32, #tpu.memory_space<vmem>> -> memref<8x128xf32, #tpu.memory_space<vmem>>
      %dma_start3A_339 = arith.constant 24 : i32
      %dma_start3A_340 = tpu.memref_slice %arg2[%dma_start3A_339, %multiple_of3A_330] : memref<32x1000000xf32, #tpu.memory_space<hbm>> -> memref<8x128xf32, #tpu.memory_space<hbm>>
      tpu.enqueue_dma source(%dma_start3A_340 : memref<8x128xf32, #tpu.memory_space<hbm>>) target(%dma_start3A_338 : memref<8x128xf32, #tpu.memory_space<vmem>>) target_semaphore(%arg8 : memref<!tpu.dma_semaphore, #tpu.memory_space<semaphore_mem>>)
      %dma_wait3A_341 = arith.constant 0 : i32
      %dma_wait3A_342 = arith.constant 0 : i32
      %dma_wait3A_343 = tpu.memref_slice %arg4[%dma_wait3A_341, %dma_wait3A_342] : memref<64x128xf32, #tpu.memory_space<vmem>> -> memref<8x128xf32, #tpu.memory_space<vmem>>
      %dma_wait3A_344 = arith.constant 0 : i32
      %dma_wait3A_345 = arith.constant 0 : i32
      %dma_wait3A_346 = tpu.memref_slice %arg2[%dma_wait3A_344, %dma_wait3A_345] : memref<32x1000000xf32, #tpu.memory_space<hbm>> -> memref<8x128xf32, #tpu.memory_space<hbm>>
      %dma_wait3A_347 = arith.constant 0 : i32
      %dma_wait3A_348 = arith.constant 0 : i32
      %dma_wait3A_349 = tpu.memref_slice %arg4[%dma_wait3A_347, %dma_wait3A_348] : memref<64x128xf32, #tpu.memory_space<vmem>> -> memref<8x128xf32, #tpu.memory_space<vmem>>
      %dma_wait3A_350 = arith.constant 0 : i32
      %dma_wait3A_351 = arith.constant 0 : i32
      %dma_wait3A_352 = tpu.memref_slice %arg2[%dma_wait3A_350, %dma_wait3A_351] : memref<32x1000000xf32, #tpu.memory_space<hbm>> -> memref<8x128xf32, #tpu.memory_space<hbm>>
      tpu.wait_dma2 semaphore(%arg8 : memref<!tpu.dma_semaphore, #tpu.memory_space<semaphore_mem>>) src(%dma_wait3A_352 : memref<8x128xf32, #tpu.memory_space<hbm>>) dst(%dma_wait3A_349 : memref<8x128xf32, #tpu.memory_space<vmem>>)
      %dma_wait3A_353 = arith.constant 8 : i32
      %dma_wait3A_354 = arith.constant 0 : i32
      %dma_wait3A_355 = tpu.memref_slice %arg4[%dma_wait3A_353, %dma_wait3A_354] : memref<64x128xf32, #tpu.memory_space<vmem>> -> memref<8x128xf32, #tpu.memory_space<vmem>>
      %dma_wait3A_356 = arith.constant 8 : i32
      %dma_wait3A_357 = arith.constant 0 : i32
      %dma_wait3A_358 = tpu.memref_slice %arg2[%dma_wait3A_356, %dma_wait3A_357] : memref<32x1000000xf32, #tpu.memory_space<hbm>> -> memref<8x128xf32, #tpu.memory_space<hbm>>
      %dma_wait3A_359 = arith.constant 8 : i32
      %dma_wait3A_360 = arith.constant 0 : i32
      %dma_wait3A_361 = tpu.memref_slice %arg4[%dma_wait3A_359, %dma_wait3A_360] : memref<64x128xf32, #tpu.memory_space<vmem>> -> memref<8x128xf32, #tpu.memory_space<vmem>>
      %dma_wait3A_362 = arith.constant 8 : i32
      %dma_wait3A_363 = arith.constant 0 : i32
      %dma_wait3A_364 = tpu.memref_slice %arg2[%dma_wait3A_362, %dma_wait3A_363] : memref<32x1000000xf32, #tpu.memory_space<hbm>> -> memref<8x128xf32, #tpu.memory_space<hbm>>
      tpu.wait_dma2 semaphore(%arg8 : memref<!tpu.dma_semaphore, #tpu.memory_space<semaphore_mem>>) src(%dma_wait3A_364 : memref<8x128xf32, #tpu.memory_space<hbm>>) dst(%dma_wait3A_361 : memref<8x128xf32, #tpu.memory_space<vmem>>)
      %dma_wait3A_365 = arith.constant 16 : i32
      %dma_wait3A_366 = arith.constant 0 : i32
      %dma_wait3A_367 = tpu.memref_slice %arg4[%dma_wait3A_365, %dma_wait3A_366] : memref<64x128xf32, #tpu.memory_space<vmem>> -> memref<8x128xf32, #tpu.memory_space<vmem>>
      %dma_wait3A_368 = arith.constant 16 : i32
      %dma_wait3A_369 = arith.constant 0 : i32
      %dma_wait3A_370 = tpu.memref_slice %arg2[%dma_wait3A_368, %dma_wait3A_369] : memref<32x1000000xf32, #tpu.memory_space<hbm>> -> memref<8x128xf32, #tpu.memory_space<hbm>>
      %dma_wait3A_371 = arith.constant 16 : i32
      %dma_wait3A_372 = arith.constant 0 : i32
      %dma_wait3A_373 = tpu.memref_slice %arg4[%dma_wait3A_371, %dma_wait3A_372] : memref<64x128xf32, #tpu.memory_space<vmem>> -> memref<8x128xf32, #tpu.memory_space<vmem>>
      %dma_wait3A_374 = arith.constant 16 : i32
      %dma_wait3A_375 = arith.constant 0 : i32
      %dma_wait3A_376 = tpu.memref_slice %arg2[%dma_wait3A_374, %dma_wait3A_375] : memref<32x1000000xf32, #tpu.memory_space<hbm>> -> memref<8x128xf32, #tpu.memory_space<hbm>>
      tpu.wait_dma2 semaphore(%arg8 : memref<!tpu.dma_semaphore, #tpu.memory_space<semaphore_mem>>) src(%dma_wait3A_376 : memref<8x128xf32, #tpu.memory_space<hbm>>) dst(%dma_wait3A_373 : memref<8x128xf32, #tpu.memory_space<vmem>>)
      %dma_wait3A_377 = arith.constant 24 : i32
      %dma_wait3A_378 = arith.constant 0 : i32
      %dma_wait3A_379 = tpu.memref_slice %arg4[%dma_wait3A_377, %dma_wait3A_378] : memref<64x128xf32, #tpu.memory_space<vmem>> -> memref<8x128xf32, #tpu.memory_space<vmem>>
      %dma_wait3A_380 = arith.constant 24 : i32
      %dma_wait3A_381 = arith.constant 0 : i32
      %dma_wait3A_382 = tpu.memref_slice %arg2[%dma_wait3A_380, %dma_wait3A_381] : memref<32x1000000xf32, #tpu.memory_space<hbm>> -> memref<8x128xf32, #tpu.memory_space<hbm>>
      %dma_wait3A_383 = arith.constant 24 : i32
      %dma_wait3A_384 = arith.constant 0 : i32
      %dma_wait3A_385 = tpu.memref_slice %arg4[%dma_wait3A_383, %dma_wait3A_384] : memref<64x128xf32, #tpu.memory_space<vmem>> -> memref<8x128xf32, #tpu.memory_space<vmem>>
      %dma_wait3A_386 = arith.constant 24 : i32
      %dma_wait3A_387 = arith.constant 0 : i32
      %dma_wait3A_388 = tpu.memref_slice %arg2[%dma_wait3A_386, %dma_wait3A_387] : memref<32x1000000xf32, #tpu.memory_space<hbm>> -> memref<8x128xf32, #tpu.memory_space<hbm>>
      tpu.wait_dma2 semaphore(%arg8 : memref<!tpu.dma_semaphore, #tpu.memory_space<semaphore_mem>>) src(%dma_wait3A_388 : memref<8x128xf32, #tpu.memory_space<hbm>>) dst(%dma_wait3A_385 : memref<8x128xf32, #tpu.memory_space<vmem>>)
      %add3A_389 = arith.constant 0 : i32
      %add3A_390 = vector.broadcast %add3A_389 : i32 to vector<16xi32>
      %add3A_391 = arith.addi %shift_left3A_6, %add3A_390 : vector<16xi32>
      %get3A = arith.constant 0 : i32
      %get3A_392 = arith.index_cast %get3A : i32 to index
      %get3A_393 = arith.constant 0 : index
      %get3A_394 = tpu.vector_load %arg4[%get3A_392, %get3A_393] {strides = array<i32>} : memref<64x128xf32, #tpu.memory_space<vmem>>, vector<16xf32>,
      tpu.vector_store_idx %arg6[%add3A_9, %add3A_391], %get3A_394 : memref<64x128xf32, #tpu.memory_space<vmem>>[vector<16xi32>, vector<16xi32>], vector<16xf32>,
      %get3A_395 = arith.constant 0 : i32
      %get3A_396 = arith.index_cast %get3A_395 : i32 to index
      %get3A_397 = arith.constant 16 : index
      %get3A_398 = tpu.vector_load %arg4[%get3A_396, %get3A_397] {strides = array<i32>} : memref<64x128xf32, #tpu.memory_space<vmem>>, vector<16xf32>,
      tpu.vector_store_idx %arg6[%add3A_12, %add3A_391], %get3A_398 : memref<64x128xf32, #tpu.memory_space<vmem>>[vector<16xi32>, vector<16xi32>], vector<16xf32>,
      %get3A_399 = arith.constant 0 : i32
      %get3A_400 = arith.index_cast %get3A_399 : i32 to index
      %get3A_401 = arith.constant 32 : index
      %get3A_402 = tpu.vector_load %arg4[%get3A_400, %get3A_401] {strides = array<i32>} : memref<64x128xf32, #tpu.memory_space<vmem>>, vector<16xf32>,
      tpu.vector_store_idx %arg6[%add3A_15, %add3A_391], %get3A_402 : memref<64x128xf32, #tpu.memory_space<vmem>>[vector<16xi32>, vector<16xi32>], vector<16xf32>,
      %get3A_403 = arith.constant 0 : i32
      %get3A_404 = arith.index_cast %get3A_403 : i32 to index
      %get3A_405 = arith.constant 48 : index
      %get3A_406 = tpu.vector_load %arg4[%get3A_404, %get3A_405] {strides = array<i32>} : memref<64x128xf32, #tpu.memory_space<vmem>>, vector<16xf32>,
      tpu.vector_store_idx %arg6[%add3A_18, %add3A_391], %get3A_406 : memref<64x128xf32, #tpu.memory_space<vmem>>[vector<16xi32>, vector<16xi32>], vector<16xf32>,
      %add3A_407 = arith.constant 1 : i32
      %add3A_408 = vector.broadcast %add3A_407 : i32 to vector<16xi32>
      %add3A_409 = arith.addi %shift_left3A_6, %add3A_408 : vector<16xi32>
      %get3A_410 = arith.constant 1 : i32
      %get3A_411 = arith.index_cast %get3A_410 : i32 to index
      %get3A_412 = arith.constant 0 : index
      %get3A_413 = tpu.vector_load %arg4[%get3A_411, %get3A_412] {strides = array<i32>} : memref<64x128xf32, #tpu.memory_space<vmem>>, vector<16xf32>,
      tpu.vector_store_idx %arg6[%add3A_9, %add3A_409], %get3A_413 : memref<64x128xf32, #tpu.memory_space<vmem>>[vector<16xi32>, vector<16xi32>], vector<16xf32>,
      %get3A_414 = arith.constant 1 : i32
      %get3A_415 = arith.index_cast %get3A_414 : i32 to index
      %get3A_416 = arith.constant 16 : index
      %get3A_417 = tpu.vector_load %arg4[%get3A_415, %get3A_416] {strides = array<i32>} : memref<64x128xf32, #tpu.memory_space<vmem>>, vector<16xf32>,
      tpu.vector_store_idx %arg6[%add3A_12, %add3A_409], %get3A_417 : memref<64x128xf32, #tpu.memory_space<vmem>>[vector<16xi32>, vector<16xi32>], vector<16xf32>,
      %get3A_418 = arith.constant 1 : i32
      %get3A_419 = arith.index_cast %get3A_418 : i32 to index
      %get3A_420 = arith.constant 32 : index
      %get3A_421 = tpu.vector_load %arg4[%get3A_419, %get3A_420] {strides = array<i32>} : memref<64x128xf32, #tpu.memory_space<vmem>>, vector<16xf32>,
      tpu.vector_store_idx %arg6[%add3A_15, %add3A_409], %get3A_421 : memref<64x128xf32, #tpu.memory_space<vmem>>[vector<16xi32>, vector<16xi32>], vector<16xf32>,
      %get3A_422 = arith.constant 1 : i32
      %get3A_423 = arith.index_cast %get3A_422 : i32 to index
      %get3A_424 = arith.constant 48 : index
      %get3A_425 = tpu.vector_load %arg4[%get3A_423, %get3A_424] {strides = array<i32>} : memref<64x128xf32, #tpu.memory_space<vmem>>, vector<16xf32>,
      tpu.vector_store_idx %arg6[%add3A_18, %add3A_409], %get3A_425 : memref<64x128xf32, #tpu.memory_space<vmem>>[vector<16xi32>, vector<16xi32>], vector<16xf32>,
      %add3A_426 = arith.constant 2 : i32
      %add3A_427 = vector.broadcast %add3A_426 : i32 to vector<16xi32>
      %add3A_428 = arith.addi %shift_left3A_6, %add3A_427 : vector<16xi32>
      %get3A_429 = arith.constant 2 : i32
      %get3A_430 = arith.index_cast %get3A_429 : i32 to index
      %get3A_431 = arith.constant 0 : index
      %get3A_432 = tpu.vector_load %arg4[%get3A_430, %get3A_431] {strides = array<i32>} : memref<64x128xf32, #tpu.memory_space<vmem>>, vector<16xf32>,
      tpu.vector_store_idx %arg6[%add3A_9, %add3A_428], %get3A_432 : memref<64x128xf32, #tpu.memory_space<vmem>>[vector<16xi32>, vector<16xi32>], vector<16xf32>,
      %get3A_433 = arith.constant 2 : i32
      %get3A_434 = arith.index_cast %get3A_433 : i32 to index
      %get3A_435 = arith.constant 16 : index
      %get3A_436 = tpu.vector_load %arg4[%get3A_434, %get3A_435] {strides = array<i32>} : memref<64x128xf32, #tpu.memory_space<vmem>>, vector<16xf32>,
      tpu.vector_store_idx %arg6[%add3A_12, %add3A_428], %get3A_436 : memref<64x128xf32, #tpu.memory_space<vmem>>[vector<16xi32>, vector<16xi32>], vector<16xf32>,
      %get3A_437 = arith.constant 2 : i32
      %get3A_438 = arith.index_cast %get3A_437 : i32 to index
      %get3A_439 = arith.constant 32 : index
      %get3A_440 = tpu.vector_load %arg4[%get3A_438, %get3A_439] {strides = array<i32>} : memref<64x128xf32, #tpu.memory_space<vmem>>, vector<16xf32>,
      tpu.vector_store_idx %arg6[%add3A_15, %add3A_428], %get3A_440 : memref<64x128xf32, #tpu.memory_space<vmem>>[vector<16xi32>, vector<16xi32>], vector<16xf32>,
      %get3A_441 = arith.constant 2 : i32
      %get3A_442 = arith.index_cast %get3A_441 : i32 to index
      %get3A_443 = arith.constant 48 : index
      %get3A_444 = tpu.vector_load %arg4[%get3A_442, %get3A_443] {strides = array<i32>} : memref<64x128xf32, #tpu.memory_space<vmem>>, vector<16xf32>,
      tpu.vector_store_idx %arg6[%add3A_18, %add3A_428], %get3A_444 : memref<64x128xf32, #tpu.memory_space<vmem>>[vector<16xi32>, vector<16xi32>], vector<16xf32>,
      %add3A_445 = arith.constant 3 : i32
      %add3A_446 = vector.broadcast %add3A_445 : i32 to vector<16xi32>
      %add3A_447 = arith.addi %shift_left3A_6, %add3A_446 : vector<16xi32>
      %get3A_448 = arith.constant 3 : i32
      %get3A_449 = arith.index_cast %get3A_448 : i32 to index
      %get3A_450 = arith.constant 0 : index
      %get3A_451 = tpu.vector_load %arg4[%get3A_449, %get3A_450] {strides = array<i32>} : memref<64x128xf32, #tpu.memory_space<vmem>>, vector<16xf32>,
      tpu.vector_store_idx %arg6[%add3A_9, %add3A_447], %get3A_451 : memref<64x128xf32, #tpu.memory_space<vmem>>[vector<16xi32>, vector<16xi32>], vector<16xf32>,
      %get3A_452 = arith.constant 3 : i32
      %get3A_453 = arith.index_cast %get3A_452 : i32 to index
      %get3A_454 = arith.constant 16 : index
      %get3A_455 = tpu.vector_load %arg4[%get3A_453, %get3A_454] {strides = array<i32>} : memref<64x128xf32, #tpu.memory_space<vmem>>, vector<16xf32>,
      tpu.vector_store_idx %arg6[%add3A_12, %add3A_447], %get3A_455 : memref<64x128xf32, #tpu.memory_space<vmem>>[vector<16xi32>, vector<16xi32>], vector<16xf32>,
      %get3A_456 = arith.constant 3 : i32
      %get3A_457 = arith.index_cast %get3A_456 : i32 to index
      %get3A_458 = arith.constant 32 : index
      %get3A_459 = tpu.vector_load %arg4[%get3A_457, %get3A_458] {strides = array<i32>} : memref<64x128xf32, #tpu.memory_space<vmem>>, vector<16xf32>,
      tpu.vector_store_idx %arg6[%add3A_15, %add3A_447], %get3A_459 : memref<64x128xf32, #tpu.memory_space<vmem>>[vector<16xi32>, vector<16xi32>], vector<16xf32>,
      %get3A_460 = arith.constant 3 : i32
      %get3A_461 = arith.index_cast %get3A_460 : i32 to index
      %get3A_462 = arith.constant 48 : index
      %get3A_463 = tpu.vector_load %arg4[%get3A_461, %get3A_462] {strides = array<i32>} : memref<64x128xf32, #tpu.memory_space<vmem>>, vector<16xf32>,
      tpu.vector_store_idx %arg6[%add3A_18, %add3A_447], %get3A_463 : memref<64x128xf32, #tpu.memory_space<vmem>>[vector<16xi32>, vector<16xi32>], vector<16xf32>,
      %add3A_464 = arith.constant 4 : i32
      %add3A_465 = vector.broadcast %add3A_464 : i32 to vector<16xi32>
      %add3A_466 = arith.addi %shift_left3A_6, %add3A_465 : vector<16xi32>
      %get3A_467 = arith.constant 4 : i32
      %get3A_468 = arith.index_cast %get3A_467 : i32 to index
      %get3A_469 = arith.constant 0 : index
      %get3A_470 = tpu.vector_load %arg4[%get3A_468, %get3A_469] {strides = array<i32>} : memref<64x128xf32, #tpu.memory_space<vmem>>, vector<16xf32>,
      tpu.vector_store_idx %arg6[%add3A_9, %add3A_466], %get3A_470 : memref<64x128xf32, #tpu.memory_space<vmem>>[vector<16xi32>, vector<16xi32>], vector<16xf32>,
      %get3A_471 = arith.constant 4 : i32
      %get3A_472 = arith.index_cast %get3A_471 : i32 to index
      %get3A_473 = arith.constant 16 : index
      %get3A_474 = tpu.vector_load %arg4[%get3A_472, %get3A_473] {strides = array<i32>} : memref<64x128xf32, #tpu.memory_space<vmem>>, vector<16xf32>,
      tpu.vector_store_idx %arg6[%add3A_12, %add3A_466], %get3A_474 : memref<64x128xf32, #tpu.memory_space<vmem>>[vector<16xi32>, vector<16xi32>], vector<16xf32>,
      %get3A_475 = arith.constant 4 : i32
      %get3A_476 = arith.index_cast %get3A_475 : i32 to index
      %get3A_477 = arith.constant 32 : index
      %get3A_478 = tpu.vector_load %arg4[%get3A_476, %get3A_477] {strides = array<i32>} : memref<64x128xf32, #tpu.memory_space<vmem>>, vector<16xf32>,
      tpu.vector_store_idx %arg6[%add3A_15, %add3A_466], %get3A_478 : memref<64x128xf32, #tpu.memory_space<vmem>>[vector<16xi32>, vector<16xi32>], vector<16xf32>,
      %get3A_479 = arith.constant 4 : i32
      %get3A_480 = arith.index_cast %get3A_479 : i32 to index
      %get3A_481 = arith.constant 48 : index
      %get3A_482 = tpu.vector_load %arg4[%get3A_480, %get3A_481] {strides = array<i32>} : memref<64x128xf32, #tpu.memory_space<vmem>>, vector<16xf32>,
      tpu.vector_store_idx %arg6[%add3A_18, %add3A_466], %get3A_482 : memref<64x128xf32, #tpu.memory_space<vmem>>[vector<16xi32>, vector<16xi32>], vector<16xf32>,
      %add3A_483 = arith.constant 5 : i32
      %add3A_484 = vector.broadcast %add3A_483 : i32 to vector<16xi32>
      %add3A_485 = arith.addi %shift_left3A_6, %add3A_484 : vector<16xi32>
      %get3A_486 = arith.constant 5 : i32
      %get3A_487 = arith.index_cast %get3A_486 : i32 to index
      %get3A_488 = arith.constant 0 : index
      %get3A_489 = tpu.vector_load %arg4[%get3A_487, %get3A_488] {strides = array<i32>} : memref<64x128xf32, #tpu.memory_space<vmem>>, vector<16xf32>,
      tpu.vector_store_idx %arg6[%add3A_9, %add3A_485], %get3A_489 : memref<64x128xf32, #tpu.memory_space<vmem>>[vector<16xi32>, vector<16xi32>], vector<16xf32>,
      %get3A_490 = arith.constant 5 : i32
      %get3A_491 = arith.index_cast %get3A_490 : i32 to index
      %get3A_492 = arith.constant 16 : index
      %get3A_493 = tpu.vector_load %arg4[%get3A_491, %get3A_492] {strides = array<i32>} : memref<64x128xf32, #tpu.memory_space<vmem>>, vector<16xf32>,
      tpu.vector_store_idx %arg6[%add3A_12, %add3A_485], %get3A_493 : memref<64x128xf32, #tpu.memory_space<vmem>>[vector<16xi32>, vector<16xi32>], vector<16xf32>,
      %get3A_494 = arith.constant 5 : i32
      %get3A_495 = arith.index_cast %get3A_494 : i32 to index
      %get3A_496 = arith.constant 32 : index
      %get3A_497 = tpu.vector_load %arg4[%get3A_495, %get3A_496] {strides = array<i32>} : memref<64x128xf32, #tpu.memory_space<vmem>>, vector<16xf32>,
      tpu.vector_store_idx %arg6[%add3A_15, %add3A_485], %get3A_497 : memref<64x128xf32, #tpu.memory_space<vmem>>[vector<16xi32>, vector<16xi32>], vector<16xf32>,
      %get3A_498 = arith.constant 5 : i32
      %get3A_499 = arith.index_cast %get3A_498 : i32 to index
      %get3A_500 = arith.constant 48 : index
      %get3A_501 = tpu.vector_load %arg4[%get3A_499, %get3A_500] {strides = array<i32>} : memref<64x128xf32, #tpu.memory_space<vmem>>, vector<16xf32>,
      tpu.vector_store_idx %arg6[%add3A_18, %add3A_485], %get3A_501 : memref<64x128xf32, #tpu.memory_space<vmem>>[vector<16xi32>, vector<16xi32>], vector<16xf32>,
      %add3A_502 = arith.constant 6 : i32
      %add3A_503 = vector.broadcast %add3A_502 : i32 to vector<16xi32>
      %add3A_504 = arith.addi %shift_left3A_6, %add3A_503 : vector<16xi32>
      %get3A_505 = arith.constant 6 : i32
      %get3A_506 = arith.index_cast %get3A_505 : i32 to index
      %get3A_507 = arith.constant 0 : index
      %get3A_508 = tpu.vector_load %arg4[%get3A_506, %get3A_507] {strides = array<i32>} : memref<64x128xf32, #tpu.memory_space<vmem>>, vector<16xf32>,
      tpu.vector_store_idx %arg6[%add3A_9, %add3A_504], %get3A_508 : memref<64x128xf32, #tpu.memory_space<vmem>>[vector<16xi32>, vector<16xi32>], vector<16xf32>,
      %get3A_509 = arith.constant 6 : i32
      %get3A_510 = arith.index_cast %get3A_509 : i32 to index
      %get3A_511 = arith.constant 16 : index
      %get3A_512 = tpu.vector_load %arg4[%get3A_510, %get3A_511] {strides = array<i32>} : memref<64x128xf32, #tpu.memory_space<vmem>>, vector<16xf32>,
      tpu.vector_store_idx %arg6[%add3A_12, %add3A_504], %get3A_512 : memref<64x128xf32, #tpu.memory_space<vmem>>[vector<16xi32>, vector<16xi32>], vector<16xf32>,
      %get3A_513 = arith.constant 6 : i32
      %get3A_514 = arith.index_cast %get3A_513 : i32 to index
      %get3A_515 = arith.constant 32 : index
      %get3A_516 = tpu.vector_load %arg4[%get3A_514, %get3A_515] {strides = array<i32>} : memref<64x128xf32, #tpu.memory_space<vmem>>, vector<16xf32>,
      tpu.vector_store_idx %arg6[%add3A_15, %add3A_504], %get3A_516 : memref<64x128xf32, #tpu.memory_space<vmem>>[vector<16xi32>, vector<16xi32>], vector<16xf32>,
      %get3A_517 = arith.constant 6 : i32
      %get3A_518 = arith.index_cast %get3A_517 : i32 to index
      %get3A_519 = arith.constant 48 : index
      %get3A_520 = tpu.vector_load %arg4[%get3A_518, %get3A_519] {strides = array<i32>} : memref<64x128xf32, #tpu.memory_space<vmem>>, vector<16xf32>,
      tpu.vector_store_idx %arg6[%add3A_18, %add3A_504], %get3A_520 : memref<64x128xf32, #tpu.memory_space<vmem>>[vector<16xi32>, vector<16xi32>], vector<16xf32>,
      %add3A_521 = arith.constant 7 : i32
      %add3A_522 = vector.broadcast %add3A_521 : i32 to vector<16xi32>
      %add3A_523 = arith.addi %shift_left3A_6, %add3A_522 : vector<16xi32>
      %get3A_524 = arith.constant 7 : i32
      %get3A_525 = arith.index_cast %get3A_524 : i32 to index
      %get3A_526 = arith.constant 0 : index
      %get3A_527 = tpu.vector_load %arg4[%get3A_525, %get3A_526] {strides = array<i32>} : memref<64x128xf32, #tpu.memory_space<vmem>>, vector<16xf32>,
      tpu.vector_store_idx %arg6[%add3A_9, %add3A_523], %get3A_527 : memref<64x128xf32, #tpu.memory_space<vmem>>[vector<16xi32>, vector<16xi32>], vector<16xf32>,
      %get3A_528 = arith.constant 7 : i32
      %get3A_529 = arith.index_cast %get3A_528 : i32 to index
      %get3A_530 = arith.constant 16 : index
      %get3A_531 = tpu.vector_load %arg4[%get3A_529, %get3A_530] {strides = array<i32>} : memref<64x128xf32, #tpu.memory_space<vmem>>, vector<16xf32>,
      tpu.vector_store_idx %arg6[%add3A_12, %add3A_523], %get3A_531 : memref<64x128xf32, #tpu.memory_space<vmem>>[vector<16xi32>, vector<16xi32>], vector<16xf32>,
      %get3A_532 = arith.constant 7 : i32
      %get3A_533 = arith.index_cast %get3A_532 : i32 to index
      %get3A_534 = arith.constant 32 : index
      %get3A_535 = tpu.vector_load %arg4[%get3A_533, %get3A_534] {strides = array<i32>} : memref<64x128xf32, #tpu.memory_space<vmem>>, vector<16xf32>,
      tpu.vector_store_idx %arg6[%add3A_15, %add3A_523], %get3A_535 : memref<64x128xf32, #tpu.memory_space<vmem>>[vector<16xi32>, vector<16xi32>], vector<16xf32>,
      %get3A_536 = arith.constant 7 : i32
      %get3A_537 = arith.index_cast %get3A_536 : i32 to index
      %get3A_538 = arith.constant 48 : index
      %get3A_539 = tpu.vector_load %arg4[%get3A_537, %get3A_538] {strides = array<i32>} : memref<64x128xf32, #tpu.memory_space<vmem>>, vector<16xf32>,
      tpu.vector_store_idx %arg6[%add3A_18, %add3A_523], %get3A_539 : memref<64x128xf32, #tpu.memory_space<vmem>>[vector<16xi32>, vector<16xi32>], vector<16xf32>,
      %add3A_540 = arith.constant 8 : i32
      %add3A_541 = vector.broadcast %add3A_540 : i32 to vector<16xi32>
      %add3A_542 = arith.addi %shift_left3A_6, %add3A_541 : vector<16xi32>
      %get3A_543 = arith.constant 8 : i32
      %get3A_544 = arith.index_cast %get3A_543 : i32 to index
      %get3A_545 = arith.constant 0 : index
      %get3A_546 = tpu.vector_load %arg4[%get3A_544, %get3A_545] {strides = array<i32>} : memref<64x128xf32, #tpu.memory_space<vmem>>, vector<16xf32>,
      tpu.vector_store_idx %arg6[%add3A_9, %add3A_542], %get3A_546 : memref<64x128xf32, #tpu.memory_space<vmem>>[vector<16xi32>, vector<16xi32>], vector<16xf32>,
      %get3A_547 = arith.constant 8 : i32
      %get3A_548 = arith.index_cast %get3A_547 : i32 to index
      %get3A_549 = arith.constant 16 : index
      %get3A_550 = tpu.vector_load %arg4[%get3A_548, %get3A_549] {strides = array<i32>} : memref<64x128xf32, #tpu.memory_space<vmem>>, vector<16xf32>,
      tpu.vector_store_idx %arg6[%add3A_12, %add3A_542], %get3A_550 : memref<64x128xf32, #tpu.memory_space<vmem>>[vector<16xi32>, vector<16xi32>], vector<16xf32>,
      %get3A_551 = arith.constant 8 : i32
      %get3A_552 = arith.index_cast %get3A_551 : i32 to index
      %get3A_553 = arith.constant 32 : index
      %get3A_554 = tpu.vector_load %arg4[%get3A_552, %get3A_553] {strides = array<i32>} : memref<64x128xf32, #tpu.memory_space<vmem>>, vector<16xf32>,
      tpu.vector_store_idx %arg6[%add3A_15, %add3A_542], %get3A_554 : memref<64x128xf32, #tpu.memory_space<vmem>>[vector<16xi32>, vector<16xi32>], vector<16xf32>,
      %get3A_555 = arith.constant 8 : i32
      %get3A_556 = arith.index_cast %get3A_555 : i32 to index
      %get3A_557 = arith.constant 48 : index
      %get3A_558 = tpu.vector_load %arg4[%get3A_556, %get3A_557] {strides = array<i32>} : memref<64x128xf32, #tpu.memory_space<vmem>>, vector<16xf32>,
      tpu.vector_store_idx %arg6[%add3A_18, %add3A_542], %get3A_558 : memref<64x128xf32, #tpu.memory_space<vmem>>[vector<16xi32>, vector<16xi32>], vector<16xf32>,
      %add3A_559 = arith.constant 9 : i32
      %add3A_560 = vector.broadcast %add3A_559 : i32 to vector<16xi32>
      %add3A_561 = arith.addi %shift_left3A_6, %add3A_560 : vector<16xi32>
      %get3A_562 = arith.constant 9 : i32
      %get3A_563 = arith.index_cast %get3A_562 : i32 to index
      %get3A_564 = arith.constant 0 : index
      %get3A_565 = tpu.vector_load %arg4[%get3A_563, %get3A_564] {strides = array<i32>} : memref<64x128xf32, #tpu.memory_space<vmem>>, vector<16xf32>,
      tpu.vector_store_idx %arg6[%add3A_9, %add3A_561], %get3A_565 : memref<64x128xf32, #tpu.memory_space<vmem>>[vector<16xi32>, vector<16xi32>], vector<16xf32>,
      %get3A_566 = arith.constant 9 : i32
      %get3A_567 = arith.index_cast %get3A_566 : i32 to index
      %get3A_568 = arith.constant 16 : index
      %get3A_569 = tpu.vector_load %arg4[%get3A_567, %get3A_568] {strides = array<i32>} : memref<64x128xf32, #tpu.memory_space<vmem>>, vector<16xf32>,
      tpu.vector_store_idx %arg6[%add3A_12, %add3A_561], %get3A_569 : memref<64x128xf32, #tpu.memory_space<vmem>>[vector<16xi32>, vector<16xi32>], vector<16xf32>,
      %get3A_570 = arith.constant 9 : i32
      %get3A_571 = arith.index_cast %get3A_570 : i32 to index
      %get3A_572 = arith.constant 32 : index
      %get3A_573 = tpu.vector_load %arg4[%get3A_571, %get3A_572] {strides = array<i32>} : memref<64x128xf32, #tpu.memory_space<vmem>>, vector<16xf32>,
      tpu.vector_store_idx %arg6[%add3A_15, %add3A_561], %get3A_573 : memref<64x128xf32, #tpu.memory_space<vmem>>[vector<16xi32>, vector<16xi32>], vector<16xf32>,
      %get3A_574 = arith.constant 9 : i32
      %get3A_575 = arith.index_cast %get3A_574 : i32 to index
      %get3A_576 = arith.constant 48 : index
      %get3A_577 = tpu.vector_load %arg4[%get3A_575, %get3A_576] {strides = array<i32>} : memref<64x128xf32, #tpu.memory_space<vmem>>, vector<16xf32>,
      tpu.vector_store_idx %arg6[%add3A_18, %add3A_561], %get3A_577 : memref<64x128xf32, #tpu.memory_space<vmem>>[vector<16xi32>, vector<16xi32>], vector<16xf32>,
      %add3A_578 = arith.constant 10 : i32
      %add3A_579 = vector.broadcast %add3A_578 : i32 to vector<16xi32>
      %add3A_580 = arith.addi %shift_left3A_6, %add3A_579 : vector<16xi32>
      %get3A_581 = arith.constant 10 : i32
      %get3A_582 = arith.index_cast %get3A_581 : i32 to index
      %get3A_583 = arith.constant 0 : index
      %get3A_584 = tpu.vector_load %arg4[%get3A_582, %get3A_583] {strides = array<i32>} : memref<64x128xf32, #tpu.memory_space<vmem>>, vector<16xf32>,
      tpu.vector_store_idx %arg6[%add3A_9, %add3A_580], %get3A_584 : memref<64x128xf32, #tpu.memory_space<vmem>>[vector<16xi32>, vector<16xi32>], vector<16xf32>,
      %get3A_585 = arith.constant 10 : i32
      %get3A_586 = arith.index_cast %get3A_585 : i32 to index
      %get3A_587 = arith.constant 16 : index
      %get3A_588 = tpu.vector_load %arg4[%get3A_586, %get3A_587] {strides = array<i32>} : memref<64x128xf32, #tpu.memory_space<vmem>>, vector<16xf32>,
      tpu.vector_store_idx %arg6[%add3A_12, %add3A_580], %get3A_588 : memref<64x128xf32, #tpu.memory_space<vmem>>[vector<16xi32>, vector<16xi32>], vector<16xf32>,
      %get3A_589 = arith.constant 10 : i32
      %get3A_590 = arith.index_cast %get3A_589 : i32 to index
      %get3A_591 = arith.constant 32 : index
      %get3A_592 = tpu.vector_load %arg4[%get3A_590, %get3A_591] {strides = array<i32>} : memref<64x128xf32, #tpu.memory_space<vmem>>, vector<16xf32>,
      tpu.vector_store_idx %arg6[%add3A_15, %add3A_580], %get3A_592 : memref<64x128xf32, #tpu.memory_space<vmem>>[vector<16xi32>, vector<16xi32>], vector<16xf32>,
      %get3A_593 = arith.constant 10 : i32
      %get3A_594 = arith.index_cast %get3A_593 : i32 to index
      %get3A_595 = arith.constant 48 : index
      %get3A_596 = tpu.vector_load %arg4[%get3A_594, %get3A_595] {strides = array<i32>} : memref<64x128xf32, #tpu.memory_space<vmem>>, vector<16xf32>,
      tpu.vector_store_idx %arg6[%add3A_18, %add3A_580], %get3A_596 : memref<64x128xf32, #tpu.memory_space<vmem>>[vector<16xi32>, vector<16xi32>], vector<16xf32>,
      %add3A_597 = arith.constant 11 : i32
      %add3A_598 = vector.broadcast %add3A_597 : i32 to vector<16xi32>
      %add3A_599 = arith.addi %shift_left3A_6, %add3A_598 : vector<16xi32>
      %get3A_600 = arith.constant 11 : i32
      %get3A_601 = arith.index_cast %get3A_600 : i32 to index
      %get3A_602 = arith.constant 0 : index
      %get3A_603 = tpu.vector_load %arg4[%get3A_601, %get3A_602] {strides = array<i32>} : memref<64x128xf32, #tpu.memory_space<vmem>>, vector<16xf32>,
      tpu.vector_store_idx %arg6[%add3A_9, %add3A_599], %get3A_603 : memref<64x128xf32, #tpu.memory_space<vmem>>[vector<16xi32>, vector<16xi32>], vector<16xf32>,
      %get3A_604 = arith.constant 11 : i32
      %get3A_605 = arith.index_cast %get3A_604 : i32 to index
      %get3A_606 = arith.constant 16 : index
      %get3A_607 = tpu.vector_load %arg4[%get3A_605, %get3A_606] {strides = array<i32>} : memref<64x128xf32, #tpu.memory_space<vmem>>, vector<16xf32>,
      tpu.vector_store_idx %arg6[%add3A_12, %add3A_599], %get3A_607 : memref<64x128xf32, #tpu.memory_space<vmem>>[vector<16xi32>, vector<16xi32>], vector<16xf32>,
      %get3A_608 = arith.constant 11 : i32
      %get3A_609 = arith.index_cast %get3A_608 : i32 to index
      %get3A_610 = arith.constant 32 : index
      %get3A_611 = tpu.vector_load %arg4[%get3A_609, %get3A_610] {strides = array<i32>} : memref<64x128xf32, #tpu.memory_space<vmem>>, vector<16xf32>,
      tpu.vector_store_idx %arg6[%add3A_15, %add3A_599], %get3A_611 : memref<64x128xf32, #tpu.memory_space<vmem>>[vector<16xi32>, vector<16xi32>], vector<16xf32>,
      %get3A_612 = arith.constant 11 : i32
      %get3A_613 = arith.index_cast %get3A_612 : i32 to index
      %get3A_614 = arith.constant 48 : index
      %get3A_615 = tpu.vector_load %arg4[%get3A_613, %get3A_614] {strides = array<i32>} : memref<64x128xf32, #tpu.memory_space<vmem>>, vector<16xf32>,
      tpu.vector_store_idx %arg6[%add3A_18, %add3A_599], %get3A_615 : memref<64x128xf32, #tpu.memory_space<vmem>>[vector<16xi32>, vector<16xi32>], vector<16xf32>,
      %add3A_616 = arith.constant 12 : i32
      %add3A_617 = vector.broadcast %add3A_616 : i32 to vector<16xi32>
      %add3A_618 = arith.addi %shift_left3A_6, %add3A_617 : vector<16xi32>
      %get3A_619 = arith.constant 12 : i32
      %get3A_620 = arith.index_cast %get3A_619 : i32 to index
      %get3A_621 = arith.constant 0 : index
      %get3A_622 = tpu.vector_load %arg4[%get3A_620, %get3A_621] {strides = array<i32>} : memref<64x128xf32, #tpu.memory_space<vmem>>, vector<16xf32>,
      tpu.vector_store_idx %arg6[%add3A_9, %add3A_618], %get3A_622 : memref<64x128xf32, #tpu.memory_space<vmem>>[vector<16xi32>, vector<16xi32>], vector<16xf32>,
      %get3A_623 = arith.constant 12 : i32
      %get3A_624 = arith.index_cast %get3A_623 : i32 to index
      %get3A_625 = arith.constant 16 : index
      %get3A_626 = tpu.vector_load %arg4[%get3A_624, %get3A_625] {strides = array<i32>} : memref<64x128xf32, #tpu.memory_space<vmem>>, vector<16xf32>,
      tpu.vector_store_idx %arg6[%add3A_12, %add3A_618], %get3A_626 : memref<64x128xf32, #tpu.memory_space<vmem>>[vector<16xi32>, vector<16xi32>], vector<16xf32>,
      %get3A_627 = arith.constant 12 : i32
      %get3A_628 = arith.index_cast %get3A_627 : i32 to index
      %get3A_629 = arith.constant 32 : index
      %get3A_630 = tpu.vector_load %arg4[%get3A_628, %get3A_629] {strides = array<i32>} : memref<64x128xf32, #tpu.memory_space<vmem>>, vector<16xf32>,
      tpu.vector_store_idx %arg6[%add3A_15, %add3A_618], %get3A_630 : memref<64x128xf32, #tpu.memory_space<vmem>>[vector<16xi32>, vector<16xi32>], vector<16xf32>,
      %get3A_631 = arith.constant 12 : i32
      %get3A_632 = arith.index_cast %get3A_631 : i32 to index
      %get3A_633 = arith.constant 48 : index
      %get3A_634 = tpu.vector_load %arg4[%get3A_632, %get3A_633] {strides = array<i32>} : memref<64x128xf32, #tpu.memory_space<vmem>>, vector<16xf32>,
      tpu.vector_store_idx %arg6[%add3A_18, %add3A_618], %get3A_634 : memref<64x128xf32, #tpu.memory_space<vmem>>[vector<16xi32>, vector<16xi32>], vector<16xf32>,
      %add3A_635 = arith.constant 13 : i32
      %add3A_636 = vector.broadcast %add3A_635 : i32 to vector<16xi32>
      %add3A_637 = arith.addi %shift_left3A_6, %add3A_636 : vector<16xi32>
      %get3A_638 = arith.constant 13 : i32
      %get3A_639 = arith.index_cast %get3A_638 : i32 to index
      %get3A_640 = arith.constant 0 : index
      %get3A_641 = tpu.vector_load %arg4[%get3A_639, %get3A_640] {strides = array<i32>} : memref<64x128xf32, #tpu.memory_space<vmem>>, vector<16xf32>,
      tpu.vector_store_idx %arg6[%add3A_9, %add3A_637], %get3A_641 : memref<64x128xf32, #tpu.memory_space<vmem>>[vector<16xi32>, vector<16xi32>], vector<16xf32>,
      %get3A_642 = arith.constant 13 : i32
      %get3A_643 = arith.index_cast %get3A_642 : i32 to index
      %get3A_644 = arith.constant 16 : index
      %get3A_645 = tpu.vector_load %arg4[%get3A_643, %get3A_644] {strides = array<i32>} : memref<64x128xf32, #tpu.memory_space<vmem>>, vector<16xf32>,
      tpu.vector_store_idx %arg6[%add3A_12, %add3A_637], %get3A_645 : memref<64x128xf32, #tpu.memory_space<vmem>>[vector<16xi32>, vector<16xi32>], vector<16xf32>,
      %get3A_646 = arith.constant 13 : i32
      %get3A_647 = arith.index_cast %get3A_646 : i32 to index
      %get3A_648 = arith.constant 32 : index
      %get3A_649 = tpu.vector_load %arg4[%get3A_647, %get3A_648] {strides = array<i32>} : memref<64x128xf32, #tpu.memory_space<vmem>>, vector<16xf32>,
      tpu.vector_store_idx %arg6[%add3A_15, %add3A_637], %get3A_649 : memref<64x128xf32, #tpu.memory_space<vmem>>[vector<16xi32>, vector<16xi32>], vector<16xf32>,
      %get3A_650 = arith.constant 13 : i32
      %get3A_651 = arith.index_cast %get3A_650 : i32 to index
      %get3A_652 = arith.constant 48 : index
      %get3A_653 = tpu.vector_load %arg4[%get3A_651, %get3A_652] {strides = array<i32>} : memref<64x128xf32, #tpu.memory_space<vmem>>, vector<16xf32>,
      tpu.vector_store_idx %arg6[%add3A_18, %add3A_637], %get3A_653 : memref<64x128xf32, #tpu.memory_space<vmem>>[vector<16xi32>, vector<16xi32>], vector<16xf32>,
      %add3A_654 = arith.constant 14 : i32
      %add3A_655 = vector.broadcast %add3A_654 : i32 to vector<16xi32>
      %add3A_656 = arith.addi %shift_left3A_6, %add3A_655 : vector<16xi32>
      %get3A_657 = arith.constant 14 : i32
      %get3A_658 = arith.index_cast %get3A_657 : i32 to index
      %get3A_659 = arith.constant 0 : index
      %get3A_660 = tpu.vector_load %arg4[%get3A_658, %get3A_659] {strides = array<i32>} : memref<64x128xf32, #tpu.memory_space<vmem>>, vector<16xf32>,
      tpu.vector_store_idx %arg6[%add3A_9, %add3A_656], %get3A_660 : memref<64x128xf32, #tpu.memory_space<vmem>>[vector<16xi32>, vector<16xi32>], vector<16xf32>,
      %get3A_661 = arith.constant 14 : i32
      %get3A_662 = arith.index_cast %get3A_661 : i32 to index
      %get3A_663 = arith.constant 16 : index
      %get3A_664 = tpu.vector_load %arg4[%get3A_662, %get3A_663] {strides = array<i32>} : memref<64x128xf32, #tpu.memory_space<vmem>>, vector<16xf32>,
      tpu.vector_store_idx %arg6[%add3A_12, %add3A_656], %get3A_664 : memref<64x128xf32, #tpu.memory_space<vmem>>[vector<16xi32>, vector<16xi32>], vector<16xf32>,
      %get3A_665 = arith.constant 14 : i32
      %get3A_666 = arith.index_cast %get3A_665 : i32 to index
      %get3A_667 = arith.constant 32 : index
      %get3A_668 = tpu.vector_load %arg4[%get3A_666, %get3A_667] {strides = array<i32>} : memref<64x128xf32, #tpu.memory_space<vmem>>, vector<16xf32>,
      tpu.vector_store_idx %arg6[%add3A_15, %add3A_656], %get3A_668 : memref<64x128xf32, #tpu.memory_space<vmem>>[vector<16xi32>, vector<16xi32>], vector<16xf32>,
      %get3A_669 = arith.constant 14 : i32
      %get3A_670 = arith.index_cast %get3A_669 : i32 to index
      %get3A_671 = arith.constant 48 : index
      %get3A_672 = tpu.vector_load %arg4[%get3A_670, %get3A_671] {strides = array<i32>} : memref<64x128xf32, #tpu.memory_space<vmem>>, vector<16xf32>,
      tpu.vector_store_idx %arg6[%add3A_18, %add3A_656], %get3A_672 : memref<64x128xf32, #tpu.memory_space<vmem>>[vector<16xi32>, vector<16xi32>], vector<16xf32>,
      %add3A_673 = arith.constant 15 : i32
      %add3A_674 = vector.broadcast %add3A_673 : i32 to vector<16xi32>
      %add3A_675 = arith.addi %shift_left3A_6, %add3A_674 : vector<16xi32>
      %get3A_676 = arith.constant 15 : i32
      %get3A_677 = arith.index_cast %get3A_676 : i32 to index
      %get3A_678 = arith.constant 0 : index
      %get3A_679 = tpu.vector_load %arg4[%get3A_677, %get3A_678] {strides = array<i32>} : memref<64x128xf32, #tpu.memory_space<vmem>>, vector<16xf32>,
      tpu.vector_store_idx %arg6[%add3A_9, %add3A_675], %get3A_679 : memref<64x128xf32, #tpu.memory_space<vmem>>[vector<16xi32>, vector<16xi32>], vector<16xf32>,
      %get3A_680 = arith.constant 15 : i32
      %get3A_681 = arith.index_cast %get3A_680 : i32 to index
      %get3A_682 = arith.constant 16 : index
      %get3A_683 = tpu.vector_load %arg4[%get3A_681, %get3A_682] {strides = array<i32>} : memref<64x128xf32, #tpu.memory_space<vmem>>, vector<16xf32>,
      tpu.vector_store_idx %arg6[%add3A_12, %add3A_675], %get3A_683 : memref<64x128xf32, #tpu.memory_space<vmem>>[vector<16xi32>, vector<16xi32>], vector<16xf32>,
      %get3A_684 = arith.constant 15 : i32
      %get3A_685 = arith.index_cast %get3A_684 : i32 to index
      %get3A_686 = arith.constant 32 : index
      %get3A_687 = tpu.vector_load %arg4[%get3A_685, %get3A_686] {strides = array<i32>} : memref<64x128xf32, #tpu.memory_space<vmem>>, vector<16xf32>,
      tpu.vector_store_idx %arg6[%add3A_15, %add3A_675], %get3A_687 : memref<64x128xf32, #tpu.memory_space<vmem>>[vector<16xi32>, vector<16xi32>], vector<16xf32>,
      %get3A_688 = arith.constant 15 : i32
      %get3A_689 = arith.index_cast %get3A_688 : i32 to index
      %get3A_690 = arith.constant 48 : index
      %get3A_691 = tpu.vector_load %arg4[%get3A_689, %get3A_690] {strides = array<i32>} : memref<64x128xf32, #tpu.memory_space<vmem>>, vector<16xf32>,
      tpu.vector_store_idx %arg6[%add3A_18, %add3A_675], %get3A_691 : memref<64x128xf32, #tpu.memory_space<vmem>>[vector<16xi32>, vector<16xi32>], vector<16xf32>,
      %add3A_692 = arith.constant 16 : i32
      %add3A_693 = vector.broadcast %add3A_692 : i32 to vector<16xi32>
      %add3A_694 = arith.addi %shift_left3A_6, %add3A_693 : vector<16xi32>
      %get3A_695 = arith.constant 16 : i32
      %get3A_696 = arith.index_cast %get3A_695 : i32 to index
      %get3A_697 = arith.constant 0 : index
      %get3A_698 = tpu.vector_load %arg4[%get3A_696, %get3A_697] {strides = array<i32>} : memref<64x128xf32, #tpu.memory_space<vmem>>, vector<16xf32>,
      tpu.vector_store_idx %arg6[%add3A_9, %add3A_694], %get3A_698 : memref<64x128xf32, #tpu.memory_space<vmem>>[vector<16xi32>, vector<16xi32>], vector<16xf32>,
      %get3A_699 = arith.constant 16 : i32
      %get3A_700 = arith.index_cast %get3A_699 : i32 to index
      %get3A_701 = arith.constant 16 : index
      %get3A_702 = tpu.vector_load %arg4[%get3A_700, %get3A_701] {strides = array<i32>} : memref<64x128xf32, #tpu.memory_space<vmem>>, vector<16xf32>,
      tpu.vector_store_idx %arg6[%add3A_12, %add3A_694], %get3A_702 : memref<64x128xf32, #tpu.memory_space<vmem>>[vector<16xi32>, vector<16xi32>], vector<16xf32>,
      %get3A_703 = arith.constant 16 : i32
      %get3A_704 = arith.index_cast %get3A_703 : i32 to index
      %get3A_705 = arith.constant 32 : index
      %get3A_706 = tpu.vector_load %arg4[%get3A_704, %get3A_705] {strides = array<i32>} : memref<64x128xf32, #tpu.memory_space<vmem>>, vector<16xf32>,
      tpu.vector_store_idx %arg6[%add3A_15, %add3A_694], %get3A_706 : memref<64x128xf32, #tpu.memory_space<vmem>>[vector<16xi32>, vector<16xi32>], vector<16xf32>,
      %get3A_707 = arith.constant 16 : i32
      %get3A_708 = arith.index_cast %get3A_707 : i32 to index
      %get3A_709 = arith.constant 48 : index
      %get3A_710 = tpu.vector_load %arg4[%get3A_708, %get3A_709] {strides = array<i32>} : memref<64x128xf32, #tpu.memory_space<vmem>>, vector<16xf32>,
      tpu.vector_store_idx %arg6[%add3A_18, %add3A_694], %get3A_710 : memref<64x128xf32, #tpu.memory_space<vmem>>[vector<16xi32>, vector<16xi32>], vector<16xf32>,
      %add3A_711 = arith.constant 17 : i32
      %add3A_712 = vector.broadcast %add3A_711 : i32 to vector<16xi32>
      %add3A_713 = arith.addi %shift_left3A_6, %add3A_712 : vector<16xi32>
      %get3A_714 = arith.constant 17 : i32
      %get3A_715 = arith.index_cast %get3A_714 : i32 to index
      %get3A_716 = arith.constant 0 : index
      %get3A_717 = tpu.vector_load %arg4[%get3A_715, %get3A_716] {strides = array<i32>} : memref<64x128xf32, #tpu.memory_space<vmem>>, vector<16xf32>,
      tpu.vector_store_idx %arg6[%add3A_9, %add3A_713], %get3A_717 : memref<64x128xf32, #tpu.memory_space<vmem>>[vector<16xi32>, vector<16xi32>], vector<16xf32>,
      %get3A_718 = arith.constant 17 : i32
      %get3A_719 = arith.index_cast %get3A_718 : i32 to index
      %get3A_720 = arith.constant 16 : index
      %get3A_721 = tpu.vector_load %arg4[%get3A_719, %get3A_720] {strides = array<i32>} : memref<64x128xf32, #tpu.memory_space<vmem>>, vector<16xf32>,
      tpu.vector_store_idx %arg6[%add3A_12, %add3A_713], %get3A_721 : memref<64x128xf32, #tpu.memory_space<vmem>>[vector<16xi32>, vector<16xi32>], vector<16xf32>,
      %get3A_722 = arith.constant 17 : i32
      %get3A_723 = arith.index_cast %get3A_722 : i32 to index
      %get3A_724 = arith.constant 32 : index
      %get3A_725 = tpu.vector_load %arg4[%get3A_723, %get3A_724] {strides = array<i32>} : memref<64x128xf32, #tpu.memory_space<vmem>>, vector<16xf32>,
      tpu.vector_store_idx %arg6[%add3A_15, %add3A_713], %get3A_725 : memref<64x128xf32, #tpu.memory_space<vmem>>[vector<16xi32>, vector<16xi32>], vector<16xf32>,
      %get3A_726 = arith.constant 17 : i32
      %get3A_727 = arith.index_cast %get3A_726 : i32 to index
      %get3A_728 = arith.constant 48 : index
      %get3A_729 = tpu.vector_load %arg4[%get3A_727, %get3A_728] {strides = array<i32>} : memref<64x128xf32, #tpu.memory_space<vmem>>, vector<16xf32>,
      tpu.vector_store_idx %arg6[%add3A_18, %add3A_713], %get3A_729 : memref<64x128xf32, #tpu.memory_space<vmem>>[vector<16xi32>, vector<16xi32>], vector<16xf32>,
      %add3A_730 = arith.constant 18 : i32
      %add3A_731 = vector.broadcast %add3A_730 : i32 to vector<16xi32>
      %add3A_732 = arith.addi %shift_left3A_6, %add3A_731 : vector<16xi32>
      %get3A_733 = arith.constant 18 : i32
      %get3A_734 = arith.index_cast %get3A_733 : i32 to index
      %get3A_735 = arith.constant 0 : index
      %get3A_736 = tpu.vector_load %arg4[%get3A_734, %get3A_735] {strides = array<i32>} : memref<64x128xf32, #tpu.memory_space<vmem>>, vector<16xf32>,
      tpu.vector_store_idx %arg6[%add3A_9, %add3A_732], %get3A_736 : memref<64x128xf32, #tpu.memory_space<vmem>>[vector<16xi32>, vector<16xi32>], vector<16xf32>,
      %get3A_737 = arith.constant 18 : i32
      %get3A_738 = arith.index_cast %get3A_737 : i32 to index
      %get3A_739 = arith.constant 16 : index
      %get3A_740 = tpu.vector_load %arg4[%get3A_738, %get3A_739] {strides = array<i32>} : memref<64x128xf32, #tpu.memory_space<vmem>>, vector<16xf32>,
      tpu.vector_store_idx %arg6[%add3A_12, %add3A_732], %get3A_740 : memref<64x128xf32, #tpu.memory_space<vmem>>[vector<16xi32>, vector<16xi32>], vector<16xf32>,
      %get3A_741 = arith.constant 18 : i32
      %get3A_742 = arith.index_cast %get3A_741 : i32 to index
      %get3A_743 = arith.constant 32 : index
      %get3A_744 = tpu.vector_load %arg4[%get3A_742, %get3A_743] {strides = array<i32>} : memref<64x128xf32, #tpu.memory_space<vmem>>, vector<16xf32>,
      tpu.vector_store_idx %arg6[%add3A_15, %add3A_732], %get3A_744 : memref<64x128xf32, #tpu.memory_space<vmem>>[vector<16xi32>, vector<16xi32>], vector<16xf32>,
      %get3A_745 = arith.constant 18 : i32
      %get3A_746 = arith.index_cast %get3A_745 : i32 to index
      %get3A_747 = arith.constant 48 : index
      %get3A_748 = tpu.vector_load %arg4[%get3A_746, %get3A_747] {strides = array<i32>} : memref<64x128xf32, #tpu.memory_space<vmem>>, vector<16xf32>,
      tpu.vector_store_idx %arg6[%add3A_18, %add3A_732], %get3A_748 : memref<64x128xf32, #tpu.memory_space<vmem>>[vector<16xi32>, vector<16xi32>], vector<16xf32>,
      %add3A_749 = arith.constant 19 : i32
      %add3A_750 = vector.broadcast %add3A_749 : i32 to vector<16xi32>
      %add3A_751 = arith.addi %shift_left3A_6, %add3A_750 : vector<16xi32>
      %get3A_752 = arith.constant 19 : i32
      %get3A_753 = arith.index_cast %get3A_752 : i32 to index
      %get3A_754 = arith.constant 0 : index
      %get3A_755 = tpu.vector_load %arg4[%get3A_753, %get3A_754] {strides = array<i32>} : memref<64x128xf32, #tpu.memory_space<vmem>>, vector<16xf32>,
      tpu.vector_store_idx %arg6[%add3A_9, %add3A_751], %get3A_755 : memref<64x128xf32, #tpu.memory_space<vmem>>[vector<16xi32>, vector<16xi32>], vector<16xf32>,
      %get3A_756 = arith.constant 19 : i32
      %get3A_757 = arith.index_cast %get3A_756 : i32 to index
      %get3A_758 = arith.constant 16 : index
      %get3A_759 = tpu.vector_load %arg4[%get3A_757, %get3A_758] {strides = array<i32>} : memref<64x128xf32, #tpu.memory_space<vmem>>, vector<16xf32>,
      tpu.vector_store_idx %arg6[%add3A_12, %add3A_751], %get3A_759 : memref<64x128xf32, #tpu.memory_space<vmem>>[vector<16xi32>, vector<16xi32>], vector<16xf32>,
      %get3A_760 = arith.constant 19 : i32
      %get3A_761 = arith.index_cast %get3A_760 : i32 to index
      %get3A_762 = arith.constant 32 : index
      %get3A_763 = tpu.vector_load %arg4[%get3A_761, %get3A_762] {strides = array<i32>} : memref<64x128xf32, #tpu.memory_space<vmem>>, vector<16xf32>,
      tpu.vector_store_idx %arg6[%add3A_15, %add3A_751], %get3A_763 : memref<64x128xf32, #tpu.memory_space<vmem>>[vector<16xi32>, vector<16xi32>], vector<16xf32>,
      %get3A_764 = arith.constant 19 : i32
      %get3A_765 = arith.index_cast %get3A_764 : i32 to index
      %get3A_766 = arith.constant 48 : index
      %get3A_767 = tpu.vector_load %arg4[%get3A_765, %get3A_766] {strides = array<i32>} : memref<64x128xf32, #tpu.memory_space<vmem>>, vector<16xf32>,
      tpu.vector_store_idx %arg6[%add3A_18, %add3A_751], %get3A_767 : memref<64x128xf32, #tpu.memory_space<vmem>>[vector<16xi32>, vector<16xi32>], vector<16xf32>,
      %add3A_768 = arith.constant 20 : i32
      %add3A_769 = vector.broadcast %add3A_768 : i32 to vector<16xi32>
      %add3A_770 = arith.addi %shift_left3A_6, %add3A_769 : vector<16xi32>
      %get3A_771 = arith.constant 20 : i32
      %get3A_772 = arith.index_cast %get3A_771 : i32 to index
      %get3A_773 = arith.constant 0 : index
      %get3A_774 = tpu.vector_load %arg4[%get3A_772, %get3A_773] {strides = array<i32>} : memref<64x128xf32, #tpu.memory_space<vmem>>, vector<16xf32>,
      tpu.vector_store_idx %arg6[%add3A_9, %add3A_770], %get3A_774 : memref<64x128xf32, #tpu.memory_space<vmem>>[vector<16xi32>, vector<16xi32>], vector<16xf32>,
      %get3A_775 = arith.constant 20 : i32
      %get3A_776 = arith.index_cast %get3A_775 : i32 to index
      %get3A_777 = arith.constant 16 : index
      %get3A_778 = tpu.vector_load %arg4[%get3A_776, %get3A_777] {strides = array<i32>} : memref<64x128xf32, #tpu.memory_space<vmem>>, vector<16xf32>,
      tpu.vector_store_idx %arg6[%add3A_12, %add3A_770], %get3A_778 : memref<64x128xf32, #tpu.memory_space<vmem>>[vector<16xi32>, vector<16xi32>], vector<16xf32>,
      %get3A_779 = arith.constant 20 : i32
      %get3A_780 = arith.index_cast %get3A_779 : i32 to index
      %get3A_781 = arith.constant 32 : index
      %get3A_782 = tpu.vector_load %arg4[%get3A_780, %get3A_781] {strides = array<i32>} : memref<64x128xf32, #tpu.memory_space<vmem>>, vector<16xf32>,
      tpu.vector_store_idx %arg6[%add3A_15, %add3A_770], %get3A_782 : memref<64x128xf32, #tpu.memory_space<vmem>>[vector<16xi32>, vector<16xi32>], vector<16xf32>,
      %get3A_783 = arith.constant 20 : i32
      %get3A_784 = arith.index_cast %get3A_783 : i32 to index
      %get3A_785 = arith.constant 48 : index
      %get3A_786 = tpu.vector_load %arg4[%get3A_784, %get3A_785] {strides = array<i32>} : memref<64x128xf32, #tpu.memory_space<vmem>>, vector<16xf32>,
      tpu.vector_store_idx %arg6[%add3A_18, %add3A_770], %get3A_786 : memref<64x128xf32, #tpu.memory_space<vmem>>[vector<16xi32>, vector<16xi32>], vector<16xf32>,
      %add3A_787 = arith.constant 21 : i32
      %add3A_788 = vector.broadcast %add3A_787 : i32 to vector<16xi32>
      %add3A_789 = arith.addi %shift_left3A_6, %add3A_788 : vector<16xi32>
      %get3A_790 = arith.constant 21 : i32
      %get3A_791 = arith.index_cast %get3A_790 : i32 to index
      %get3A_792 = arith.constant 0 : index
      %get3A_793 = tpu.vector_load %arg4[%get3A_791, %get3A_792] {strides = array<i32>} : memref<64x128xf32, #tpu.memory_space<vmem>>, vector<16xf32>,
      tpu.vector_store_idx %arg6[%add3A_9, %add3A_789], %get3A_793 : memref<64x128xf32, #tpu.memory_space<vmem>>[vector<16xi32>, vector<16xi32>], vector<16xf32>,
      %get3A_794 = arith.constant 21 : i32
      %get3A_795 = arith.index_cast %get3A_794 : i32 to index
      %get3A_796 = arith.constant 16 : index
      %get3A_797 = tpu.vector_load %arg4[%get3A_795, %get3A_796] {strides = array<i32>} : memref<64x128xf32, #tpu.memory_space<vmem>>, vector<16xf32>,
      tpu.vector_store_idx %arg6[%add3A_12, %add3A_789], %get3A_797 : memref<64x128xf32, #tpu.memory_space<vmem>>[vector<16xi32>, vector<16xi32>], vector<16xf32>,
      %get3A_798 = arith.constant 21 : i32
      %get3A_799 = arith.index_cast %get3A_798 : i32 to index
      %get3A_800 = arith.constant 32 : index
      %get3A_801 = tpu.vector_load %arg4[%get3A_799, %get3A_800] {strides = array<i32>} : memref<64x128xf32, #tpu.memory_space<vmem>>, vector<16xf32>,
      tpu.vector_store_idx %arg6[%add3A_15, %add3A_789], %get3A_801 : memref<64x128xf32, #tpu.memory_space<vmem>>[vector<16xi32>, vector<16xi32>], vector<16xf32>,
      %get3A_802 = arith.constant 21 : i32
      %get3A_803 = arith.index_cast %get3A_802 : i32 to index
      %get3A_804 = arith.constant 48 : index
      %get3A_805 = tpu.vector_load %arg4[%get3A_803, %get3A_804] {strides = array<i32>} : memref<64x128xf32, #tpu.memory_space<vmem>>, vector<16xf32>,
      tpu.vector_store_idx %arg6[%add3A_18, %add3A_789], %get3A_805 : memref<64x128xf32, #tpu.memory_space<vmem>>[vector<16xi32>, vector<16xi32>], vector<16xf32>,
      %add3A_806 = arith.constant 22 : i32
      %add3A_807 = vector.broadcast %add3A_806 : i32 to vector<16xi32>
      %add3A_808 = arith.addi %shift_left3A_6, %add3A_807 : vector<16xi32>
      %get3A_809 = arith.constant 22 : i32
      %get3A_810 = arith.index_cast %get3A_809 : i32 to index
      %get3A_811 = arith.constant 0 : index
      %get3A_812 = tpu.vector_load %arg4[%get3A_810, %get3A_811] {strides = array<i32>} : memref<64x128xf32, #tpu.memory_space<vmem>>, vector<16xf32>,
      tpu.vector_store_idx %arg6[%add3A_9, %add3A_808], %get3A_812 : memref<64x128xf32, #tpu.memory_space<vmem>>[vector<16xi32>, vector<16xi32>], vector<16xf32>,
      %get3A_813 = arith.constant 22 : i32
      %get3A_814 = arith.index_cast %get3A_813 : i32 to index
      %get3A_815 = arith.constant 16 : index
      %get3A_816 = tpu.vector_load %arg4[%get3A_814, %get3A_815] {strides = array<i32>} : memref<64x128xf32, #tpu.memory_space<vmem>>, vector<16xf32>,
      tpu.vector_store_idx %arg6[%add3A_12, %add3A_808], %get3A_816 : memref<64x128xf32, #tpu.memory_space<vmem>>[vector<16xi32>, vector<16xi32>], vector<16xf32>,
      %get3A_817 = arith.constant 22 : i32
      %get3A_818 = arith.index_cast %get3A_817 : i32 to index
      %get3A_819 = arith.constant 32 : index
      %get3A_820 = tpu.vector_load %arg4[%get3A_818, %get3A_819] {strides = array<i32>} : memref<64x128xf32, #tpu.memory_space<vmem>>, vector<16xf32>,
      tpu.vector_store_idx %arg6[%add3A_15, %add3A_808], %get3A_820 : memref<64x128xf32, #tpu.memory_space<vmem>>[vector<16xi32>, vector<16xi32>], vector<16xf32>,
      %get3A_821 = arith.constant 22 : i32
      %get3A_822 = arith.index_cast %get3A_821 : i32 to index
      %get3A_823 = arith.constant 48 : index
      %get3A_824 = tpu.vector_load %arg4[%get3A_822, %get3A_823] {strides = array<i32>} : memref<64x128xf32, #tpu.memory_space<vmem>>, vector<16xf32>,
      tpu.vector_store_idx %arg6[%add3A_18, %add3A_808], %get3A_824 : memref<64x128xf32, #tpu.memory_space<vmem>>[vector<16xi32>, vector<16xi32>], vector<16xf32>,
      %add3A_825 = arith.constant 23 : i32
      %add3A_826 = vector.broadcast %add3A_825 : i32 to vector<16xi32>
      %add3A_827 = arith.addi %shift_left3A_6, %add3A_826 : vector<16xi32>
      %get3A_828 = arith.constant 23 : i32
      %get3A_829 = arith.index_cast %get3A_828 : i32 to index
      %get3A_830 = arith.constant 0 : index
      %get3A_831 = tpu.vector_load %arg4[%get3A_829, %get3A_830] {strides = array<i32>} : memref<64x128xf32, #tpu.memory_space<vmem>>, vector<16xf32>,
      tpu.vector_store_idx %arg6[%add3A_9, %add3A_827], %get3A_831 : memref<64x128xf32, #tpu.memory_space<vmem>>[vector<16xi32>, vector<16xi32>], vector<16xf32>,
      %get3A_832 = arith.constant 23 : i32
      %get3A_833 = arith.index_cast %get3A_832 : i32 to index
      %get3A_834 = arith.constant 16 : index
      %get3A_835 = tpu.vector_load %arg4[%get3A_833, %get3A_834] {strides = array<i32>} : memref<64x128xf32, #tpu.memory_space<vmem>>, vector<16xf32>,
      tpu.vector_store_idx %arg6[%add3A_12, %add3A_827], %get3A_835 : memref<64x128xf32, #tpu.memory_space<vmem>>[vector<16xi32>, vector<16xi32>], vector<16xf32>,
      %get3A_836 = arith.constant 23 : i32
      %get3A_837 = arith.index_cast %get3A_836 : i32 to index
      %get3A_838 = arith.constant 32 : index
      %get3A_839 = tpu.vector_load %arg4[%get3A_837, %get3A_838] {strides = array<i32>} : memref<64x128xf32, #tpu.memory_space<vmem>>, vector<16xf32>,
      tpu.vector_store_idx %arg6[%add3A_15, %add3A_827], %get3A_839 : memref<64x128xf32, #tpu.memory_space<vmem>>[vector<16xi32>, vector<16xi32>], vector<16xf32>,
      %get3A_840 = arith.constant 23 : i32
      %get3A_841 = arith.index_cast %get3A_840 : i32 to index
      %get3A_842 = arith.constant 48 : index
      %get3A_843 = tpu.vector_load %arg4[%get3A_841, %get3A_842] {strides = array<i32>} : memref<64x128xf32, #tpu.memory_space<vmem>>, vector<16xf32>,
      tpu.vector_store_idx %arg6[%add3A_18, %add3A_827], %get3A_843 : memref<64x128xf32, #tpu.memory_space<vmem>>[vector<16xi32>, vector<16xi32>], vector<16xf32>,
      %add3A_844 = arith.constant 24 : i32
      %add3A_845 = vector.broadcast %add3A_844 : i32 to vector<16xi32>
      %add3A_846 = arith.addi %shift_left3A_6, %add3A_845 : vector<16xi32>
      %get3A_847 = arith.constant 24 : i32
      %get3A_848 = arith.index_cast %get3A_847 : i32 to index
      %get3A_849 = arith.constant 0 : index
      %get3A_850 = tpu.vector_load %arg4[%get3A_848, %get3A_849] {strides = array<i32>} : memref<64x128xf32, #tpu.memory_space<vmem>>, vector<16xf32>,
      tpu.vector_store_idx %arg6[%add3A_9, %add3A_846], %get3A_850 : memref<64x128xf32, #tpu.memory_space<vmem>>[vector<16xi32>, vector<16xi32>], vector<16xf32>,
      %get3A_851 = arith.constant 24 : i32
      %get3A_852 = arith.index_cast %get3A_851 : i32 to index
      %get3A_853 = arith.constant 16 : index
      %get3A_854 = tpu.vector_load %arg4[%get3A_852, %get3A_853] {strides = array<i32>} : memref<64x128xf32, #tpu.memory_space<vmem>>, vector<16xf32>,
      tpu.vector_store_idx %arg6[%add3A_12, %add3A_846], %get3A_854 : memref<64x128xf32, #tpu.memory_space<vmem>>[vector<16xi32>, vector<16xi32>], vector<16xf32>,
      %get3A_855 = arith.constant 24 : i32
      %get3A_856 = arith.index_cast %get3A_855 : i32 to index
      %get3A_857 = arith.constant 32 : index
      %get3A_858 = tpu.vector_load %arg4[%get3A_856, %get3A_857] {strides = array<i32>} : memref<64x128xf32, #tpu.memory_space<vmem>>, vector<16xf32>,
      tpu.vector_store_idx %arg6[%add3A_15, %add3A_846], %get3A_858 : memref<64x128xf32, #tpu.memory_space<vmem>>[vector<16xi32>, vector<16xi32>], vector<16xf32>,
      %get3A_859 = arith.constant 24 : i32
      %get3A_860 = arith.index_cast %get3A_859 : i32 to index
      %get3A_861 = arith.constant 48 : index
      %get3A_862 = tpu.vector_load %arg4[%get3A_860, %get3A_861] {strides = array<i32>} : memref<64x128xf32, #tpu.memory_space<vmem>>, vector<16xf32>,
      tpu.vector_store_idx %arg6[%add3A_18, %add3A_846], %get3A_862 : memref<64x128xf32, #tpu.memory_space<vmem>>[vector<16xi32>, vector<16xi32>], vector<16xf32>,
      %add3A_863 = arith.constant 25 : i32
      %add3A_864 = vector.broadcast %add3A_863 : i32 to vector<16xi32>
      %add3A_865 = arith.addi %shift_left3A_6, %add3A_864 : vector<16xi32>
      %get3A_866 = arith.constant 25 : i32
      %get3A_867 = arith.index_cast %get3A_866 : i32 to index
      %get3A_868 = arith.constant 0 : index
      %get3A_869 = tpu.vector_load %arg4[%get3A_867, %get3A_868] {strides = array<i32>} : memref<64x128xf32, #tpu.memory_space<vmem>>, vector<16xf32>,
      tpu.vector_store_idx %arg6[%add3A_9, %add3A_865], %get3A_869 : memref<64x128xf32, #tpu.memory_space<vmem>>[vector<16xi32>, vector<16xi32>], vector<16xf32>,
      %get3A_870 = arith.constant 25 : i32
      %get3A_871 = arith.index_cast %get3A_870 : i32 to index
      %get3A_872 = arith.constant 16 : index
      %get3A_873 = tpu.vector_load %arg4[%get3A_871, %get3A_872] {strides = array<i32>} : memref<64x128xf32, #tpu.memory_space<vmem>>, vector<16xf32>,
      tpu.vector_store_idx %arg6[%add3A_12, %add3A_865], %get3A_873 : memref<64x128xf32, #tpu.memory_space<vmem>>[vector<16xi32>, vector<16xi32>], vector<16xf32>,
      %get3A_874 = arith.constant 25 : i32
      %get3A_875 = arith.index_cast %get3A_874 : i32 to index
      %get3A_876 = arith.constant 32 : index
      %get3A_877 = tpu.vector_load %arg4[%get3A_875, %get3A_876] {strides = array<i32>} : memref<64x128xf32, #tpu.memory_space<vmem>>, vector<16xf32>,
      tpu.vector_store_idx %arg6[%add3A_15, %add3A_865], %get3A_877 : memref<64x128xf32, #tpu.memory_space<vmem>>[vector<16xi32>, vector<16xi32>], vector<16xf32>,
      %get3A_878 = arith.constant 25 : i32
      %get3A_879 = arith.index_cast %get3A_878 : i32 to index
      %get3A_880 = arith.constant 48 : index
      %get3A_881 = tpu.vector_load %arg4[%get3A_879, %get3A_880] {strides = array<i32>} : memref<64x128xf32, #tpu.memory_space<vmem>>, vector<16xf32>,
      tpu.vector_store_idx %arg6[%add3A_18, %add3A_865], %get3A_881 : memref<64x128xf32, #tpu.memory_space<vmem>>[vector<16xi32>, vector<16xi32>], vector<16xf32>,
      %add3A_882 = arith.constant 26 : i32
      %add3A_883 = vector.broadcast %add3A_882 : i32 to vector<16xi32>
      %add3A_884 = arith.addi %shift_left3A_6, %add3A_883 : vector<16xi32>
      %get3A_885 = arith.constant 26 : i32
      %get3A_886 = arith.index_cast %get3A_885 : i32 to index
      %get3A_887 = arith.constant 0 : index
      %get3A_888 = tpu.vector_load %arg4[%get3A_886, %get3A_887] {strides = array<i32>} : memref<64x128xf32, #tpu.memory_space<vmem>>, vector<16xf32>,
      tpu.vector_store_idx %arg6[%add3A_9, %add3A_884], %get3A_888 : memref<64x128xf32, #tpu.memory_space<vmem>>[vector<16xi32>, vector<16xi32>], vector<16xf32>,
      %get3A_889 = arith.constant 26 : i32
      %get3A_890 = arith.index_cast %get3A_889 : i32 to index
      %get3A_891 = arith.constant 16 : index
      %get3A_892 = tpu.vector_load %arg4[%get3A_890, %get3A_891] {strides = array<i32>} : memref<64x128xf32, #tpu.memory_space<vmem>>, vector<16xf32>,
      tpu.vector_store_idx %arg6[%add3A_12, %add3A_884], %get3A_892 : memref<64x128xf32, #tpu.memory_space<vmem>>[vector<16xi32>, vector<16xi32>], vector<16xf32>,
      %get3A_893 = arith.constant 26 : i32
      %get3A_894 = arith.index_cast %get3A_893 : i32 to index
      %get3A_895 = arith.constant 32 : index
      %get3A_896 = tpu.vector_load %arg4[%get3A_894, %get3A_895] {strides = array<i32>} : memref<64x128xf32, #tpu.memory_space<vmem>>, vector<16xf32>,
      tpu.vector_store_idx %arg6[%add3A_15, %add3A_884], %get3A_896 : memref<64x128xf32, #tpu.memory_space<vmem>>[vector<16xi32>, vector<16xi32>], vector<16xf32>,
      %get3A_897 = arith.constant 26 : i32
      %get3A_898 = arith.index_cast %get3A_897 : i32 to index
      %get3A_899 = arith.constant 48 : index
      %get3A_900 = tpu.vector_load %arg4[%get3A_898, %get3A_899] {strides = array<i32>} : memref<64x128xf32, #tpu.memory_space<vmem>>, vector<16xf32>,
      tpu.vector_store_idx %arg6[%add3A_18, %add3A_884], %get3A_900 : memref<64x128xf32, #tpu.memory_space<vmem>>[vector<16xi32>, vector<16xi32>], vector<16xf32>,
      %add3A_901 = arith.constant 27 : i32
      %add3A_902 = vector.broadcast %add3A_901 : i32 to vector<16xi32>
      %add3A_903 = arith.addi %shift_left3A_6, %add3A_902 : vector<16xi32>
      %get3A_904 = arith.constant 27 : i32
      %get3A_905 = arith.index_cast %get3A_904 : i32 to index
      %get3A_906 = arith.constant 0 : index
      %get3A_907 = tpu.vector_load %arg4[%get3A_905, %get3A_906] {strides = array<i32>} : memref<64x128xf32, #tpu.memory_space<vmem>>, vector<16xf32>,
      tpu.vector_store_idx %arg6[%add3A_9, %add3A_903], %get3A_907 : memref<64x128xf32, #tpu.memory_space<vmem>>[vector<16xi32>, vector<16xi32>], vector<16xf32>,
      %get3A_908 = arith.constant 27 : i32
      %get3A_909 = arith.index_cast %get3A_908 : i32 to index
      %get3A_910 = arith.constant 16 : index
      %get3A_911 = tpu.vector_load %arg4[%get3A_909, %get3A_910] {strides = array<i32>} : memref<64x128xf32, #tpu.memory_space<vmem>>, vector<16xf32>,
      tpu.vector_store_idx %arg6[%add3A_12, %add3A_903], %get3A_911 : memref<64x128xf32, #tpu.memory_space<vmem>>[vector<16xi32>, vector<16xi32>], vector<16xf32>,
      %get3A_912 = arith.constant 27 : i32
      %get3A_913 = arith.index_cast %get3A_912 : i32 to index
      %get3A_914 = arith.constant 32 : index
      %get3A_915 = tpu.vector_load %arg4[%get3A_913, %get3A_914] {strides = array<i32>} : memref<64x128xf32, #tpu.memory_space<vmem>>, vector<16xf32>,
      tpu.vector_store_idx %arg6[%add3A_15, %add3A_903], %get3A_915 : memref<64x128xf32, #tpu.memory_space<vmem>>[vector<16xi32>, vector<16xi32>], vector<16xf32>,
      %get3A_916 = arith.constant 27 : i32
      %get3A_917 = arith.index_cast %get3A_916 : i32 to index
      %get3A_918 = arith.constant 48 : index
      %get3A_919 = tpu.vector_load %arg4[%get3A_917, %get3A_918] {strides = array<i32>} : memref<64x128xf32, #tpu.memory_space<vmem>>, vector<16xf32>,
      tpu.vector_store_idx %arg6[%add3A_18, %add3A_903], %get3A_919 : memref<64x128xf32, #tpu.memory_space<vmem>>[vector<16xi32>, vector<16xi32>], vector<16xf32>,
      %add3A_920 = arith.constant 28 : i32
      %add3A_921 = vector.broadcast %add3A_920 : i32 to vector<16xi32>
      %add3A_922 = arith.addi %shift_left3A_6, %add3A_921 : vector<16xi32>
      %get3A_923 = arith.constant 28 : i32
      %get3A_924 = arith.index_cast %get3A_923 : i32 to index
      %get3A_925 = arith.constant 0 : index
      %get3A_926 = tpu.vector_load %arg4[%get3A_924, %get3A_925] {strides = array<i32>} : memref<64x128xf32, #tpu.memory_space<vmem>>, vector<16xf32>,
      tpu.vector_store_idx %arg6[%add3A_9, %add3A_922], %get3A_926 : memref<64x128xf32, #tpu.memory_space<vmem>>[vector<16xi32>, vector<16xi32>], vector<16xf32>,
      %get3A_927 = arith.constant 28 : i32
      %get3A_928 = arith.index_cast %get3A_927 : i32 to index
      %get3A_929 = arith.constant 16 : index
      %get3A_930 = tpu.vector_load %arg4[%get3A_928, %get3A_929] {strides = array<i32>} : memref<64x128xf32, #tpu.memory_space<vmem>>, vector<16xf32>,
      tpu.vector_store_idx %arg6[%add3A_12, %add3A_922], %get3A_930 : memref<64x128xf32, #tpu.memory_space<vmem>>[vector<16xi32>, vector<16xi32>], vector<16xf32>,
      %get3A_931 = arith.constant 28 : i32
      %get3A_932 = arith.index_cast %get3A_931 : i32 to index
      %get3A_933 = arith.constant 32 : index
      %get3A_934 = tpu.vector_load %arg4[%get3A_932, %get3A_933] {strides = array<i32>} : memref<64x128xf32, #tpu.memory_space<vmem>>, vector<16xf32>,
      tpu.vector_store_idx %arg6[%add3A_15, %add3A_922], %get3A_934 : memref<64x128xf32, #tpu.memory_space<vmem>>[vector<16xi32>, vector<16xi32>], vector<16xf32>,
      %get3A_935 = arith.constant 28 : i32
      %get3A_936 = arith.index_cast %get3A_935 : i32 to index
      %get3A_937 = arith.constant 48 : index
      %get3A_938 = tpu.vector_load %arg4[%get3A_936, %get3A_937] {strides = array<i32>} : memref<64x128xf32, #tpu.memory_space<vmem>>, vector<16xf32>,
      tpu.vector_store_idx %arg6[%add3A_18, %add3A_922], %get3A_938 : memref<64x128xf32, #tpu.memory_space<vmem>>[vector<16xi32>, vector<16xi32>], vector<16xf32>,
      %add3A_939 = arith.constant 29 : i32
      %add3A_940 = vector.broadcast %add3A_939 : i32 to vector<16xi32>
      %add3A_941 = arith.addi %shift_left3A_6, %add3A_940 : vector<16xi32>
      %get3A_942 = arith.constant 29 : i32
      %get3A_943 = arith.index_cast %get3A_942 : i32 to index
      %get3A_944 = arith.constant 0 : index
      %get3A_945 = tpu.vector_load %arg4[%get3A_943, %get3A_944] {strides = array<i32>} : memref<64x128xf32, #tpu.memory_space<vmem>>, vector<16xf32>,
      tpu.vector_store_idx %arg6[%add3A_9, %add3A_941], %get3A_945 : memref<64x128xf32, #tpu.memory_space<vmem>>[vector<16xi32>, vector<16xi32>], vector<16xf32>,
      %get3A_946 = arith.constant 29 : i32
      %get3A_947 = arith.index_cast %get3A_946 : i32 to index
      %get3A_948 = arith.constant 16 : index
      %get3A_949 = tpu.vector_load %arg4[%get3A_947, %get3A_948] {strides = array<i32>} : memref<64x128xf32, #tpu.memory_space<vmem>>, vector<16xf32>,
      tpu.vector_store_idx %arg6[%add3A_12, %add3A_941], %get3A_949 : memref<64x128xf32, #tpu.memory_space<vmem>>[vector<16xi32>, vector<16xi32>], vector<16xf32>,
      %get3A_950 = arith.constant 29 : i32
      %get3A_951 = arith.index_cast %get3A_950 : i32 to index
      %get3A_952 = arith.constant 32 : index
      %get3A_953 = tpu.vector_load %arg4[%get3A_951, %get3A_952] {strides = array<i32>} : memref<64x128xf32, #tpu.memory_space<vmem>>, vector<16xf32>,
      tpu.vector_store_idx %arg6[%add3A_15, %add3A_941], %get3A_953 : memref<64x128xf32, #tpu.memory_space<vmem>>[vector<16xi32>, vector<16xi32>], vector<16xf32>,
      %get3A_954 = arith.constant 29 : i32
      %get3A_955 = arith.index_cast %get3A_954 : i32 to index
      %get3A_956 = arith.constant 48 : index
      %get3A_957 = tpu.vector_load %arg4[%get3A_955, %get3A_956] {strides = array<i32>} : memref<64x128xf32, #tpu.memory_space<vmem>>, vector<16xf32>,
      tpu.vector_store_idx %arg6[%add3A_18, %add3A_941], %get3A_957 : memref<64x128xf32, #tpu.memory_space<vmem>>[vector<16xi32>, vector<16xi32>], vector<16xf32>,
      %add3A_958 = arith.constant 30 : i32
      %add3A_959 = vector.broadcast %add3A_958 : i32 to vector<16xi32>
      %add3A_960 = arith.addi %shift_left3A_6, %add3A_959 : vector<16xi32>
      %get3A_961 = arith.constant 30 : i32
      %get3A_962 = arith.index_cast %get3A_961 : i32 to index
      %get3A_963 = arith.constant 0 : index
      %get3A_964 = tpu.vector_load %arg4[%get3A_962, %get3A_963] {strides = array<i32>} : memref<64x128xf32, #tpu.memory_space<vmem>>, vector<16xf32>,
      tpu.vector_store_idx %arg6[%add3A_9, %add3A_960], %get3A_964 : memref<64x128xf32, #tpu.memory_space<vmem>>[vector<16xi32>, vector<16xi32>], vector<16xf32>,
      %get3A_965 = arith.constant 30 : i32
      %get3A_966 = arith.index_cast %get3A_965 : i32 to index
      %get3A_967 = arith.constant 16 : index
      %get3A_968 = tpu.vector_load %arg4[%get3A_966, %get3A_967] {strides = array<i32>} : memref<64x128xf32, #tpu.memory_space<vmem>>, vector<16xf32>,
      tpu.vector_store_idx %arg6[%add3A_12, %add3A_960], %get3A_968 : memref<64x128xf32, #tpu.memory_space<vmem>>[vector<16xi32>, vector<16xi32>], vector<16xf32>,
      %get3A_969 = arith.constant 30 : i32
      %get3A_970 = arith.index_cast %get3A_969 : i32 to index
      %get3A_971 = arith.constant 32 : index
      %get3A_972 = tpu.vector_load %arg4[%get3A_970, %get3A_971] {strides = array<i32>} : memref<64x128xf32, #tpu.memory_space<vmem>>, vector<16xf32>,
      tpu.vector_store_idx %arg6[%add3A_15, %add3A_960], %get3A_972 : memref<64x128xf32, #tpu.memory_space<vmem>>[vector<16xi32>, vector<16xi32>], vector<16xf32>,
      %get3A_973 = arith.constant 30 : i32
      %get3A_974 = arith.index_cast %get3A_973 : i32 to index
      %get3A_975 = arith.constant 48 : index
      %get3A_976 = tpu.vector_load %arg4[%get3A_974, %get3A_975] {strides = array<i32>} : memref<64x128xf32, #tpu.memory_space<vmem>>, vector<16xf32>,
      tpu.vector_store_idx %arg6[%add3A_18, %add3A_960], %get3A_976 : memref<64x128xf32, #tpu.memory_space<vmem>>[vector<16xi32>, vector<16xi32>], vector<16xf32>,
      %add3A_977 = arith.constant 31 : i32
      %add3A_978 = vector.broadcast %add3A_977 : i32 to vector<16xi32>
      %add3A_979 = arith.addi %shift_left3A_6, %add3A_978 : vector<16xi32>
      %get3A_980 = arith.constant 31 : i32
      %get3A_981 = arith.index_cast %get3A_980 : i32 to index
      %get3A_982 = arith.constant 0 : index
      %get3A_983 = tpu.vector_load %arg4[%get3A_981, %get3A_982] {strides = array<i32>} : memref<64x128xf32, #tpu.memory_space<vmem>>, vector<16xf32>,
      tpu.vector_store_idx %arg6[%add3A_9, %add3A_979], %get3A_983 : memref<64x128xf32, #tpu.memory_space<vmem>>[vector<16xi32>, vector<16xi32>], vector<16xf32>,
      %get3A_984 = arith.constant 31 : i32
      %get3A_985 = arith.index_cast %get3A_984 : i32 to index
      %get3A_986 = arith.constant 16 : index
      %get3A_987 = tpu.vector_load %arg4[%get3A_985, %get3A_986] {strides = array<i32>} : memref<64x128xf32, #tpu.memory_space<vmem>>, vector<16xf32>,
      tpu.vector_store_idx %arg6[%add3A_12, %add3A_979], %get3A_987 : memref<64x128xf32, #tpu.memory_space<vmem>>[vector<16xi32>, vector<16xi32>], vector<16xf32>,
      %get3A_988 = arith.constant 31 : i32
      %get3A_989 = arith.index_cast %get3A_988 : i32 to index
      %get3A_990 = arith.constant 32 : index
      %get3A_991 = tpu.vector_load %arg4[%get3A_989, %get3A_990] {strides = array<i32>} : memref<64x128xf32, #tpu.memory_space<vmem>>, vector<16xf32>,
      tpu.vector_store_idx %arg6[%add3A_15, %add3A_979], %get3A_991 : memref<64x128xf32, #tpu.memory_space<vmem>>[vector<16xi32>, vector<16xi32>], vector<16xf32>,
      %get3A_992 = arith.constant 31 : i32
      %get3A_993 = arith.index_cast %get3A_992 : i32 to index
      %get3A_994 = arith.constant 48 : index
      %get3A_995 = tpu.vector_load %arg4[%get3A_993, %get3A_994] {strides = array<i32>} : memref<64x128xf32, #tpu.memory_space<vmem>>, vector<16xf32>,
      tpu.vector_store_idx %arg6[%add3A_18, %add3A_979], %get3A_995 : memref<64x128xf32, #tpu.memory_space<vmem>>[vector<16xi32>, vector<16xi32>], vector<16xf32>,
      %dma_start3A_996 = arith.constant 0 : i32
      %dma_start3A_997 = arith.constant 0 : i32
      %dma_start3A_998 = tpu.memref_slice %arg6[%dma_start3A_996, %dma_start3A_997] : memref<64x128xf32, #tpu.memory_space<vmem>> -> memref<16x128xf32, #tpu.memory_space<vmem>>
      %dma_start3A_999 = arith.constant 249984 : i32
      %dma_start3A_1000 = arith.constant 0 : i32
      %dma_start3A_1001 = tpu.memref_slice %arg3[%dma_start3A_999, %dma_start3A_1000] : memref<250048x128xf32, #tpu.memory_space<hbm>> -> memref<16x128xf32, #tpu.memory_space<hbm>>
      %dma_start3A_1002 = arith.constant 249984 : i32
      %dma_start3A_1003 = arith.constant 0 : i32
      %dma_start3A_1004 = tpu.memref_slice %arg3[%dma_start3A_1002, %dma_start3A_1003] : memref<250048x128xf32, #tpu.memory_space<hbm>> -> memref<16x128xf32, #tpu.memory_space<hbm>>
      %dma_start3A_1005 = arith.constant 0 : i32
      %dma_start3A_1006 = arith.constant 0 : i32
      %dma_start3A_1007 = tpu.memref_slice %arg6[%dma_start3A_1005, %dma_start3A_1006] : memref<64x128xf32, #tpu.memory_space<vmem>> -> memref<16x128xf32, #tpu.memory_space<vmem>>
      tpu.enqueue_dma source(%dma_start3A_1007 : memref<16x128xf32, #tpu.memory_space<vmem>>) target(%dma_start3A_1004 : memref<16x128xf32, #tpu.memory_space<hbm>>) target_semaphore(%arg10 : memref<!tpu.dma_semaphore, #tpu.memory_space<semaphore_mem>>)
      %dma_wait3A_1008 = arith.constant 0 : i32
      %dma_wait3A_1009 = arith.constant 0 : i32
      %dma_wait3A_1010 = tpu.memref_slice %arg6[%dma_wait3A_1008, %dma_wait3A_1009] : memref<64x128xf32, #tpu.memory_space<vmem>> -> memref<16x128xf32, #tpu.memory_space<vmem>>
      %dma_wait3A_1011 = arith.constant 0 : i32
      %dma_wait3A_1012 = arith.constant 0 : i32
      %dma_wait3A_1013 = tpu.memref_slice %arg3[%dma_wait3A_1011, %dma_wait3A_1012] : memref<250048x128xf32, #tpu.memory_space<hbm>> -> memref<16x128xf32, #tpu.memory_space<hbm>>
      %dma_wait3A_1014 = arith.constant 0 : i32
      %dma_wait3A_1015 = arith.constant 0 : i32
      %dma_wait3A_1016 = tpu.memref_slice %arg3[%dma_wait3A_1014, %dma_wait3A_1015] : memref<250048x128xf32, #tpu.memory_space<hbm>> -> memref<16x128xf32, #tpu.memory_space<hbm>>
      %dma_wait3A_1017 = arith.constant 0 : i32
      %dma_wait3A_1018 = arith.constant 0 : i32
      %dma_wait3A_1019 = tpu.memref_slice %arg6[%dma_wait3A_1017, %dma_wait3A_1018] : memref<64x128xf32, #tpu.memory_space<vmem>> -> memref<16x128xf32, #tpu.memory_space<vmem>>
      tpu.wait_dma2 semaphore(%arg10 : memref<!tpu.dma_semaphore, #tpu.memory_space<semaphore_mem>>) src(%dma_wait3A_1019 : memref<16x128xf32, #tpu.memory_space<vmem>>) dst(%dma_wait3A_1016 : memref<16x128xf32, #tpu.memory_space<hbm>>)
    } else {
    }
    return
  }
}

#map = affine_map<(d0, d1) -> (0, 0)>
#map1 = affine_map<(d0, d1) -> (0, 0, 0)>
module attributes {stable_mosaic.version = 14 : i64} {
  func.func @_gather(%arg0: i32, %arg1: i32, %arg2: memref<50x16384xi32, #tpu.memory_space<hbm>>, %arg3: memref<250048x128xf32, #tpu.memory_space<hbm>>, %arg4: memref<50x32x16384xf32, #tpu.memory_space<hbm>>, %arg5: memref<128xi32, #tpu.memory_space<vmem>>, %arg6: memref<128xi32, #tpu.memory_space<vmem>>, %arg7: memref<128xi32, #tpu.memory_space<vmem>>, %arg8: memref<128xi32, #tpu.memory_space<vmem>>, %arg9: memref<128xi32, #tpu.memory_space<vmem>>, %arg10: memref<128xi32, #tpu.memory_space<vmem>>, %arg11: memref<128x128xf32, #tpu.memory_space<vmem>>, %arg12: memref<128x128xf32, #tpu.memory_space<vmem>>, %arg13: memref<32x128xf32, #tpu.memory_space<vmem>>, %arg14: memref<32x128xf32, #tpu.memory_space<vmem>>, %arg15: memref<!tpu.dma_semaphore, #tpu.memory_space<semaphore_mem>>, %arg16: memref<!tpu.dma_semaphore, #tpu.memory_space<semaphore_mem>>, %arg17: memref<!tpu.dma_semaphore, #tpu.memory_space<semaphore_mem>>, %arg18: memref<!tpu.dma_semaphore, #tpu.memory_space<semaphore_mem>>, %arg19: memref<!tpu.dma_semaphore, #tpu.memory_space<semaphore_mem>>, %arg20: memref<!tpu.dma_semaphore, #tpu.memory_space<semaphore_mem>>) attributes {dimension_semantics = [#tpu.dimension_semantics<core_parallel>, #tpu.dimension_semantics<subcore_parallel>], iteration_bounds = array<i64: 2, 16>, scalar_prefetch = 0 : i64, scratch_operands = 16 : i64, tpu.core_type = #tpu.core_type<sc_vector_subcore>, window_params = [{transform_indices = #map}, {transform_indices = #map}, {transform_indices = #map1}]} {
    %mul3A = arith.constant 2 : i32
    %mul3A_0 = arith.muli %arg1, %mul3A : i32
    %add3A = arith.addi %mul3A_0, %arg0 : i32
    %iota3A = tpu.iota {dimensions = array<i32: 0>} : vector<16xi32>
    %add3A_1 = arith.constant 0 : i32
    %add3A_2 = vector.broadcast %add3A_1 : i32 to vector<16xi32>
    %add3A_3 = arith.addi %iota3A, %add3A_2 : vector<16xi32>
    %add3A_4 = arith.constant 16 : i32
    %add3A_5 = vector.broadcast %add3A_4 : i32 to vector<16xi32>
    %add3A_6 = arith.addi %iota3A, %add3A_5 : vector<16xi32>
    %add3A_7 = arith.constant 32 : i32
    %add3A_8 = vector.broadcast %add3A_7 : i32 to vector<16xi32>
    %add3A_9 = arith.addi %iota3A, %add3A_8 : vector<16xi32>
    %add3A_10 = arith.constant 48 : i32
    %add3A_11 = vector.broadcast %add3A_10 : i32 to vector<16xi32>
    %add3A_12 = arith.addi %iota3A, %add3A_11 : vector<16xi32>
    %add3A_13 = arith.constant 64 : i32
    %add3A_14 = vector.broadcast %add3A_13 : i32 to vector<16xi32>
    %add3A_15 = arith.addi %iota3A, %add3A_14 : vector<16xi32>
    %add3A_16 = arith.constant 80 : i32
    %add3A_17 = vector.broadcast %add3A_16 : i32 to vector<16xi32>
    %add3A_18 = arith.addi %iota3A, %add3A_17 : vector<16xi32>
    %add3A_19 = arith.constant 96 : i32
    %add3A_20 = vector.broadcast %add3A_19 : i32 to vector<16xi32>
    %add3A_21 = arith.addi %iota3A, %add3A_20 : vector<16xi32>
    %add3A_22 = arith.constant 112 : i32
    %add3A_23 = vector.broadcast %add3A_22 : i32 to vector<16xi32>
    %add3A_24 = arith.addi %iota3A, %add3A_23 : vector<16xi32>
    %mul3A_25 = arith.constant 200 : i32
    %mul3A_26 = arith.muli %add3A, %mul3A_25 : i32
    %add3A_27 = arith.constant 0 : i32
    %add3A_28 = arith.addi %mul3A_26, %add3A_27 : i32
    %jit3A = arith.constant 128 : i32
    %div3A = arith.divsi %add3A_28, %jit3A : i32
    %sign3A = arith.constant 0 : i32
    %sign3A_29 = arith.cmpi sgt, %add3A_28, %sign3A : i32
    %sign3A_30 = arith.extui %sign3A_29 : i1 to i32
    %sign3A_31 = arith.constant 0 : i32
    %sign3A_32 = arith.cmpi slt, %add3A_28, %sign3A_31 : i32
    %sign3A_33 = arith.extui %sign3A_32 : i1 to i32
    %sign3A_34 = arith.subi %sign3A_30, %sign3A_33 : i32
    %sign3A_35 = arith.constant 0 : i32
    %sign3A_36 = arith.cmpi sgt, %jit3A, %sign3A_35 : i32
    %sign3A_37 = arith.extui %sign3A_36 : i1 to i32
    %sign3A_38 = arith.constant 0 : i32
    %sign3A_39 = arith.cmpi slt, %jit3A, %sign3A_38 : i32
    %sign3A_40 = arith.extui %sign3A_39 : i1 to i32
    %sign3A_41 = arith.subi %sign3A_37, %sign3A_40 : i32
    %ne3A = arith.cmpi ne, %sign3A_34, %sign3A_41 : i32
    %rem3A = arith.remsi %add3A_28, %jit3A : i32
    %ne3A_42 = arith.constant 0 : i32
    %ne3A_43 = arith.cmpi ne, %rem3A, %ne3A_42 : i32
    %and3A = arith.andi %ne3A, %ne3A_43 : i1
    %sub3A = arith.constant 1 : i32
    %sub3A_44 = arith.subi %div3A, %sub3A : i32
    %select_n3A = arith.select %and3A, %sub3A_44, %div3A : i32
    %jit3A_45 = arith.constant 128 : i32
    %eq3A = arith.constant 0 : i32
    %eq3A_46 = arith.cmpi eq, %jit3A_45, %eq3A : i32
    %jit3A_47 = arith.constant 1 : i32
    %select_n3A_48 = arith.select %eq3A_46, %jit3A_47, %jit3A_45 : i32
    %rem3A_49 = arith.remsi %add3A_28, %select_n3A_48 : i32
    %ne3A_50 = arith.constant 0 : i32
    %ne3A_51 = arith.cmpi ne, %rem3A_49, %ne3A_50 : i32
    %lt3A = arith.constant 0 : i32
    %lt3A_52 = arith.cmpi slt, %rem3A_49, %lt3A : i32
    %lt3A_53 = arith.constant 0 : i32
    %lt3A_54 = arith.cmpi slt, %select_n3A_48, %lt3A_53 : i32
    %ne3A_55 = arith.xori %lt3A_52, %lt3A_54 : i1
    %and3A_56 = arith.andi %ne3A_55, %ne3A_51 : i1
    %add3A_57 = arith.addi %rem3A_49, %select_n3A_48 : i32
    %select_n3A_58 = arith.select %and3A_56, %add3A_57, %rem3A_49 : i32
    %mul3A_59 = arith.constant 128 : i32
    %mul3A_60 = arith.muli %select_n3A_58, %mul3A_59 : i32
    %multiple_of3A = tpu.assume_multiple %mul3A_60, 128 : i32
    %dma_start3A = tpu.memref_slice %arg2[%select_n3A, %multiple_of3A] : memref<50x16384xi32, #tpu.memory_space<hbm>> -> memref<1x128xi32, #tpu.memory_space<hbm>>
    %dma_start3A_61 = tpu.memref_squeeze %dma_start3A : memref<1x128xi32, #tpu.memory_space<hbm>> -> memref<128xi32, #tpu.memory_space<hbm>>
    %dma_start3A_62 = tpu.memref_slice %arg2[%select_n3A, %multiple_of3A] : memref<50x16384xi32, #tpu.memory_space<hbm>> -> memref<1x128xi32, #tpu.memory_space<hbm>>
    %dma_start3A_63 = tpu.memref_squeeze %dma_start3A_62 : memref<1x128xi32, #tpu.memory_space<hbm>> -> memref<128xi32, #tpu.memory_space<hbm>>
    tpu.enqueue_dma source(%dma_start3A_63 : memref<128xi32, #tpu.memory_space<hbm>>) target(%arg5 : memref<128xi32, #tpu.memory_space<vmem>>) target_semaphore(%arg15 : memref<!tpu.dma_semaphore, #tpu.memory_space<semaphore_mem>>)
    %mul3A_64 = arith.constant 200 : i32
    %mul3A_65 = arith.muli %add3A, %mul3A_64 : i32
    %add3A_66 = arith.constant 1 : i32
    %add3A_67 = arith.addi %mul3A_65, %add3A_66 : i32
    %jit3A_68 = arith.constant 128 : i32
    %div3A_69 = arith.divsi %add3A_67, %jit3A_68 : i32
    %sign3A_70 = arith.constant 0 : i32
    %sign3A_71 = arith.cmpi sgt, %add3A_67, %sign3A_70 : i32
    %sign3A_72 = arith.extui %sign3A_71 : i1 to i32
    %sign3A_73 = arith.constant 0 : i32
    %sign3A_74 = arith.cmpi slt, %add3A_67, %sign3A_73 : i32
    %sign3A_75 = arith.extui %sign3A_74 : i1 to i32
    %sign3A_76 = arith.subi %sign3A_72, %sign3A_75 : i32
    %sign3A_77 = arith.constant 0 : i32
    %sign3A_78 = arith.cmpi sgt, %jit3A_68, %sign3A_77 : i32
    %sign3A_79 = arith.extui %sign3A_78 : i1 to i32
    %sign3A_80 = arith.constant 0 : i32
    %sign3A_81 = arith.cmpi slt, %jit3A_68, %sign3A_80 : i32
    %sign3A_82 = arith.extui %sign3A_81 : i1 to i32
    %sign3A_83 = arith.subi %sign3A_79, %sign3A_82 : i32
    %ne3A_84 = arith.cmpi ne, %sign3A_76, %sign3A_83 : i32
    %rem3A_85 = arith.remsi %add3A_67, %jit3A_68 : i32
    %ne3A_86 = arith.constant 0 : i32
    %ne3A_87 = arith.cmpi ne, %rem3A_85, %ne3A_86 : i32
    %and3A_88 = arith.andi %ne3A_84, %ne3A_87 : i1
    %sub3A_89 = arith.constant 1 : i32
    %sub3A_90 = arith.subi %div3A_69, %sub3A_89 : i32
    %select_n3A_91 = arith.select %and3A_88, %sub3A_90, %div3A_69 : i32
    %jit3A_92 = arith.constant 128 : i32
    %eq3A_93 = arith.constant 0 : i32
    %eq3A_94 = arith.cmpi eq, %jit3A_92, %eq3A_93 : i32
    %jit3A_95 = arith.constant 1 : i32
    %select_n3A_96 = arith.select %eq3A_94, %jit3A_95, %jit3A_92 : i32
    %rem3A_97 = arith.remsi %add3A_67, %select_n3A_96 : i32
    %ne3A_98 = arith.constant 0 : i32
    %ne3A_99 = arith.cmpi ne, %rem3A_97, %ne3A_98 : i32
    %lt3A_100 = arith.constant 0 : i32
    %lt3A_101 = arith.cmpi slt, %rem3A_97, %lt3A_100 : i32
    %lt3A_102 = arith.constant 0 : i32
    %lt3A_103 = arith.cmpi slt, %select_n3A_96, %lt3A_102 : i32
    %ne3A_104 = arith.xori %lt3A_101, %lt3A_103 : i1
    %and3A_105 = arith.andi %ne3A_104, %ne3A_99 : i1
    %add3A_106 = arith.addi %rem3A_97, %select_n3A_96 : i32
    %select_n3A_107 = arith.select %and3A_105, %add3A_106, %rem3A_97 : i32
    %mul3A_108 = arith.constant 128 : i32
    %mul3A_109 = arith.muli %select_n3A_107, %mul3A_108 : i32
    %multiple_of3A_110 = tpu.assume_multiple %mul3A_109, 128 : i32
    %dma_start3A_111 = tpu.memref_slice %arg2[%select_n3A_91, %multiple_of3A_110] : memref<50x16384xi32, #tpu.memory_space<hbm>> -> memref<1x128xi32, #tpu.memory_space<hbm>>
    %dma_start3A_112 = tpu.memref_squeeze %dma_start3A_111 : memref<1x128xi32, #tpu.memory_space<hbm>> -> memref<128xi32, #tpu.memory_space<hbm>>
    %dma_start3A_113 = tpu.memref_slice %arg2[%select_n3A_91, %multiple_of3A_110] : memref<50x16384xi32, #tpu.memory_space<hbm>> -> memref<1x128xi32, #tpu.memory_space<hbm>>
    %dma_start3A_114 = tpu.memref_squeeze %dma_start3A_113 : memref<1x128xi32, #tpu.memory_space<hbm>> -> memref<128xi32, #tpu.memory_space<hbm>>
    tpu.enqueue_dma source(%dma_start3A_114 : memref<128xi32, #tpu.memory_space<hbm>>) target(%arg6 : memref<128xi32, #tpu.memory_space<vmem>>) target_semaphore(%arg16 : memref<!tpu.dma_semaphore, #tpu.memory_space<semaphore_mem>>)
    %dma_wait3A = arith.constant 0 : i32
    %dma_wait3A_115 = arith.constant 0 : i32
    %dma_wait3A_116 = tpu.memref_slice %arg2[%dma_wait3A, %dma_wait3A_115] : memref<50x16384xi32, #tpu.memory_space<hbm>> -> memref<1x128xi32, #tpu.memory_space<hbm>>
    %dma_wait3A_117 = tpu.memref_squeeze %dma_wait3A_116 : memref<1x128xi32, #tpu.memory_space<hbm>> -> memref<128xi32, #tpu.memory_space<hbm>>
    %dma_wait3A_118 = arith.constant 0 : i32
    %dma_wait3A_119 = tpu.memref_slice %arg2[%dma_wait3A, %dma_wait3A_118] : memref<50x16384xi32, #tpu.memory_space<hbm>> -> memref<1x128xi32, #tpu.memory_space<hbm>>
    %dma_wait3A_120 = tpu.memref_squeeze %dma_wait3A_119 : memref<1x128xi32, #tpu.memory_space<hbm>> -> memref<128xi32, #tpu.memory_space<hbm>>
    tpu.wait_dma2 semaphore(%arg15 : memref<!tpu.dma_semaphore, #tpu.memory_space<semaphore_mem>>) src(%dma_wait3A_120 : memref<128xi32, #tpu.memory_space<hbm>>) dst(%arg5 : memref<128xi32, #tpu.memory_space<vmem>>)
    %get3A = arith.constant 0 : index
    %get3A_121 = tpu.vector_load %arg5[%get3A] {strides = array<i32>} : memref<128xi32, #tpu.memory_space<vmem>>, vector<16xi32>,
    %shift_right_logical3A = arith.constant 2 : i32
    %shift_right_logical3A_122 = vector.broadcast %shift_right_logical3A : i32 to vector<16xi32>
    %shift_right_logical3A_123 = arith.shrui %get3A_121, %shift_right_logical3A_122 : vector<16xi32>
    %swap3A = arith.constant 0 : index
    %swap3A_124 = tpu.vector_load %arg7[%swap3A] {strides = array<i32>} : memref<128xi32, #tpu.memory_space<vmem>>, vector<16xi32>,
    tpu.vector_store %arg7[%swap3A], %shift_right_logical3A_123 {strides = array<i32>} : memref<128xi32, #tpu.memory_space<vmem>>, vector<16xi32>,
    %and3A_125 = arith.constant 3 : i32
    %and3A_126 = vector.broadcast %and3A_125 : i32 to vector<16xi32>
    %and3A_127 = arith.andi %get3A_121, %and3A_126 : vector<16xi32>
    %shift_left3A = arith.constant 5 : i32
    %shift_left3A_128 = vector.broadcast %shift_left3A : i32 to vector<16xi32>
    %shift_left3A_129 = arith.shli %and3A_127, %shift_left3A_128 : vector<16xi32>
    %swap3A_130 = arith.constant 0 : index
    %swap3A_131 = tpu.vector_load %arg9[%swap3A_130] {strides = array<i32>} : memref<128xi32, #tpu.memory_space<vmem>>, vector<16xi32>,
    tpu.vector_store %arg9[%swap3A_130], %shift_left3A_129 {strides = array<i32>} : memref<128xi32, #tpu.memory_space<vmem>>, vector<16xi32>,
    %get3A_132 = arith.constant 16 : index
    %get3A_133 = tpu.vector_load %arg5[%get3A_132] {strides = array<i32>} : memref<128xi32, #tpu.memory_space<vmem>>, vector<16xi32>,
    %shift_right_logical3A_134 = arith.constant 2 : i32
    %shift_right_logical3A_135 = vector.broadcast %shift_right_logical3A_134 : i32 to vector<16xi32>
    %shift_right_logical3A_136 = arith.shrui %get3A_133, %shift_right_logical3A_135 : vector<16xi32>
    %swap3A_137 = arith.constant 16 : index
    %swap3A_138 = tpu.vector_load %arg7[%swap3A_137] {strides = array<i32>} : memref<128xi32, #tpu.memory_space<vmem>>, vector<16xi32>,
    tpu.vector_store %arg7[%swap3A_137], %shift_right_logical3A_136 {strides = array<i32>} : memref<128xi32, #tpu.memory_space<vmem>>, vector<16xi32>,
    %and3A_139 = arith.constant 3 : i32
    %and3A_140 = vector.broadcast %and3A_139 : i32 to vector<16xi32>
    %and3A_141 = arith.andi %get3A_133, %and3A_140 : vector<16xi32>
    %shift_left3A_142 = arith.constant 5 : i32
    %shift_left3A_143 = vector.broadcast %shift_left3A_142 : i32 to vector<16xi32>
    %shift_left3A_144 = arith.shli %and3A_141, %shift_left3A_143 : vector<16xi32>
    %swap3A_145 = arith.constant 16 : index
    %swap3A_146 = tpu.vector_load %arg9[%swap3A_145] {strides = array<i32>} : memref<128xi32, #tpu.memory_space<vmem>>, vector<16xi32>,
    tpu.vector_store %arg9[%swap3A_145], %shift_left3A_144 {strides = array<i32>} : memref<128xi32, #tpu.memory_space<vmem>>, vector<16xi32>,
    %get3A_147 = arith.constant 32 : index
    %get3A_148 = tpu.vector_load %arg5[%get3A_147] {strides = array<i32>} : memref<128xi32, #tpu.memory_space<vmem>>, vector<16xi32>,
    %shift_right_logical3A_149 = arith.constant 2 : i32
    %shift_right_logical3A_150 = vector.broadcast %shift_right_logical3A_149 : i32 to vector<16xi32>
    %shift_right_logical3A_151 = arith.shrui %get3A_148, %shift_right_logical3A_150 : vector<16xi32>
    %swap3A_152 = arith.constant 32 : index
    %swap3A_153 = tpu.vector_load %arg7[%swap3A_152] {strides = array<i32>} : memref<128xi32, #tpu.memory_space<vmem>>, vector<16xi32>,
    tpu.vector_store %arg7[%swap3A_152], %shift_right_logical3A_151 {strides = array<i32>} : memref<128xi32, #tpu.memory_space<vmem>>, vector<16xi32>,
    %and3A_154 = arith.constant 3 : i32
    %and3A_155 = vector.broadcast %and3A_154 : i32 to vector<16xi32>
    %and3A_156 = arith.andi %get3A_148, %and3A_155 : vector<16xi32>
    %shift_left3A_157 = arith.constant 5 : i32
    %shift_left3A_158 = vector.broadcast %shift_left3A_157 : i32 to vector<16xi32>
    %shift_left3A_159 = arith.shli %and3A_156, %shift_left3A_158 : vector<16xi32>
    %swap3A_160 = arith.constant 32 : index
    %swap3A_161 = tpu.vector_load %arg9[%swap3A_160] {strides = array<i32>} : memref<128xi32, #tpu.memory_space<vmem>>, vector<16xi32>,
    tpu.vector_store %arg9[%swap3A_160], %shift_left3A_159 {strides = array<i32>} : memref<128xi32, #tpu.memory_space<vmem>>, vector<16xi32>,
    %get3A_162 = arith.constant 48 : index
    %get3A_163 = tpu.vector_load %arg5[%get3A_162] {strides = array<i32>} : memref<128xi32, #tpu.memory_space<vmem>>, vector<16xi32>,
    %shift_right_logical3A_164 = arith.constant 2 : i32
    %shift_right_logical3A_165 = vector.broadcast %shift_right_logical3A_164 : i32 to vector<16xi32>
    %shift_right_logical3A_166 = arith.shrui %get3A_163, %shift_right_logical3A_165 : vector<16xi32>
    %swap3A_167 = arith.constant 48 : index
    %swap3A_168 = tpu.vector_load %arg7[%swap3A_167] {strides = array<i32>} : memref<128xi32, #tpu.memory_space<vmem>>, vector<16xi32>,
    tpu.vector_store %arg7[%swap3A_167], %shift_right_logical3A_166 {strides = array<i32>} : memref<128xi32, #tpu.memory_space<vmem>>, vector<16xi32>,
    %and3A_169 = arith.constant 3 : i32
    %and3A_170 = vector.broadcast %and3A_169 : i32 to vector<16xi32>
    %and3A_171 = arith.andi %get3A_163, %and3A_170 : vector<16xi32>
    %shift_left3A_172 = arith.constant 5 : i32
    %shift_left3A_173 = vector.broadcast %shift_left3A_172 : i32 to vector<16xi32>
    %shift_left3A_174 = arith.shli %and3A_171, %shift_left3A_173 : vector<16xi32>
    %swap3A_175 = arith.constant 48 : index
    %swap3A_176 = tpu.vector_load %arg9[%swap3A_175] {strides = array<i32>} : memref<128xi32, #tpu.memory_space<vmem>>, vector<16xi32>,
    tpu.vector_store %arg9[%swap3A_175], %shift_left3A_174 {strides = array<i32>} : memref<128xi32, #tpu.memory_space<vmem>>, vector<16xi32>,
    %get3A_177 = arith.constant 64 : index
    %get3A_178 = tpu.vector_load %arg5[%get3A_177] {strides = array<i32>} : memref<128xi32, #tpu.memory_space<vmem>>, vector<16xi32>,
    %shift_right_logical3A_179 = arith.constant 2 : i32
    %shift_right_logical3A_180 = vector.broadcast %shift_right_logical3A_179 : i32 to vector<16xi32>
    %shift_right_logical3A_181 = arith.shrui %get3A_178, %shift_right_logical3A_180 : vector<16xi32>
    %swap3A_182 = arith.constant 64 : index
    %swap3A_183 = tpu.vector_load %arg7[%swap3A_182] {strides = array<i32>} : memref<128xi32, #tpu.memory_space<vmem>>, vector<16xi32>,
    tpu.vector_store %arg7[%swap3A_182], %shift_right_logical3A_181 {strides = array<i32>} : memref<128xi32, #tpu.memory_space<vmem>>, vector<16xi32>,
    %and3A_184 = arith.constant 3 : i32
    %and3A_185 = vector.broadcast %and3A_184 : i32 to vector<16xi32>
    %and3A_186 = arith.andi %get3A_178, %and3A_185 : vector<16xi32>
    %shift_left3A_187 = arith.constant 5 : i32
    %shift_left3A_188 = vector.broadcast %shift_left3A_187 : i32 to vector<16xi32>
    %shift_left3A_189 = arith.shli %and3A_186, %shift_left3A_188 : vector<16xi32>
    %swap3A_190 = arith.constant 64 : index
    %swap3A_191 = tpu.vector_load %arg9[%swap3A_190] {strides = array<i32>} : memref<128xi32, #tpu.memory_space<vmem>>, vector<16xi32>,
    tpu.vector_store %arg9[%swap3A_190], %shift_left3A_189 {strides = array<i32>} : memref<128xi32, #tpu.memory_space<vmem>>, vector<16xi32>,
    %get3A_192 = arith.constant 80 : index
    %get3A_193 = tpu.vector_load %arg5[%get3A_192] {strides = array<i32>} : memref<128xi32, #tpu.memory_space<vmem>>, vector<16xi32>,
    %shift_right_logical3A_194 = arith.constant 2 : i32
    %shift_right_logical3A_195 = vector.broadcast %shift_right_logical3A_194 : i32 to vector<16xi32>
    %shift_right_logical3A_196 = arith.shrui %get3A_193, %shift_right_logical3A_195 : vector<16xi32>
    %swap3A_197 = arith.constant 80 : index
    %swap3A_198 = tpu.vector_load %arg7[%swap3A_197] {strides = array<i32>} : memref<128xi32, #tpu.memory_space<vmem>>, vector<16xi32>,
    tpu.vector_store %arg7[%swap3A_197], %shift_right_logical3A_196 {strides = array<i32>} : memref<128xi32, #tpu.memory_space<vmem>>, vector<16xi32>,
    %and3A_199 = arith.constant 3 : i32
    %and3A_200 = vector.broadcast %and3A_199 : i32 to vector<16xi32>
    %and3A_201 = arith.andi %get3A_193, %and3A_200 : vector<16xi32>
    %shift_left3A_202 = arith.constant 5 : i32
    %shift_left3A_203 = vector.broadcast %shift_left3A_202 : i32 to vector<16xi32>
    %shift_left3A_204 = arith.shli %and3A_201, %shift_left3A_203 : vector<16xi32>
    %swap3A_205 = arith.constant 80 : index
    %swap3A_206 = tpu.vector_load %arg9[%swap3A_205] {strides = array<i32>} : memref<128xi32, #tpu.memory_space<vmem>>, vector<16xi32>,
    tpu.vector_store %arg9[%swap3A_205], %shift_left3A_204 {strides = array<i32>} : memref<128xi32, #tpu.memory_space<vmem>>, vector<16xi32>,
    %get3A_207 = arith.constant 96 : index
    %get3A_208 = tpu.vector_load %arg5[%get3A_207] {strides = array<i32>} : memref<128xi32, #tpu.memory_space<vmem>>, vector<16xi32>,
    %shift_right_logical3A_209 = arith.constant 2 : i32
    %shift_right_logical3A_210 = vector.broadcast %shift_right_logical3A_209 : i32 to vector<16xi32>
    %shift_right_logical3A_211 = arith.shrui %get3A_208, %shift_right_logical3A_210 : vector<16xi32>
    %swap3A_212 = arith.constant 96 : index
    %swap3A_213 = tpu.vector_load %arg7[%swap3A_212] {strides = array<i32>} : memref<128xi32, #tpu.memory_space<vmem>>, vector<16xi32>,
    tpu.vector_store %arg7[%swap3A_212], %shift_right_logical3A_211 {strides = array<i32>} : memref<128xi32, #tpu.memory_space<vmem>>, vector<16xi32>,
    %and3A_214 = arith.constant 3 : i32
    %and3A_215 = vector.broadcast %and3A_214 : i32 to vector<16xi32>
    %and3A_216 = arith.andi %get3A_208, %and3A_215 : vector<16xi32>
    %shift_left3A_217 = arith.constant 5 : i32
    %shift_left3A_218 = vector.broadcast %shift_left3A_217 : i32 to vector<16xi32>
    %shift_left3A_219 = arith.shli %and3A_216, %shift_left3A_218 : vector<16xi32>
    %swap3A_220 = arith.constant 96 : index
    %swap3A_221 = tpu.vector_load %arg9[%swap3A_220] {strides = array<i32>} : memref<128xi32, #tpu.memory_space<vmem>>, vector<16xi32>,
    tpu.vector_store %arg9[%swap3A_220], %shift_left3A_219 {strides = array<i32>} : memref<128xi32, #tpu.memory_space<vmem>>, vector<16xi32>,
    %get3A_222 = arith.constant 112 : index
    %get3A_223 = tpu.vector_load %arg5[%get3A_222] {strides = array<i32>} : memref<128xi32, #tpu.memory_space<vmem>>, vector<16xi32>,
    %shift_right_logical3A_224 = arith.constant 2 : i32
    %shift_right_logical3A_225 = vector.broadcast %shift_right_logical3A_224 : i32 to vector<16xi32>
    %shift_right_logical3A_226 = arith.shrui %get3A_223, %shift_right_logical3A_225 : vector<16xi32>
    %swap3A_227 = arith.constant 112 : index
    %swap3A_228 = tpu.vector_load %arg7[%swap3A_227] {strides = array<i32>} : memref<128xi32, #tpu.memory_space<vmem>>, vector<16xi32>,
    tpu.vector_store %arg7[%swap3A_227], %shift_right_logical3A_226 {strides = array<i32>} : memref<128xi32, #tpu.memory_space<vmem>>, vector<16xi32>,
    %and3A_229 = arith.constant 3 : i32
    %and3A_230 = vector.broadcast %and3A_229 : i32 to vector<16xi32>
    %and3A_231 = arith.andi %get3A_223, %and3A_230 : vector<16xi32>
    %shift_left3A_232 = arith.constant 5 : i32
    %shift_left3A_233 = vector.broadcast %shift_left3A_232 : i32 to vector<16xi32>
    %shift_left3A_234 = arith.shli %and3A_231, %shift_left3A_233 : vector<16xi32>
    %swap3A_235 = arith.constant 112 : index
    %swap3A_236 = tpu.vector_load %arg9[%swap3A_235] {strides = array<i32>} : memref<128xi32, #tpu.memory_space<vmem>>, vector<16xi32>,
    tpu.vector_store %arg9[%swap3A_235], %shift_left3A_234 {strides = array<i32>} : memref<128xi32, #tpu.memory_space<vmem>>, vector<16xi32>,
    %dma_start3A_237 = arith.constant 0 : i32
    %dma_start3A_238 = arith.constant 0 : i32
    %dma_start3A_239 = tpu.memref_slice %arg3[%dma_start3A_237, %dma_start3A_238] : memref<250048x128xf32, #tpu.memory_space<hbm>> -> memref<250048x128xf32, #tpu.memory_space<hbm>>
    tpu.enqueue_indirect_dma source(%dma_start3A_239 : memref<250048x128xf32, #tpu.memory_space<hbm>>) target(%arg11 : memref<128x128xf32, #tpu.memory_space<vmem>>) offsets(%arg7 : memref<128xi32, #tpu.memory_space<vmem>>) semaphore(%arg17 : memref<!tpu.dma_semaphore, #tpu.memory_space<semaphore_mem>>)
    %scan3A = arith.constant 0 : i32
    %scan3A_240 = arith.constant 0 : i32
    %scan3A_241 = arith.constant 100 : i32
    %scan3A_242 = arith.addi %scan3A_240, %scan3A_241 : i32
    %scan3A_243 = arith.constant 1 : i32
    scf.for %scan3A_263 = %scan3A_240 to %scan3A_242 step %scan3A_243  : i32 {
      %mul3A_264 = arith.constant 2 : i32
      %mul3A_265 = arith.muli %mul3A_264, %scan3A_263 : i32
      %dma_wait3A_266 = arith.constant 0 : i32
      %dma_wait3A_267 = arith.constant 0 : i32
      %dma_wait3A_268 = tpu.memref_slice %arg2[%dma_wait3A_266, %dma_wait3A_267] : memref<50x16384xi32, #tpu.memory_space<hbm>> -> memref<1x128xi32, #tpu.memory_space<hbm>>
      %dma_wait3A_269 = tpu.memref_squeeze %dma_wait3A_268 : memref<1x128xi32, #tpu.memory_space<hbm>> -> memref<128xi32, #tpu.memory_space<hbm>>
      %dma_wait3A_270 = arith.constant 0 : i32
      %dma_wait3A_271 = tpu.memref_slice %arg2[%dma_wait3A_266, %dma_wait3A_270] : memref<50x16384xi32, #tpu.memory_space<hbm>> -> memref<1x128xi32, #tpu.memory_space<hbm>>
      %dma_wait3A_272 = tpu.memref_squeeze %dma_wait3A_271 : memref<1x128xi32, #tpu.memory_space<hbm>> -> memref<128xi32, #tpu.memory_space<hbm>>
      tpu.wait_dma2 semaphore(%arg16 : memref<!tpu.dma_semaphore, #tpu.memory_space<semaphore_mem>>) src(%dma_wait3A_272 : memref<128xi32, #tpu.memory_space<hbm>>) dst(%arg6 : memref<128xi32, #tpu.memory_space<vmem>>)
      %add3A_273 = arith.constant 1 : i32
      %add3A_274 = arith.addi %mul3A_265, %add3A_273 : i32
      %get3A_275 = arith.constant 0 : index
      %get3A_276 = tpu.vector_load %arg6[%get3A_275] {strides = array<i32>} : memref<128xi32, #tpu.memory_space<vmem>>, vector<16xi32>,
      %shift_right_logical3A_277 = arith.constant 2 : i32
      %shift_right_logical3A_278 = vector.broadcast %shift_right_logical3A_277 : i32 to vector<16xi32>
      %shift_right_logical3A_279 = arith.shrui %get3A_276, %shift_right_logical3A_278 : vector<16xi32>
      %swap3A_280 = arith.constant 0 : index
      %swap3A_281 = tpu.vector_load %arg8[%swap3A_280] {strides = array<i32>} : memref<128xi32, #tpu.memory_space<vmem>>, vector<16xi32>,
      tpu.vector_store %arg8[%swap3A_280], %shift_right_logical3A_279 {strides = array<i32>} : memref<128xi32, #tpu.memory_space<vmem>>, vector<16xi32>,
      %and3A_282 = arith.constant 3 : i32
      %and3A_283 = vector.broadcast %and3A_282 : i32 to vector<16xi32>
      %and3A_284 = arith.andi %get3A_276, %and3A_283 : vector<16xi32>
      %shift_left3A_285 = arith.constant 5 : i32
      %shift_left3A_286 = vector.broadcast %shift_left3A_285 : i32 to vector<16xi32>
      %shift_left3A_287 = arith.shli %and3A_284, %shift_left3A_286 : vector<16xi32>
      %swap3A_288 = arith.constant 0 : index
      %swap3A_289 = tpu.vector_load %arg10[%swap3A_288] {strides = array<i32>} : memref<128xi32, #tpu.memory_space<vmem>>, vector<16xi32>,
      tpu.vector_store %arg10[%swap3A_288], %shift_left3A_287 {strides = array<i32>} : memref<128xi32, #tpu.memory_space<vmem>>, vector<16xi32>,
      %get3A_290 = arith.constant 16 : index
      %get3A_291 = tpu.vector_load %arg6[%get3A_290] {strides = array<i32>} : memref<128xi32, #tpu.memory_space<vmem>>, vector<16xi32>,
      %shift_right_logical3A_292 = arith.constant 2 : i32
      %shift_right_logical3A_293 = vector.broadcast %shift_right_logical3A_292 : i32 to vector<16xi32>
      %shift_right_logical3A_294 = arith.shrui %get3A_291, %shift_right_logical3A_293 : vector<16xi32>
      %swap3A_295 = arith.constant 16 : index
      %swap3A_296 = tpu.vector_load %arg8[%swap3A_295] {strides = array<i32>} : memref<128xi32, #tpu.memory_space<vmem>>, vector<16xi32>,
      tpu.vector_store %arg8[%swap3A_295], %shift_right_logical3A_294 {strides = array<i32>} : memref<128xi32, #tpu.memory_space<vmem>>, vector<16xi32>,
      %and3A_297 = arith.constant 3 : i32
      %and3A_298 = vector.broadcast %and3A_297 : i32 to vector<16xi32>
      %and3A_299 = arith.andi %get3A_291, %and3A_298 : vector<16xi32>
      %shift_left3A_300 = arith.constant 5 : i32
      %shift_left3A_301 = vector.broadcast %shift_left3A_300 : i32 to vector<16xi32>
      %shift_left3A_302 = arith.shli %and3A_299, %shift_left3A_301 : vector<16xi32>
      %swap3A_303 = arith.constant 16 : index
      %swap3A_304 = tpu.vector_load %arg10[%swap3A_303] {strides = array<i32>} : memref<128xi32, #tpu.memory_space<vmem>>, vector<16xi32>,
      tpu.vector_store %arg10[%swap3A_303], %shift_left3A_302 {strides = array<i32>} : memref<128xi32, #tpu.memory_space<vmem>>, vector<16xi32>,
      %get3A_305 = arith.constant 32 : index
      %get3A_306 = tpu.vector_load %arg6[%get3A_305] {strides = array<i32>} : memref<128xi32, #tpu.memory_space<vmem>>, vector<16xi32>,
      %shift_right_logical3A_307 = arith.constant 2 : i32
      %shift_right_logical3A_308 = vector.broadcast %shift_right_logical3A_307 : i32 to vector<16xi32>
      %shift_right_logical3A_309 = arith.shrui %get3A_306, %shift_right_logical3A_308 : vector<16xi32>
      %swap3A_310 = arith.constant 32 : index
      %swap3A_311 = tpu.vector_load %arg8[%swap3A_310] {strides = array<i32>} : memref<128xi32, #tpu.memory_space<vmem>>, vector<16xi32>,
      tpu.vector_store %arg8[%swap3A_310], %shift_right_logical3A_309 {strides = array<i32>} : memref<128xi32, #tpu.memory_space<vmem>>, vector<16xi32>,
      %and3A_312 = arith.constant 3 : i32
      %and3A_313 = vector.broadcast %and3A_312 : i32 to vector<16xi32>
      %and3A_314 = arith.andi %get3A_306, %and3A_313 : vector<16xi32>
      %shift_left3A_315 = arith.constant 5 : i32
      %shift_left3A_316 = vector.broadcast %shift_left3A_315 : i32 to vector<16xi32>
      %shift_left3A_317 = arith.shli %and3A_314, %shift_left3A_316 : vector<16xi32>
      %swap3A_318 = arith.constant 32 : index
      %swap3A_319 = tpu.vector_load %arg10[%swap3A_318] {strides = array<i32>} : memref<128xi32, #tpu.memory_space<vmem>>, vector<16xi32>,
      tpu.vector_store %arg10[%swap3A_318], %shift_left3A_317 {strides = array<i32>} : memref<128xi32, #tpu.memory_space<vmem>>, vector<16xi32>,
      %get3A_320 = arith.constant 48 : index
      %get3A_321 = tpu.vector_load %arg6[%get3A_320] {strides = array<i32>} : memref<128xi32, #tpu.memory_space<vmem>>, vector<16xi32>,
      %shift_right_logical3A_322 = arith.constant 2 : i32
      %shift_right_logical3A_323 = vector.broadcast %shift_right_logical3A_322 : i32 to vector<16xi32>
      %shift_right_logical3A_324 = arith.shrui %get3A_321, %shift_right_logical3A_323 : vector<16xi32>
      %swap3A_325 = arith.constant 48 : index
      %swap3A_326 = tpu.vector_load %arg8[%swap3A_325] {strides = array<i32>} : memref<128xi32, #tpu.memory_space<vmem>>, vector<16xi32>,
      tpu.vector_store %arg8[%swap3A_325], %shift_right_logical3A_324 {strides = array<i32>} : memref<128xi32, #tpu.memory_space<vmem>>, vector<16xi32>,
      %and3A_327 = arith.constant 3 : i32
      %and3A_328 = vector.broadcast %and3A_327 : i32 to vector<16xi32>
      %and3A_329 = arith.andi %get3A_321, %and3A_328 : vector<16xi32>
      %shift_left3A_330 = arith.constant 5 : i32
      %shift_left3A_331 = vector.broadcast %shift_left3A_330 : i32 to vector<16xi32>
      %shift_left3A_332 = arith.shli %and3A_329, %shift_left3A_331 : vector<16xi32>
      %swap3A_333 = arith.constant 48 : index
      %swap3A_334 = tpu.vector_load %arg10[%swap3A_333] {strides = array<i32>} : memref<128xi32, #tpu.memory_space<vmem>>, vector<16xi32>,
      tpu.vector_store %arg10[%swap3A_333], %shift_left3A_332 {strides = array<i32>} : memref<128xi32, #tpu.memory_space<vmem>>, vector<16xi32>,
      %get3A_335 = arith.constant 64 : index
      %get3A_336 = tpu.vector_load %arg6[%get3A_335] {strides = array<i32>} : memref<128xi32, #tpu.memory_space<vmem>>, vector<16xi32>,
      %shift_right_logical3A_337 = arith.constant 2 : i32
      %shift_right_logical3A_338 = vector.broadcast %shift_right_logical3A_337 : i32 to vector<16xi32>
      %shift_right_logical3A_339 = arith.shrui %get3A_336, %shift_right_logical3A_338 : vector<16xi32>
      %swap3A_340 = arith.constant 64 : index
      %swap3A_341 = tpu.vector_load %arg8[%swap3A_340] {strides = array<i32>} : memref<128xi32, #tpu.memory_space<vmem>>, vector<16xi32>,
      tpu.vector_store %arg8[%swap3A_340], %shift_right_logical3A_339 {strides = array<i32>} : memref<128xi32, #tpu.memory_space<vmem>>, vector<16xi32>,
      %and3A_342 = arith.constant 3 : i32
      %and3A_343 = vector.broadcast %and3A_342 : i32 to vector<16xi32>
      %and3A_344 = arith.andi %get3A_336, %and3A_343 : vector<16xi32>
      %shift_left3A_345 = arith.constant 5 : i32
      %shift_left3A_346 = vector.broadcast %shift_left3A_345 : i32 to vector<16xi32>
      %shift_left3A_347 = arith.shli %and3A_344, %shift_left3A_346 : vector<16xi32>
      %swap3A_348 = arith.constant 64 : index
      %swap3A_349 = tpu.vector_load %arg10[%swap3A_348] {strides = array<i32>} : memref<128xi32, #tpu.memory_space<vmem>>, vector<16xi32>,
      tpu.vector_store %arg10[%swap3A_348], %shift_left3A_347 {strides = array<i32>} : memref<128xi32, #tpu.memory_space<vmem>>, vector<16xi32>,
      %get3A_350 = arith.constant 80 : index
      %get3A_351 = tpu.vector_load %arg6[%get3A_350] {strides = array<i32>} : memref<128xi32, #tpu.memory_space<vmem>>, vector<16xi32>,
      %shift_right_logical3A_352 = arith.constant 2 : i32
      %shift_right_logical3A_353 = vector.broadcast %shift_right_logical3A_352 : i32 to vector<16xi32>
      %shift_right_logical3A_354 = arith.shrui %get3A_351, %shift_right_logical3A_353 : vector<16xi32>
      %swap3A_355 = arith.constant 80 : index
      %swap3A_356 = tpu.vector_load %arg8[%swap3A_355] {strides = array<i32>} : memref<128xi32, #tpu.memory_space<vmem>>, vector<16xi32>,
      tpu.vector_store %arg8[%swap3A_355], %shift_right_logical3A_354 {strides = array<i32>} : memref<128xi32, #tpu.memory_space<vmem>>, vector<16xi32>,
      %and3A_357 = arith.constant 3 : i32
      %and3A_358 = vector.broadcast %and3A_357 : i32 to vector<16xi32>
      %and3A_359 = arith.andi %get3A_351, %and3A_358 : vector<16xi32>
      %shift_left3A_360 = arith.constant 5 : i32
      %shift_left3A_361 = vector.broadcast %shift_left3A_360 : i32 to vector<16xi32>
      %shift_left3A_362 = arith.shli %and3A_359, %shift_left3A_361 : vector<16xi32>
      %swap3A_363 = arith.constant 80 : index
      %swap3A_364 = tpu.vector_load %arg10[%swap3A_363] {strides = array<i32>} : memref<128xi32, #tpu.memory_space<vmem>>, vector<16xi32>,
      tpu.vector_store %arg10[%swap3A_363], %shift_left3A_362 {strides = array<i32>} : memref<128xi32, #tpu.memory_space<vmem>>, vector<16xi32>,
      %get3A_365 = arith.constant 96 : index
      %get3A_366 = tpu.vector_load %arg6[%get3A_365] {strides = array<i32>} : memref<128xi32, #tpu.memory_space<vmem>>, vector<16xi32>,
      %shift_right_logical3A_367 = arith.constant 2 : i32
      %shift_right_logical3A_368 = vector.broadcast %shift_right_logical3A_367 : i32 to vector<16xi32>
      %shift_right_logical3A_369 = arith.shrui %get3A_366, %shift_right_logical3A_368 : vector<16xi32>
      %swap3A_370 = arith.constant 96 : index
      %swap3A_371 = tpu.vector_load %arg8[%swap3A_370] {strides = array<i32>} : memref<128xi32, #tpu.memory_space<vmem>>, vector<16xi32>,
      tpu.vector_store %arg8[%swap3A_370], %shift_right_logical3A_369 {strides = array<i32>} : memref<128xi32, #tpu.memory_space<vmem>>, vector<16xi32>,
      %and3A_372 = arith.constant 3 : i32
      %and3A_373 = vector.broadcast %and3A_372 : i32 to vector<16xi32>
      %and3A_374 = arith.andi %get3A_366, %and3A_373 : vector<16xi32>
      %shift_left3A_375 = arith.constant 5 : i32
      %shift_left3A_376 = vector.broadcast %shift_left3A_375 : i32 to vector<16xi32>
      %shift_left3A_377 = arith.shli %and3A_374, %shift_left3A_376 : vector<16xi32>
      %swap3A_378 = arith.constant 96 : index
      %swap3A_379 = tpu.vector_load %arg10[%swap3A_378] {strides = array<i32>} : memref<128xi32, #tpu.memory_space<vmem>>, vector<16xi32>,
      tpu.vector_store %arg10[%swap3A_378], %shift_left3A_377 {strides = array<i32>} : memref<128xi32, #tpu.memory_space<vmem>>, vector<16xi32>,
      %get3A_380 = arith.constant 112 : index
      %get3A_381 = tpu.vector_load %arg6[%get3A_380] {strides = array<i32>} : memref<128xi32, #tpu.memory_space<vmem>>, vector<16xi32>,
      %shift_right_logical3A_382 = arith.constant 2 : i32
      %shift_right_logical3A_383 = vector.broadcast %shift_right_logical3A_382 : i32 to vector<16xi32>
      %shift_right_logical3A_384 = arith.shrui %get3A_381, %shift_right_logical3A_383 : vector<16xi32>
      %swap3A_385 = arith.constant 112 : index
      %swap3A_386 = tpu.vector_load %arg8[%swap3A_385] {strides = array<i32>} : memref<128xi32, #tpu.memory_space<vmem>>, vector<16xi32>,
      tpu.vector_store %arg8[%swap3A_385], %shift_right_logical3A_384 {strides = array<i32>} : memref<128xi32, #tpu.memory_space<vmem>>, vector<16xi32>,
      %and3A_387 = arith.constant 3 : i32
      %and3A_388 = vector.broadcast %and3A_387 : i32 to vector<16xi32>
      %and3A_389 = arith.andi %get3A_381, %and3A_388 : vector<16xi32>
      %shift_left3A_390 = arith.constant 5 : i32
      %shift_left3A_391 = vector.broadcast %shift_left3A_390 : i32 to vector<16xi32>
      %shift_left3A_392 = arith.shli %and3A_389, %shift_left3A_391 : vector<16xi32>
      %swap3A_393 = arith.constant 112 : index
      %swap3A_394 = tpu.vector_load %arg10[%swap3A_393] {strides = array<i32>} : memref<128xi32, #tpu.memory_space<vmem>>, vector<16xi32>,
      tpu.vector_store %arg10[%swap3A_393], %shift_left3A_392 {strides = array<i32>} : memref<128xi32, #tpu.memory_space<vmem>>, vector<16xi32>,
      %add3A_395 = arith.constant 2 : i32
      %add3A_396 = arith.addi %mul3A_265, %add3A_395 : i32
      %lt3A_397 = arith.constant 200 : i32
      %lt3A_398 = arith.cmpi slt, %add3A_396, %lt3A_397 : i32
      %convert_element_type3A = arith.extui %lt3A_398 : i1 to i32
      %cond3A = arith.constant 0 : i32
      %cond3A_399 = arith.cmpi ne, %convert_element_type3A, %cond3A : i32
      scf.if %cond3A_399 {
        %add3A_617 = arith.constant 2 : i32
        %add3A_618 = arith.addi %mul3A_265, %add3A_617 : i32
        %mul3A_619 = arith.constant 200 : i32
        %mul3A_620 = arith.muli %add3A, %mul3A_619 : i32
        %add3A_621 = arith.addi %mul3A_620, %add3A_618 : i32
        %jit3A_622 = arith.constant 128 : i32
        %div3A_623 = arith.divsi %add3A_621, %jit3A_622 : i32
        %sign3A_624 = arith.constant 0 : i32
        %sign3A_625 = arith.cmpi sgt, %add3A_621, %sign3A_624 : i32
        %sign3A_626 = arith.extui %sign3A_625 : i1 to i32
        %sign3A_627 = arith.constant 0 : i32
        %sign3A_628 = arith.cmpi slt, %add3A_621, %sign3A_627 : i32
        %sign3A_629 = arith.extui %sign3A_628 : i1 to i32
        %sign3A_630 = arith.subi %sign3A_626, %sign3A_629 : i32
        %sign3A_631 = arith.constant 0 : i32
        %sign3A_632 = arith.cmpi sgt, %jit3A_622, %sign3A_631 : i32
        %sign3A_633 = arith.extui %sign3A_632 : i1 to i32
        %sign3A_634 = arith.constant 0 : i32
        %sign3A_635 = arith.cmpi slt, %jit3A_622, %sign3A_634 : i32
        %sign3A_636 = arith.extui %sign3A_635 : i1 to i32
        %sign3A_637 = arith.subi %sign3A_633, %sign3A_636 : i32
        %ne3A_638 = arith.cmpi ne, %sign3A_630, %sign3A_637 : i32
        %rem3A_639 = arith.remsi %add3A_621, %jit3A_622 : i32
        %ne3A_640 = arith.constant 0 : i32
        %ne3A_641 = arith.cmpi ne, %rem3A_639, %ne3A_640 : i32
        %and3A_642 = arith.andi %ne3A_638, %ne3A_641 : i1
        %sub3A_643 = arith.constant 1 : i32
        %sub3A_644 = arith.subi %div3A_623, %sub3A_643 : i32
        %select_n3A_645 = arith.select %and3A_642, %sub3A_644, %div3A_623 : i32
        %jit3A_646 = arith.constant 128 : i32
        %eq3A_647 = arith.constant 0 : i32
        %eq3A_648 = arith.cmpi eq, %jit3A_646, %eq3A_647 : i32
        %jit3A_649 = arith.constant 1 : i32
        %select_n3A_650 = arith.select %eq3A_648, %jit3A_649, %jit3A_646 : i32
        %rem3A_651 = arith.remsi %add3A_621, %select_n3A_650 : i32
        %ne3A_652 = arith.constant 0 : i32
        %ne3A_653 = arith.cmpi ne, %rem3A_651, %ne3A_652 : i32
        %lt3A_654 = arith.constant 0 : i32
        %lt3A_655 = arith.cmpi slt, %rem3A_651, %lt3A_654 : i32
        %lt3A_656 = arith.constant 0 : i32
        %lt3A_657 = arith.cmpi slt, %select_n3A_650, %lt3A_656 : i32
        %ne3A_658 = arith.xori %lt3A_655, %lt3A_657 : i1
        %and3A_659 = arith.andi %ne3A_658, %ne3A_653 : i1
        %add3A_660 = arith.addi %rem3A_651, %select_n3A_650 : i32
        %select_n3A_661 = arith.select %and3A_659, %add3A_660, %rem3A_651 : i32
        %mul3A_662 = arith.constant 128 : i32
        %mul3A_663 = arith.muli %select_n3A_661, %mul3A_662 : i32
        %multiple_of3A_664 = tpu.assume_multiple %mul3A_663, 128 : i32
        %dma_start3A_665 = tpu.memref_slice %arg2[%select_n3A_645, %multiple_of3A_664] : memref<50x16384xi32, #tpu.memory_space<hbm>> -> memref<1x128xi32, #tpu.memory_space<hbm>>
        %dma_start3A_666 = tpu.memref_squeeze %dma_start3A_665 : memref<1x128xi32, #tpu.memory_space<hbm>> -> memref<128xi32, #tpu.memory_space<hbm>>
        %dma_start3A_667 = tpu.memref_slice %arg2[%select_n3A_645, %multiple_of3A_664] : memref<50x16384xi32, #tpu.memory_space<hbm>> -> memref<1x128xi32, #tpu.memory_space<hbm>>
        %dma_start3A_668 = tpu.memref_squeeze %dma_start3A_667 : memref<1x128xi32, #tpu.memory_space<hbm>> -> memref<128xi32, #tpu.memory_space<hbm>>
        tpu.enqueue_dma source(%dma_start3A_668 : memref<128xi32, #tpu.memory_space<hbm>>) target(%arg5 : memref<128xi32, #tpu.memory_space<vmem>>) target_semaphore(%arg15 : memref<!tpu.dma_semaphore, #tpu.memory_space<semaphore_mem>>)
      } else {
      }
      %dma_start3A_400 = arith.constant 0 : i32
      %dma_start3A_401 = arith.constant 0 : i32
      %dma_start3A_402 = tpu.memref_slice %arg3[%dma_start3A_400, %dma_start3A_401] : memref<250048x128xf32, #tpu.memory_space<hbm>> -> memref<250048x128xf32, #tpu.memory_space<hbm>>
      tpu.enqueue_indirect_dma source(%dma_start3A_402 : memref<250048x128xf32, #tpu.memory_space<hbm>>) target(%arg12 : memref<128x128xf32, #tpu.memory_space<vmem>>) offsets(%arg8 : memref<128xi32, #tpu.memory_space<vmem>>) semaphore(%arg18 : memref<!tpu.dma_semaphore, #tpu.memory_space<semaphore_mem>>)
      %dma_wait3A_403 = arith.constant 0 : i32
      %dma_wait3A_404 = arith.constant 0 : i32
      %dma_wait3A_405 = tpu.memref_slice %arg3[%dma_wait3A_403, %dma_wait3A_404] : memref<250048x128xf32, #tpu.memory_space<hbm>> -> memref<250048x128xf32, #tpu.memory_space<hbm>>
      tpu.wait_indirect_dma semaphore(%arg17 : memref<!tpu.dma_semaphore, #tpu.memory_space<semaphore_mem>>) src(%dma_wait3A_405 : memref<250048x128xf32, #tpu.memory_space<hbm>>) dst(%arg11 : memref<128x128xf32, #tpu.memory_space<vmem>>)
      %gt3A = arith.constant 0 : i32
      %gt3A_406 = arith.cmpi sgt, %scan3A_263, %gt3A : i32
      %convert_element_type3A_407 = arith.extui %gt3A_406 : i1 to i32
      %cond3A_408 = arith.constant 0 : i32
      %cond3A_409 = arith.cmpi ne, %convert_element_type3A_407, %cond3A_408 : i32
      scf.if %cond3A_409 {
        %dma_wait3A_617 = arith.constant 0 : i32
        %dma_wait3A_618 = arith.constant 0 : i32
        %dma_wait3A_619 = arith.constant 0 : i32
        %dma_wait3A_620 = tpu.memref_slice %arg4[%dma_wait3A_617, %dma_wait3A_618, %dma_wait3A_619] : memref<50x32x16384xf32, #tpu.memory_space<hbm>> -> memref<1x32x128xf32, #tpu.memory_space<hbm>>
        %dma_wait3A_621 = tpu.memref_squeeze %dma_wait3A_620 : memref<1x32x128xf32, #tpu.memory_space<hbm>> -> memref<32x128xf32, #tpu.memory_space<hbm>>
        %dma_wait3A_622 = arith.constant 0 : i32
        %dma_wait3A_623 = arith.constant 0 : i32
        %dma_wait3A_624 = tpu.memref_slice %arg4[%dma_wait3A_617, %dma_wait3A_622, %dma_wait3A_623] : memref<50x32x16384xf32, #tpu.memory_space<hbm>> -> memref<1x32x128xf32, #tpu.memory_space<hbm>>
        %dma_wait3A_625 = tpu.memref_squeeze %dma_wait3A_624 : memref<1x32x128xf32, #tpu.memory_space<hbm>> -> memref<32x128xf32, #tpu.memory_space<hbm>>
        tpu.wait_dma2 semaphore(%arg19 : memref<!tpu.dma_semaphore, #tpu.memory_space<semaphore_mem>>) src(%arg13 : memref<32x128xf32, #tpu.memory_space<vmem>>) dst(%dma_wait3A_625 : memref<32x128xf32, #tpu.memory_space<hbm>>)
      } else {
      }
      %get3A_410 = arith.constant 0 : index
      %get3A_411 = tpu.vector_load %arg9[%get3A_410] {strides = array<i32>} : memref<128xi32, #tpu.memory_space<vmem>>, vector<16xi32>,
      %parallel_loop3A = arith.constant 0 : i32
      %parallel_loop3A_412 = arith.constant 32 : i32
      %parallel_loop3A_413 = arith.constant 1 : i32
      scf.for %parallel_loop3A_617 = %parallel_loop3A to %parallel_loop3A_412 step %parallel_loop3A_413  : i32 {
        %parallel_loop3A_618 = vector.broadcast %parallel_loop3A_617 : i32 to vector<16xi32>
        %parallel_loop3A_619 = arith.addi %get3A_411, %parallel_loop3A_618 : vector<16xi32>
        %parallel_loop3A_620 = tpu.vector_load_idx %arg11[%add3A_3, %parallel_loop3A_619] : memref<128x128xf32, #tpu.memory_space<vmem>>[vector<16xi32>, vector<16xi32>], vector<16xf32>,
        %parallel_loop3A_621 = arith.index_cast %parallel_loop3A_617 : i32 to index
        %parallel_loop3A_622 = arith.constant 0 : index
        %parallel_loop3A_623 = tpu.vector_load %arg13[%parallel_loop3A_621, %parallel_loop3A_622] {strides = array<i32>} : memref<32x128xf32, #tpu.memory_space<vmem>>, vector<16xf32>,
        tpu.vector_store %arg13[%parallel_loop3A_621, %parallel_loop3A_622], %parallel_loop3A_620 {strides = array<i32>} : memref<32x128xf32, #tpu.memory_space<vmem>>, vector<16xf32>,
      } {sc.loop_unroll_factor = 8 : i64, sc.parallel_access}
      %get3A_414 = arith.constant 16 : index
      %get3A_415 = tpu.vector_load %arg9[%get3A_414] {strides = array<i32>} : memref<128xi32, #tpu.memory_space<vmem>>, vector<16xi32>,
      %parallel_loop3A_416 = arith.constant 0 : i32
      %parallel_loop3A_417 = arith.constant 32 : i32
      %parallel_loop3A_418 = arith.constant 1 : i32
      scf.for %parallel_loop3A_617 = %parallel_loop3A_416 to %parallel_loop3A_417 step %parallel_loop3A_418  : i32 {
        %parallel_loop3A_618 = vector.broadcast %parallel_loop3A_617 : i32 to vector<16xi32>
        %parallel_loop3A_619 = arith.addi %get3A_415, %parallel_loop3A_618 : vector<16xi32>
        %parallel_loop3A_620 = tpu.vector_load_idx %arg11[%add3A_6, %parallel_loop3A_619] : memref<128x128xf32, #tpu.memory_space<vmem>>[vector<16xi32>, vector<16xi32>], vector<16xf32>,
        %parallel_loop3A_621 = arith.index_cast %parallel_loop3A_617 : i32 to index
        %parallel_loop3A_622 = arith.constant 16 : index
        %parallel_loop3A_623 = tpu.vector_load %arg13[%parallel_loop3A_621, %parallel_loop3A_622] {strides = array<i32>} : memref<32x128xf32, #tpu.memory_space<vmem>>, vector<16xf32>,
        tpu.vector_store %arg13[%parallel_loop3A_621, %parallel_loop3A_622], %parallel_loop3A_620 {strides = array<i32>} : memref<32x128xf32, #tpu.memory_space<vmem>>, vector<16xf32>,
      } {sc.loop_unroll_factor = 8 : i64, sc.parallel_access}
      %get3A_419 = arith.constant 32 : index
      %get3A_420 = tpu.vector_load %arg9[%get3A_419] {strides = array<i32>} : memref<128xi32, #tpu.memory_space<vmem>>, vector<16xi32>,
      %parallel_loop3A_421 = arith.constant 0 : i32
      %parallel_loop3A_422 = arith.constant 32 : i32
      %parallel_loop3A_423 = arith.constant 1 : i32
      scf.for %parallel_loop3A_617 = %parallel_loop3A_421 to %parallel_loop3A_422 step %parallel_loop3A_423  : i32 {
        %parallel_loop3A_618 = vector.broadcast %parallel_loop3A_617 : i32 to vector<16xi32>
        %parallel_loop3A_619 = arith.addi %get3A_420, %parallel_loop3A_618 : vector<16xi32>
        %parallel_loop3A_620 = tpu.vector_load_idx %arg11[%add3A_9, %parallel_loop3A_619] : memref<128x128xf32, #tpu.memory_space<vmem>>[vector<16xi32>, vector<16xi32>], vector<16xf32>,
        %parallel_loop3A_621 = arith.index_cast %parallel_loop3A_617 : i32 to index
        %parallel_loop3A_622 = arith.constant 32 : index
        %parallel_loop3A_623 = tpu.vector_load %arg13[%parallel_loop3A_621, %parallel_loop3A_622] {strides = array<i32>} : memref<32x128xf32, #tpu.memory_space<vmem>>, vector<16xf32>,
        tpu.vector_store %arg13[%parallel_loop3A_621, %parallel_loop3A_622], %parallel_loop3A_620 {strides = array<i32>} : memref<32x128xf32, #tpu.memory_space<vmem>>, vector<16xf32>,
      } {sc.loop_unroll_factor = 8 : i64, sc.parallel_access}
      %get3A_424 = arith.constant 48 : index
      %get3A_425 = tpu.vector_load %arg9[%get3A_424] {strides = array<i32>} : memref<128xi32, #tpu.memory_space<vmem>>, vector<16xi32>,
      %parallel_loop3A_426 = arith.constant 0 : i32
      %parallel_loop3A_427 = arith.constant 32 : i32
      %parallel_loop3A_428 = arith.constant 1 : i32
      scf.for %parallel_loop3A_617 = %parallel_loop3A_426 to %parallel_loop3A_427 step %parallel_loop3A_428  : i32 {
        %parallel_loop3A_618 = vector.broadcast %parallel_loop3A_617 : i32 to vector<16xi32>
        %parallel_loop3A_619 = arith.addi %get3A_425, %parallel_loop3A_618 : vector<16xi32>
        %parallel_loop3A_620 = tpu.vector_load_idx %arg11[%add3A_12, %parallel_loop3A_619] : memref<128x128xf32, #tpu.memory_space<vmem>>[vector<16xi32>, vector<16xi32>], vector<16xf32>,
        %parallel_loop3A_621 = arith.index_cast %parallel_loop3A_617 : i32 to index
        %parallel_loop3A_622 = arith.constant 48 : index
        %parallel_loop3A_623 = tpu.vector_load %arg13[%parallel_loop3A_621, %parallel_loop3A_622] {strides = array<i32>} : memref<32x128xf32, #tpu.memory_space<vmem>>, vector<16xf32>,
        tpu.vector_store %arg13[%parallel_loop3A_621, %parallel_loop3A_622], %parallel_loop3A_620 {strides = array<i32>} : memref<32x128xf32, #tpu.memory_space<vmem>>, vector<16xf32>,
      } {sc.loop_unroll_factor = 8 : i64, sc.parallel_access}
      %get3A_429 = arith.constant 64 : index
      %get3A_430 = tpu.vector_load %arg9[%get3A_429] {strides = array<i32>} : memref<128xi32, #tpu.memory_space<vmem>>, vector<16xi32>,
      %parallel_loop3A_431 = arith.constant 0 : i32
      %parallel_loop3A_432 = arith.constant 32 : i32
      %parallel_loop3A_433 = arith.constant 1 : i32
      scf.for %parallel_loop3A_617 = %parallel_loop3A_431 to %parallel_loop3A_432 step %parallel_loop3A_433  : i32 {
        %parallel_loop3A_618 = vector.broadcast %parallel_loop3A_617 : i32 to vector<16xi32>
        %parallel_loop3A_619 = arith.addi %get3A_430, %parallel_loop3A_618 : vector<16xi32>
        %parallel_loop3A_620 = tpu.vector_load_idx %arg11[%add3A_15, %parallel_loop3A_619] : memref<128x128xf32, #tpu.memory_space<vmem>>[vector<16xi32>, vector<16xi32>], vector<16xf32>,
        %parallel_loop3A_621 = arith.index_cast %parallel_loop3A_617 : i32 to index
        %parallel_loop3A_622 = arith.constant 64 : index
        %parallel_loop3A_623 = tpu.vector_load %arg13[%parallel_loop3A_621, %parallel_loop3A_622] {strides = array<i32>} : memref<32x128xf32, #tpu.memory_space<vmem>>, vector<16xf32>,
        tpu.vector_store %arg13[%parallel_loop3A_621, %parallel_loop3A_622], %parallel_loop3A_620 {strides = array<i32>} : memref<32x128xf32, #tpu.memory_space<vmem>>, vector<16xf32>,
      } {sc.loop_unroll_factor = 8 : i64, sc.parallel_access}
      %get3A_434 = arith.constant 80 : index
      %get3A_435 = tpu.vector_load %arg9[%get3A_434] {strides = array<i32>} : memref<128xi32, #tpu.memory_space<vmem>>, vector<16xi32>,
      %parallel_loop3A_436 = arith.constant 0 : i32
      %parallel_loop3A_437 = arith.constant 32 : i32
      %parallel_loop3A_438 = arith.constant 1 : i32
      scf.for %parallel_loop3A_617 = %parallel_loop3A_436 to %parallel_loop3A_437 step %parallel_loop3A_438  : i32 {
        %parallel_loop3A_618 = vector.broadcast %parallel_loop3A_617 : i32 to vector<16xi32>
        %parallel_loop3A_619 = arith.addi %get3A_435, %parallel_loop3A_618 : vector<16xi32>
        %parallel_loop3A_620 = tpu.vector_load_idx %arg11[%add3A_18, %parallel_loop3A_619] : memref<128x128xf32, #tpu.memory_space<vmem>>[vector<16xi32>, vector<16xi32>], vector<16xf32>,
        %parallel_loop3A_621 = arith.index_cast %parallel_loop3A_617 : i32 to index
        %parallel_loop3A_622 = arith.constant 80 : index
        %parallel_loop3A_623 = tpu.vector_load %arg13[%parallel_loop3A_621, %parallel_loop3A_622] {strides = array<i32>} : memref<32x128xf32, #tpu.memory_space<vmem>>, vector<16xf32>,
        tpu.vector_store %arg13[%parallel_loop3A_621, %parallel_loop3A_622], %parallel_loop3A_620 {strides = array<i32>} : memref<32x128xf32, #tpu.memory_space<vmem>>, vector<16xf32>,
      } {sc.loop_unroll_factor = 8 : i64, sc.parallel_access}
      %get3A_439 = arith.constant 96 : index
      %get3A_440 = tpu.vector_load %arg9[%get3A_439] {strides = array<i32>} : memref<128xi32, #tpu.memory_space<vmem>>, vector<16xi32>,
      %parallel_loop3A_441 = arith.constant 0 : i32
      %parallel_loop3A_442 = arith.constant 32 : i32
      %parallel_loop3A_443 = arith.constant 1 : i32
      scf.for %parallel_loop3A_617 = %parallel_loop3A_441 to %parallel_loop3A_442 step %parallel_loop3A_443  : i32 {
        %parallel_loop3A_618 = vector.broadcast %parallel_loop3A_617 : i32 to vector<16xi32>
        %parallel_loop3A_619 = arith.addi %get3A_440, %parallel_loop3A_618 : vector<16xi32>
        %parallel_loop3A_620 = tpu.vector_load_idx %arg11[%add3A_21, %parallel_loop3A_619] : memref<128x128xf32, #tpu.memory_space<vmem>>[vector<16xi32>, vector<16xi32>], vector<16xf32>,
        %parallel_loop3A_621 = arith.index_cast %parallel_loop3A_617 : i32 to index
        %parallel_loop3A_622 = arith.constant 96 : index
        %parallel_loop3A_623 = tpu.vector_load %arg13[%parallel_loop3A_621, %parallel_loop3A_622] {strides = array<i32>} : memref<32x128xf32, #tpu.memory_space<vmem>>, vector<16xf32>,
        tpu.vector_store %arg13[%parallel_loop3A_621, %parallel_loop3A_622], %parallel_loop3A_620 {strides = array<i32>} : memref<32x128xf32, #tpu.memory_space<vmem>>, vector<16xf32>,
      } {sc.loop_unroll_factor = 8 : i64, sc.parallel_access}
      %get3A_444 = arith.constant 112 : index
      %get3A_445 = tpu.vector_load %arg9[%get3A_444] {strides = array<i32>} : memref<128xi32, #tpu.memory_space<vmem>>, vector<16xi32>,
      %parallel_loop3A_446 = arith.constant 0 : i32
      %parallel_loop3A_447 = arith.constant 32 : i32
      %parallel_loop3A_448 = arith.constant 1 : i32
      scf.for %parallel_loop3A_617 = %parallel_loop3A_446 to %parallel_loop3A_447 step %parallel_loop3A_448  : i32 {
        %parallel_loop3A_618 = vector.broadcast %parallel_loop3A_617 : i32 to vector<16xi32>
        %parallel_loop3A_619 = arith.addi %get3A_445, %parallel_loop3A_618 : vector<16xi32>
        %parallel_loop3A_620 = tpu.vector_load_idx %arg11[%add3A_24, %parallel_loop3A_619] : memref<128x128xf32, #tpu.memory_space<vmem>>[vector<16xi32>, vector<16xi32>], vector<16xf32>,
        %parallel_loop3A_621 = arith.index_cast %parallel_loop3A_617 : i32 to index
        %parallel_loop3A_622 = arith.constant 112 : index
        %parallel_loop3A_623 = tpu.vector_load %arg13[%parallel_loop3A_621, %parallel_loop3A_622] {strides = array<i32>} : memref<32x128xf32, #tpu.memory_space<vmem>>, vector<16xf32>,
        tpu.vector_store %arg13[%parallel_loop3A_621, %parallel_loop3A_622], %parallel_loop3A_620 {strides = array<i32>} : memref<32x128xf32, #tpu.memory_space<vmem>>, vector<16xf32>,
      } {sc.loop_unroll_factor = 8 : i64, sc.parallel_access}
      %mul3A_449 = arith.constant 200 : i32
      %mul3A_450 = arith.muli %add3A, %mul3A_449 : i32
      %add3A_451 = arith.addi %mul3A_450, %mul3A_265 : i32
      %jit3A_452 = arith.constant 128 : i32
      %div3A_453 = arith.divsi %add3A_451, %jit3A_452 : i32
      %sign3A_454 = arith.constant 0 : i32
      %sign3A_455 = arith.cmpi sgt, %add3A_451, %sign3A_454 : i32
      %sign3A_456 = arith.extui %sign3A_455 : i1 to i32
      %sign3A_457 = arith.constant 0 : i32
      %sign3A_458 = arith.cmpi slt, %add3A_451, %sign3A_457 : i32
      %sign3A_459 = arith.extui %sign3A_458 : i1 to i32
      %sign3A_460 = arith.subi %sign3A_456, %sign3A_459 : i32
      %sign3A_461 = arith.constant 0 : i32
      %sign3A_462 = arith.cmpi sgt, %jit3A_452, %sign3A_461 : i32
      %sign3A_463 = arith.extui %sign3A_462 : i1 to i32
      %sign3A_464 = arith.constant 0 : i32
      %sign3A_465 = arith.cmpi slt, %jit3A_452, %sign3A_464 : i32
      %sign3A_466 = arith.extui %sign3A_465 : i1 to i32
      %sign3A_467 = arith.subi %sign3A_463, %sign3A_466 : i32
      %ne3A_468 = arith.cmpi ne, %sign3A_460, %sign3A_467 : i32
      %rem3A_469 = arith.remsi %add3A_451, %jit3A_452 : i32
      %ne3A_470 = arith.constant 0 : i32
      %ne3A_471 = arith.cmpi ne, %rem3A_469, %ne3A_470 : i32
      %and3A_472 = arith.andi %ne3A_468, %ne3A_471 : i1
      %sub3A_473 = arith.constant 1 : i32
      %sub3A_474 = arith.subi %div3A_453, %sub3A_473 : i32
      %select_n3A_475 = arith.select %and3A_472, %sub3A_474, %div3A_453 : i32
      %jit3A_476 = arith.constant 128 : i32
      %eq3A_477 = arith.constant 0 : i32
      %eq3A_478 = arith.cmpi eq, %jit3A_476, %eq3A_477 : i32
      %jit3A_479 = arith.constant 1 : i32
      %select_n3A_480 = arith.select %eq3A_478, %jit3A_479, %jit3A_476 : i32
      %rem3A_481 = arith.remsi %add3A_451, %select_n3A_480 : i32
      %ne3A_482 = arith.constant 0 : i32
      %ne3A_483 = arith.cmpi ne, %rem3A_481, %ne3A_482 : i32
      %lt3A_484 = arith.constant 0 : i32
      %lt3A_485 = arith.cmpi slt, %rem3A_481, %lt3A_484 : i32
      %lt3A_486 = arith.constant 0 : i32
      %lt3A_487 = arith.cmpi slt, %select_n3A_480, %lt3A_486 : i32
      %ne3A_488 = arith.xori %lt3A_485, %lt3A_487 : i1
      %and3A_489 = arith.andi %ne3A_488, %ne3A_483 : i1
      %add3A_490 = arith.addi %rem3A_481, %select_n3A_480 : i32
      %select_n3A_491 = arith.select %and3A_489, %add3A_490, %rem3A_481 : i32
      %mul3A_492 = arith.constant 128 : i32
      %mul3A_493 = arith.muli %select_n3A_491, %mul3A_492 : i32
      %multiple_of3A_494 = tpu.assume_multiple %mul3A_493, 128 : i32
      %dma_start3A_495 = arith.constant 0 : i32
      %dma_start3A_496 = tpu.memref_slice %arg4[%select_n3A_475, %dma_start3A_495, %multiple_of3A_494] : memref<50x32x16384xf32, #tpu.memory_space<hbm>> -> memref<1x32x128xf32, #tpu.memory_space<hbm>>
      %dma_start3A_497 = tpu.memref_squeeze %dma_start3A_496 : memref<1x32x128xf32, #tpu.memory_space<hbm>> -> memref<32x128xf32, #tpu.memory_space<hbm>>
      %dma_start3A_498 = arith.constant 0 : i32
      %dma_start3A_499 = tpu.memref_slice %arg4[%select_n3A_475, %dma_start3A_498, %multiple_of3A_494] : memref<50x32x16384xf32, #tpu.memory_space<hbm>> -> memref<1x32x128xf32, #tpu.memory_space<hbm>>
      %dma_start3A_500 = tpu.memref_squeeze %dma_start3A_499 : memref<1x32x128xf32, #tpu.memory_space<hbm>> -> memref<32x128xf32, #tpu.memory_space<hbm>>
      tpu.enqueue_dma source(%arg13 : memref<32x128xf32, #tpu.memory_space<vmem>>) target(%dma_start3A_500 : memref<32x128xf32, #tpu.memory_space<hbm>>) target_semaphore(%arg19 : memref<!tpu.dma_semaphore, #tpu.memory_space<semaphore_mem>>)
      %add3A_501 = arith.constant 2 : i32
      %add3A_502 = arith.addi %mul3A_265, %add3A_501 : i32
      %lt3A_503 = arith.constant 200 : i32
      %lt3A_504 = arith.cmpi slt, %add3A_502, %lt3A_503 : i32
      %convert_element_type3A_505 = arith.extui %lt3A_504 : i1 to i32
      %cond3A_506 = arith.constant 0 : i32
      %cond3A_507 = arith.cmpi ne, %convert_element_type3A_505, %cond3A_506 : i32
      scf.if %cond3A_507 {
        %dma_wait3A_617 = arith.constant 0 : i32
        %dma_wait3A_618 = arith.constant 0 : i32
        %dma_wait3A_619 = tpu.memref_slice %arg2[%dma_wait3A_617, %dma_wait3A_618] : memref<50x16384xi32, #tpu.memory_space<hbm>> -> memref<1x128xi32, #tpu.memory_space<hbm>>
        %dma_wait3A_620 = tpu.memref_squeeze %dma_wait3A_619 : memref<1x128xi32, #tpu.memory_space<hbm>> -> memref<128xi32, #tpu.memory_space<hbm>>
        %dma_wait3A_621 = arith.constant 0 : i32
        %dma_wait3A_622 = tpu.memref_slice %arg2[%dma_wait3A_617, %dma_wait3A_621] : memref<50x16384xi32, #tpu.memory_space<hbm>> -> memref<1x128xi32, #tpu.memory_space<hbm>>
        %dma_wait3A_623 = tpu.memref_squeeze %dma_wait3A_622 : memref<1x128xi32, #tpu.memory_space<hbm>> -> memref<128xi32, #tpu.memory_space<hbm>>
        tpu.wait_dma2 semaphore(%arg15 : memref<!tpu.dma_semaphore, #tpu.memory_space<semaphore_mem>>) src(%dma_wait3A_623 : memref<128xi32, #tpu.memory_space<hbm>>) dst(%arg5 : memref<128xi32, #tpu.memory_space<vmem>>)
        %add3A_624 = arith.constant 2 : i32
        %add3A_625 = arith.addi %mul3A_265, %add3A_624 : i32
        %get3A_626 = arith.constant 0 : index
        %get3A_627 = tpu.vector_load %arg5[%get3A_626] {strides = array<i32>} : memref<128xi32, #tpu.memory_space<vmem>>, vector<16xi32>,
        %shift_right_logical3A_628 = arith.constant 2 : i32
        %shift_right_logical3A_629 = vector.broadcast %shift_right_logical3A_628 : i32 to vector<16xi32>
        %shift_right_logical3A_630 = arith.shrui %get3A_627, %shift_right_logical3A_629 : vector<16xi32>
        %swap3A_631 = arith.constant 0 : index
        %swap3A_632 = tpu.vector_load %arg7[%swap3A_631] {strides = array<i32>} : memref<128xi32, #tpu.memory_space<vmem>>, vector<16xi32>,
        tpu.vector_store %arg7[%swap3A_631], %shift_right_logical3A_630 {strides = array<i32>} : memref<128xi32, #tpu.memory_space<vmem>>, vector<16xi32>,
        %and3A_633 = arith.constant 3 : i32
        %and3A_634 = vector.broadcast %and3A_633 : i32 to vector<16xi32>
        %and3A_635 = arith.andi %get3A_627, %and3A_634 : vector<16xi32>
        %shift_left3A_636 = arith.constant 5 : i32
        %shift_left3A_637 = vector.broadcast %shift_left3A_636 : i32 to vector<16xi32>
        %shift_left3A_638 = arith.shli %and3A_635, %shift_left3A_637 : vector<16xi32>
        %swap3A_639 = arith.constant 0 : index
        %swap3A_640 = tpu.vector_load %arg9[%swap3A_639] {strides = array<i32>} : memref<128xi32, #tpu.memory_space<vmem>>, vector<16xi32>,
        tpu.vector_store %arg9[%swap3A_639], %shift_left3A_638 {strides = array<i32>} : memref<128xi32, #tpu.memory_space<vmem>>, vector<16xi32>,
        %get3A_641 = arith.constant 16 : index
        %get3A_642 = tpu.vector_load %arg5[%get3A_641] {strides = array<i32>} : memref<128xi32, #tpu.memory_space<vmem>>, vector<16xi32>,
        %shift_right_logical3A_643 = arith.constant 2 : i32
        %shift_right_logical3A_644 = vector.broadcast %shift_right_logical3A_643 : i32 to vector<16xi32>
        %shift_right_logical3A_645 = arith.shrui %get3A_642, %shift_right_logical3A_644 : vector<16xi32>
        %swap3A_646 = arith.constant 16 : index
        %swap3A_647 = tpu.vector_load %arg7[%swap3A_646] {strides = array<i32>} : memref<128xi32, #tpu.memory_space<vmem>>, vector<16xi32>,
        tpu.vector_store %arg7[%swap3A_646], %shift_right_logical3A_645 {strides = array<i32>} : memref<128xi32, #tpu.memory_space<vmem>>, vector<16xi32>,
        %and3A_648 = arith.constant 3 : i32
        %and3A_649 = vector.broadcast %and3A_648 : i32 to vector<16xi32>
        %and3A_650 = arith.andi %get3A_642, %and3A_649 : vector<16xi32>
        %shift_left3A_651 = arith.constant 5 : i32
        %shift_left3A_652 = vector.broadcast %shift_left3A_651 : i32 to vector<16xi32>
        %shift_left3A_653 = arith.shli %and3A_650, %shift_left3A_652 : vector<16xi32>
        %swap3A_654 = arith.constant 16 : index
        %swap3A_655 = tpu.vector_load %arg9[%swap3A_654] {strides = array<i32>} : memref<128xi32, #tpu.memory_space<vmem>>, vector<16xi32>,
        tpu.vector_store %arg9[%swap3A_654], %shift_left3A_653 {strides = array<i32>} : memref<128xi32, #tpu.memory_space<vmem>>, vector<16xi32>,
        %get3A_656 = arith.constant 32 : index
        %get3A_657 = tpu.vector_load %arg5[%get3A_656] {strides = array<i32>} : memref<128xi32, #tpu.memory_space<vmem>>, vector<16xi32>,
        %shift_right_logical3A_658 = arith.constant 2 : i32
        %shift_right_logical3A_659 = vector.broadcast %shift_right_logical3A_658 : i32 to vector<16xi32>
        %shift_right_logical3A_660 = arith.shrui %get3A_657, %shift_right_logical3A_659 : vector<16xi32>
        %swap3A_661 = arith.constant 32 : index
        %swap3A_662 = tpu.vector_load %arg7[%swap3A_661] {strides = array<i32>} : memref<128xi32, #tpu.memory_space<vmem>>, vector<16xi32>,
        tpu.vector_store %arg7[%swap3A_661], %shift_right_logical3A_660 {strides = array<i32>} : memref<128xi32, #tpu.memory_space<vmem>>, vector<16xi32>,
        %and3A_663 = arith.constant 3 : i32
        %and3A_664 = vector.broadcast %and3A_663 : i32 to vector<16xi32>
        %and3A_665 = arith.andi %get3A_657, %and3A_664 : vector<16xi32>
        %shift_left3A_666 = arith.constant 5 : i32
        %shift_left3A_667 = vector.broadcast %shift_left3A_666 : i32 to vector<16xi32>
        %shift_left3A_668 = arith.shli %and3A_665, %shift_left3A_667 : vector<16xi32>
        %swap3A_669 = arith.constant 32 : index
        %swap3A_670 = tpu.vector_load %arg9[%swap3A_669] {strides = array<i32>} : memref<128xi32, #tpu.memory_space<vmem>>, vector<16xi32>,
        tpu.vector_store %arg9[%swap3A_669], %shift_left3A_668 {strides = array<i32>} : memref<128xi32, #tpu.memory_space<vmem>>, vector<16xi32>,
        %get3A_671 = arith.constant 48 : index
        %get3A_672 = tpu.vector_load %arg5[%get3A_671] {strides = array<i32>} : memref<128xi32, #tpu.memory_space<vmem>>, vector<16xi32>,
        %shift_right_logical3A_673 = arith.constant 2 : i32
        %shift_right_logical3A_674 = vector.broadcast %shift_right_logical3A_673 : i32 to vector<16xi32>
        %shift_right_logical3A_675 = arith.shrui %get3A_672, %shift_right_logical3A_674 : vector<16xi32>
        %swap3A_676 = arith.constant 48 : index
        %swap3A_677 = tpu.vector_load %arg7[%swap3A_676] {strides = array<i32>} : memref<128xi32, #tpu.memory_space<vmem>>, vector<16xi32>,
        tpu.vector_store %arg7[%swap3A_676], %shift_right_logical3A_675 {strides = array<i32>} : memref<128xi32, #tpu.memory_space<vmem>>, vector<16xi32>,
        %and3A_678 = arith.constant 3 : i32
        %and3A_679 = vector.broadcast %and3A_678 : i32 to vector<16xi32>
        %and3A_680 = arith.andi %get3A_672, %and3A_679 : vector<16xi32>
        %shift_left3A_681 = arith.constant 5 : i32
        %shift_left3A_682 = vector.broadcast %shift_left3A_681 : i32 to vector<16xi32>
        %shift_left3A_683 = arith.shli %and3A_680, %shift_left3A_682 : vector<16xi32>
        %swap3A_684 = arith.constant 48 : index
        %swap3A_685 = tpu.vector_load %arg9[%swap3A_684] {strides = array<i32>} : memref<128xi32, #tpu.memory_space<vmem>>, vector<16xi32>,
        tpu.vector_store %arg9[%swap3A_684], %shift_left3A_683 {strides = array<i32>} : memref<128xi32, #tpu.memory_space<vmem>>, vector<16xi32>,
        %get3A_686 = arith.constant 64 : index
        %get3A_687 = tpu.vector_load %arg5[%get3A_686] {strides = array<i32>} : memref<128xi32, #tpu.memory_space<vmem>>, vector<16xi32>,
        %shift_right_logical3A_688 = arith.constant 2 : i32
        %shift_right_logical3A_689 = vector.broadcast %shift_right_logical3A_688 : i32 to vector<16xi32>
        %shift_right_logical3A_690 = arith.shrui %get3A_687, %shift_right_logical3A_689 : vector<16xi32>
        %swap3A_691 = arith.constant 64 : index
        %swap3A_692 = tpu.vector_load %arg7[%swap3A_691] {strides = array<i32>} : memref<128xi32, #tpu.memory_space<vmem>>, vector<16xi32>,
        tpu.vector_store %arg7[%swap3A_691], %shift_right_logical3A_690 {strides = array<i32>} : memref<128xi32, #tpu.memory_space<vmem>>, vector<16xi32>,
        %and3A_693 = arith.constant 3 : i32
        %and3A_694 = vector.broadcast %and3A_693 : i32 to vector<16xi32>
        %and3A_695 = arith.andi %get3A_687, %and3A_694 : vector<16xi32>
        %shift_left3A_696 = arith.constant 5 : i32
        %shift_left3A_697 = vector.broadcast %shift_left3A_696 : i32 to vector<16xi32>
        %shift_left3A_698 = arith.shli %and3A_695, %shift_left3A_697 : vector<16xi32>
        %swap3A_699 = arith.constant 64 : index
        %swap3A_700 = tpu.vector_load %arg9[%swap3A_699] {strides = array<i32>} : memref<128xi32, #tpu.memory_space<vmem>>, vector<16xi32>,
        tpu.vector_store %arg9[%swap3A_699], %shift_left3A_698 {strides = array<i32>} : memref<128xi32, #tpu.memory_space<vmem>>, vector<16xi32>,
        %get3A_701 = arith.constant 80 : index
        %get3A_702 = tpu.vector_load %arg5[%get3A_701] {strides = array<i32>} : memref<128xi32, #tpu.memory_space<vmem>>, vector<16xi32>,
        %shift_right_logical3A_703 = arith.constant 2 : i32
        %shift_right_logical3A_704 = vector.broadcast %shift_right_logical3A_703 : i32 to vector<16xi32>
        %shift_right_logical3A_705 = arith.shrui %get3A_702, %shift_right_logical3A_704 : vector<16xi32>
        %swap3A_706 = arith.constant 80 : index
        %swap3A_707 = tpu.vector_load %arg7[%swap3A_706] {strides = array<i32>} : memref<128xi32, #tpu.memory_space<vmem>>, vector<16xi32>,
        tpu.vector_store %arg7[%swap3A_706], %shift_right_logical3A_705 {strides = array<i32>} : memref<128xi32, #tpu.memory_space<vmem>>, vector<16xi32>,
        %and3A_708 = arith.constant 3 : i32
        %and3A_709 = vector.broadcast %and3A_708 : i32 to vector<16xi32>
        %and3A_710 = arith.andi %get3A_702, %and3A_709 : vector<16xi32>
        %shift_left3A_711 = arith.constant 5 : i32
        %shift_left3A_712 = vector.broadcast %shift_left3A_711 : i32 to vector<16xi32>
        %shift_left3A_713 = arith.shli %and3A_710, %shift_left3A_712 : vector<16xi32>
        %swap3A_714 = arith.constant 80 : index
        %swap3A_715 = tpu.vector_load %arg9[%swap3A_714] {strides = array<i32>} : memref<128xi32, #tpu.memory_space<vmem>>, vector<16xi32>,
        tpu.vector_store %arg9[%swap3A_714], %shift_left3A_713 {strides = array<i32>} : memref<128xi32, #tpu.memory_space<vmem>>, vector<16xi32>,
        %get3A_716 = arith.constant 96 : index
        %get3A_717 = tpu.vector_load %arg5[%get3A_716] {strides = array<i32>} : memref<128xi32, #tpu.memory_space<vmem>>, vector<16xi32>,
        %shift_right_logical3A_718 = arith.constant 2 : i32
        %shift_right_logical3A_719 = vector.broadcast %shift_right_logical3A_718 : i32 to vector<16xi32>
        %shift_right_logical3A_720 = arith.shrui %get3A_717, %shift_right_logical3A_719 : vector<16xi32>
        %swap3A_721 = arith.constant 96 : index
        %swap3A_722 = tpu.vector_load %arg7[%swap3A_721] {strides = array<i32>} : memref<128xi32, #tpu.memory_space<vmem>>, vector<16xi32>,
        tpu.vector_store %arg7[%swap3A_721], %shift_right_logical3A_720 {strides = array<i32>} : memref<128xi32, #tpu.memory_space<vmem>>, vector<16xi32>,
        %and3A_723 = arith.constant 3 : i32
        %and3A_724 = vector.broadcast %and3A_723 : i32 to vector<16xi32>
        %and3A_725 = arith.andi %get3A_717, %and3A_724 : vector<16xi32>
        %shift_left3A_726 = arith.constant 5 : i32
        %shift_left3A_727 = vector.broadcast %shift_left3A_726 : i32 to vector<16xi32>
        %shift_left3A_728 = arith.shli %and3A_725, %shift_left3A_727 : vector<16xi32>
        %swap3A_729 = arith.constant 96 : index
        %swap3A_730 = tpu.vector_load %arg9[%swap3A_729] {strides = array<i32>} : memref<128xi32, #tpu.memory_space<vmem>>, vector<16xi32>,
        tpu.vector_store %arg9[%swap3A_729], %shift_left3A_728 {strides = array<i32>} : memref<128xi32, #tpu.memory_space<vmem>>, vector<16xi32>,
        %get3A_731 = arith.constant 112 : index
        %get3A_732 = tpu.vector_load %arg5[%get3A_731] {strides = array<i32>} : memref<128xi32, #tpu.memory_space<vmem>>, vector<16xi32>,
        %shift_right_logical3A_733 = arith.constant 2 : i32
        %shift_right_logical3A_734 = vector.broadcast %shift_right_logical3A_733 : i32 to vector<16xi32>
        %shift_right_logical3A_735 = arith.shrui %get3A_732, %shift_right_logical3A_734 : vector<16xi32>
        %swap3A_736 = arith.constant 112 : index
        %swap3A_737 = tpu.vector_load %arg7[%swap3A_736] {strides = array<i32>} : memref<128xi32, #tpu.memory_space<vmem>>, vector<16xi32>,
        tpu.vector_store %arg7[%swap3A_736], %shift_right_logical3A_735 {strides = array<i32>} : memref<128xi32, #tpu.memory_space<vmem>>, vector<16xi32>,
        %and3A_738 = arith.constant 3 : i32
        %and3A_739 = vector.broadcast %and3A_738 : i32 to vector<16xi32>
        %and3A_740 = arith.andi %get3A_732, %and3A_739 : vector<16xi32>
        %shift_left3A_741 = arith.constant 5 : i32
        %shift_left3A_742 = vector.broadcast %shift_left3A_741 : i32 to vector<16xi32>
        %shift_left3A_743 = arith.shli %and3A_740, %shift_left3A_742 : vector<16xi32>
        %swap3A_744 = arith.constant 112 : index
        %swap3A_745 = tpu.vector_load %arg9[%swap3A_744] {strides = array<i32>} : memref<128xi32, #tpu.memory_space<vmem>>, vector<16xi32>,
        tpu.vector_store %arg9[%swap3A_744], %shift_left3A_743 {strides = array<i32>} : memref<128xi32, #tpu.memory_space<vmem>>, vector<16xi32>,
        %dma_start3A_746 = arith.constant 0 : i32
        %dma_start3A_747 = arith.constant 0 : i32
        %dma_start3A_748 = tpu.memref_slice %arg3[%dma_start3A_746, %dma_start3A_747] : memref<250048x128xf32, #tpu.memory_space<hbm>> -> memref<250048x128xf32, #tpu.memory_space<hbm>>
        tpu.enqueue_indirect_dma source(%dma_start3A_748 : memref<250048x128xf32, #tpu.memory_space<hbm>>) target(%arg11 : memref<128x128xf32, #tpu.memory_space<vmem>>) offsets(%arg7 : memref<128xi32, #tpu.memory_space<vmem>>) semaphore(%arg17 : memref<!tpu.dma_semaphore, #tpu.memory_space<semaphore_mem>>)
      } else {
      }
      %add3A_508 = arith.constant 3 : i32
      %add3A_509 = arith.addi %mul3A_265, %add3A_508 : i32
      %lt3A_510 = arith.constant 200 : i32
      %lt3A_511 = arith.cmpi slt, %add3A_509, %lt3A_510 : i32
      %convert_element_type3A_512 = arith.extui %lt3A_511 : i1 to i32
      %cond3A_513 = arith.constant 0 : i32
      %cond3A_514 = arith.cmpi ne, %convert_element_type3A_512, %cond3A_513 : i32
      scf.if %cond3A_514 {
        %add3A_617 = arith.constant 3 : i32
        %add3A_618 = arith.addi %mul3A_265, %add3A_617 : i32
        %mul3A_619 = arith.constant 200 : i32
        %mul3A_620 = arith.muli %add3A, %mul3A_619 : i32
        %add3A_621 = arith.addi %mul3A_620, %add3A_618 : i32
        %jit3A_622 = arith.constant 128 : i32
        %div3A_623 = arith.divsi %add3A_621, %jit3A_622 : i32
        %sign3A_624 = arith.constant 0 : i32
        %sign3A_625 = arith.cmpi sgt, %add3A_621, %sign3A_624 : i32
        %sign3A_626 = arith.extui %sign3A_625 : i1 to i32
        %sign3A_627 = arith.constant 0 : i32
        %sign3A_628 = arith.cmpi slt, %add3A_621, %sign3A_627 : i32
        %sign3A_629 = arith.extui %sign3A_628 : i1 to i32
        %sign3A_630 = arith.subi %sign3A_626, %sign3A_629 : i32
        %sign3A_631 = arith.constant 0 : i32
        %sign3A_632 = arith.cmpi sgt, %jit3A_622, %sign3A_631 : i32
        %sign3A_633 = arith.extui %sign3A_632 : i1 to i32
        %sign3A_634 = arith.constant 0 : i32
        %sign3A_635 = arith.cmpi slt, %jit3A_622, %sign3A_634 : i32
        %sign3A_636 = arith.extui %sign3A_635 : i1 to i32
        %sign3A_637 = arith.subi %sign3A_633, %sign3A_636 : i32
        %ne3A_638 = arith.cmpi ne, %sign3A_630, %sign3A_637 : i32
        %rem3A_639 = arith.remsi %add3A_621, %jit3A_622 : i32
        %ne3A_640 = arith.constant 0 : i32
        %ne3A_641 = arith.cmpi ne, %rem3A_639, %ne3A_640 : i32
        %and3A_642 = arith.andi %ne3A_638, %ne3A_641 : i1
        %sub3A_643 = arith.constant 1 : i32
        %sub3A_644 = arith.subi %div3A_623, %sub3A_643 : i32
        %select_n3A_645 = arith.select %and3A_642, %sub3A_644, %div3A_623 : i32
        %jit3A_646 = arith.constant 128 : i32
        %eq3A_647 = arith.constant 0 : i32
        %eq3A_648 = arith.cmpi eq, %jit3A_646, %eq3A_647 : i32
        %jit3A_649 = arith.constant 1 : i32
        %select_n3A_650 = arith.select %eq3A_648, %jit3A_649, %jit3A_646 : i32
        %rem3A_651 = arith.remsi %add3A_621, %select_n3A_650 : i32
        %ne3A_652 = arith.constant 0 : i32
        %ne3A_653 = arith.cmpi ne, %rem3A_651, %ne3A_652 : i32
        %lt3A_654 = arith.constant 0 : i32
        %lt3A_655 = arith.cmpi slt, %rem3A_651, %lt3A_654 : i32
        %lt3A_656 = arith.constant 0 : i32
        %lt3A_657 = arith.cmpi slt, %select_n3A_650, %lt3A_656 : i32
        %ne3A_658 = arith.xori %lt3A_655, %lt3A_657 : i1
        %and3A_659 = arith.andi %ne3A_658, %ne3A_653 : i1
        %add3A_660 = arith.addi %rem3A_651, %select_n3A_650 : i32
        %select_n3A_661 = arith.select %and3A_659, %add3A_660, %rem3A_651 : i32
        %mul3A_662 = arith.constant 128 : i32
        %mul3A_663 = arith.muli %select_n3A_661, %mul3A_662 : i32
        %multiple_of3A_664 = tpu.assume_multiple %mul3A_663, 128 : i32
        %dma_start3A_665 = tpu.memref_slice %arg2[%select_n3A_645, %multiple_of3A_664] : memref<50x16384xi32, #tpu.memory_space<hbm>> -> memref<1x128xi32, #tpu.memory_space<hbm>>
        %dma_start3A_666 = tpu.memref_squeeze %dma_start3A_665 : memref<1x128xi32, #tpu.memory_space<hbm>> -> memref<128xi32, #tpu.memory_space<hbm>>
        %dma_start3A_667 = tpu.memref_slice %arg2[%select_n3A_645, %multiple_of3A_664] : memref<50x16384xi32, #tpu.memory_space<hbm>> -> memref<1x128xi32, #tpu.memory_space<hbm>>
        %dma_start3A_668 = tpu.memref_squeeze %dma_start3A_667 : memref<1x128xi32, #tpu.memory_space<hbm>> -> memref<128xi32, #tpu.memory_space<hbm>>
        tpu.enqueue_dma source(%dma_start3A_668 : memref<128xi32, #tpu.memory_space<hbm>>) target(%arg6 : memref<128xi32, #tpu.memory_space<vmem>>) target_semaphore(%arg16 : memref<!tpu.dma_semaphore, #tpu.memory_space<semaphore_mem>>)
      } else {
      }
      %dma_wait3A_515 = arith.constant 0 : i32
      %dma_wait3A_516 = arith.constant 0 : i32
      %dma_wait3A_517 = tpu.memref_slice %arg3[%dma_wait3A_515, %dma_wait3A_516] : memref<250048x128xf32, #tpu.memory_space<hbm>> -> memref<250048x128xf32, #tpu.memory_space<hbm>>
      tpu.wait_indirect_dma semaphore(%arg18 : memref<!tpu.dma_semaphore, #tpu.memory_space<semaphore_mem>>) src(%dma_wait3A_517 : memref<250048x128xf32, #tpu.memory_space<hbm>>) dst(%arg12 : memref<128x128xf32, #tpu.memory_space<vmem>>)
      %gt3A_518 = arith.constant 0 : i32
      %gt3A_519 = arith.cmpi sgt, %scan3A_263, %gt3A_518 : i32
      %convert_element_type3A_520 = arith.extui %gt3A_519 : i1 to i32
      %cond3A_521 = arith.constant 0 : i32
      %cond3A_522 = arith.cmpi ne, %convert_element_type3A_520, %cond3A_521 : i32
      scf.if %cond3A_522 {
        %dma_wait3A_617 = arith.constant 0 : i32
        %dma_wait3A_618 = arith.constant 0 : i32
        %dma_wait3A_619 = arith.constant 0 : i32
        %dma_wait3A_620 = tpu.memref_slice %arg4[%dma_wait3A_617, %dma_wait3A_618, %dma_wait3A_619] : memref<50x32x16384xf32, #tpu.memory_space<hbm>> -> memref<1x32x128xf32, #tpu.memory_space<hbm>>
        %dma_wait3A_621 = tpu.memref_squeeze %dma_wait3A_620 : memref<1x32x128xf32, #tpu.memory_space<hbm>> -> memref<32x128xf32, #tpu.memory_space<hbm>>
        %dma_wait3A_622 = arith.constant 0 : i32
        %dma_wait3A_623 = arith.constant 0 : i32
        %dma_wait3A_624 = tpu.memref_slice %arg4[%dma_wait3A_617, %dma_wait3A_622, %dma_wait3A_623] : memref<50x32x16384xf32, #tpu.memory_space<hbm>> -> memref<1x32x128xf32, #tpu.memory_space<hbm>>
        %dma_wait3A_625 = tpu.memref_squeeze %dma_wait3A_624 : memref<1x32x128xf32, #tpu.memory_space<hbm>> -> memref<32x128xf32, #tpu.memory_space<hbm>>
        tpu.wait_dma2 semaphore(%arg20 : memref<!tpu.dma_semaphore, #tpu.memory_space<semaphore_mem>>) src(%arg14 : memref<32x128xf32, #tpu.memory_space<vmem>>) dst(%dma_wait3A_625 : memref<32x128xf32, #tpu.memory_space<hbm>>)
      } else {
      }
      %get3A_523 = arith.constant 0 : index
      %get3A_524 = tpu.vector_load %arg10[%get3A_523] {strides = array<i32>} : memref<128xi32, #tpu.memory_space<vmem>>, vector<16xi32>,
      %parallel_loop3A_525 = arith.constant 0 : i32
      %parallel_loop3A_526 = arith.constant 32 : i32
      %parallel_loop3A_527 = arith.constant 1 : i32
      scf.for %parallel_loop3A_617 = %parallel_loop3A_525 to %parallel_loop3A_526 step %parallel_loop3A_527  : i32 {
        %parallel_loop3A_618 = vector.broadcast %parallel_loop3A_617 : i32 to vector<16xi32>
        %parallel_loop3A_619 = arith.addi %get3A_524, %parallel_loop3A_618 : vector<16xi32>
        %parallel_loop3A_620 = tpu.vector_load_idx %arg12[%add3A_3, %parallel_loop3A_619] : memref<128x128xf32, #tpu.memory_space<vmem>>[vector<16xi32>, vector<16xi32>], vector<16xf32>,
        %parallel_loop3A_621 = arith.index_cast %parallel_loop3A_617 : i32 to index
        %parallel_loop3A_622 = arith.constant 0 : index
        %parallel_loop3A_623 = tpu.vector_load %arg14[%parallel_loop3A_621, %parallel_loop3A_622] {strides = array<i32>} : memref<32x128xf32, #tpu.memory_space<vmem>>, vector<16xf32>,
        tpu.vector_store %arg14[%parallel_loop3A_621, %parallel_loop3A_622], %parallel_loop3A_620 {strides = array<i32>} : memref<32x128xf32, #tpu.memory_space<vmem>>, vector<16xf32>,
      } {sc.loop_unroll_factor = 8 : i64, sc.parallel_access}
      %get3A_528 = arith.constant 16 : index
      %get3A_529 = tpu.vector_load %arg10[%get3A_528] {strides = array<i32>} : memref<128xi32, #tpu.memory_space<vmem>>, vector<16xi32>,
      %parallel_loop3A_530 = arith.constant 0 : i32
      %parallel_loop3A_531 = arith.constant 32 : i32
      %parallel_loop3A_532 = arith.constant 1 : i32
      scf.for %parallel_loop3A_617 = %parallel_loop3A_530 to %parallel_loop3A_531 step %parallel_loop3A_532  : i32 {
        %parallel_loop3A_618 = vector.broadcast %parallel_loop3A_617 : i32 to vector<16xi32>
        %parallel_loop3A_619 = arith.addi %get3A_529, %parallel_loop3A_618 : vector<16xi32>
        %parallel_loop3A_620 = tpu.vector_load_idx %arg12[%add3A_6, %parallel_loop3A_619] : memref<128x128xf32, #tpu.memory_space<vmem>>[vector<16xi32>, vector<16xi32>], vector<16xf32>,
        %parallel_loop3A_621 = arith.index_cast %parallel_loop3A_617 : i32 to index
        %parallel_loop3A_622 = arith.constant 16 : index
        %parallel_loop3A_623 = tpu.vector_load %arg14[%parallel_loop3A_621, %parallel_loop3A_622] {strides = array<i32>} : memref<32x128xf32, #tpu.memory_space<vmem>>, vector<16xf32>,
        tpu.vector_store %arg14[%parallel_loop3A_621, %parallel_loop3A_622], %parallel_loop3A_620 {strides = array<i32>} : memref<32x128xf32, #tpu.memory_space<vmem>>, vector<16xf32>,
      } {sc.loop_unroll_factor = 8 : i64, sc.parallel_access}
      %get3A_533 = arith.constant 32 : index
      %get3A_534 = tpu.vector_load %arg10[%get3A_533] {strides = array<i32>} : memref<128xi32, #tpu.memory_space<vmem>>, vector<16xi32>,
      %parallel_loop3A_535 = arith.constant 0 : i32
      %parallel_loop3A_536 = arith.constant 32 : i32
      %parallel_loop3A_537 = arith.constant 1 : i32
      scf.for %parallel_loop3A_617 = %parallel_loop3A_535 to %parallel_loop3A_536 step %parallel_loop3A_537  : i32 {
        %parallel_loop3A_618 = vector.broadcast %parallel_loop3A_617 : i32 to vector<16xi32>
        %parallel_loop3A_619 = arith.addi %get3A_534, %parallel_loop3A_618 : vector<16xi32>
        %parallel_loop3A_620 = tpu.vector_load_idx %arg12[%add3A_9, %parallel_loop3A_619] : memref<128x128xf32, #tpu.memory_space<vmem>>[vector<16xi32>, vector<16xi32>], vector<16xf32>,
        %parallel_loop3A_621 = arith.index_cast %parallel_loop3A_617 : i32 to index
        %parallel_loop3A_622 = arith.constant 32 : index
        %parallel_loop3A_623 = tpu.vector_load %arg14[%parallel_loop3A_621, %parallel_loop3A_622] {strides = array<i32>} : memref<32x128xf32, #tpu.memory_space<vmem>>, vector<16xf32>,
        tpu.vector_store %arg14[%parallel_loop3A_621, %parallel_loop3A_622], %parallel_loop3A_620 {strides = array<i32>} : memref<32x128xf32, #tpu.memory_space<vmem>>, vector<16xf32>,
      } {sc.loop_unroll_factor = 8 : i64, sc.parallel_access}
      %get3A_538 = arith.constant 48 : index
      %get3A_539 = tpu.vector_load %arg10[%get3A_538] {strides = array<i32>} : memref<128xi32, #tpu.memory_space<vmem>>, vector<16xi32>,
      %parallel_loop3A_540 = arith.constant 0 : i32
      %parallel_loop3A_541 = arith.constant 32 : i32
      %parallel_loop3A_542 = arith.constant 1 : i32
      scf.for %parallel_loop3A_617 = %parallel_loop3A_540 to %parallel_loop3A_541 step %parallel_loop3A_542  : i32 {
        %parallel_loop3A_618 = vector.broadcast %parallel_loop3A_617 : i32 to vector<16xi32>
        %parallel_loop3A_619 = arith.addi %get3A_539, %parallel_loop3A_618 : vector<16xi32>
        %parallel_loop3A_620 = tpu.vector_load_idx %arg12[%add3A_12, %parallel_loop3A_619] : memref<128x128xf32, #tpu.memory_space<vmem>>[vector<16xi32>, vector<16xi32>], vector<16xf32>,
        %parallel_loop3A_621 = arith.index_cast %parallel_loop3A_617 : i32 to index
        %parallel_loop3A_622 = arith.constant 48 : index
        %parallel_loop3A_623 = tpu.vector_load %arg14[%parallel_loop3A_621, %parallel_loop3A_622] {strides = array<i32>} : memref<32x128xf32, #tpu.memory_space<vmem>>, vector<16xf32>,
        tpu.vector_store %arg14[%parallel_loop3A_621, %parallel_loop3A_622], %parallel_loop3A_620 {strides = array<i32>} : memref<32x128xf32, #tpu.memory_space<vmem>>, vector<16xf32>,
      } {sc.loop_unroll_factor = 8 : i64, sc.parallel_access}
      %get3A_543 = arith.constant 64 : index
      %get3A_544 = tpu.vector_load %arg10[%get3A_543] {strides = array<i32>} : memref<128xi32, #tpu.memory_space<vmem>>, vector<16xi32>,
      %parallel_loop3A_545 = arith.constant 0 : i32
      %parallel_loop3A_546 = arith.constant 32 : i32
      %parallel_loop3A_547 = arith.constant 1 : i32
      scf.for %parallel_loop3A_617 = %parallel_loop3A_545 to %parallel_loop3A_546 step %parallel_loop3A_547  : i32 {
        %parallel_loop3A_618 = vector.broadcast %parallel_loop3A_617 : i32 to vector<16xi32>
        %parallel_loop3A_619 = arith.addi %get3A_544, %parallel_loop3A_618 : vector<16xi32>
        %parallel_loop3A_620 = tpu.vector_load_idx %arg12[%add3A_15, %parallel_loop3A_619] : memref<128x128xf32, #tpu.memory_space<vmem>>[vector<16xi32>, vector<16xi32>], vector<16xf32>,
        %parallel_loop3A_621 = arith.index_cast %parallel_loop3A_617 : i32 to index
        %parallel_loop3A_622 = arith.constant 64 : index
        %parallel_loop3A_623 = tpu.vector_load %arg14[%parallel_loop3A_621, %parallel_loop3A_622] {strides = array<i32>} : memref<32x128xf32, #tpu.memory_space<vmem>>, vector<16xf32>,
        tpu.vector_store %arg14[%parallel_loop3A_621, %parallel_loop3A_622], %parallel_loop3A_620 {strides = array<i32>} : memref<32x128xf32, #tpu.memory_space<vmem>>, vector<16xf32>,
      } {sc.loop_unroll_factor = 8 : i64, sc.parallel_access}
      %get3A_548 = arith.constant 80 : index
      %get3A_549 = tpu.vector_load %arg10[%get3A_548] {strides = array<i32>} : memref<128xi32, #tpu.memory_space<vmem>>, vector<16xi32>,
      %parallel_loop3A_550 = arith.constant 0 : i32
      %parallel_loop3A_551 = arith.constant 32 : i32
      %parallel_loop3A_552 = arith.constant 1 : i32
      scf.for %parallel_loop3A_617 = %parallel_loop3A_550 to %parallel_loop3A_551 step %parallel_loop3A_552  : i32 {
        %parallel_loop3A_618 = vector.broadcast %parallel_loop3A_617 : i32 to vector<16xi32>
        %parallel_loop3A_619 = arith.addi %get3A_549, %parallel_loop3A_618 : vector<16xi32>
        %parallel_loop3A_620 = tpu.vector_load_idx %arg12[%add3A_18, %parallel_loop3A_619] : memref<128x128xf32, #tpu.memory_space<vmem>>[vector<16xi32>, vector<16xi32>], vector<16xf32>,
        %parallel_loop3A_621 = arith.index_cast %parallel_loop3A_617 : i32 to index
        %parallel_loop3A_622 = arith.constant 80 : index
        %parallel_loop3A_623 = tpu.vector_load %arg14[%parallel_loop3A_621, %parallel_loop3A_622] {strides = array<i32>} : memref<32x128xf32, #tpu.memory_space<vmem>>, vector<16xf32>,
        tpu.vector_store %arg14[%parallel_loop3A_621, %parallel_loop3A_622], %parallel_loop3A_620 {strides = array<i32>} : memref<32x128xf32, #tpu.memory_space<vmem>>, vector<16xf32>,
      } {sc.loop_unroll_factor = 8 : i64, sc.parallel_access}
      %get3A_553 = arith.constant 96 : index
      %get3A_554 = tpu.vector_load %arg10[%get3A_553] {strides = array<i32>} : memref<128xi32, #tpu.memory_space<vmem>>, vector<16xi32>,
      %parallel_loop3A_555 = arith.constant 0 : i32
      %parallel_loop3A_556 = arith.constant 32 : i32
      %parallel_loop3A_557 = arith.constant 1 : i32
      scf.for %parallel_loop3A_617 = %parallel_loop3A_555 to %parallel_loop3A_556 step %parallel_loop3A_557  : i32 {
        %parallel_loop3A_618 = vector.broadcast %parallel_loop3A_617 : i32 to vector<16xi32>
        %parallel_loop3A_619 = arith.addi %get3A_554, %parallel_loop3A_618 : vector<16xi32>
        %parallel_loop3A_620 = tpu.vector_load_idx %arg12[%add3A_21, %parallel_loop3A_619] : memref<128x128xf32, #tpu.memory_space<vmem>>[vector<16xi32>, vector<16xi32>], vector<16xf32>,
        %parallel_loop3A_621 = arith.index_cast %parallel_loop3A_617 : i32 to index
        %parallel_loop3A_622 = arith.constant 96 : index
        %parallel_loop3A_623 = tpu.vector_load %arg14[%parallel_loop3A_621, %parallel_loop3A_622] {strides = array<i32>} : memref<32x128xf32, #tpu.memory_space<vmem>>, vector<16xf32>,
        tpu.vector_store %arg14[%parallel_loop3A_621, %parallel_loop3A_622], %parallel_loop3A_620 {strides = array<i32>} : memref<32x128xf32, #tpu.memory_space<vmem>>, vector<16xf32>,
      } {sc.loop_unroll_factor = 8 : i64, sc.parallel_access}
      %get3A_558 = arith.constant 112 : index
      %get3A_559 = tpu.vector_load %arg10[%get3A_558] {strides = array<i32>} : memref<128xi32, #tpu.memory_space<vmem>>, vector<16xi32>,
      %parallel_loop3A_560 = arith.constant 0 : i32
      %parallel_loop3A_561 = arith.constant 32 : i32
      %parallel_loop3A_562 = arith.constant 1 : i32
      scf.for %parallel_loop3A_617 = %parallel_loop3A_560 to %parallel_loop3A_561 step %parallel_loop3A_562  : i32 {
        %parallel_loop3A_618 = vector.broadcast %parallel_loop3A_617 : i32 to vector<16xi32>
        %parallel_loop3A_619 = arith.addi %get3A_559, %parallel_loop3A_618 : vector<16xi32>
        %parallel_loop3A_620 = tpu.vector_load_idx %arg12[%add3A_24, %parallel_loop3A_619] : memref<128x128xf32, #tpu.memory_space<vmem>>[vector<16xi32>, vector<16xi32>], vector<16xf32>,
        %parallel_loop3A_621 = arith.index_cast %parallel_loop3A_617 : i32 to index
        %parallel_loop3A_622 = arith.constant 112 : index
        %parallel_loop3A_623 = tpu.vector_load %arg14[%parallel_loop3A_621, %parallel_loop3A_622] {strides = array<i32>} : memref<32x128xf32, #tpu.memory_space<vmem>>, vector<16xf32>,
        tpu.vector_store %arg14[%parallel_loop3A_621, %parallel_loop3A_622], %parallel_loop3A_620 {strides = array<i32>} : memref<32x128xf32, #tpu.memory_space<vmem>>, vector<16xf32>,
      } {sc.loop_unroll_factor = 8 : i64, sc.parallel_access}
      %add3A_563 = arith.constant 1 : i32
      %add3A_564 = arith.addi %mul3A_265, %add3A_563 : i32
      %mul3A_565 = arith.constant 200 : i32
      %mul3A_566 = arith.muli %add3A, %mul3A_565 : i32
      %add3A_567 = arith.addi %mul3A_566, %add3A_564 : i32
      %jit3A_568 = arith.constant 128 : i32
      %div3A_569 = arith.divsi %add3A_567, %jit3A_568 : i32
      %sign3A_570 = arith.constant 0 : i32
      %sign3A_571 = arith.cmpi sgt, %add3A_567, %sign3A_570 : i32
      %sign3A_572 = arith.extui %sign3A_571 : i1 to i32
      %sign3A_573 = arith.constant 0 : i32
      %sign3A_574 = arith.cmpi slt, %add3A_567, %sign3A_573 : i32
      %sign3A_575 = arith.extui %sign3A_574 : i1 to i32
      %sign3A_576 = arith.subi %sign3A_572, %sign3A_575 : i32
      %sign3A_577 = arith.constant 0 : i32
      %sign3A_578 = arith.cmpi sgt, %jit3A_568, %sign3A_577 : i32
      %sign3A_579 = arith.extui %sign3A_578 : i1 to i32
      %sign3A_580 = arith.constant 0 : i32
      %sign3A_581 = arith.cmpi slt, %jit3A_568, %sign3A_580 : i32
      %sign3A_582 = arith.extui %sign3A_581 : i1 to i32
      %sign3A_583 = arith.subi %sign3A_579, %sign3A_582 : i32
      %ne3A_584 = arith.cmpi ne, %sign3A_576, %sign3A_583 : i32
      %rem3A_585 = arith.remsi %add3A_567, %jit3A_568 : i32
      %ne3A_586 = arith.constant 0 : i32
      %ne3A_587 = arith.cmpi ne, %rem3A_585, %ne3A_586 : i32
      %and3A_588 = arith.andi %ne3A_584, %ne3A_587 : i1
      %sub3A_589 = arith.constant 1 : i32
      %sub3A_590 = arith.subi %div3A_569, %sub3A_589 : i32
      %select_n3A_591 = arith.select %and3A_588, %sub3A_590, %div3A_569 : i32
      %jit3A_592 = arith.constant 128 : i32
      %eq3A_593 = arith.constant 0 : i32
      %eq3A_594 = arith.cmpi eq, %jit3A_592, %eq3A_593 : i32
      %jit3A_595 = arith.constant 1 : i32
      %select_n3A_596 = arith.select %eq3A_594, %jit3A_595, %jit3A_592 : i32
      %rem3A_597 = arith.remsi %add3A_567, %select_n3A_596 : i32
      %ne3A_598 = arith.constant 0 : i32
      %ne3A_599 = arith.cmpi ne, %rem3A_597, %ne3A_598 : i32
      %lt3A_600 = arith.constant 0 : i32
      %lt3A_601 = arith.cmpi slt, %rem3A_597, %lt3A_600 : i32
      %lt3A_602 = arith.constant 0 : i32
      %lt3A_603 = arith.cmpi slt, %select_n3A_596, %lt3A_602 : i32
      %ne3A_604 = arith.xori %lt3A_601, %lt3A_603 : i1
      %and3A_605 = arith.andi %ne3A_604, %ne3A_599 : i1
      %add3A_606 = arith.addi %rem3A_597, %select_n3A_596 : i32
      %select_n3A_607 = arith.select %and3A_605, %add3A_606, %rem3A_597 : i32
      %mul3A_608 = arith.constant 128 : i32
      %mul3A_609 = arith.muli %select_n3A_607, %mul3A_608 : i32
      %multiple_of3A_610 = tpu.assume_multiple %mul3A_609, 128 : i32
      %dma_start3A_611 = arith.constant 0 : i32
      %dma_start3A_612 = tpu.memref_slice %arg4[%select_n3A_591, %dma_start3A_611, %multiple_of3A_610] : memref<50x32x16384xf32, #tpu.memory_space<hbm>> -> memref<1x32x128xf32, #tpu.memory_space<hbm>>
      %dma_start3A_613 = tpu.memref_squeeze %dma_start3A_612 : memref<1x32x128xf32, #tpu.memory_space<hbm>> -> memref<32x128xf32, #tpu.memory_space<hbm>>
      %dma_start3A_614 = arith.constant 0 : i32
      %dma_start3A_615 = tpu.memref_slice %arg4[%select_n3A_591, %dma_start3A_614, %multiple_of3A_610] : memref<50x32x16384xf32, #tpu.memory_space<hbm>> -> memref<1x32x128xf32, #tpu.memory_space<hbm>>
      %dma_start3A_616 = tpu.memref_squeeze %dma_start3A_615 : memref<1x32x128xf32, #tpu.memory_space<hbm>> -> memref<32x128xf32, #tpu.memory_space<hbm>>
      tpu.enqueue_dma source(%arg14 : memref<32x128xf32, #tpu.memory_space<vmem>>) target(%dma_start3A_616 : memref<32x128xf32, #tpu.memory_space<hbm>>) target_semaphore(%arg20 : memref<!tpu.dma_semaphore, #tpu.memory_space<semaphore_mem>>)
    }
    %scan3A_244 = arith.constant 100 : i32
    %dma_wait3A_245 = arith.constant 0 : i32
    %dma_wait3A_246 = arith.constant 0 : i32
    %dma_wait3A_247 = arith.constant 0 : i32
    %dma_wait3A_248 = tpu.memref_slice %arg4[%dma_wait3A_245, %dma_wait3A_246, %dma_wait3A_247] : memref<50x32x16384xf32, #tpu.memory_space<hbm>> -> memref<1x32x128xf32, #tpu.memory_space<hbm>>
    %dma_wait3A_249 = tpu.memref_squeeze %dma_wait3A_248 : memref<1x32x128xf32, #tpu.memory_space<hbm>> -> memref<32x128xf32, #tpu.memory_space<hbm>>
    %dma_wait3A_250 = arith.constant 0 : i32
    %dma_wait3A_251 = arith.constant 0 : i32
    %dma_wait3A_252 = tpu.memref_slice %arg4[%dma_wait3A_245, %dma_wait3A_250, %dma_wait3A_251] : memref<50x32x16384xf32, #tpu.memory_space<hbm>> -> memref<1x32x128xf32, #tpu.memory_space<hbm>>
    %dma_wait3A_253 = tpu.memref_squeeze %dma_wait3A_252 : memref<1x32x128xf32, #tpu.memory_space<hbm>> -> memref<32x128xf32, #tpu.memory_space<hbm>>
    tpu.wait_dma2 semaphore(%arg19 : memref<!tpu.dma_semaphore, #tpu.memory_space<semaphore_mem>>) src(%arg13 : memref<32x128xf32, #tpu.memory_space<vmem>>) dst(%dma_wait3A_253 : memref<32x128xf32, #tpu.memory_space<hbm>>)
    %dma_wait3A_254 = arith.constant 0 : i32
    %dma_wait3A_255 = arith.constant 0 : i32
    %dma_wait3A_256 = arith.constant 0 : i32
    %dma_wait3A_257 = tpu.memref_slice %arg4[%dma_wait3A_254, %dma_wait3A_255, %dma_wait3A_256] : memref<50x32x16384xf32, #tpu.memory_space<hbm>> -> memref<1x32x128xf32, #tpu.memory_space<hbm>>
    %dma_wait3A_258 = tpu.memref_squeeze %dma_wait3A_257 : memref<1x32x128xf32, #tpu.memory_space<hbm>> -> memref<32x128xf32, #tpu.memory_space<hbm>>
    %dma_wait3A_259 = arith.constant 0 : i32
    %dma_wait3A_260 = arith.constant 0 : i32
    %dma_wait3A_261 = tpu.memref_slice %arg4[%dma_wait3A_254, %dma_wait3A_259, %dma_wait3A_260] : memref<50x32x16384xf32, #tpu.memory_space<hbm>> -> memref<1x32x128xf32, #tpu.memory_space<hbm>>
    %dma_wait3A_262 = tpu.memref_squeeze %dma_wait3A_261 : memref<1x32x128xf32, #tpu.memory_space<hbm>> -> memref<32x128xf32, #tpu.memory_space<hbm>>
    tpu.wait_dma2 semaphore(%arg20 : memref<!tpu.dma_semaphore, #tpu.memory_space<semaphore_mem>>) src(%arg14 : memref<32x128xf32, #tpu.memory_space<vmem>>) dst(%dma_wait3A_262 : memref<32x128xf32, #tpu.memory_space<hbm>>)
    return
  }
}

</mosaic_0001>

<sc_bundles>
// kernel: kernel.4.cloned.1.call-start
scs
__scs_entry_jumppad:
0x0: {  	(pc) =	sbr.rel $0x88, $3  }
0x1: {  	(tag) =	ssettag $0x0;
	lr =	simm.s32 $0x1  }
0x2: {  	[smem:$0x3F9F] =	sst lr;
	_ =	strace $0xD0000000  }
0x3: {  	_ = 	snop  }
0x4: {  	_ = 	snop  }
0x5: {  	_ = 	snop  }
0x6: {  	_ = 	snop  }
0x7: {  	_ = 	snop  }
__scs_overlays_trampoline_lowered:
0x8: {  	[smem:$0x3FAE] =	sst s0  }
0x9: {  	[smem:$0x3FAF] =	sst s1  }
0xa: {  	[smem:$0x3FB0] =	sst s2  }
0xb: {  	[smem:$0x3FB1] =	sst s3  }
0xc: {  	[smem:$0x3FB2] =	sst s4  }
0xd: {  	[smem:$0x3FB3] =	sst s5  }
0xe: {  	[smem:$0x3FB4] =	sst s6  }
0xf: {  	[smem:$0x3FB5] =	sst s7  }
0x10: {  	[smem:$0x3FB6] =	sst s8  }
0x11: {  	[smem:$0x3FB7] =	sst s9;
	s0 =	simm.s32 @!p0 $0x0  }
0x12: {  	s1 =	sld [smem:$0x3F9D];
	s0 =	simm.s32 @p0 $0x1  }
0x13: {  	[smem:$0x3FB8] =	sst s0;
	s0 =	simm.s32 @!p1 $0x0  }
0x14: {  	s2 =	sld [smem:$0x3F9C];
	s0 =	simm.s32 @p1 $0x1  }
0x15: {  	[smem:$0x3FB9] =	sst s0;
	s0 =	simm.s32 @!p2 $0x0  }
0x16: {  	s3 =	sld [smem:$0x3FDB];
	s0 =	simm.s32 @p2 $0x1  }
0x17: {  	s4 =	simm.s32 $0x1BF5;
	[smem:$0x3FBB] =	sst s0  }
0x18: {  	s0 =	sld [smem:$0x3F9E];
	_ =	swait.ge [sflag:s4], $0x0  }
0x19: {  	s7 =	sld [smem:$0x3F9F]  }
0x1a: {  	s8 =	sadd.s32 $0xFFFFE003, lr  }
0x1b: {  	s9 =	sadd.s32 $0xFFFFFEF7, lr;
	s5 =	simm.s32 $0xFFFFFFFF;
	p2 =	slt.u32 s8, $0xFFFFF086  }
0x1c: {  	p1 =	slt.u32 s9, $0xF7A;
	s5 =	simm.s32 @!p2 $0x0  }
0x1d: {  	s5 =	simm.s32 @p1 $0x1;
	p0 =	seq.s32 s7, s2  }
0x1e: {  	s7 =	smul.u32 @!p0 $0xF7A, s2;
	p2 =	seq.s32 @!p0 s5, $0x0  }
0x1f: {  	s9 =	smul.u32 $0xF7A, s1;
	s8 =	simm.s32 @!p0 $0x1BF5;
	p2 =	por !p2, p0  }
0x20: {  	[sflag:s8] =	ssyncset.s32 @!p0 $0xFFFFF086;
	s6 =	sadd.s32 @!p0 s3, s7;
	s7 =	simm.s32 @!p0 $0x108  }
0x21: {  	s3 =	sadd.s32 s3, s9;
	s6 =	sadd.s32 @!p0 $0x88, s6;
	s7 =	simm.s32 @p2 $0x1082  }
0x22: {  	[simem:s7], [sflag:s8] =	dma.local @!p0 [hbm:s6], $0xF7A  }
0x23: {  	s9 =	sor.u32 $0xD0000000, s2;
	s6 =	simm.s32 $0x108;
	_ =	swait.ge @!p0 [sflag:s8], $0x0  }
0x24: {  	s3 =	sadd.s32 $0x88, s3;
	s6 =	simm.s32 @!p1 $0x1082;
	[sflag:s4] =	ssyncset.s32 $0xFFFFF086  }
0x25: {  	[simem:s6], [sflag:s4] =	dma.local [hbm:s3], $0xF7A  }
0x26: {  	[smem:$0x3F9F] =	sst s1;
	(tag) =	ssettag s2;
	_ =	strace s9  }
0x27: {  	s1 =	sld [smem:$0x3FAF]  }
0x28: {  	s2 =	sld [smem:$0x3FB0]  }
0x29: {  	s4 =	sld [smem:$0x3FB2]  }
0x2a: {  	p0 =	seq.s32 s5, $0x0;
	s5 =	sld [smem:$0x3FB3]  }
0x2b: {  	s6 =	sld [smem:$0x3FB4]  }
0x2c: {  	s7 =	sld [smem:$0x3FB5]  }
0x2d: {  	s3 =	simm.s32 $0x108;
	s8 =	sld [smem:$0x3FB6]  }
0x2e: {  	s3 =	simm.s32 @!p0 $0x1082;
	s9 =	sld [smem:$0x3FB7]  }
0x2f: {  	lr =	sadd.s32 s0, s3;
	s0 =	sld [smem:$0x3FAE]  }
0x30: {  	s3 =	sld [smem:$0x3FB1]  }
0x31: {  	[smem:$0x3FBA] =	sst s10  }
0x32: {  	s10 =	sld [smem:$0x3FB8];
	_ =	sdelay $0x3  }
0x33: {  	p0 =	seq.s32 s10, $0x1;
	s10 =	sld [smem:$0x3FBA];
	_ =	sdelay $0x3  }
0x34: {  	[smem:$0x3FBA] =	sst s10  }
0x35: {  	s10 =	sld [smem:$0x3FB9];
	_ =	sdelay $0x3  }
0x36: {  	p1 =	seq.s32 s10, $0x1;
	s10 =	sld [smem:$0x3FBA];
	_ =	sdelay $0x3  }
0x37: {  	[smem:$0x3FBA] =	sst s10  }
0x38: {  	s10 =	sld [smem:$0x3FBB]  }
0x39: {  	_ = 	snop;
	(pc) =	sbr.ind lr, $3  }
0x3a: {  	_ = 	snop  }
0x3b: {  	_ = 	snop  }
0x3c: {  	p2 =	seq.s32 s10, $0x1;
	s10 =	sld [smem:$0x3FBA]  }
0x3d: {  	_ =	shalt  }
0x3e: {  	_ =	shalt  }
0x3f: {  	_ =	shalt  }
0x40: {  	_ =	shalt  }
0x41: {  	_ =	shalt  }
0x42: {  	_ =	shalt  }
0x43: {  	_ =	shalt  }
0x44: {  	_ =	shalt  }
0x45: {  	_ =	shalt  }
0x46: {  	_ =	shalt  }
0x47: {  	_ =	shalt  }
0x48: {  	_ =	shalt  }
0x49: {  	_ =	shalt  }
0x4a: {  	_ =	shalt  }
0x4b: {  	_ =	shalt  }
0x4c: {  	_ =	shalt  }
0x4d: {  	_ =	shalt  }
0x4e: {  	_ =	shalt  }
0x4f: {  	_ =	shalt  }
0x50: {  	_ =	shalt  }
0x51: {  	_ =	shalt  }
0x52: {  	_ =	shalt  }
0x53: {  	_ =	shalt  }
0x54: {  	_ =	shalt  }
0x55: {  	_ =	shalt  }
0x56: {  	_ =	shalt  }
0x57: {  	_ =	shalt  }
0x58: {  	_ =	shalt  }
0x59: {  	_ =	shalt  }
0x5a: {  	_ =	shalt  }
0x5b: {  	_ =	shalt  }
0x5c: {  	_ =	shalt  }
0x5d: {  	_ =	shalt  }
0x5e: {  	_ =	shalt  }
0x5f: {  	_ =	shalt  }
0x60: {  	_ =	shalt  }
0x61: {  	_ =	shalt  }
0x62: {  	_ =	shalt  }
0x63: {  	_ =	shalt  }
0x64: {  	_ =	shalt  }
0x65: {  	_ =	shalt  }
0x66: {  	_ =	shalt  }
0x67: {  	_ =	shalt  }
0x68: {  	_ =	shalt  }
0x69: {  	_ =	shalt  }
0x6a: {  	_ =	shalt  }
0x6b: {  	_ =	shalt  }
0x6c: {  	_ =	shalt  }
0x6d: {  	_ =	shalt  }
0x6e: {  	_ =	shalt  }
0x6f: {  	_ =	shalt  }
0x70: {  	_ =	shalt  }
0x71: {  	_ =	shalt  }
0x72: {  	_ =	shalt  }
0x73: {  	_ =	shalt  }
0x74: {  	_ =	shalt  }
0x75: {  	_ =	shalt  }
0x76: {  	_ =	shalt  }
0x77: {  	_ =	shalt  }
0x78: {  	_ =	shalt  }
0x79: {  	_ =	shalt  }
0x7a: {  	_ =	shalt  }
0x7b: {  	_ =	shalt  }
0x7c: {  	_ =	shalt  }
0x7d: {  	_ =	shalt  }
0x7e: {  	_ =	shalt  }
0x7f: {  	_ =	shalt  }
0x80: {  	_ =	shalt  }
0x81: {  	_ =	shalt  }
0x82: {  	_ =	shalt  }
0x83: {  	_ =	shalt  }
0x84: {  	_ =	shalt  }
0x85: {  	_ =	shalt  }
0x86: {  	_ =	shalt  }
0x87: {  	_ =	shalt  }
.Lfunc_end0:
.L_simem_size_0:
called_computation_lowered:
.L_overlay_start_0:
0x88: {  	s2 =	sld [smem:$0x3FD9]  }
0x89: {  	s3 =	sld [smem:$0x3FFE];
	_ =	sdelay $0x1  }
0x8a: {  	s1 =	srdreg.scid  }
0x8b: {  	s0 =	sand.u32 $0x1, s1  }
0x8c: {  	s17 =	sshll.u32 s0, $0xA;
	s2 =	sadd.s32 s3, s2  }
0x8d: {  	s2 =	sadd.s32 s2, s17  }
0x8e: {  	[smem:$0x3FC6] =	sst s2  }
0x8f: {  	_ = 	snop  }
0x90: {  	s2 =	sld [smem:$0x3FC8];
	(tm) =	ssettm $0x1  }
0x91: {  	s18 =	sld [smem:$0x3FFB];
	_ =	sdelay $0x3  }
0x92: {  	_ =	strace s18  }
0x93: {  	s3 =	sld [smem:$0x3FFC];
	_ =	sdelay $0x3  }
0x94: {  	_ =	strace s3  }
0x95: {  	s3 =	sld [smem:$0x3FFD];
	_ =	sdelay $0x3  }
0x96: {  	_ =	strace s3  }
0x97: {  	_ =	strace $0x8FFFFFFF  }
0x98: {  	s19 =	sld [smem:$0x3FDB];
	_ =	sdelay $0x1  }
0x99: {  	s4 =	simm.s32 $_scs_section_size  }
0x9a: {  	s5 =	simm.s32 $_size__tile_overlayer_lowered;
	s6 =	simm.s32 $_tile_overlayer_lowered  }
0x9b: {  	s22 =	simm.s32 $0x1BFF;
	s21 =	sshll.u32 s6, $0x1;
	s3 =	sadd.s32 s4, s19  }
0x9c: {  	s7 =	simm.s32 $0x0;
	s20 =	sshll.u32 s5, $0x1;
	s5 =	sadd.s32 s21, s3  }
0x9d: {  	[timem:s7], [sflag:s22] =	dma.local [hbm:s5], s20  }
0x9e: {  	_ =	swait.ge [sflag:s22], s20  }
0x9f: {  	s4 =	ssub.s32 $0x0, s20;
	[sflag:s22] =	ssyncset.done $0x0  }
0xa0: {  	[sflag:s22] =	ssyncadd.s32 s4;
	_ =	sdelay $0x1  }
0xa1: {  	s23 =	simm.s32 $0x1B8B  }
0xa2: {  	_ =	swait.ge [sflag:s23], $0x1  }
0xa3: {  	[sflag:s23] =	ssyncset.done $0x0  }
0xa4: {  	s25 =	simm.s32 $0x1B8E;
	s24 =	sld [smem:$0x3FFE];
	[sflag:s23] =	ssyncadd.s32 $0xFFFFFFFF  }
0xa5: {  	s26 =	simm.s32 $execute0_lowered;
	[smem:$0x3FD2] =	sst s25  }
0xa6: {  	s5 =	sshll.u32 s26, $0x1;
	_ =	strace $0x80000046;
	[dreg:$0x1] =	wrdreg $0xFFFFFFFF  }
0xa7: {  	s28 =	simm.s32 $_size_execute0_lowered;
	s3 =	sadd.s32 s3, s5;
	[dreg:$0x0] =	wrdreg $0x0  }
0xa8: {  	s5 =	sshll.u32 s28, $0x1;
	[dreg:$0x2] =	wrdreg s3  }
0xa9: {  	[dreg:$0x3] =	wrdreg s5  }
0xaa: {  	[dreg:$0x4] =	wrdreg $0xC0  }
0xab: {  	_ =	task [dreg:s7], $0x5FFFF  }
0xac: {  	[dreg:$0x1] =	wrdreg $0xFFFFFFFF  }
0xad: {  	[dreg:$0x0] =	wrdreg $0x60  }
0xae: {  	[dreg:$0x2] =	wrdreg s2  }
0xaf: {  	[dreg:$0x3] =	wrdreg s24  }
0xb0: {  	[dreg:$0x4] =	wrdreg $0x9  }
0xb1: {  	_ =	task.clear_ibuf [dreg:s7], $0x5FFFF;
	_ =	strace $0x90000046  }
0xb2: {  	s29 =	simm.s32 $0x9;
	_ =	strace $0x80000048  }
0xb3: {  	_ =	swait.ge [sflag:s29], $0x1  }
0xb4: {  	[sflag:s29] =	ssyncadd.s32 $0xFFFFFFFF  }
0xb5: {  	_ =	strace $0x90000048  }
0xb6: {  	_ =	sfence  }
0xb7: {  	s30 =	sld [smem:$0x0];
	_ =	sdelay $0x2  }
0xb8: {  	s31 =	sshll.u32 s1, $0xD;
	s1 =	sshrl.u32 s1, $0x2  }
0xb9: {  	s3 =	sand.u32 $0x4000, s31;
	s1 =	sadd.s32 s1, s30  }
0xba: {  	s0 =	sor.u32 s3, s0;
	s1 =	sshll.u32 s1, $0x11  }
0xbb: {  	s0 =	sor.u32 s1, s0  }
0xbc: {  	s0 =	sadd.s32 $0x8F2B, s0  }
0xbd: {  	[sflag:s0] =	ssyncadd.remote.s32 $0x1  }
0xbe: {  	_ =	sfence.sel $0xFFFF  }
0xbf: {  	[dreg:$0x0] =	wrdreg $0xFFFFFFFF;
	(pc) =	sbr.abs _section_cstart, $3  }
0xc0: {  	[dreg:$0x1] =	wrdreg $0xFFFFFFFF  }
0xc1: {  	_ =	task.clear_ibuf [dreg:s7], $0x2FFFF;
	_ =	strace $0x9FFFFFFF  }
0xc2: {  	(tm) =	ssettm $0x7FFFFFFF  }
0xc3: {  	_ =	shalt  }
tec
execute0_lowered:
.L_overlay_start_1:
0x0: {  	(tag) =	ssettag $0x1  }
0x1: {  	s1 =	rddreg [dreg:$0x0]  }
0x2: {  	s0 =	rddreg [dreg:$0x1]  }
0x3: {  	s3 =	simm.s32 $0x0;
	s2 =	srdreg.scid;
	s11 =	stileid.u32  }
0x4: {  	s30 =	simm.s32 $0x400;
	s31 =	simm.s32 $0x800;
	[smem:$0x7FF] =	sst s3  }
0x5: {  	s2 =	sand.u32 $0x1, s2;
	s5 =	sadd.s32 $0x800, s0;
	s7 =	sadd.s32 $0xF4280, s1  }
0x6: {  	s4 =	sshll.u32 s11, $0x1;
	s10 =	sadd.s32 $0x2DC780, s1;
	s24 =	sadd.s32 $0x1E8480, s1  }
0x7: {  	s0 =	sadd.s32 $0x3D1000, s0;
	_ =	strace $0x80000047;
	[dreg:$0xc] =	wrdreg s24  }
0x8: {  	s13 =	sadd.s32 $0x80, s1;
	s26 =	sadd.s32 $0x2DC700, s1;
	[dreg:$0xd] =	wrdreg s0  }
0x9: {  	s16 =	sadd.s32 $0x1E8580, s1;
	s28 =	sadd.s32 $0xF4200, s1;
	[dreg:$0xf] =	wrdreg s26  }
0xa: {  	p0 =	seq.s32 s11, $0x0;
	s29 =	sadd.s32 $0x3D0980, s1;
	[dreg:$0x10] =	wrdreg s28  }
0xb: {  	s6 =	ssub.s32 $0x2, s2;
	s4 =	sor.u32 s2, s4;
	[dreg:$0x11] =	wrdreg s29  }
0xc: {  	s0 =	simm.s32 $0xC00;
	s26 =	simm.s32 $0x1C00;
	s8 =	sshll.u32 s4, $0x8  }
0xd: {  	s18 =	sshrl.u32 s6, $0x1;
	s23 =	sshll.u32 s4, $0xA;
	s9 =	sadd.s32 s8, s7  }
0xe: {  	s2 =	ssub.s32 s6, s18;
	s20 =	sadd.s32 s8, s10;
	[dreg:$0x4] =	wrdreg s9  }
0xf: {  	s19 =	sadd.s32 s1, s8;
	s21 =	sadd.s32 s8, s13;
	[dreg:$0x6] =	wrdreg s20  }
0x10: {  	v6 =	vlaneseq.u32;
	s22 =	sadd.s32 s8, s16;
	s18 =	sadd.s32 $0x2DC800, s1;
	[dreg:$0x7] =	wrdreg s21  }
0x11: {  	v0 =	vshrl.u32 v6, $0x2;
	v1 =	vand.u32 $0x3, v6;
	v6 =	vmul.u32 $0x20, v6;
	s9 =	sadd.s32 $0x1E8500, s1;
	[dreg:$0x3] =	wrdreg s19;
	s6 =	sadd.s32 $0xF4300, s19  }
0x12: {  	[dreg:$0x9] =	wrdreg s22;
	s20 =	sor.u32 $0x40, s4;
	s21 =	sadd.s32 $0xF4300, s1  }
0x13: {  	v0 =	vmul.u32 $0x80, v0;
	v1 =	vmul.u32 $0x20, v1;
	v10 =	vor.u32 $0x200, v6;
	s25 =	smax.u32 s2, $0x1;
	s19 =	simm.s32 $0x1;
	s22 =	simm.s32 $0x4000  }
.Ltmp0:
0x14: {  	v11 =	vor.u32 $0x400, v6;
	v12 =	vor.u32 $0x600, v6;
	v13 =	vor.u32 $0x1, v6;
	s12 =	sadd.s32 s8, s9;
	[dreg:$0x8] =	wrdreg s6;
	(pc) =	sbr.rel .LBB2_1-.Ltmp0, $4  }
0x15: {  	v14 =	vor.u32 $0x201, v6;
	v15 =	vor.u32 $0x401, v6;
	v16 =	vor.u32 $0x601, v6;
	s8 =	sadd.s32 s8, s18;
	s6 =	sor.u32 $0x3D0000, s23;
	[dreg:$0xe] =	wrdreg s25  }
0x16: {  	v17 =	vor.u32 $0x2, v6;
	v18 =	vor.u32 $0x202, v6;
	v2 =	vor.u32 $0xE00, v0;
	s25 =	simm.s32 $0x2;
	[dreg:$0x5] =	wrdreg s12;
	s6 =	simm.s32 @!p0 $0x3D0A00  }
0x17: {  	v3 =	vor.u32 $0xC00, v0;
	v4 =	vor.u32 $0xA00, v0;
	v5 =	vor.u32 $0x800, v0;
	[dreg:$0xa] =	wrdreg s8;
	p0 =	sne.s32 s4, $0x0;
	s6 =	sadd.s32 s5, s6  }
0x18: {  	v7 =	vor.u32 $0x600, v0;
	v8 =	vor.u32 $0x400, v0;
	v9 =	vor.u32 $0x200, v0;
	s8 =	simm.s32 $0x0;
	[dreg:$0xb] =	wrdreg s6;
	s6 =	simm.s32 $0x6000  }
.LBB2_11:
0x19: {  	s8 =	sadd.s32 $0x1, s8;
	s2 =	rddreg [dreg:$0xe]  }
0x1a: {  	p1 =	sne.s32 s8, s2  }
.Ltmp1:
0x1b: {  	_ = 	snop;
	(pc) =	sbr.rel @!p1 .LBB2_12-.Ltmp1, $1  }
0x1c: {  	_ =	sdelay $0x3  }
.LBB2_1:
0x1d: {  	[dreg:$0x12] =	wrdreg s8  }
0x1e: {  	s2 =	rddreg [dreg:$0x3]  }
0x1f: {  	[tilespmem:s3], [sflag:$0x1] =	stream.linear.gather [hbm4b:s2+s3], $0x400, $0x38;
	[tilespmem:$0x8000] =	vst v63  }
0x20: {  	s29 =	rddreg [dreg:$0x4]  }
0x21: {  	[tilespmem:s30], [sflag:$0x1] =	stream.linear.gather [hbm4b:s29+s3], $0x400, $0x38;
	[tilespmem:$0x8000] =	vst v63  }
0x22: {  	s8 =	rddreg [dreg:$0x5]  }
0x23: {  	[tilespmem:s31], [sflag:$0x1] =	stream.linear.gather [hbm4b:s8+s3], $0x400, $0x38;
	[tilespmem:$0x8000] =	vst v63  }
0x24: {  	s11 =	rddreg [dreg:$0x6]  }
0x25: {  	[tilespmem:s0], [sflag:$0x1] =	stream.linear.gather [hbm4b:s11+s3], $0x400, $0x38;
	[tilespmem:$0x8000] =	vst v63  }
0x26: {  	s12 =	rddreg [dreg:$0x7];
	s14 =	simm.s32 $0x1000  }
0x27: {  	[tilespmem:s14], [sflag:$0x1] =	stream.linear.gather [hbm4b:s12+s3], $0x400, $0x38;
	[tilespmem:$0x8000] =	vst v63  }
0x28: {  	s15 =	rddreg [dreg:$0x8];
	s17 =	simm.s32 $0x1400  }
0x29: {  	[tilespmem:s17], [sflag:$0x1] =	stream.linear.gather [hbm4b:s15+s3], $0x400, $0x38;
	[tilespmem:$0x8000] =	vst v63  }
0x2a: {  	s23 =	rddreg [dreg:$0x9];
	s24 =	simm.s32 $0x1800  }
0x2b: {  	[tilespmem:s24], [sflag:$0x1] =	stream.linear.gather [hbm4b:s23+s3], $0x400, $0x38;
	[tilespmem:$0x8000] =	vst v63  }
0x2c: {  	s28 =	simm.s32 $0x0;
	s29 =	rddreg [dreg:$0xa]  }
0x2d: {  	[tilespmem:s26], [sflag:$0x1] =	stream.linear.gather [hbm4b:s29+s3], $0x400, $0x38;
	[tilespmem:$0x8000] =	vst v63  }
.LBB2_2:
0x2e: {  	s8 =	sshll.u32 s28, $0x6  }
0x2f: {  	s11 =	sor.u32 s8, s4  }
0x30: {  	s29 =	sor.u32 $0x20, s11  }
0x31: {  	s12 =	sshll.u32 s29, $0x8  }
0x32: {  	s2 =	simm.s32 $0x2000;
	s14 =	sadd.s32 s1, s12;
	s23 =	sand.u32 $0x1FFFFF00, s12  }
0x33: {  	[tilespmem:s2], [sflag:$0x2] =	stream.linear.gather [hbm4b:s14+s3], $0x400, $0x38;
	[tilespmem:$0x8000] =	vst v63  }
0x34: {  	s14 =	sadd.s32 s1, s23  }
0x35: {  	s24 =	simm.s32 $0x2400;
	s15 =	sadd.s32 $0xF4280, s14  }
0x36: {  	[tilespmem:s24], [sflag:$0x2] =	stream.linear.gather [hbm4b:s15+s3], $0x400, $0x38;
	[tilespmem:$0x8000] =	vst v63  }
0x37: {  	s17 =	simm.s32 $0x2800;
	s2 =	sadd.s32 $0x1E8500, s14  }
0x38: {  	[tilespmem:s17], [sflag:$0x2] =	stream.linear.gather [hbm4b:s2+s3], $0x400, $0x38;
	[tilespmem:$0x8000] =	vst v63  }
0x39: {  	s23 =	sadd.s32 $0x2DC780, s14;
	s24 =	simm.s32 $0x2C00  }
0x3a: {  	[tilespmem:s24], [sflag:$0x2] =	stream.linear.gather [hbm4b:s23+s3], $0x400, $0x38;
	[tilespmem:$0x8000] =	vst v63  }
0x3b: {  	s12 =	sadd.s32 s12, s13;
	s17 =	simm.s32 $0x3000  }
0x3c: {  	[tilespmem:s17], [sflag:$0x2] =	stream.linear.gather [hbm4b:s12+s3], $0x400, $0x38;
	[tilespmem:$0x8000] =	vst v63  }
0x3d: {  	s23 =	sadd.s32 $0xF4300, s14;
	s24 =	simm.s32 $0x3400  }
0x3e: {  	[tilespmem:s24], [sflag:$0x2] =	stream.linear.gather [hbm4b:s23+s3], $0x400, $0x38;
	[tilespmem:$0x8000] =	vst v63  }
0x3f: {  	s15 =	simm.s32 $0x3800;
	s2 =	sadd.s32 $0x1E8580, s14  }
0x40: {  	[tilespmem:s15], [sflag:$0x2] =	stream.linear.gather [hbm4b:s2+s3], $0x400, $0x38;
	[tilespmem:$0x8000] =	vst v63  }
0x41: {  	s17 =	sadd.s32 $0x2DC800, s14;
	s23 =	simm.s32 $0x3C00  }
0x42: {  	[tilespmem:s23], [sflag:$0x2] =	stream.linear.gather [hbm4b:s17+s3], $0x400, $0x38;
	[tilespmem:$0x8000] =	vst v63  }
0x43: {  	_ =	swait.ge [sflag:s19], $0x400  }
0x44: {  	[sflag:s19] =	ssyncset.done $0x0  }
0x45: {  	[sflag:s19] =	ssyncadd.s32 $0xFFFFFC00  }
0x46: {  	_ =	swait.ge [sflag:s19], $0x400  }
0x47: {  	[sflag:s19] =	ssyncset.done $0x0  }
0x48: {  	[sflag:s19] =	ssyncadd.s32 $0xFFFFFC00  }
0x49: {  	_ =	swait.ge [sflag:s19], $0x400  }
0x4a: {  	[sflag:s19] =	ssyncset.done $0x0  }
0x4b: {  	[sflag:s19] =	ssyncadd.s32 $0xFFFFFC00  }
0x4c: {  	_ =	swait.ge [sflag:s19], $0x400  }
0x4d: {  	[sflag:s19] =	ssyncset.done $0x0  }
0x4e: {  	[sflag:s19] =	ssyncadd.s32 $0xFFFFFC00  }
0x4f: {  	_ =	swait.ge [sflag:s19], $0x400  }
0x50: {  	[sflag:s19] =	ssyncset.done $0x0  }
0x51: {  	[sflag:s19] =	ssyncadd.s32 $0xFFFFFC00  }
0x52: {  	_ =	swait.ge [sflag:s19], $0x400  }
0x53: {  	[sflag:s19] =	ssyncset.done $0x0  }
0x54: {  	[sflag:s19] =	ssyncadd.s32 $0xFFFFFC00  }
0x55: {  	_ =	swait.ge [sflag:s19], $0x400  }
0x56: {  	[sflag:s19] =	ssyncset.done $0x0  }
0x57: {  	[sflag:s19] =	ssyncadd.s32 $0xFFFFFC00  }
0x58: {  	_ =	swait.ge [sflag:s19], $0x400  }
0x59: {  	p1 =	seq.s32 s28, $0x0;
	[sflag:s19] =	ssyncset.done $0x0  }
0x5a: {  	s12 =	simm.s32 @!p1 $0x3;
	s14 =	simm.s32 $0x0;
	[sflag:s19] =	ssyncadd.s32 $0xFFFFFC00  }
0x5b: {  	s24 =	sand.u32 $0x20, s14;
	_ =	swait.ge @!p1 [sflag:s12], $0x2000  }
0x5c: {  	v19 =	vmov s24;
	s2 =	sand.u32 $0x18, s14;
	[sflag:s12] =	ssyncset.done @!p1 $0x0  }
0x5d: {  	v21 =	vshll.u32 v19, $0x7;
	s17 =	simm.s32 $0x1;
	[sflag:s12] =	ssyncadd.s32 @!p1 $0xFFFFE000;
	s12 =	simm.s32 $0x200  }
0x5e: {  	v19 =	vor.u32 s2, v1;
	v30 =	vor.u32 v0, v21;
	s23 =	simm.s32 $0x2;
	s17 =	sand.u32 $0x19, s17;
	v28 =	vld [tilespmem:s12+$0x180]  }
0x5f: {  	s2 =	simm.s32 $0x3;
	v27 =	vor.u32 v19, v30;
	s24 =	sand.u32 $0x1A, s23;
	v20 =	vor.u32 s17, v1;
	v26 =	vld [tilespmem:s12+$0xFFFFFE00]  }
0x60: {  	s23 =	simm.s32 $0x4;
	v23 =	vor.u32 s24, v1;
	s17 =	sand.u32 $0x1B, s2;
	v32 =	vor.u32 v20, v30;
	v31 =	vld [tilespmem:s12+$0xFFFFFE80]  }
0x61: {  	s24 =	sand.u32 $0x1C, s23;
	s2 =	simm.s32 $0x5;
	v34 =	vor.u32 v23, v30;
	v24 =	vor.u32 s17, v1;
	v33 =	vld [tilespmem:s12+$0xFFFFFF00]  }
0x62: {  	v22 =	vor.u32 s24, v1;
	s17 =	sand.u32 $0x1D, s2;
	v36 =	vor.u32 v24, v30;
	v35 =	vld [tilespmem:s12+$0xFFFFFF80]  }
0x63: {  	s23 =	simm.s32 $0x6;
	v38 =	vor.u32 v22, v30;
	v25 =	vor.u32 s17, v1;
	v37 =	vld [tilespmem:s12+$0x0]  }
0x64: {  	v39 =	vor.u32 v9, v21;
	s24 =	simm.s32 $0x7;
	s17 =	sand.u32 $0x1E, s23;
	v41 =	vor.u32 v25, v30;
	v40 =	vld [tilespmem:s12+$0x80];
	[tilespmem:v27+s22+$0x0] =	vst.idx.msk $0xffff, v26  }
0x65: {  	v43 =	vor.u32 v19, v39;
	s15 =	sand.u32 $0x1F, s24;
	v27 =	vor.u32 s17, v1;
	[tilespmem:v32+s22+$0x0] =	vst.idx.msk $0xffff, v31;
	v42 =	vld [tilespmem:s12+$0xFFFFFE10]  }
0x66: {  	v29 =	vld [tilespmem:s12+$0x100];
	v26 =	vor.u32 s15, v1;
	[tilespmem:v34+s22+$0x0] =	vst.idx.msk $0xffff, v33;
	v31 =	vor.u32 v27, v30  }
0x67: {  	[tilespmem:v36+s22+$0x0] =	vst.idx.msk $0xffff, v35;
	v32 =	vld [tilespmem:s12+$0xFFFFFE90];
	v30 =	vor.u32 v26, v30  }
0x68: {  	v49 =	vor.u32 v23, v39;
	[tilespmem:v38+s22+$0x0] =	vst.idx.msk $0xffff, v37;
	v33 =	vld [tilespmem:s12+$0xFFFFFF10]  }
0x69: {  	v50 =	vor.u32 v24, v39;
	[tilespmem:v41+s22+$0x0] =	vst.idx.msk $0xffff, v40;
	v35 =	vld [tilespmem:s12+$0xFFFFFF90]  }
0x6a: {  	v52 =	vor.u32 v22, v39;
	v37 =	vld [tilespmem:s12+$0x10];
	[tilespmem:v43+s22+$0x0] =	vst.idx.msk $0xffff, v42  }
0x6b: {  	v57 =	vor.u32 v25, v39;
	v41 =	vld [tilespmem:s12+$0x90];
	[tilespmem:v31+s22+$0x0] =	vst.idx.msk $0xffff, v29  }
0x6c: {  	v51 =	vor.u32 v8, v21;
	v59 =	vor.u32 v20, v39;
	[tilespmem:v30+s22+$0x0] =	vst.idx.msk $0xffff, v28;
	v43 =	vld [tilespmem:s12+$0xFFFFFE20]  }
0x6d: {  	v53 =	vor.u32 v19, v51;
	[tilespmem:v49+s22+$0x0] =	vst.idx.msk $0xffff, v33;
	v31 =	vld [tilespmem:s12+$0x110]  }
0x6e: {  	v29 =	vor.u32 v27, v39;
	[tilespmem:v50+s22+$0x0] =	vst.idx.msk $0xffff, v35;
	v30 =	vld [tilespmem:s12+$0x190]  }
0x6f: {  	v28 =	vor.u32 v26, v39;
	[tilespmem:v52+s22+$0x0] =	vst.idx.msk $0xffff, v37;
	v34 =	vld [tilespmem:s12+$0xFFFFFF20]  }
0x70: {  	v54 =	vor.u32 v23, v51;
	[tilespmem:v57+s22+$0x0] =	vst.idx.msk $0xffff, v41;
	v36 =	vld [tilespmem:s12+$0xFFFFFFA0]  }
0x71: {  	v55 =	vor.u32 v24, v51;
	[tilespmem:v59+s22+$0x0] =	vst.idx.msk $0xffff, v32;
	v40 =	vld [tilespmem:s12+$0x20]  }
0x72: {  	v56 =	vor.u32 v22, v51;
	v41 =	vld [tilespmem:s12+$0xA0];
	[tilespmem:v53+s22+$0x0] =	vst.idx.msk $0xffff, v43  }
0x73: {  	v48 =	vor.u32 v20, v51;
	v35 =	vld [tilespmem:s12+$0xFFFFFEA0];
	[tilespmem:v29+s22+$0x0] =	vst.idx.msk $0xffff, v31  }
0x74: {  	v29 =	vor.u32 v27, v51;
	v31 =	vor.u32 v7, v21;
	[tilespmem:v28+s22+$0x0] =	vst.idx.msk $0xffff, v30;
	v44 =	vld [tilespmem:s12+$0x120]  }
0x75: {  	[tilespmem:v54+s22+$0x0] =	vst.idx.msk $0xffff, v34;
	v43 =	vld [tilespmem:s12+$0xFFFFFE30];
	v28 =	vor.u32 v19, v31  }
0x76: {  	v58 =	vor.u32 v26, v51;
	[tilespmem:v55+s22+$0x0] =	vst.idx.msk $0xffff, v36;
	v30 =	vld [tilespmem:s12+$0x1A0]  }
0x77: {  	[tilespmem:v56+s22+$0x0] =	vst.idx.msk $0xffff, v40;
	v36 =	vld [tilespmem:s12+$0xFFFFFFB0];
	v60 =	vor.u32 v24, v31  }
0x78: {  	[tilespmem:v48+s22+$0x0] =	vst.idx.msk $0xffff, v35;
	v61 =	vld [tilespmem:s12+$0x30];
	v62 =	vor.u32 v22, v31  }
0x79: {  	v55 =	vor.u32 v20, v31;
	v35 =	vld [tilespmem:s12+$0xFFFFFEB0];
	[tilespmem:v29+s22+$0x0] =	vst.idx.msk $0xffff, v44  }
0x7a: {  	v34 =	vld [tilespmem:s12+$0xFFFFFF30];
	v29 =	vor.u32 v25, v51;
	[tilespmem:v28+s22+$0x0] =	vst.idx.msk $0xffff, v43  }
0x7b: {  	v63 =	vor.u32 v27, v31;
	v44 =	vor.u32 v5, v21;
	[tilespmem:v58+s22+$0x0] =	vst.idx.msk $0xffff, v30;
	v28 =	vld [tilespmem:s12+$0x130]  }
0x7c: {  	[tilespmem:v60+s22+$0x0] =	vst.idx.msk $0xffff, v36;
	v43 =	vld [tilespmem:s12+$0xFFFFFE40];
	v30 =	vor.u32 v19, v44  }
0x7d: {  	v49 =	vor.u32 v26, v31;
	[tilespmem:v62+s22+$0x0] =	vst.idx.msk $0xffff, v61;
	v47 =	vld [tilespmem:s12+$0x1B0]  }
0x7e: {  	[tilespmem:v55+s22+$0x0] =	vst.idx.msk $0xffff, v35;
	v50 =	vld [tilespmem:s12+$0x40];
	v51 =	vor.u32 v22, v44  }
0x7f: {  	v37 =	vld [tilespmem:s12+$0xFFFFFFC0];
	v53 =	vor.u32 v24, v44;
	[tilespmem:v29+s22+$0x0] =	vst.idx.msk $0xffff, v41  }
0x80: {  	v29 =	vor.u32 v25, v31;
	v52 =	vld [tilespmem:s12+$0xB0];
	[tilespmem:v63+s22+$0x0] =	vst.idx.msk $0xffff, v28  }
0x81: {  	[tilespmem:v30+s22+$0x0] =	vst.idx.msk $0xffff, v43;
	v30 =	vor.u32 v27, v44;
	v28 =	vld [tilespmem:s12+$0x140]  }
0x82: {  	v35 =	vld [tilespmem:s12+$0xFFFFFEC0];
	v62 =	vor.u32 v20, v44;
	[tilespmem:v49+s22+$0x0] =	vst.idx.msk $0xffff, v47  }
0x83: {  	v36 =	vor.u32 v4, v21;
	v31 =	vor.u32 v23, v31;
	[tilespmem:v51+s22+$0x0] =	vst.idx.msk $0xffff, v50;
	v54 =	vld [tilespmem:s12+$0xFFFFFE50]  }
0x84: {  	v58 =	vor.u32 v19, v36;
	[tilespmem:v53+s22+$0x0] =	vst.idx.msk $0xffff, v37;
	v57 =	vld [tilespmem:s12+$0x1C0]  }
0x85: {  	v56 =	vor.u32 v26, v44;
	v59 =	vld [tilespmem:s12+$0x50];
	[tilespmem:v29+s22+$0x0] =	vst.idx.msk $0xffff, v52  }
0x86: {  	v40 =	vld [tilespmem:s12+$0xC0];
	[tilespmem:v30+s22+$0x0] =	vst.idx.msk $0xffff, v28;
	v28 =	vor.u32 v25, v44  }
0x87: {  	[tilespmem:v62+s22+$0x0] =	vst.idx.msk $0xffff, v35;
	v60 =	vld [tilespmem:s12+$0xFFFFFFD0]  }
0x88: {  	v55 =	vld [tilespmem:s12+$0xFFFFFED0];
	[tilespmem:v31+s22+$0x0] =	vst.idx.msk $0xffff, v34;
	v29 =	vor.u32 v22, v36  }
0x89: {  	v52 =	vld [tilespmem:s12+$0xFFFFFF40];
	[tilespmem:v58+s22+$0x0] =	vst.idx.msk $0xffff, v54;
	v54 =	vor.u32 v20, v36  }
0x8a: {  	v61 =	vor.u32 v27, v36;
	[tilespmem:v56+s22+$0x0] =	vst.idx.msk $0xffff, v57;
	v30 =	vld [tilespmem:s12+$0x150]  }
0x8b: {  	v63 =	vor.u32 v26, v36;
	v38 =	vld [tilespmem:s12+$0x1D0];
	[tilespmem:v28+s22+$0x0] =	vst.idx.msk $0xffff, v40  }
0x8c: {  	v28 =	vor.u32 v25, v36;
	v31 =	vld [tilespmem:s12+$0xD0]  }
0x8d: {  	v50 =	vor.u32 v23, v44;
	v48 =	vld [tilespmem:s12+$0xFFFFFE60];
	[tilespmem:v29+s22+$0x0] =	vst.idx.msk $0xffff, v59  }
0x8e: {  	v51 =	vor.u32 v3, v21;
	v29 =	vor.u32 v24, v36;
	v49 =	vld [tilespmem:s12+$0x60];
	[tilespmem:v54+s22+$0x0] =	vst.idx.msk $0xffff, v55  }
0x8f: {  	v56 =	vor.u32 v22, v51;
	[tilespmem:v61+s22+$0x0] =	vst.idx.msk $0xffff, v30;
	v45 =	vld [tilespmem:s12+$0xFFFFFEE0]  }
0x90: {  	v30 =	vor.u32 v19, v51;
	[tilespmem:v63+s22+$0x0] =	vst.idx.msk $0xffff, v38;
	v53 =	vld [tilespmem:s12+$0x160]  }
0x91: {  	v32 =	vld [tilespmem:s12+$0x1E0];
	[tilespmem:v28+s22+$0x0] =	vst.idx.msk $0xffff, v31;
	v28 =	vor.u32 v27, v51  }
0x92: {  	[tilespmem:v50+s22+$0x0] =	vst.idx.msk $0xffff, v52;
	v59 =	vor.u32 v25, v51;
	v58 =	vld [tilespmem:s12+$0xE0]  }
0x93: {  	v36 =	vor.u32 v23, v36;
	[tilespmem:v29+s22+$0x0] =	vst.idx.msk $0xffff, v60;
	v60 =	vld [tilespmem:s12+$0xFFFFFF50]  }
0x94: {  	v61 =	vor.u32 v24, v51;
	v57 =	vld [tilespmem:s12+$0xFFFFFFE0];
	[tilespmem:v56+s22+$0x0] =	vst.idx.msk $0xffff, v49  }
0x95: {  	v62 =	vor.u32 v20, v51;
	v63 =	vor.u32 v2, v21;
	[tilespmem:v30+s22+$0x0] =	vst.idx.msk $0xffff, v48;
	v31 =	vld [tilespmem:s12+$0x70]  }
0x96: {  	v33 =	vor.u32 v26, v51;
	v37 =	vor.u32 v27, v63;
	v30 =	vld [tilespmem:s12+$0xFFFFFE70];
	[tilespmem:v28+s22+$0x0] =	vst.idx.msk $0xffff, v53  }
0x97: {  	v38 =	vor.u32 v25, v63;
	v25 =	vor.u32 v20, v63;
	[tilespmem:v59+s22+$0x0] =	vst.idx.msk $0xffff, v58;
	v35 =	vld [tilespmem:s12+$0x170]  }
0x98: {  	v26 =	vor.u32 v26, v63;
	v29 =	vor.u32 v23, v51;
	[tilespmem:v36+s22+$0x0] =	vst.idx.msk $0xffff, v60;
	v36 =	vld [tilespmem:s12+$0xF0]  }
0x99: {  	v27 =	vor.u32 v24, v63;
	v24 =	vor.u32 v22, v63;
	v34 =	vld [tilespmem:s12+$0xFFFFFF60];
	[tilespmem:v61+s22+$0x0] =	vst.idx.msk $0xffff, v57  }
0x9a: {  	s15 =	simm.s32 $0x200;
	[tilespmem:v62+s22+$0x0] =	vst.idx.msk $0xffff, v45;
	v28 =	vor.u32 v23, v63;
	v23 =	vor.u32 v19, v63;
	v21 =	vld [tilespmem:s12+$0xFFFFFFF0]  }
.LBB2_3:
0x9b: {  	v39 =	vld [tilespmem:s12+$0xFFFFFEF0];
	[tilespmem:v33+s22+$0x0] =	vst.idx.msk $0xffff, v32;
	s15 =	sadd.s32 $0x400, s15;
	s17 =	smov.u32 s14;
	s14 =	sadd.s32 $0x8, s14  }
0x9c: {  	s2 =	sand.u32 $0x20, s14;
	s23 =	sand.u32 $0x18, s14;
	p2 =	slt.u32 s14, $0x38;
	[tilespmem:v37+s22+$0x0] =	vst.idx.msk $0xffff, v35;
	v32 =	vld [tilespmem:s12+$0x1F0]  }
0x9d: {  	v19 =	vor.u32 s23, v1;
	v20 =	vmov s2;
	s2 =	sadd.s32 $0xF, s17;
	v33 =	vld [tilespmem:s15+$0x180];
	[tilespmem:v38+s22+$0x0] =	vst.idx.msk $0xffff, v36  }
0x9e: {  	s23 =	sadd.s32 $0x9, s17;
	v22 =	vshll.u32 v20, $0x7;
	v35 =	vld [tilespmem:s15+$0x100];
	s2 =	sand.u32 $0x1F, s2;
	[tilespmem:v29+s22+$0x0] =	vst.idx.msk $0xffff, v34  }
0x9f: {  	s24 =	sadd.s32 $0xA, s17;
	s23 =	sand.u32 $0x19, s23;
	v29 =	vor.u32 v0, v22;
	v34 =	vor.u32 v8, v22;
	v20 =	vor.u32 s2, v1;
	v36 =	vld [tilespmem:s12+$0xFFFFFF70];
	[tilespmem:v27+s22+$0x0] =	vst.idx.msk $0xffff, v21;
	s12 =	smov.u32 s15  }
0xa0: {  	v21 =	vor.u32 s23, v1;
	s2 =	sand.u32 $0x1A, s24;
	s23 =	sadd.s32 $0xB, s17;
	v27 =	vld [tilespmem:s15+$0xFFFFFE00];
	v37 =	vor.u32 v19, v29;
	v38 =	vor.u32 v20, v29;
	[tilespmem:v23+s22+$0x0] =	vst.idx.msk $0xffff, v30  }
0xa1: {  	v30 =	vor.u32 v19, v34;
	v41 =	vor.u32 v21, v29;
	v23 =	vor.u32 s2, v1;
	s2 =	sand.u32 $0x1B, s23;
	s23 =	sadd.s32 $0xC, s17;
	v40 =	vld [tilespmem:s15+$0xFFFFFE80];
	[tilespmem:v24+s22+$0x0] =	vst.idx.msk $0xffff, v31  }
0xa2: {  	v31 =	vor.u32 v9, v22;
	v43 =	vor.u32 v23, v29;
	v24 =	vor.u32 s2, v1;
	s2 =	sand.u32 $0x1C, s23;
	s23 =	sadd.s32 $0xD, s17;
	v42 =	vld [tilespmem:s15+$0xFFFFFF00];
	[tilespmem:v25+s22+$0x0] =	vst.idx.msk $0xffff, v39  }
0xa3: {  	s17 =	sadd.s32 $0xE, s17;
	v44 =	vor.u32 v24, v29;
	v45 =	vor.u32 v24, v31;
	v25 =	vor.u32 s2, v1;
	s2 =	sand.u32 $0x1D, s23;
	v39 =	vld [tilespmem:s15+$0xFFFFFF80];
	[tilespmem:v26+s22+$0x0] =	vst.idx.msk $0xffff, v32  }
0xa4: {  	v32 =	vor.u32 v21, v31;
	v47 =	vor.u32 v25, v29;
	v26 =	vor.u32 s2, v1;
	s2 =	sand.u32 $0x1E, s17;
	v46 =	vld [tilespmem:s15+$0x0];
	[tilespmem:v28+s22+$0x0] =	vst.idx.msk $0xffff, v36  }
0xa5: {  	v28 =	vor.u32 v25, v31;
	[tilespmem:v37+s22+$0x0] =	vst.idx.msk $0xffff, v27;
	v36 =	vld [tilespmem:s15+$0x80];
	v37 =	vor.u32 v26, v29;
	v27 =	vor.u32 s2, v1  }
0xa6: {  	v49 =	vor.u32 v19, v31;
	v48 =	vld [tilespmem:s15+$0xFFFFFE10];
	[tilespmem:v41+s22+$0x0] =	vst.idx.msk $0xffff, v40;
	v29 =	vor.u32 v27, v29  }
0xa7: {  	v41 =	vor.u32 v23, v31;
	v40 =	vld [tilespmem:s15+$0xFFFFFE90];
	[tilespmem:v43+s22+$0x0] =	vst.idx.msk $0xffff, v42;
	v42 =	vor.u32 v27, v31  }
0xa8: {  	v50 =	vor.u32 v23, v34;
	v43 =	vld [tilespmem:s15+$0xFFFFFF10];
	[tilespmem:v44+s22+$0x0] =	vst.idx.msk $0xffff, v39;
	v39 =	vor.u32 v20, v31  }
0xa9: {  	v51 =	vor.u32 v24, v34;
	v44 =	vld [tilespmem:s15+$0xFFFFFF90];
	[tilespmem:v47+s22+$0x0] =	vst.idx.msk $0xffff, v46;
	v46 =	vor.u32 v25, v34  }
0xaa: {  	v31 =	vor.u32 v26, v31;
	v47 =	vld [tilespmem:s15+$0x10];
	[tilespmem:v37+s22+$0x0] =	vst.idx.msk $0xffff, v36;
	v36 =	vor.u32 v27, v34  }
0xab: {  	v37 =	vor.u32 v7, v22;
	[tilespmem:v49+s22+$0x0] =	vst.idx.msk $0xffff, v48;
	v48 =	vld [tilespmem:s15+$0x90];
	v49 =	vor.u32 v26, v34  }
0xac: {  	v53 =	vor.u32 v19, v37;
	v54 =	vor.u32 v24, v37;
	v52 =	vld [tilespmem:s15+$0xFFFFFE20];
	[tilespmem:v29+s22+$0x0] =	vst.idx.msk $0xffff, v35  }
0xad: {  	v55 =	vor.u32 v27, v37;
	v29 =	vor.u32 v25, v37;
	v35 =	vld [tilespmem:s15+$0x110];
	[tilespmem:v38+s22+$0x0] =	vst.idx.msk $0xffff, v33  }
0xae: {  	v33 =	vor.u32 v26, v37;
	[tilespmem:v41+s22+$0x0] =	vst.idx.msk $0xffff, v43;
	v38 =	vld [tilespmem:s15+$0x190];
	v41 =	vor.u32 v20, v34  }
0xaf: {  	v34 =	vor.u32 v21, v34;
	v43 =	vor.u32 v21, v37;
	v56 =	vld [tilespmem:s15+$0xFFFFFF20];
	[tilespmem:v45+s22+$0x0] =	vst.idx.msk $0xffff, v44  }
0xb0: {  	v44 =	vor.u32 v23, v37;
	v45 =	vld [tilespmem:s15+$0xFFFFFFA0];
	[tilespmem:v28+s22+$0x0] =	vst.idx.msk $0xffff, v47;
	v28 =	vor.u32 v20, v37  }
0xb1: {  	[tilespmem:v30+s22+$0x0] =	vst.idx.msk $0xffff, v52;
	v30 =	vld [tilespmem:s15+$0x20]  }
0xb2: {  	v37 =	vld [tilespmem:s15+$0xFFFFFE30];
	[tilespmem:v42+s22+$0x0] =	vst.idx.msk $0xffff, v35  }
0xb3: {  	v35 =	vld [tilespmem:s15+$0x120];
	[tilespmem:v39+s22+$0x0] =	vst.idx.msk $0xffff, v38  }
0xb4: {  	[tilespmem:v50+s22+$0x0] =	vst.idx.msk $0xffff, v56;
	v38 =	vld [tilespmem:s15+$0x1A0]  }
0xb5: {  	v39 =	vld [tilespmem:s15+$0xFFFFFF30];
	[tilespmem:v51+s22+$0x0] =	vst.idx.msk $0xffff, v45  }
0xb6: {  	v42 =	vld [tilespmem:s15+$0xFFFFFFB0];
	[tilespmem:v46+s22+$0x0] =	vst.idx.msk $0xffff, v30  }
0xb7: {  	v30 =	vld [tilespmem:s15+$0x30];
	[tilespmem:v31+s22+$0x0] =	vst.idx.msk $0xffff, v48  }
0xb8: {  	v31 =	vld [tilespmem:s15+$0xA0];
	[tilespmem:v36+s22+$0x0] =	vst.idx.msk $0xffff, v35  }
0xb9: {  	[tilespmem:v53+s22+$0x0] =	vst.idx.msk $0xffff, v37;
	v35 =	vld [tilespmem:s15+$0x130]  }
0xba: {  	v37 =	vor.u32 v5, v22;
	v36 =	vld [tilespmem:s15+$0xFFFFFE40];
	[tilespmem:v41+s22+$0x0] =	vst.idx.msk $0xffff, v38  }
0xbb: {  	v38 =	vor.u32 v19, v37;
	[tilespmem:v32+s22+$0x0] =	vst.idx.msk $0xffff, v40;
	v32 =	vor.u32 v24, v37;
	v40 =	vld [tilespmem:s15+$0x1B0]  }
0xbc: {  	v45 =	vor.u32 v20, v37;
	v41 =	vld [tilespmem:s15+$0xFFFFFEA0];
	[tilespmem:v54+s22+$0x0] =	vst.idx.msk $0xffff, v42;
	v42 =	vor.u32 v26, v37  }
0xbd: {  	v46 =	vor.u32 v21, v37;
	v47 =	vor.u32 v23, v37;
	v48 =	vld [tilespmem:s15+$0xFFFFFFC0];
	[tilespmem:v29+s22+$0x0] =	vst.idx.msk $0xffff, v30  }
0xbe: {  	v30 =	vor.u32 v25, v37;
	v29 =	vld [tilespmem:s15+$0x40];
	[tilespmem:v49+s22+$0x0] =	vst.idx.msk $0xffff, v31  }
0xbf: {  	v31 =	vld [tilespmem:s15+$0xB0];
	[tilespmem:v55+s22+$0x0] =	vst.idx.msk $0xffff, v35  }
0xc0: {  	[tilespmem:v38+s22+$0x0] =	vst.idx.msk $0xffff, v36;
	v35 =	vld [tilespmem:s15+$0x140];
	v36 =	vor.u32 v27, v37  }
0xc1: {  	v37 =	vld [tilespmem:s15+$0xFFFFFE50];
	[tilespmem:v34+s22+$0x0] =	vst.idx.msk $0xffff, v41  }
0xc2: {  	v34 =	vld [tilespmem:s15+$0xFFFFFEB0];
	[tilespmem:v28+s22+$0x0] =	vst.idx.msk $0xffff, v40  }
0xc3: {  	v28 =	vor.u32 v4, v22;
	[tilespmem:v30+s22+$0x0] =	vst.idx.msk $0xffff, v29;
	v29 =	vld [tilespmem:s15+$0x1C0]  }
0xc4: {  	v30 =	vor.u32 v19, v28;
	v38 =	vld [tilespmem:s15+$0x50];
	[tilespmem:v33+s22+$0x0] =	vst.idx.msk $0xffff, v31;
	v31 =	vor.u32 v26, v28  }
0xc5: {  	v40 =	vor.u32 v23, v28;
	v33 =	vor.u32 v25, v28;
	v41 =	vld [tilespmem:s15+$0xC0];
	[tilespmem:v36+s22+$0x0] =	vst.idx.msk $0xffff, v35  }
0xc6: {  	v36 =	vor.u32 v20, v28;
	[tilespmem:v32+s22+$0x0] =	vst.idx.msk $0xffff, v48;
	v32 =	vor.u32 v24, v28;
	v35 =	vld [tilespmem:s15+$0x150]  }
0xc7: {  	[tilespmem:v43+s22+$0x0] =	vst.idx.msk $0xffff, v34;
	v34 =	vor.u32 v21, v28;
	v43 =	vld [tilespmem:s15+$0xFFFFFFD0]  }
0xc8: {  	v28 =	vor.u32 v27, v28;
	v48 =	vld [tilespmem:s15+$0xFFFFFEC0];
	[tilespmem:v45+s22+$0x0] =	vst.idx.msk $0xffff, v29  }
0xc9: {  	[tilespmem:v30+s22+$0x0] =	vst.idx.msk $0xffff, v37;
	v30 =	vld [tilespmem:s15+$0x1D0]  }
0xca: {  	v37 =	vld [tilespmem:s15+$0xFFFFFE60];
	[tilespmem:v33+s22+$0x0] =	vst.idx.msk $0xffff, v38  }
0xcb: {  	v38 =	vld [tilespmem:s15+$0x60];
	[tilespmem:v42+s22+$0x0] =	vst.idx.msk $0xffff, v41  }
0xcc: {  	[tilespmem:v44+s22+$0x0] =	vst.idx.msk $0xffff, v39;
	v39 =	vld [tilespmem:s15+$0xD0]  }
0xcd: {  	v41 =	vor.u32 v3, v22;
	v42 =	vld [tilespmem:s15+$0xFFFFFF40];
	[tilespmem:v28+s22+$0x0] =	vst.idx.msk $0xffff, v35  }
0xce: {  	v29 =	vor.u32 v23, v41;
	v28 =	vor.u32 v19, v41;
	[tilespmem:v46+s22+$0x0] =	vst.idx.msk $0xffff, v48;
	v35 =	vld [tilespmem:s15+$0x160]  }
0xcf: {  	v45 =	vor.u32 v21, v41;
	v46 =	vor.u32 v24, v41;
	v44 =	vld [tilespmem:s15+$0xFFFFFED0];
	[tilespmem:v36+s22+$0x0] =	vst.idx.msk $0xffff, v30  }
0xd0: {  	v33 =	vor.u32 v20, v41;
	v36 =	vor.u32 v25, v41;
	[tilespmem:v32+s22+$0x0] =	vst.idx.msk $0xffff, v43;
	v32 =	vld [tilespmem:s15+$0x1E0]  }
0xd1: {  	v43 =	vld [tilespmem:s15+$0xFFFFFFE0];
	[tilespmem:v31+s22+$0x0] =	vst.idx.msk $0xffff, v39;
	v39 =	vor.u32 v27, v41  }
0xd2: {  	v41 =	vor.u32 v26, v41;
	[tilespmem:v47+s22+$0x0] =	vst.idx.msk $0xffff, v42;
	v42 =	vld [tilespmem:s15+$0xE0]  }
0xd3: {  	[tilespmem:v28+s22+$0x0] =	vst.idx.msk $0xffff, v37;
	v47 =	vld [tilespmem:s15+$0xFFFFFF50]  }
0xd4: {  	v30 =	vld [tilespmem:s15+$0xFFFFFE70];
	[tilespmem:v34+s22+$0x0] =	vst.idx.msk $0xffff, v44  }
0xd5: {  	v44 =	vld [tilespmem:s15+$0xFFFFFEE0];
	[tilespmem:v36+s22+$0x0] =	vst.idx.msk $0xffff, v38  }
.Ltmp2:
0xd6: {  	v22 =	vor.u32 v2, v22;
	v31 =	vld [tilespmem:s15+$0x70];
	[tilespmem:v39+s22+$0x0] =	vst.idx.msk $0xffff, v35;
	(pc) =	sbr.rel @p2 .LBB2_3-.Ltmp2, $4  }
0xd7: {  	v28 =	vor.u32 v23, v22;
	v37 =	vor.u32 v27, v22;
	[tilespmem:v41+s22+$0x0] =	vst.idx.msk $0xffff, v42;
	v35 =	vld [tilespmem:s15+$0x170]  }
0xd8: {  	v27 =	vor.u32 v24, v22;
	v38 =	vor.u32 v26, v22;
	[tilespmem:v40+s22+$0x0] =	vst.idx.msk $0xffff, v47;
	v36 =	vld [tilespmem:s15+$0xF0]  }
0xd9: {  	v23 =	vor.u32 v19, v22;
	v24 =	vor.u32 v25, v22;
	v34 =	vld [tilespmem:s15+$0xFFFFFF60];
	[tilespmem:v46+s22+$0x0] =	vst.idx.msk $0xffff, v43  }
0xda: {  	v25 =	vor.u32 v21, v22;
	v26 =	vor.u32 v20, v22;
	[tilespmem:v45+s22+$0x0] =	vst.idx.msk $0xffff, v44;
	v21 =	vld [tilespmem:s15+$0xFFFFFFF0]  }
0xdb: {  	_ =	sdelay $0x3  }
0xdc: {  	[tilespmem:v33+s22+$0x0] =	vst.idx.msk $0xffff, v32  }
0xdd: {  	[tilespmem:v23+s22+$0x0] =	vst.idx.msk $0xffff, v30  }
0xde: {  	v19 =	vld [tilespmem:s12+$0xFFFFFEF0];
	[tilespmem:v24+s22+$0x0] =	vst.idx.msk $0xffff, v31  }
0xdf: {  	v20 =	vld [tilespmem:s12+$0x1F0];
	[tilespmem:v29+s22+$0x0] =	vst.idx.msk $0xffff, v34  }
0xe0: {  	[tilespmem:v37+s22+$0x0] =	vst.idx.msk $0xffff, v35;
	v22 =	vld [tilespmem:s12+$0xFFFFFF70]  }
0xe1: {  	[tilespmem:v38+s22+$0x0] =	vst.idx.msk $0xffff, v36  }
0xe2: {  	[tilespmem:v27+s22+$0x0] =	vst.idx.msk $0xffff, v21  }
0xe3: {  	[tilespmem:v25+s22+$0x0] =	vst.idx.msk $0xffff, v19  }
0xe4: {  	s2 =	sshll.u32 s11, $0xA;
	[tilespmem:v26+s22+$0x0] =	vst.idx.msk $0xffff, v20  }
0xe5: {  	s11 =	sadd.s32 s20, s8;
	s2 =	sadd.s32 s5, s2;
	[tilespmem:v28+s22+$0x0] =	vst.idx.msk $0xffff, v22  }
0xe6: {  	[hbm4b:s2+s3] =	stream.linear.scatter [tilespmem:s22], [sflag:$0x3], $0x2000, $0x38;
	[tilespmem:$0x8000] =	vst v63  }
0xe7: {  	p2 =	slt.u32 s11, $0xF42;
	s2 =	sshll.u32 s11, $0x8  }
0xe8: {  	s2 =	simm.s32 @!p2 $0x0  }
0xe9: {  	s12 =	sadd.s32 s1, s2  }
0xea: {  	[tilespmem:s3], [sflag:$0x1] =	stream.linear.gather [hbm4b:s12+s3], $0x400, $0x38;
	[tilespmem:$0x8000] =	vst v63  }
0xeb: {  	s14 =	sadd.s32 s2, s7  }
0xec: {  	[tilespmem:s30], [sflag:$0x1] =	stream.linear.gather [hbm4b:s14+s3], $0x400, $0x38;
	[tilespmem:$0x8000] =	vst v63  }
0xed: {  	s15 =	sadd.s32 s2, s9  }
0xee: {  	[tilespmem:s31], [sflag:$0x1] =	stream.linear.gather [hbm4b:s15+s3], $0x400, $0x38;
	[tilespmem:$0x8000] =	vst v63  }
0xef: {  	s17 =	sadd.s32 s2, s10;
	s23 =	sand.u32 $0x1FFFFF00, s2  }
0xf0: {  	[tilespmem:s0], [sflag:$0x1] =	stream.linear.gather [hbm4b:s17+s3], $0x400, $0x38;
	[tilespmem:$0x8000] =	vst v63  }
0xf1: {  	s24 =	simm.s32 $0x1000;
	s8 =	sadd.s32 s23, s13  }
0xf2: {  	[tilespmem:s24], [sflag:$0x1] =	stream.linear.gather [hbm4b:s8+s3], $0x400, $0x38;
	[tilespmem:$0x8000] =	vst v63  }
0xf3: {  	s11 =	sadd.s32 s2, s21;
	s12 =	simm.s32 $0x1400  }
0xf4: {  	[tilespmem:s12], [sflag:$0x1] =	stream.linear.gather [hbm4b:s11+s3], $0x400, $0x38;
	[tilespmem:$0x8000] =	vst v63  }
0xf5: {  	s14 =	sadd.s32 s2, s16;
	s15 =	simm.s32 $0x1800  }
0xf6: {  	[tilespmem:s15], [sflag:$0x1] =	stream.linear.gather [hbm4b:s14+s3], $0x400, $0x38;
	[tilespmem:$0x8000] =	vst v63  }
0xf7: {  	s2 =	sadd.s32 s2, s18  }
0xf8: {  	[tilespmem:s26], [sflag:$0x1] =	stream.linear.gather [hbm4b:s2+s3], $0x400, $0x38;
	[tilespmem:$0x8000] =	vst v63  }
0xf9: {  	_ =	swait.ge [sflag:s25], $0x400  }
0xfa: {  	[sflag:s25] =	ssyncset.done $0x0  }
0xfb: {  	[sflag:s25] =	ssyncadd.s32 $0xFFFFFC00  }
0xfc: {  	_ =	swait.ge [sflag:s25], $0x400  }
0xfd: {  	[sflag:s25] =	ssyncset.done $0x0  }
0xfe: {  	[sflag:s25] =	ssyncadd.s32 $0xFFFFFC00  }
0xff: {  	_ =	swait.ge [sflag:s25], $0x400  }
0x100: {  	[sflag:s25] =	ssyncset.done $0x0  }
0x101: {  	[sflag:s25] =	ssyncadd.s32 $0xFFFFFC00  }
0x102: {  	_ =	swait.ge [sflag:s25], $0x400  }
0x103: {  	[sflag:s25] =	ssyncset.done $0x0  }
0x104: {  	[sflag:s25] =	ssyncadd.s32 $0xFFFFFC00  }
0x105: {  	_ =	swait.ge [sflag:s25], $0x400  }
0x106: {  	[sflag:s25] =	ssyncset.done $0x0  }
0x107: {  	[sflag:s25] =	ssyncadd.s32 $0xFFFFFC00  }
0x108: {  	_ =	swait.ge [sflag:s25], $0x400  }
0x109: {  	[sflag:s25] =	ssyncset.done $0x0  }
0x10a: {  	[sflag:s25] =	ssyncadd.s32 $0xFFFFFC00  }
0x10b: {  	_ =	swait.ge [sflag:s25], $0x400  }
0x10c: {  	[sflag:s25] =	ssyncset.done $0x0  }
0x10d: {  	[sflag:s25] =	ssyncadd.s32 $0xFFFFFC00  }
0x10e: {  	_ =	swait.ge [sflag:s25], $0x400  }
0x10f: {  	[sflag:s25] =	ssyncset.done $0x0  }
0x110: {  	s11 =	simm.s32 $0x0;
	s2 =	simm.s32 @!p1 $0x4;
	[sflag:s25] =	ssyncadd.s32 $0xFFFFFC00  }
0x111: {  	s17 =	sand.u32 $0x20, s11;
	_ =	swait.ge @!p1 [sflag:s2], $0x2000  }
0x112: {  	s8 =	simm.s32 $0x2200;
	v19 =	vmov s17;
	[sflag:s2] =	ssyncset.done @!p1 $0x0  }
0x113: {  	s24 =	simm.s32 $0x1;
	s23 =	sand.u32 $0x18, s11;
	v21 =	vshll.u32 v19, $0x7;
	[sflag:s2] =	ssyncadd.s32 @!p1 $0xFFFFE000  }
0x114: {  	s12 =	sand.u32 $0x19, s24;
	s14 =	simm.s32 $0x2;
	v19 =	vor.u32 s23, v1;
	v30 =	vor.u32 v0, v21;
	v28 =	vld [tilespmem:s8+$0x180]  }
0x115: {  	v20 =	vor.u32 s12, v1;
	s17 =	simm.s32 $0x3;
	s15 =	sand.u32 $0x1A, s14;
	v27 =	vor.u32 v19, v30;
	v26 =	vld [tilespmem:s8+$0xFFFFFE00]  }
0x116: {  	s24 =	simm.s32 $0x4;
	s23 =	sand.u32 $0x1B, s17;
	v23 =	vor.u32 s15, v1;
	v61 =	vor.u32 v20, v30;
	v31 =	vld [tilespmem:s8+$0xFFFFFE80]  }
0x117: {  	s14 =	sand.u32 $0x1C, s24;
	v24 =	vor.u32 s23, v1;
	s15 =	simm.s32 $0x5;
	v63 =	vor.u32 v23, v30;
	v62 =	vld [tilespmem:s8+$0xFFFFFF00]  }
0x118: {  	v22 =	vor.u32 s14, v1;
	v46 =	vor.u32 v24, v30;
	s17 =	sand.u32 $0x1D, s15;
	v45 =	vld [tilespmem:s8+$0xFFFFFF80]  }
0x119: {  	s23 =	simm.s32 $0x6;
	v48 =	vor.u32 v22, v30;
	v25 =	vor.u32 s17, v1;
	v47 =	vld [tilespmem:s8+$0x0]  }
0x11a: {  	s24 =	simm.s32 $0x7;
	v39 =	vor.u32 v9, v21;
	s12 =	sand.u32 $0x1E, s23;
	v41 =	vor.u32 v25, v30;
	v40 =	vld [tilespmem:s8+$0x80];
	[tilespmem:v27+s6+$0x0] =	vst.idx.msk $0xffff, v26  }
0x11b: {  	v43 =	vor.u32 v19, v39;
	s2 =	sand.u32 $0x1F, s24;
	v27 =	vor.u32 s12, v1;
	[tilespmem:v61+s6+$0x0] =	vst.idx.msk $0xffff, v31;
	v42 =	vld [tilespmem:s8+$0xFFFFFE10]  }
0x11c: {  	v29 =	vld [tilespmem:s8+$0x100];
	v26 =	vor.u32 s2, v1;
	[tilespmem:v63+s6+$0x0] =	vst.idx.msk $0xffff, v62;
	v31 =	vor.u32 v27, v30  }
0x11d: {  	[tilespmem:v46+s6+$0x0] =	vst.idx.msk $0xffff, v45;
	v32 =	vld [tilespmem:s8+$0xFFFFFE90];
	v30 =	vor.u32 v26, v30  }
0x11e: {  	v49 =	vor.u32 v23, v39;
	[tilespmem:v48+s6+$0x0] =	vst.idx.msk $0xffff, v47;
	v33 =	vld [tilespmem:s8+$0xFFFFFF10]  }
0x11f: {  	v50 =	vor.u32 v24, v39;
	[tilespmem:v41+s6+$0x0] =	vst.idx.msk $0xffff, v40;
	v35 =	vld [tilespmem:s8+$0xFFFFFF90]  }
0x120: {  	v52 =	vor.u32 v22, v39;
	v37 =	vld [tilespmem:s8+$0x10];
	[tilespmem:v43+s6+$0x0] =	vst.idx.msk $0xffff, v42  }
0x121: {  	v57 =	vor.u32 v25, v39;
	v41 =	vld [tilespmem:s8+$0x90];
	[tilespmem:v31+s6+$0x0] =	vst.idx.msk $0xffff, v29  }
0x122: {  	v51 =	vor.u32 v8, v21;
	v59 =	vor.u32 v20, v39;
	[tilespmem:v30+s6+$0x0] =	vst.idx.msk $0xffff, v28;
	v43 =	vld [tilespmem:s8+$0xFFFFFE20]  }
0x123: {  	v53 =	vor.u32 v19, v51;
	[tilespmem:v49+s6+$0x0] =	vst.idx.msk $0xffff, v33;
	v31 =	vld [tilespmem:s8+$0x110]  }
0x124: {  	v29 =	vor.u32 v27, v39;
	[tilespmem:v50+s6+$0x0] =	vst.idx.msk $0xffff, v35;
	v30 =	vld [tilespmem:s8+$0x190]  }
0x125: {  	v28 =	vor.u32 v26, v39;
	[tilespmem:v52+s6+$0x0] =	vst.idx.msk $0xffff, v37;
	v34 =	vld [tilespmem:s8+$0xFFFFFF20]  }
0x126: {  	v54 =	vor.u32 v23, v51;
	[tilespmem:v57+s6+$0x0] =	vst.idx.msk $0xffff, v41;
	v36 =	vld [tilespmem:s8+$0xFFFFFFA0]  }
0x127: {  	v55 =	vor.u32 v24, v51;
	[tilespmem:v59+s6+$0x0] =	vst.idx.msk $0xffff, v32;
	v40 =	vld [tilespmem:s8+$0x20]  }
0x128: {  	v56 =	vor.u32 v22, v51;
	v41 =	vld [tilespmem:s8+$0xA0];
	[tilespmem:v53+s6+$0x0] =	vst.idx.msk $0xffff, v43  }
0x129: {  	v48 =	vor.u32 v20, v51;
	v35 =	vld [tilespmem:s8+$0xFFFFFEA0];
	[tilespmem:v29+s6+$0x0] =	vst.idx.msk $0xffff, v31  }
0x12a: {  	v29 =	vor.u32 v27, v51;
	v31 =	vor.u32 v7, v21;
	[tilespmem:v28+s6+$0x0] =	vst.idx.msk $0xffff, v30;
	v44 =	vld [tilespmem:s8+$0x120]  }
0x12b: {  	[tilespmem:v54+s6+$0x0] =	vst.idx.msk $0xffff, v34;
	v43 =	vld [tilespmem:s8+$0xFFFFFE30];
	v28 =	vor.u32 v19, v31  }
0x12c: {  	v58 =	vor.u32 v26, v51;
	[tilespmem:v55+s6+$0x0] =	vst.idx.msk $0xffff, v36;
	v30 =	vld [tilespmem:s8+$0x1A0]  }
0x12d: {  	[tilespmem:v56+s6+$0x0] =	vst.idx.msk $0xffff, v40;
	v36 =	vld [tilespmem:s8+$0xFFFFFFB0];
	v60 =	vor.u32 v24, v31  }
0x12e: {  	[tilespmem:v48+s6+$0x0] =	vst.idx.msk $0xffff, v35;
	v61 =	vld [tilespmem:s8+$0x30];
	v62 =	vor.u32 v22, v31  }
0x12f: {  	v55 =	vor.u32 v20, v31;
	v35 =	vld [tilespmem:s8+$0xFFFFFEB0];
	[tilespmem:v29+s6+$0x0] =	vst.idx.msk $0xffff, v44  }
0x130: {  	v34 =	vld [tilespmem:s8+$0xFFFFFF30];
	v29 =	vor.u32 v25, v51;
	[tilespmem:v28+s6+$0x0] =	vst.idx.msk $0xffff, v43  }
0x131: {  	v63 =	vor.u32 v27, v31;
	v44 =	vor.u32 v5, v21;
	[tilespmem:v58+s6+$0x0] =	vst.idx.msk $0xffff, v30;
	v28 =	vld [tilespmem:s8+$0x130]  }
0x132: {  	[tilespmem:v60+s6+$0x0] =	vst.idx.msk $0xffff, v36;
	v43 =	vld [tilespmem:s8+$0xFFFFFE40];
	v30 =	vor.u32 v19, v44  }
0x133: {  	v49 =	vor.u32 v26, v31;
	[tilespmem:v62+s6+$0x0] =	vst.idx.msk $0xffff, v61;
	v47 =	vld [tilespmem:s8+$0x1B0]  }
0x134: {  	[tilespmem:v55+s6+$0x0] =	vst.idx.msk $0xffff, v35;
	v50 =	vld [tilespmem:s8+$0x40];
	v51 =	vor.u32 v22, v44  }
0x135: {  	v37 =	vld [tilespmem:s8+$0xFFFFFFC0];
	v53 =	vor.u32 v24, v44;
	[tilespmem:v29+s6+$0x0] =	vst.idx.msk $0xffff, v41  }
0x136: {  	v29 =	vor.u32 v25, v31;
	v52 =	vld [tilespmem:s8+$0xB0];
	[tilespmem:v63+s6+$0x0] =	vst.idx.msk $0xffff, v28  }
0x137: {  	[tilespmem:v30+s6+$0x0] =	vst.idx.msk $0xffff, v43;
	v30 =	vor.u32 v27, v44;
	v28 =	vld [tilespmem:s8+$0x140]  }
0x138: {  	v35 =	vld [tilespmem:s8+$0xFFFFFEC0];
	v62 =	vor.u32 v20, v44;
	[tilespmem:v49+s6+$0x0] =	vst.idx.msk $0xffff, v47  }
0x139: {  	v36 =	vor.u32 v4, v21;
	v31 =	vor.u32 v23, v31;
	[tilespmem:v51+s6+$0x0] =	vst.idx.msk $0xffff, v50;
	v54 =	vld [tilespmem:s8+$0xFFFFFE50]  }
0x13a: {  	v58 =	vor.u32 v19, v36;
	[tilespmem:v53+s6+$0x0] =	vst.idx.msk $0xffff, v37;
	v57 =	vld [tilespmem:s8+$0x1C0]  }
0x13b: {  	v56 =	vor.u32 v26, v44;
	v59 =	vld [tilespmem:s8+$0x50];
	[tilespmem:v29+s6+$0x0] =	vst.idx.msk $0xffff, v52  }
0x13c: {  	v40 =	vld [tilespmem:s8+$0xC0];
	[tilespmem:v30+s6+$0x0] =	vst.idx.msk $0xffff, v28;
	v28 =	vor.u32 v25, v44  }
0x13d: {  	[tilespmem:v62+s6+$0x0] =	vst.idx.msk $0xffff, v35;
	v60 =	vld [tilespmem:s8+$0xFFFFFFD0]  }
0x13e: {  	v55 =	vld [tilespmem:s8+$0xFFFFFED0];
	[tilespmem:v31+s6+$0x0] =	vst.idx.msk $0xffff, v34;
	v29 =	vor.u32 v22, v36  }
0x13f: {  	v52 =	vld [tilespmem:s8+$0xFFFFFF40];
	[tilespmem:v58+s6+$0x0] =	vst.idx.msk $0xffff, v54;
	v54 =	vor.u32 v20, v36  }
0x140: {  	v61 =	vor.u32 v27, v36;
	[tilespmem:v56+s6+$0x0] =	vst.idx.msk $0xffff, v57;
	v30 =	vld [tilespmem:s8+$0x150]  }
0x141: {  	v63 =	vor.u32 v26, v36;
	v38 =	vld [tilespmem:s8+$0x1D0];
	[tilespmem:v28+s6+$0x0] =	vst.idx.msk $0xffff, v40  }
0x142: {  	v28 =	vor.u32 v25, v36;
	v31 =	vld [tilespmem:s8+$0xD0]  }
0x143: {  	v50 =	vor.u32 v23, v44;
	v48 =	vld [tilespmem:s8+$0xFFFFFE60];
	[tilespmem:v29+s6+$0x0] =	vst.idx.msk $0xffff, v59  }
0x144: {  	v51 =	vor.u32 v3, v21;
	v29 =	vor.u32 v24, v36;
	v49 =	vld [tilespmem:s8+$0x60];
	[tilespmem:v54+s6+$0x0] =	vst.idx.msk $0xffff, v55  }
0x145: {  	v56 =	vor.u32 v22, v51;
	[tilespmem:v61+s6+$0x0] =	vst.idx.msk $0xffff, v30;
	v45 =	vld [tilespmem:s8+$0xFFFFFEE0]  }
0x146: {  	v30 =	vor.u32 v19, v51;
	[tilespmem:v63+s6+$0x0] =	vst.idx.msk $0xffff, v38;
	v53 =	vld [tilespmem:s8+$0x160]  }
0x147: {  	v32 =	vld [tilespmem:s8+$0x1E0];
	[tilespmem:v28+s6+$0x0] =	vst.idx.msk $0xffff, v31;
	v28 =	vor.u32 v27, v51  }
0x148: {  	[tilespmem:v50+s6+$0x0] =	vst.idx.msk $0xffff, v52;
	v59 =	vor.u32 v25, v51;
	v58 =	vld [tilespmem:s8+$0xE0]  }
0x149: {  	v36 =	vor.u32 v23, v36;
	[tilespmem:v29+s6+$0x0] =	vst.idx.msk $0xffff, v60;
	v60 =	vld [tilespmem:s8+$0xFFFFFF50]  }
0x14a: {  	v61 =	vor.u32 v24, v51;
	v57 =	vld [tilespmem:s8+$0xFFFFFFE0];
	[tilespmem:v56+s6+$0x0] =	vst.idx.msk $0xffff, v49  }
0x14b: {  	v62 =	vor.u32 v20, v51;
	v63 =	vor.u32 v2, v21;
	[tilespmem:v30+s6+$0x0] =	vst.idx.msk $0xffff, v48;
	v31 =	vld [tilespmem:s8+$0x70]  }
0x14c: {  	v33 =	vor.u32 v26, v51;
	v37 =	vor.u32 v27, v63;
	v30 =	vld [tilespmem:s8+$0xFFFFFE70];
	[tilespmem:v28+s6+$0x0] =	vst.idx.msk $0xffff, v53  }
0x14d: {  	v38 =	vor.u32 v25, v63;
	v25 =	vor.u32 v20, v63;
	[tilespmem:v59+s6+$0x0] =	vst.idx.msk $0xffff, v58;
	v35 =	vld [tilespmem:s8+$0x170]  }
0x14e: {  	v26 =	vor.u32 v26, v63;
	v29 =	vor.u32 v23, v51;
	[tilespmem:v36+s6+$0x0] =	vst.idx.msk $0xffff, v60;
	v36 =	vld [tilespmem:s8+$0xF0]  }
0x14f: {  	v27 =	vor.u32 v24, v63;
	v24 =	vor.u32 v22, v63;
	v34 =	vld [tilespmem:s8+$0xFFFFFF60];
	[tilespmem:v61+s6+$0x0] =	vst.idx.msk $0xffff, v57  }
0x150: {  	s12 =	simm.s32 $0x2200;
	[tilespmem:v62+s6+$0x0] =	vst.idx.msk $0xffff, v45;
	v28 =	vor.u32 v23, v63;
	v23 =	vor.u32 v19, v63;
	v21 =	vld [tilespmem:s8+$0xFFFFFFF0]  }
.LBB2_5:
0x151: {  	v39 =	vld [tilespmem:s8+$0xFFFFFEF0];
	[tilespmem:v33+s6+$0x0] =	vst.idx.msk $0xffff, v32;
	s12 =	sadd.s32 $0x400, s12;
	s2 =	smov.u32 s11;
	s11 =	sadd.s32 $0x8, s11  }
0x152: {  	s14 =	sand.u32 $0x20, s11;
	s15 =	sand.u32 $0x18, s11;
	p1 =	slt.u32 s11, $0x38;
	[tilespmem:v37+s6+$0x0] =	vst.idx.msk $0xffff, v35;
	v32 =	vld [tilespmem:s8+$0x1F0]  }
0x153: {  	v19 =	vor.u32 s15, v1;
	v20 =	vmov s14;
	s14 =	sadd.s32 $0xF, s2;
	v33 =	vld [tilespmem:s12+$0x180];
	[tilespmem:v38+s6+$0x0] =	vst.idx.msk $0xffff, v36  }
0x154: {  	s15 =	sadd.s32 $0x9, s2;
	v22 =	vshll.u32 v20, $0x7;
	v35 =	vld [tilespmem:s12+$0x100];
	s14 =	sand.u32 $0x1F, s14;
	[tilespmem:v29+s6+$0x0] =	vst.idx.msk $0xffff, v34  }
0x155: {  	s17 =	sadd.s32 $0xA, s2;
	s15 =	sand.u32 $0x19, s15;
	v29 =	vor.u32 v0, v22;
	v34 =	vor.u32 v8, v22;
	v20 =	vor.u32 s14, v1;
	v36 =	vld [tilespmem:s8+$0xFFFFFF70];
	[tilespmem:v27+s6+$0x0] =	vst.idx.msk $0xffff, v21;
	s8 =	smov.u32 s12  }
0x156: {  	v21 =	vor.u32 s15, v1;
	s14 =	sand.u32 $0x1A, s17;
	s15 =	sadd.s32 $0xB, s2;
	v27 =	vld [tilespmem:s12+$0xFFFFFE00];
	v37 =	vor.u32 v19, v29;
	v38 =	vor.u32 v20, v29;
	[tilespmem:v23+s6+$0x0] =	vst.idx.msk $0xffff, v30  }
0x157: {  	v30 =	vor.u32 v19, v34;
	v41 =	vor.u32 v21, v29;
	v23 =	vor.u32 s14, v1;
	s14 =	sand.u32 $0x1B, s15;
	s15 =	sadd.s32 $0xC, s2;
	v40 =	vld [tilespmem:s12+$0xFFFFFE80];
	[tilespmem:v24+s6+$0x0] =	vst.idx.msk $0xffff, v31  }
0x158: {  	v31 =	vor.u32 v9, v22;
	v43 =	vor.u32 v23, v29;
	v24 =	vor.u32 s14, v1;
	s14 =	sand.u32 $0x1C, s15;
	s15 =	sadd.s32 $0xD, s2;
	v42 =	vld [tilespmem:s12+$0xFFFFFF00];
	[tilespmem:v25+s6+$0x0] =	vst.idx.msk $0xffff, v39  }
0x159: {  	s2 =	sadd.s32 $0xE, s2;
	v44 =	vor.u32 v24, v29;
	v45 =	vor.u32 v24, v31;
	v25 =	vor.u32 s14, v1;
	s14 =	sand.u32 $0x1D, s15;
	v39 =	vld [tilespmem:s12+$0xFFFFFF80];
	[tilespmem:v26+s6+$0x0] =	vst.idx.msk $0xffff, v32  }
0x15a: {  	s2 =	sand.u32 $0x1E, s2;
	v32 =	vor.u32 v21, v31;
	v47 =	vor.u32 v25, v29;
	v26 =	vor.u32 s14, v1;
	v46 =	vld [tilespmem:s12+$0x0];
	[tilespmem:v28+s6+$0x0] =	vst.idx.msk $0xffff, v36  }
0x15b: {  	v28 =	vor.u32 v25, v31;
	[tilespmem:v37+s6+$0x0] =	vst.idx.msk $0xffff, v27;
	v36 =	vld [tilespmem:s12+$0x80];
	v37 =	vor.u32 v26, v29;
	v27 =	vor.u32 s2, v1  }
0x15c: {  	v49 =	vor.u32 v19, v31;
	v48 =	vld [tilespmem:s12+$0xFFFFFE10];
	[tilespmem:v41+s6+$0x0] =	vst.idx.msk $0xffff, v40;
	v29 =	vor.u32 v27, v29  }
0x15d: {  	v41 =	vor.u32 v23, v31;
	v40 =	vld [tilespmem:s12+$0xFFFFFE90];
	[tilespmem:v43+s6+$0x0] =	vst.idx.msk $0xffff, v42;
	v42 =	vor.u32 v27, v31  }
0x15e: {  	v50 =	vor.u32 v23, v34;
	v43 =	vld [tilespmem:s12+$0xFFFFFF10];
	[tilespmem:v44+s6+$0x0] =	vst.idx.msk $0xffff, v39;
	v39 =	vor.u32 v20, v31  }
0x15f: {  	v51 =	vor.u32 v24, v34;
	v44 =	vld [tilespmem:s12+$0xFFFFFF90];
	[tilespmem:v47+s6+$0x0] =	vst.idx.msk $0xffff, v46;
	v46 =	vor.u32 v25, v34  }
0x160: {  	v31 =	vor.u32 v26, v31;
	v47 =	vld [tilespmem:s12+$0x10];
	[tilespmem:v37+s6+$0x0] =	vst.idx.msk $0xffff, v36;
	v36 =	vor.u32 v27, v34  }
0x161: {  	v37 =	vor.u32 v7, v22;
	[tilespmem:v49+s6+$0x0] =	vst.idx.msk $0xffff, v48;
	v48 =	vld [tilespmem:s12+$0x90];
	v49 =	vor.u32 v26, v34  }
0x162: {  	v53 =	vor.u32 v19, v37;
	v54 =	vor.u32 v24, v37;
	v52 =	vld [tilespmem:s12+$0xFFFFFE20];
	[tilespmem:v29+s6+$0x0] =	vst.idx.msk $0xffff, v35  }
0x163: {  	v55 =	vor.u32 v27, v37;
	v29 =	vor.u32 v25, v37;
	v35 =	vld [tilespmem:s12+$0x110];
	[tilespmem:v38+s6+$0x0] =	vst.idx.msk $0xffff, v33  }
0x164: {  	v33 =	vor.u32 v26, v37;
	[tilespmem:v41+s6+$0x0] =	vst.idx.msk $0xffff, v43;
	v38 =	vld [tilespmem:s12+$0x190];
	v41 =	vor.u32 v20, v34  }
0x165: {  	v34 =	vor.u32 v21, v34;
	v43 =	vor.u32 v21, v37;
	v56 =	vld [tilespmem:s12+$0xFFFFFF20];
	[tilespmem:v45+s6+$0x0] =	vst.idx.msk $0xffff, v44  }
0x166: {  	v44 =	vor.u32 v23, v37;
	v45 =	vld [tilespmem:s12+$0xFFFFFFA0];
	[tilespmem:v28+s6+$0x0] =	vst.idx.msk $0xffff, v47;
	v28 =	vor.u32 v20, v37  }
0x167: {  	[tilespmem:v30+s6+$0x0] =	vst.idx.msk $0xffff, v52;
	v30 =	vld [tilespmem:s12+$0x20]  }
0x168: {  	v37 =	vld [tilespmem:s12+$0xFFFFFE30];
	[tilespmem:v42+s6+$0x0] =	vst.idx.msk $0xffff, v35  }
0x169: {  	v35 =	vld [tilespmem:s12+$0x120];
	[tilespmem:v39+s6+$0x0] =	vst.idx.msk $0xffff, v38  }
0x16a: {  	[tilespmem:v50+s6+$0x0] =	vst.idx.msk $0xffff, v56;
	v38 =	vld [tilespmem:s12+$0x1A0]  }
0x16b: {  	v39 =	vld [tilespmem:s12+$0xFFFFFF30];
	[tilespmem:v51+s6+$0x0] =	vst.idx.msk $0xffff, v45  }
0x16c: {  	v42 =	vld [tilespmem:s12+$0xFFFFFFB0];
	[tilespmem:v46+s6+$0x0] =	vst.idx.msk $0xffff, v30  }
0x16d: {  	v30 =	vld [tilespmem:s12+$0x30];
	[tilespmem:v31+s6+$0x0] =	vst.idx.msk $0xffff, v48  }
0x16e: {  	v31 =	vld [tilespmem:s12+$0xA0];
	[tilespmem:v36+s6+$0x0] =	vst.idx.msk $0xffff, v35  }
0x16f: {  	[tilespmem:v53+s6+$0x0] =	vst.idx.msk $0xffff, v37;
	v35 =	vld [tilespmem:s12+$0x130]  }
0x170: {  	v37 =	vor.u32 v5, v22;
	v36 =	vld [tilespmem:s12+$0xFFFFFE40];
	[tilespmem:v41+s6+$0x0] =	vst.idx.msk $0xffff, v38  }
0x171: {  	v38 =	vor.u32 v19, v37;
	[tilespmem:v32+s6+$0x0] =	vst.idx.msk $0xffff, v40;
	v32 =	vor.u32 v24, v37;
	v40 =	vld [tilespmem:s12+$0x1B0]  }
0x172: {  	v45 =	vor.u32 v20, v37;
	v41 =	vld [tilespmem:s12+$0xFFFFFEA0];
	[tilespmem:v54+s6+$0x0] =	vst.idx.msk $0xffff, v42;
	v42 =	vor.u32 v26, v37  }
0x173: {  	v46 =	vor.u32 v21, v37;
	v47 =	vor.u32 v23, v37;
	v48 =	vld [tilespmem:s12+$0xFFFFFFC0];
	[tilespmem:v29+s6+$0x0] =	vst.idx.msk $0xffff, v30  }
0x174: {  	v30 =	vor.u32 v25, v37;
	v29 =	vld [tilespmem:s12+$0x40];
	[tilespmem:v49+s6+$0x0] =	vst.idx.msk $0xffff, v31  }
0x175: {  	v31 =	vld [tilespmem:s12+$0xB0];
	[tilespmem:v55+s6+$0x0] =	vst.idx.msk $0xffff, v35  }
0x176: {  	[tilespmem:v38+s6+$0x0] =	vst.idx.msk $0xffff, v36;
	v35 =	vld [tilespmem:s12+$0x140];
	v36 =	vor.u32 v27, v37  }
0x177: {  	v37 =	vld [tilespmem:s12+$0xFFFFFE50];
	[tilespmem:v34+s6+$0x0] =	vst.idx.msk $0xffff, v41  }
0x178: {  	v34 =	vld [tilespmem:s12+$0xFFFFFEB0];
	[tilespmem:v28+s6+$0x0] =	vst.idx.msk $0xffff, v40  }
0x179: {  	v28 =	vor.u32 v4, v22;
	[tilespmem:v30+s6+$0x0] =	vst.idx.msk $0xffff, v29;
	v29 =	vld [tilespmem:s12+$0x1C0]  }
0x17a: {  	v30 =	vor.u32 v19, v28;
	v38 =	vld [tilespmem:s12+$0x50];
	[tilespmem:v33+s6+$0x0] =	vst.idx.msk $0xffff, v31;
	v31 =	vor.u32 v26, v28  }
0x17b: {  	v40 =	vor.u32 v23, v28;
	v33 =	vor.u32 v25, v28;
	v41 =	vld [tilespmem:s12+$0xC0];
	[tilespmem:v36+s6+$0x0] =	vst.idx.msk $0xffff, v35  }
0x17c: {  	v36 =	vor.u32 v20, v28;
	[tilespmem:v32+s6+$0x0] =	vst.idx.msk $0xffff, v48;
	v32 =	vor.u32 v24, v28;
	v35 =	vld [tilespmem:s12+$0x150]  }
0x17d: {  	[tilespmem:v43+s6+$0x0] =	vst.idx.msk $0xffff, v34;
	v34 =	vor.u32 v21, v28;
	v43 =	vld [tilespmem:s12+$0xFFFFFFD0]  }
0x17e: {  	v28 =	vor.u32 v27, v28;
	v48 =	vld [tilespmem:s12+$0xFFFFFEC0];
	[tilespmem:v45+s6+$0x0] =	vst.idx.msk $0xffff, v29  }
0x17f: {  	[tilespmem:v30+s6+$0x0] =	vst.idx.msk $0xffff, v37;
	v30 =	vld [tilespmem:s12+$0x1D0]  }
0x180: {  	v37 =	vld [tilespmem:s12+$0xFFFFFE60];
	[tilespmem:v33+s6+$0x0] =	vst.idx.msk $0xffff, v38  }
0x181: {  	v38 =	vld [tilespmem:s12+$0x60];
	[tilespmem:v42+s6+$0x0] =	vst.idx.msk $0xffff, v41  }
0x182: {  	[tilespmem:v44+s6+$0x0] =	vst.idx.msk $0xffff, v39;
	v39 =	vld [tilespmem:s12+$0xD0]  }
0x183: {  	v41 =	vor.u32 v3, v22;
	v42 =	vld [tilespmem:s12+$0xFFFFFF40];
	[tilespmem:v28+s6+$0x0] =	vst.idx.msk $0xffff, v35  }
0x184: {  	v29 =	vor.u32 v23, v41;
	v28 =	vor.u32 v19, v41;
	[tilespmem:v46+s6+$0x0] =	vst.idx.msk $0xffff, v48;
	v35 =	vld [tilespmem:s12+$0x160]  }
0x185: {  	v45 =	vor.u32 v21, v41;
	v46 =	vor.u32 v24, v41;
	v44 =	vld [tilespmem:s12+$0xFFFFFED0];
	[tilespmem:v36+s6+$0x0] =	vst.idx.msk $0xffff, v30  }
0x186: {  	v33 =	vor.u32 v20, v41;
	v36 =	vor.u32 v25, v41;
	[tilespmem:v32+s6+$0x0] =	vst.idx.msk $0xffff, v43;
	v32 =	vld [tilespmem:s12+$0x1E0]  }
0x187: {  	v43 =	vld [tilespmem:s12+$0xFFFFFFE0];
	[tilespmem:v31+s6+$0x0] =	vst.idx.msk $0xffff, v39;
	v39 =	vor.u32 v27, v41  }
0x188: {  	v41 =	vor.u32 v26, v41;
	[tilespmem:v47+s6+$0x0] =	vst.idx.msk $0xffff, v42;
	v42 =	vld [tilespmem:s12+$0xE0]  }
0x189: {  	[tilespmem:v28+s6+$0x0] =	vst.idx.msk $0xffff, v37;
	v47 =	vld [tilespmem:s12+$0xFFFFFF50]  }
0x18a: {  	v30 =	vld [tilespmem:s12+$0xFFFFFE70];
	[tilespmem:v34+s6+$0x0] =	vst.idx.msk $0xffff, v44  }
0x18b: {  	v44 =	vld [tilespmem:s12+$0xFFFFFEE0];
	[tilespmem:v36+s6+$0x0] =	vst.idx.msk $0xffff, v38  }
.Ltmp3:
0x18c: {  	v22 =	vor.u32 v2, v22;
	v31 =	vld [tilespmem:s12+$0x70];
	[tilespmem:v39+s6+$0x0] =	vst.idx.msk $0xffff, v35;
	(pc) =	sbr.rel @p1 .LBB2_5-.Ltmp3, $4  }
0x18d: {  	v28 =	vor.u32 v23, v22;
	v37 =	vor.u32 v27, v22;
	[tilespmem:v41+s6+$0x0] =	vst.idx.msk $0xffff, v42;
	v35 =	vld [tilespmem:s12+$0x170]  }
0x18e: {  	v27 =	vor.u32 v24, v22;
	v38 =	vor.u32 v26, v22;
	[tilespmem:v40+s6+$0x0] =	vst.idx.msk $0xffff, v47;
	v36 =	vld [tilespmem:s12+$0xF0]  }
0x18f: {  	v23 =	vor.u32 v19, v22;
	v24 =	vor.u32 v25, v22;
	v34 =	vld [tilespmem:s12+$0xFFFFFF60];
	[tilespmem:v46+s6+$0x0] =	vst.idx.msk $0xffff, v43  }
0x190: {  	v25 =	vor.u32 v21, v22;
	v26 =	vor.u32 v20, v22;
	[tilespmem:v45+s6+$0x0] =	vst.idx.msk $0xffff, v44;
	v21 =	vld [tilespmem:s12+$0xFFFFFFF0]  }
0x191: {  	_ =	sdelay $0x3  }
0x192: {  	[tilespmem:v33+s6+$0x0] =	vst.idx.msk $0xffff, v32  }
0x193: {  	[tilespmem:v23+s6+$0x0] =	vst.idx.msk $0xffff, v30  }
0x194: {  	v19 =	vld [tilespmem:s8+$0xFFFFFEF0];
	[tilespmem:v24+s6+$0x0] =	vst.idx.msk $0xffff, v31  }
0x195: {  	v20 =	vld [tilespmem:s8+$0x1F0];
	[tilespmem:v29+s6+$0x0] =	vst.idx.msk $0xffff, v34  }
0x196: {  	s28 =	sadd.s32 $0x1, s28;
	[tilespmem:v37+s6+$0x0] =	vst.idx.msk $0xffff, v35;
	v22 =	vld [tilespmem:s8+$0xFFFFFF70]  }
0x197: {  	p1 =	sne.s32 s28, $0x3D;
	[tilespmem:v38+s6+$0x0] =	vst.idx.msk $0xffff, v36  }
.Ltmp4:
0x198: {  	[tilespmem:v27+s6+$0x0] =	vst.idx.msk $0xffff, v21;
	(pc) =	sbr.rel @p1 .LBB2_2-.Ltmp4, $4  }
0x199: {  	[tilespmem:v25+s6+$0x0] =	vst.idx.msk $0xffff, v19  }
0x19a: {  	s2 =	sshll.u32 s29, $0xA;
	[tilespmem:v26+s6+$0x0] =	vst.idx.msk $0xffff, v20  }
0x19b: {  	s2 =	sadd.s32 s5, s2;
	[tilespmem:v28+s6+$0x0] =	vst.idx.msk $0xffff, v22  }
0x19c: {  	[hbm4b:s2+s3] =	stream.linear.scatter [tilespmem:s6], [sflag:$0x4], $0x2000, $0x38;
	[tilespmem:$0x8000] =	vst v63  }
0x19d: {  	_ =	swait.ge [sflag:s19], $0x400  }
0x19e: {  	[sflag:s19] =	ssyncset.done $0x0  }
0x19f: {  	[sflag:s19] =	ssyncadd.s32 $0xFFFFFC00  }
0x1a0: {  	_ =	swait.ge [sflag:s19], $0x400  }
0x1a1: {  	[sflag:s19] =	ssyncset.done $0x0  }
0x1a2: {  	[sflag:s19] =	ssyncadd.s32 $0xFFFFFC00  }
0x1a3: {  	_ =	swait.ge [sflag:s19], $0x400  }
0x1a4: {  	[sflag:s19] =	ssyncset.done $0x0  }
0x1a5: {  	[sflag:s19] =	ssyncadd.s32 $0xFFFFFC00  }
0x1a6: {  	_ =	swait.ge [sflag:s19], $0x400  }
0x1a7: {  	[sflag:s19] =	ssyncset.done $0x0  }
0x1a8: {  	[sflag:s19] =	ssyncadd.s32 $0xFFFFFC00  }
0x1a9: {  	_ =	swait.ge [sflag:s19], $0x400  }
0x1aa: {  	[sflag:s19] =	ssyncset.done $0x0  }
0x1ab: {  	[sflag:s19] =	ssyncadd.s32 $0xFFFFFC00  }
0x1ac: {  	_ =	swait.ge [sflag:s19], $0x400  }
0x1ad: {  	[sflag:s19] =	ssyncset.done $0x0  }
0x1ae: {  	[sflag:s19] =	ssyncadd.s32 $0xFFFFFC00  }
0x1af: {  	_ =	swait.ge [sflag:s19], $0x400  }
0x1b0: {  	[sflag:s19] =	ssyncset.done $0x0  }
0x1b1: {  	[sflag:s19] =	ssyncadd.s32 $0xFFFFFC00  }
0x1b2: {  	_ =	swait.ge [sflag:s19], $0x400  }
0x1b3: {  	[sflag:s19] =	ssyncset.done $0x0  }
0x1b4: {  	s23 =	simm.s32 $0x3;
	s11 =	simm.s32 $0x0;
	[sflag:s19] =	ssyncadd.s32 $0xFFFFFC00  }
0x1b5: {  	s2 =	sand.u32 $0x20, s11;
	_ =	swait.ge [sflag:s23], $0x2000  }
0x1b6: {  	s8 =	simm.s32 $0x200;
	v19 =	vmov s2;
	[sflag:s23] =	ssyncset.done $0x0  }
0x1b7: {  	s12 =	simm.s32 $0x1;
	s15 =	sand.u32 $0x18, s11;
	v21 =	vshll.u32 v19, $0x7;
	[sflag:s23] =	ssyncadd.s32 $0xFFFFE000  }
0x1b8: {  	s24 =	simm.s32 $0x2;
	s17 =	sand.u32 $0x19, s12;
	v19 =	vor.u32 s15, v1;
	v30 =	vor.u32 v0, v21;
	v28 =	vld [tilespmem:s8+$0x180]  }
0x1b9: {  	s29 =	simm.s32 $0x3;
	s28 =	sand.u32 $0x1A, s24;
	v20 =	vor.u32 s17, v1;
	v27 =	vor.u32 v19, v30;
	v26 =	vld [tilespmem:s8+$0xFFFFFE00]  }
0x1ba: {  	s14 =	simm.s32 $0x4;
	s12 =	sand.u32 $0x1B, s29;
	v23 =	vor.u32 s28, v1;
	v32 =	vor.u32 v20, v30;
	v31 =	vld [tilespmem:s8+$0xFFFFFE80]  }
0x1bb: {  	v24 =	vor.u32 s12, v1;
	s17 =	simm.s32 $0x5;
	s15 =	sand.u32 $0x1C, s14;
	v34 =	vor.u32 v23, v30;
	v33 =	vld [tilespmem:s8+$0xFFFFFF00]  }
0x1bc: {  	s24 =	sand.u32 $0x1D, s17;
	v22 =	vor.u32 s15, v1;
	v36 =	vor.u32 v24, v30;
	v35 =	vld [tilespmem:s8+$0xFFFFFF80]  }
0x1bd: {  	s28 =	simm.s32 $0x6;
	v25 =	vor.u32 s24, v1;
	v38 =	vor.u32 v22, v30;
	v37 =	vld [tilespmem:s8+$0x0]  }
0x1be: {  	s29 =	simm.s32 $0x7;
	s12 =	sand.u32 $0x1E, s28;
	v39 =	vor.u32 v9, v21;
	v41 =	vor.u32 v25, v30;
	v40 =	vld [tilespmem:s8+$0x80];
	[tilespmem:v27+s22+$0x0] =	vst.idx.msk $0xffff, v26  }
0x1bf: {  	s2 =	sand.u32 $0x1F, s29;
	v43 =	vor.u32 v19, v39;
	v27 =	vor.u32 s12, v1;
	[tilespmem:v32+s22+$0x0] =	vst.idx.msk $0xffff, v31;
	v42 =	vld [tilespmem:s8+$0xFFFFFE10]  }
0x1c0: {  	v29 =	vld [tilespmem:s8+$0x100];
	v26 =	vor.u32 s2, v1;
	[tilespmem:v34+s22+$0x0] =	vst.idx.msk $0xffff, v33;
	v31 =	vor.u32 v27, v30  }
0x1c1: {  	[tilespmem:v36+s22+$0x0] =	vst.idx.msk $0xffff, v35;
	v32 =	vld [tilespmem:s8+$0xFFFFFE90];
	v30 =	vor.u32 v26, v30  }
0x1c2: {  	v49 =	vor.u32 v23, v39;
	[tilespmem:v38+s22+$0x0] =	vst.idx.msk $0xffff, v37;
	v33 =	vld [tilespmem:s8+$0xFFFFFF10]  }
0x1c3: {  	v50 =	vor.u32 v24, v39;
	[tilespmem:v41+s22+$0x0] =	vst.idx.msk $0xffff, v40;
	v35 =	vld [tilespmem:s8+$0xFFFFFF90]  }
0x1c4: {  	v52 =	vor.u32 v22, v39;
	v37 =	vld [tilespmem:s8+$0x10];
	[tilespmem:v43+s22+$0x0] =	vst.idx.msk $0xffff, v42  }
0x1c5: {  	v57 =	vor.u32 v25, v39;
	v41 =	vld [tilespmem:s8+$0x90];
	[tilespmem:v31+s22+$0x0] =	vst.idx.msk $0xffff, v29  }
0x1c6: {  	v51 =	vor.u32 v8, v21;
	v59 =	vor.u32 v20, v39;
	[tilespmem:v30+s22+$0x0] =	vst.idx.msk $0xffff, v28;
	v43 =	vld [tilespmem:s8+$0xFFFFFE20]  }
0x1c7: {  	v53 =	vor.u32 v19, v51;
	[tilespmem:v49+s22+$0x0] =	vst.idx.msk $0xffff, v33;
	v31 =	vld [tilespmem:s8+$0x110]  }
0x1c8: {  	v29 =	vor.u32 v27, v39;
	[tilespmem:v50+s22+$0x0] =	vst.idx.msk $0xffff, v35;
	v30 =	vld [tilespmem:s8+$0x190]  }
0x1c9: {  	v28 =	vor.u32 v26, v39;
	[tilespmem:v52+s22+$0x0] =	vst.idx.msk $0xffff, v37;
	v34 =	vld [tilespmem:s8+$0xFFFFFF20]  }
0x1ca: {  	v54 =	vor.u32 v23, v51;
	[tilespmem:v57+s22+$0x0] =	vst.idx.msk $0xffff, v41;
	v36 =	vld [tilespmem:s8+$0xFFFFFFA0]  }
0x1cb: {  	v55 =	vor.u32 v24, v51;
	[tilespmem:v59+s22+$0x0] =	vst.idx.msk $0xffff, v32;
	v40 =	vld [tilespmem:s8+$0x20]  }
0x1cc: {  	v56 =	vor.u32 v22, v51;
	v41 =	vld [tilespmem:s8+$0xA0];
	[tilespmem:v53+s22+$0x0] =	vst.idx.msk $0xffff, v43  }
0x1cd: {  	v48 =	vor.u32 v20, v51;
	v35 =	vld [tilespmem:s8+$0xFFFFFEA0];
	[tilespmem:v29+s22+$0x0] =	vst.idx.msk $0xffff, v31  }
0x1ce: {  	v29 =	vor.u32 v27, v51;
	v31 =	vor.u32 v7, v21;
	[tilespmem:v28+s22+$0x0] =	vst.idx.msk $0xffff, v30;
	v44 =	vld [tilespmem:s8+$0x120]  }
0x1cf: {  	[tilespmem:v54+s22+$0x0] =	vst.idx.msk $0xffff, v34;
	v43 =	vld [tilespmem:s8+$0xFFFFFE30];
	v28 =	vor.u32 v19, v31  }
0x1d0: {  	v58 =	vor.u32 v26, v51;
	[tilespmem:v55+s22+$0x0] =	vst.idx.msk $0xffff, v36;
	v30 =	vld [tilespmem:s8+$0x1A0]  }
0x1d1: {  	[tilespmem:v56+s22+$0x0] =	vst.idx.msk $0xffff, v40;
	v36 =	vld [tilespmem:s8+$0xFFFFFFB0];
	v60 =	vor.u32 v24, v31  }
0x1d2: {  	[tilespmem:v48+s22+$0x0] =	vst.idx.msk $0xffff, v35;
	v61 =	vld [tilespmem:s8+$0x30];
	v62 =	vor.u32 v22, v31  }
0x1d3: {  	v55 =	vor.u32 v20, v31;
	v35 =	vld [tilespmem:s8+$0xFFFFFEB0];
	[tilespmem:v29+s22+$0x0] =	vst.idx.msk $0xffff, v44  }
0x1d4: {  	v34 =	vld [tilespmem:s8+$0xFFFFFF30];
	v29 =	vor.u32 v25, v51;
	[tilespmem:v28+s22+$0x0] =	vst.idx.msk $0xffff, v43  }
0x1d5: {  	v63 =	vor.u32 v27, v31;
	v44 =	vor.u32 v5, v21;
	[tilespmem:v58+s22+$0x0] =	vst.idx.msk $0xffff, v30;
	v28 =	vld [tilespmem:s8+$0x130]  }
0x1d6: {  	[tilespmem:v60+s22+$0x0] =	vst.idx.msk $0xffff, v36;
	v43 =	vld [tilespmem:s8+$0xFFFFFE40];
	v30 =	vor.u32 v19, v44  }
0x1d7: {  	v49 =	vor.u32 v26, v31;
	[tilespmem:v62+s22+$0x0] =	vst.idx.msk $0xffff, v61;
	v47 =	vld [tilespmem:s8+$0x1B0]  }
0x1d8: {  	[tilespmem:v55+s22+$0x0] =	vst.idx.msk $0xffff, v35;
	v50 =	vld [tilespmem:s8+$0x40];
	v51 =	vor.u32 v22, v44  }
0x1d9: {  	v37 =	vld [tilespmem:s8+$0xFFFFFFC0];
	v53 =	vor.u32 v24, v44;
	[tilespmem:v29+s22+$0x0] =	vst.idx.msk $0xffff, v41  }
0x1da: {  	v29 =	vor.u32 v25, v31;
	v52 =	vld [tilespmem:s8+$0xB0];
	[tilespmem:v63+s22+$0x0] =	vst.idx.msk $0xffff, v28  }
0x1db: {  	[tilespmem:v30+s22+$0x0] =	vst.idx.msk $0xffff, v43;
	v30 =	vor.u32 v27, v44;
	v28 =	vld [tilespmem:s8+$0x140]  }
0x1dc: {  	v35 =	vld [tilespmem:s8+$0xFFFFFEC0];
	v62 =	vor.u32 v20, v44;
	[tilespmem:v49+s22+$0x0] =	vst.idx.msk $0xffff, v47  }
0x1dd: {  	v36 =	vor.u32 v4, v21;
	v31 =	vor.u32 v23, v31;
	[tilespmem:v51+s22+$0x0] =	vst.idx.msk $0xffff, v50;
	v54 =	vld [tilespmem:s8+$0xFFFFFE50]  }
0x1de: {  	v58 =	vor.u32 v19, v36;
	[tilespmem:v53+s22+$0x0] =	vst.idx.msk $0xffff, v37;
	v57 =	vld [tilespmem:s8+$0x1C0]  }
0x1df: {  	v56 =	vor.u32 v26, v44;
	v59 =	vld [tilespmem:s8+$0x50];
	[tilespmem:v29+s22+$0x0] =	vst.idx.msk $0xffff, v52  }
0x1e0: {  	v40 =	vld [tilespmem:s8+$0xC0];
	[tilespmem:v30+s22+$0x0] =	vst.idx.msk $0xffff, v28;
	v28 =	vor.u32 v25, v44  }
0x1e1: {  	[tilespmem:v62+s22+$0x0] =	vst.idx.msk $0xffff, v35;
	v60 =	vld [tilespmem:s8+$0xFFFFFFD0]  }
0x1e2: {  	v55 =	vld [tilespmem:s8+$0xFFFFFED0];
	[tilespmem:v31+s22+$0x0] =	vst.idx.msk $0xffff, v34;
	v29 =	vor.u32 v22, v36  }
0x1e3: {  	v52 =	vld [tilespmem:s8+$0xFFFFFF40];
	[tilespmem:v58+s22+$0x0] =	vst.idx.msk $0xffff, v54;
	v54 =	vor.u32 v20, v36  }
0x1e4: {  	v61 =	vor.u32 v27, v36;
	[tilespmem:v56+s22+$0x0] =	vst.idx.msk $0xffff, v57;
	v30 =	vld [tilespmem:s8+$0x150]  }
0x1e5: {  	v63 =	vor.u32 v26, v36;
	v38 =	vld [tilespmem:s8+$0x1D0];
	[tilespmem:v28+s22+$0x0] =	vst.idx.msk $0xffff, v40  }
0x1e6: {  	v28 =	vor.u32 v25, v36;
	v31 =	vld [tilespmem:s8+$0xD0]  }
0x1e7: {  	v50 =	vor.u32 v23, v44;
	v48 =	vld [tilespmem:s8+$0xFFFFFE60];
	[tilespmem:v29+s22+$0x0] =	vst.idx.msk $0xffff, v59  }
0x1e8: {  	v51 =	vor.u32 v3, v21;
	v29 =	vor.u32 v24, v36;
	v49 =	vld [tilespmem:s8+$0x60];
	[tilespmem:v54+s22+$0x0] =	vst.idx.msk $0xffff, v55  }
0x1e9: {  	v56 =	vor.u32 v22, v51;
	[tilespmem:v61+s22+$0x0] =	vst.idx.msk $0xffff, v30;
	v45 =	vld [tilespmem:s8+$0xFFFFFEE0]  }
0x1ea: {  	v30 =	vor.u32 v19, v51;
	[tilespmem:v63+s22+$0x0] =	vst.idx.msk $0xffff, v38;
	v53 =	vld [tilespmem:s8+$0x160]  }
0x1eb: {  	v32 =	vld [tilespmem:s8+$0x1E0];
	[tilespmem:v28+s22+$0x0] =	vst.idx.msk $0xffff, v31;
	v28 =	vor.u32 v27, v51  }
0x1ec: {  	[tilespmem:v50+s22+$0x0] =	vst.idx.msk $0xffff, v52;
	v59 =	vor.u32 v25, v51;
	v58 =	vld [tilespmem:s8+$0xE0]  }
0x1ed: {  	v36 =	vor.u32 v23, v36;
	[tilespmem:v29+s22+$0x0] =	vst.idx.msk $0xffff, v60;
	v60 =	vld [tilespmem:s8+$0xFFFFFF50]  }
0x1ee: {  	v61 =	vor.u32 v24, v51;
	v57 =	vld [tilespmem:s8+$0xFFFFFFE0];
	[tilespmem:v56+s22+$0x0] =	vst.idx.msk $0xffff, v49  }
0x1ef: {  	v62 =	vor.u32 v20, v51;
	v63 =	vor.u32 v2, v21;
	[tilespmem:v30+s22+$0x0] =	vst.idx.msk $0xffff, v48;
	v31 =	vld [tilespmem:s8+$0x70]  }
0x1f0: {  	v33 =	vor.u32 v26, v51;
	v37 =	vor.u32 v27, v63;
	v30 =	vld [tilespmem:s8+$0xFFFFFE70];
	[tilespmem:v28+s22+$0x0] =	vst.idx.msk $0xffff, v53  }
0x1f1: {  	v38 =	vor.u32 v25, v63;
	v25 =	vor.u32 v20, v63;
	[tilespmem:v59+s22+$0x0] =	vst.idx.msk $0xffff, v58;
	v35 =	vld [tilespmem:s8+$0x170]  }
0x1f2: {  	v26 =	vor.u32 v26, v63;
	v29 =	vor.u32 v23, v51;
	[tilespmem:v36+s22+$0x0] =	vst.idx.msk $0xffff, v60;
	v36 =	vld [tilespmem:s8+$0xF0]  }
0x1f3: {  	v27 =	vor.u32 v24, v63;
	v24 =	vor.u32 v22, v63;
	v34 =	vld [tilespmem:s8+$0xFFFFFF60];
	[tilespmem:v61+s22+$0x0] =	vst.idx.msk $0xffff, v57  }
0x1f4: {  	s12 =	simm.s32 $0x200;
	[tilespmem:v62+s22+$0x0] =	vst.idx.msk $0xffff, v45;
	v28 =	vor.u32 v23, v63;
	v23 =	vor.u32 v19, v63;
	v21 =	vld [tilespmem:s8+$0xFFFFFFF0]  }
.LBB2_8:
0x1f5: {  	v39 =	vld [tilespmem:s8+$0xFFFFFEF0];
	[tilespmem:v33+s22+$0x0] =	vst.idx.msk $0xffff, v32;
	s12 =	sadd.s32 $0x400, s12;
	s2 =	smov.u32 s11;
	s11 =	sadd.s32 $0x8, s11  }
0x1f6: {  	s14 =	sand.u32 $0x20, s11;
	s15 =	sand.u32 $0x18, s11;
	p1 =	slt.u32 s11, $0x38;
	[tilespmem:v37+s22+$0x0] =	vst.idx.msk $0xffff, v35;
	v32 =	vld [tilespmem:s8+$0x1F0]  }
0x1f7: {  	v19 =	vor.u32 s15, v1;
	v20 =	vmov s14;
	s14 =	sadd.s32 $0xF, s2;
	v33 =	vld [tilespmem:s12+$0x180];
	[tilespmem:v38+s22+$0x0] =	vst.idx.msk $0xffff, v36  }
0x1f8: {  	s15 =	sadd.s32 $0x9, s2;
	v22 =	vshll.u32 v20, $0x7;
	v35 =	vld [tilespmem:s12+$0x100];
	s14 =	sand.u32 $0x1F, s14;
	[tilespmem:v29+s22+$0x0] =	vst.idx.msk $0xffff, v34  }
0x1f9: {  	s17 =	sadd.s32 $0xA, s2;
	s15 =	sand.u32 $0x19, s15;
	v29 =	vor.u32 v0, v22;
	v34 =	vor.u32 v8, v22;
	v20 =	vor.u32 s14, v1;
	v36 =	vld [tilespmem:s8+$0xFFFFFF70];
	[tilespmem:v27+s22+$0x0] =	vst.idx.msk $0xffff, v21;
	s8 =	smov.u32 s12  }
0x1fa: {  	v21 =	vor.u32 s15, v1;
	s14 =	sand.u32 $0x1A, s17;
	s15 =	sadd.s32 $0xB, s2;
	v27 =	vld [tilespmem:s12+$0xFFFFFE00];
	v37 =	vor.u32 v19, v29;
	v38 =	vor.u32 v20, v29;
	[tilespmem:v23+s22+$0x0] =	vst.idx.msk $0xffff, v30  }
0x1fb: {  	v30 =	vor.u32 v19, v34;
	v41 =	vor.u32 v21, v29;
	v23 =	vor.u32 s14, v1;
	s14 =	sand.u32 $0x1B, s15;
	s15 =	sadd.s32 $0xC, s2;
	v40 =	vld [tilespmem:s12+$0xFFFFFE80];
	[tilespmem:v24+s22+$0x0] =	vst.idx.msk $0xffff, v31  }
0x1fc: {  	v31 =	vor.u32 v9, v22;
	v43 =	vor.u32 v23, v29;
	v24 =	vor.u32 s14, v1;
	s14 =	sand.u32 $0x1C, s15;
	s15 =	sadd.s32 $0xD, s2;
	v42 =	vld [tilespmem:s12+$0xFFFFFF00];
	[tilespmem:v25+s22+$0x0] =	vst.idx.msk $0xffff, v39  }
0x1fd: {  	s2 =	sadd.s32 $0xE, s2;
	v44 =	vor.u32 v24, v29;
	v45 =	vor.u32 v24, v31;
	v25 =	vor.u32 s14, v1;
	s14 =	sand.u32 $0x1D, s15;
	v39 =	vld [tilespmem:s12+$0xFFFFFF80];
	[tilespmem:v26+s22+$0x0] =	vst.idx.msk $0xffff, v32  }
0x1fe: {  	s2 =	sand.u32 $0x1E, s2;
	v32 =	vor.u32 v21, v31;
	v47 =	vor.u32 v25, v29;
	v26 =	vor.u32 s14, v1;
	v46 =	vld [tilespmem:s12+$0x0];
	[tilespmem:v28+s22+$0x0] =	vst.idx.msk $0xffff, v36  }
0x1ff: {  	v28 =	vor.u32 v25, v31;
	[tilespmem:v37+s22+$0x0] =	vst.idx.msk $0xffff, v27;
	v36 =	vld [tilespmem:s12+$0x80];
	v37 =	vor.u32 v26, v29;
	v27 =	vor.u32 s2, v1  }
0x200: {  	v49 =	vor.u32 v19, v31;
	v48 =	vld [tilespmem:s12+$0xFFFFFE10];
	[tilespmem:v41+s22+$0x0] =	vst.idx.msk $0xffff, v40;
	v29 =	vor.u32 v27, v29  }
0x201: {  	v41 =	vor.u32 v23, v31;
	v40 =	vld [tilespmem:s12+$0xFFFFFE90];
	[tilespmem:v43+s22+$0x0] =	vst.idx.msk $0xffff, v42;
	v42 =	vor.u32 v27, v31  }
0x202: {  	v50 =	vor.u32 v23, v34;
	v43 =	vld [tilespmem:s12+$0xFFFFFF10];
	[tilespmem:v44+s22+$0x0] =	vst.idx.msk $0xffff, v39;
	v39 =	vor.u32 v20, v31  }
0x203: {  	v51 =	vor.u32 v24, v34;
	v44 =	vld [tilespmem:s12+$0xFFFFFF90];
	[tilespmem:v47+s22+$0x0] =	vst.idx.msk $0xffff, v46;
	v46 =	vor.u32 v25, v34  }
0x204: {  	v31 =	vor.u32 v26, v31;
	v47 =	vld [tilespmem:s12+$0x10];
	[tilespmem:v37+s22+$0x0] =	vst.idx.msk $0xffff, v36;
	v36 =	vor.u32 v27, v34  }
0x205: {  	v37 =	vor.u32 v7, v22;
	[tilespmem:v49+s22+$0x0] =	vst.idx.msk $0xffff, v48;
	v48 =	vld [tilespmem:s12+$0x90];
	v49 =	vor.u32 v26, v34  }
0x206: {  	v53 =	vor.u32 v19, v37;
	v54 =	vor.u32 v24, v37;
	v52 =	vld [tilespmem:s12+$0xFFFFFE20];
	[tilespmem:v29+s22+$0x0] =	vst.idx.msk $0xffff, v35  }
0x207: {  	v55 =	vor.u32 v27, v37;
	v29 =	vor.u32 v25, v37;
	v35 =	vld [tilespmem:s12+$0x110];
	[tilespmem:v38+s22+$0x0] =	vst.idx.msk $0xffff, v33  }
0x208: {  	v33 =	vor.u32 v26, v37;
	[tilespmem:v41+s22+$0x0] =	vst.idx.msk $0xffff, v43;
	v38 =	vld [tilespmem:s12+$0x190];
	v41 =	vor.u32 v20, v34  }
0x209: {  	v34 =	vor.u32 v21, v34;
	v43 =	vor.u32 v21, v37;
	v56 =	vld [tilespmem:s12+$0xFFFFFF20];
	[tilespmem:v45+s22+$0x0] =	vst.idx.msk $0xffff, v44  }
0x20a: {  	v44 =	vor.u32 v23, v37;
	v45 =	vld [tilespmem:s12+$0xFFFFFFA0];
	[tilespmem:v28+s22+$0x0] =	vst.idx.msk $0xffff, v47;
	v28 =	vor.u32 v20, v37  }
0x20b: {  	[tilespmem:v30+s22+$0x0] =	vst.idx.msk $0xffff, v52;
	v30 =	vld [tilespmem:s12+$0x20]  }
0x20c: {  	v37 =	vld [tilespmem:s12+$0xFFFFFE30];
	[tilespmem:v42+s22+$0x0] =	vst.idx.msk $0xffff, v35  }
0x20d: {  	v35 =	vld [tilespmem:s12+$0x120];
	[tilespmem:v39+s22+$0x0] =	vst.idx.msk $0xffff, v38  }
0x20e: {  	[tilespmem:v50+s22+$0x0] =	vst.idx.msk $0xffff, v56;
	v38 =	vld [tilespmem:s12+$0x1A0]  }
0x20f: {  	v39 =	vld [tilespmem:s12+$0xFFFFFF30];
	[tilespmem:v51+s22+$0x0] =	vst.idx.msk $0xffff, v45  }
0x210: {  	v42 =	vld [tilespmem:s12+$0xFFFFFFB0];
	[tilespmem:v46+s22+$0x0] =	vst.idx.msk $0xffff, v30  }
0x211: {  	v30 =	vld [tilespmem:s12+$0x30];
	[tilespmem:v31+s22+$0x0] =	vst.idx.msk $0xffff, v48  }
0x212: {  	v31 =	vld [tilespmem:s12+$0xA0];
	[tilespmem:v36+s22+$0x0] =	vst.idx.msk $0xffff, v35  }
0x213: {  	[tilespmem:v53+s22+$0x0] =	vst.idx.msk $0xffff, v37;
	v35 =	vld [tilespmem:s12+$0x130]  }
0x214: {  	v37 =	vor.u32 v5, v22;
	v36 =	vld [tilespmem:s12+$0xFFFFFE40];
	[tilespmem:v41+s22+$0x0] =	vst.idx.msk $0xffff, v38  }
0x215: {  	v38 =	vor.u32 v19, v37;
	[tilespmem:v32+s22+$0x0] =	vst.idx.msk $0xffff, v40;
	v32 =	vor.u32 v24, v37;
	v40 =	vld [tilespmem:s12+$0x1B0]  }
0x216: {  	v45 =	vor.u32 v20, v37;
	v41 =	vld [tilespmem:s12+$0xFFFFFEA0];
	[tilespmem:v54+s22+$0x0] =	vst.idx.msk $0xffff, v42;
	v42 =	vor.u32 v26, v37  }
0x217: {  	v46 =	vor.u32 v21, v37;
	v47 =	vor.u32 v23, v37;
	v48 =	vld [tilespmem:s12+$0xFFFFFFC0];
	[tilespmem:v29+s22+$0x0] =	vst.idx.msk $0xffff, v30  }
0x218: {  	v30 =	vor.u32 v25, v37;
	v29 =	vld [tilespmem:s12+$0x40];
	[tilespmem:v49+s22+$0x0] =	vst.idx.msk $0xffff, v31  }
0x219: {  	v31 =	vld [tilespmem:s12+$0xB0];
	[tilespmem:v55+s22+$0x0] =	vst.idx.msk $0xffff, v35  }
0x21a: {  	[tilespmem:v38+s22+$0x0] =	vst.idx.msk $0xffff, v36;
	v35 =	vld [tilespmem:s12+$0x140];
	v36 =	vor.u32 v27, v37  }
0x21b: {  	v37 =	vld [tilespmem:s12+$0xFFFFFE50];
	[tilespmem:v34+s22+$0x0] =	vst.idx.msk $0xffff, v41  }
0x21c: {  	v34 =	vld [tilespmem:s12+$0xFFFFFEB0];
	[tilespmem:v28+s22+$0x0] =	vst.idx.msk $0xffff, v40  }
0x21d: {  	v28 =	vor.u32 v4, v22;
	[tilespmem:v30+s22+$0x0] =	vst.idx.msk $0xffff, v29;
	v29 =	vld [tilespmem:s12+$0x1C0]  }
0x21e: {  	v30 =	vor.u32 v19, v28;
	v38 =	vld [tilespmem:s12+$0x50];
	[tilespmem:v33+s22+$0x0] =	vst.idx.msk $0xffff, v31;
	v31 =	vor.u32 v26, v28  }
0x21f: {  	v40 =	vor.u32 v23, v28;
	v33 =	vor.u32 v25, v28;
	v41 =	vld [tilespmem:s12+$0xC0];
	[tilespmem:v36+s22+$0x0] =	vst.idx.msk $0xffff, v35  }
0x220: {  	v36 =	vor.u32 v20, v28;
	[tilespmem:v32+s22+$0x0] =	vst.idx.msk $0xffff, v48;
	v32 =	vor.u32 v24, v28;
	v35 =	vld [tilespmem:s12+$0x150]  }
0x221: {  	[tilespmem:v43+s22+$0x0] =	vst.idx.msk $0xffff, v34;
	v34 =	vor.u32 v21, v28;
	v43 =	vld [tilespmem:s12+$0xFFFFFFD0]  }
0x222: {  	v28 =	vor.u32 v27, v28;
	v48 =	vld [tilespmem:s12+$0xFFFFFEC0];
	[tilespmem:v45+s22+$0x0] =	vst.idx.msk $0xffff, v29  }
0x223: {  	[tilespmem:v30+s22+$0x0] =	vst.idx.msk $0xffff, v37;
	v30 =	vld [tilespmem:s12+$0x1D0]  }
0x224: {  	v37 =	vld [tilespmem:s12+$0xFFFFFE60];
	[tilespmem:v33+s22+$0x0] =	vst.idx.msk $0xffff, v38  }
0x225: {  	v38 =	vld [tilespmem:s12+$0x60];
	[tilespmem:v42+s22+$0x0] =	vst.idx.msk $0xffff, v41  }
0x226: {  	[tilespmem:v44+s22+$0x0] =	vst.idx.msk $0xffff, v39;
	v39 =	vld [tilespmem:s12+$0xD0]  }
0x227: {  	v41 =	vor.u32 v3, v22;
	v42 =	vld [tilespmem:s12+$0xFFFFFF40];
	[tilespmem:v28+s22+$0x0] =	vst.idx.msk $0xffff, v35  }
0x228: {  	v29 =	vor.u32 v23, v41;
	v28 =	vor.u32 v19, v41;
	[tilespmem:v46+s22+$0x0] =	vst.idx.msk $0xffff, v48;
	v35 =	vld [tilespmem:s12+$0x160]  }
0x229: {  	v45 =	vor.u32 v21, v41;
	v46 =	vor.u32 v24, v41;
	v44 =	vld [tilespmem:s12+$0xFFFFFED0];
	[tilespmem:v36+s22+$0x0] =	vst.idx.msk $0xffff, v30  }
0x22a: {  	v33 =	vor.u32 v20, v41;
	v36 =	vor.u32 v25, v41;
	[tilespmem:v32+s22+$0x0] =	vst.idx.msk $0xffff, v43;
	v32 =	vld [tilespmem:s12+$0x1E0]  }
0x22b: {  	v43 =	vld [tilespmem:s12+$0xFFFFFFE0];
	[tilespmem:v31+s22+$0x0] =	vst.idx.msk $0xffff, v39;
	v39 =	vor.u32 v27, v41  }
0x22c: {  	v41 =	vor.u32 v26, v41;
	[tilespmem:v47+s22+$0x0] =	vst.idx.msk $0xffff, v42;
	v42 =	vld [tilespmem:s12+$0xE0]  }
0x22d: {  	[tilespmem:v28+s22+$0x0] =	vst.idx.msk $0xffff, v37;
	v47 =	vld [tilespmem:s12+$0xFFFFFF50]  }
0x22e: {  	v30 =	vld [tilespmem:s12+$0xFFFFFE70];
	[tilespmem:v34+s22+$0x0] =	vst.idx.msk $0xffff, v44  }
0x22f: {  	v44 =	vld [tilespmem:s12+$0xFFFFFEE0];
	[tilespmem:v36+s22+$0x0] =	vst.idx.msk $0xffff, v38  }
.Ltmp5:
0x230: {  	v22 =	vor.u32 v2, v22;
	v31 =	vld [tilespmem:s12+$0x70];
	[tilespmem:v39+s22+$0x0] =	vst.idx.msk $0xffff, v35;
	(pc) =	sbr.rel @p1 .LBB2_8-.Ltmp5, $4  }
0x231: {  	v28 =	vor.u32 v23, v22;
	v37 =	vor.u32 v27, v22;
	[tilespmem:v41+s22+$0x0] =	vst.idx.msk $0xffff, v42;
	v35 =	vld [tilespmem:s12+$0x170]  }
0x232: {  	v27 =	vor.u32 v24, v22;
	v38 =	vor.u32 v26, v22;
	[tilespmem:v40+s22+$0x0] =	vst.idx.msk $0xffff, v47;
	v36 =	vld [tilespmem:s12+$0xF0]  }
0x233: {  	v23 =	vor.u32 v19, v22;
	v24 =	vor.u32 v25, v22;
	v34 =	vld [tilespmem:s12+$0xFFFFFF60];
	[tilespmem:v46+s22+$0x0] =	vst.idx.msk $0xffff, v43  }
0x234: {  	v25 =	vor.u32 v21, v22;
	v26 =	vor.u32 v20, v22;
	[tilespmem:v45+s22+$0x0] =	vst.idx.msk $0xffff, v44;
	v21 =	vld [tilespmem:s12+$0xFFFFFFF0]  }
0x235: {  	_ =	sdelay $0x3  }
0x236: {  	[tilespmem:v33+s22+$0x0] =	vst.idx.msk $0xffff, v32  }
0x237: {  	[tilespmem:v23+s22+$0x0] =	vst.idx.msk $0xffff, v30  }
0x238: {  	v19 =	vld [tilespmem:s8+$0xFFFFFEF0];
	[tilespmem:v24+s22+$0x0] =	vst.idx.msk $0xffff, v31  }
0x239: {  	v20 =	vld [tilespmem:s8+$0x1F0];
	[tilespmem:v29+s22+$0x0] =	vst.idx.msk $0xffff, v34  }
0x23a: {  	[tilespmem:v37+s22+$0x0] =	vst.idx.msk $0xffff, v35;
	v22 =	vld [tilespmem:s8+$0xFFFFFF70]  }
0x23b: {  	[tilespmem:v38+s22+$0x0] =	vst.idx.msk $0xffff, v36  }
0x23c: {  	[tilespmem:v27+s22+$0x0] =	vst.idx.msk $0xffff, v21  }
0x23d: {  	[tilespmem:v25+s22+$0x0] =	vst.idx.msk $0xffff, v19  }
0x23e: {  	[tilespmem:v26+s22+$0x0] =	vst.idx.msk $0xffff, v20  }
0x23f: {  	[tilespmem:v28+s22+$0x0] =	vst.idx.msk $0xffff, v22  }
0x240: {  	s29 =	simm.s32 $0x4;
	s2 =	rddreg [dreg:$0xb]  }
0x241: {  	[hbm4b:s2+s3] =	stream.linear.scatter [tilespmem:s22], [sflag:$0x3], $0x2000, $0x38;
	[tilespmem:$0x8000] =	vst v63  }
0x242: {  	_ =	swait.ge [sflag:s29], $0x2000  }
.Ltmp6:
0x243: {  	[sflag:s29] =	ssyncset.done $0x0;
	(pc) =	sbr.rel @p0 .LBB2_11-.Ltmp6, $4  }
0x244: {  	[sflag:s29] =	ssyncadd.s32 $0xFFFFE000  }
0x245: {  	_ =	swait.ge [sflag:s23], $0x2000  }
0x246: {  	[sflag:s23] =	ssyncset.done $0x0  }
0x247: {  	s8 =	rddreg [dreg:$0x12];
	[sflag:s23] =	ssyncadd.s32 $0xFFFFE000  }
0x248: {  	s2 =	rddreg [dreg:$0x10]  }
0x249: {  	[tilespmem:s3], [sflag:$0x1] =	stream.linear.gather [hbm4b:s2+s3], $0x400, $0x38;
	[tilespmem:$0x8000] =	vst v63  }
0x24a: {  	s17 =	rddreg [dreg:$0xc]  }
0x24b: {  	[tilespmem:s30], [sflag:$0x1] =	stream.linear.gather [hbm4b:s17+s3], $0x400, $0x38;
	[tilespmem:$0x8000] =	vst v63  }
0x24c: {  	s24 =	rddreg [dreg:$0xf]  }
0x24d: {  	[tilespmem:s31], [sflag:$0x1] =	stream.linear.gather [hbm4b:s24+s3], $0x400, $0x38;
	[tilespmem:$0x8000] =	vst v63  }
0x24e: {  	s28 =	rddreg [dreg:$0x11]  }
0x24f: {  	[tilespmem:s0], [sflag:$0x1] =	stream.linear.gather [hbm4b:s28+s3], $0x400, $0x38;
	[tilespmem:$0x8000] =	vst v63  }
0x250: {  	_ =	swait.ge [sflag:s19], $0x400  }
0x251: {  	[sflag:s19] =	ssyncset.done $0x0  }
0x252: {  	[sflag:s19] =	ssyncadd.s32 $0xFFFFFC00  }
0x253: {  	_ =	swait.ge [sflag:s19], $0x400  }
0x254: {  	[sflag:s19] =	ssyncset.done $0x0  }
0x255: {  	[sflag:s19] =	ssyncadd.s32 $0xFFFFFC00  }
0x256: {  	_ =	swait.ge [sflag:s19], $0x400  }
0x257: {  	[sflag:s19] =	ssyncset.done $0x0  }
0x258: {  	[sflag:s19] =	ssyncadd.s32 $0xFFFFFC00  }
0x259: {  	_ =	swait.ge [sflag:s19], $0x400  }
0x25a: {  	[sflag:s19] =	ssyncset.done $0x0  }
0x25b: {  	[sflag:s19] =	ssyncadd.s32 $0xFFFFFC00  }
0x25c: {  	v19 =	vld [tilespmem:$0x0];
	_ =	sdelay $0x4  }
0x25d: {  	[tilespmem:v6+s22+$0x0] =	vst.idx.msk $0xffff, v19  }
0x25e: {  	v19 =	vld [tilespmem:$0x10];
	_ =	sdelay $0x4  }
0x25f: {  	[tilespmem:v10+s22+$0x0] =	vst.idx.msk $0xffff, v19  }
0x260: {  	v19 =	vld [tilespmem:$0x20];
	_ =	sdelay $0x4  }
0x261: {  	[tilespmem:v11+s22+$0x0] =	vst.idx.msk $0xffff, v19  }
0x262: {  	v19 =	vld [tilespmem:$0x30];
	_ =	sdelay $0x4  }
0x263: {  	[tilespmem:v12+s22+$0x0] =	vst.idx.msk $0xffff, v19  }
0x264: {  	v19 =	vld [tilespmem:$0x80];
	_ =	sdelay $0x4  }
0x265: {  	[tilespmem:v13+s22+$0x0] =	vst.idx.msk $0xffff, v19  }
0x266: {  	v19 =	vld [tilespmem:$0x90];
	_ =	sdelay $0x4  }
0x267: {  	[tilespmem:v14+s22+$0x0] =	vst.idx.msk $0xffff, v19  }
0x268: {  	v19 =	vld [tilespmem:$0xA0];
	_ =	sdelay $0x4  }
0x269: {  	[tilespmem:v15+s22+$0x0] =	vst.idx.msk $0xffff, v19  }
0x26a: {  	v19 =	vld [tilespmem:$0xB0];
	_ =	sdelay $0x4  }
0x26b: {  	[tilespmem:v16+s22+$0x0] =	vst.idx.msk $0xffff, v19  }
0x26c: {  	v19 =	vld [tilespmem:$0x100];
	_ =	sdelay $0x4  }
0x26d: {  	[tilespmem:v17+s22+$0x0] =	vst.idx.msk $0xffff, v19  }
0x26e: {  	v19 =	vld [tilespmem:$0x110];
	_ =	sdelay $0x4  }
0x26f: {  	[tilespmem:v18+s22+$0x0] =	vst.idx.msk $0xffff, v19  }
0x270: {  	v20 =	vor.u32 $0x402, v6;
	v19 =	vld [tilespmem:$0x120];
	_ =	sdelay $0x4  }
0x271: {  	[tilespmem:v20+s22+$0x0] =	vst.idx.msk $0xffff, v19  }
0x272: {  	v20 =	vor.u32 $0x602, v6;
	v19 =	vld [tilespmem:$0x130];
	_ =	sdelay $0x4  }
0x273: {  	[tilespmem:v20+s22+$0x0] =	vst.idx.msk $0xffff, v19  }
0x274: {  	v20 =	vor.u32 $0x3, v6;
	v19 =	vld [tilespmem:$0x180];
	_ =	sdelay $0x4  }
0x275: {  	[tilespmem:v20+s22+$0x0] =	vst.idx.msk $0xffff, v19  }
0x276: {  	v20 =	vor.u32 $0x203, v6;
	v19 =	vld [tilespmem:$0x190];
	_ =	sdelay $0x4  }
0x277: {  	[tilespmem:v20+s22+$0x0] =	vst.idx.msk $0xffff, v19  }
0x278: {  	v20 =	vor.u32 $0x403, v6;
	v19 =	vld [tilespmem:$0x1A0];
	_ =	sdelay $0x4  }
0x279: {  	[tilespmem:v20+s22+$0x0] =	vst.idx.msk $0xffff, v19  }
0x27a: {  	v20 =	vor.u32 $0x603, v6;
	v19 =	vld [tilespmem:$0x1B0];
	_ =	sdelay $0x4  }
0x27b: {  	[tilespmem:v20+s22+$0x0] =	vst.idx.msk $0xffff, v19  }
0x27c: {  	v20 =	vor.u32 $0x4, v6;
	v19 =	vld [tilespmem:$0x200];
	_ =	sdelay $0x4  }
0x27d: {  	[tilespmem:v20+s22+$0x0] =	vst.idx.msk $0xffff, v19  }
0x27e: {  	v20 =	vor.u32 $0x204, v6;
	v19 =	vld [tilespmem:$0x210];
	_ =	sdelay $0x4  }
0x27f: {  	[tilespmem:v20+s22+$0x0] =	vst.idx.msk $0xffff, v19  }
0x280: {  	v20 =	vor.u32 $0x404, v6;
	v19 =	vld [tilespmem:$0x220];
	_ =	sdelay $0x4  }
0x281: {  	[tilespmem:v20+s22+$0x0] =	vst.idx.msk $0xffff, v19  }
0x282: {  	v20 =	vor.u32 $0x604, v6;
	v19 =	vld [tilespmem:$0x230];
	_ =	sdelay $0x4  }
0x283: {  	[tilespmem:v20+s22+$0x0] =	vst.idx.msk $0xffff, v19  }
0x284: {  	v20 =	vor.u32 $0x5, v6;
	v19 =	vld [tilespmem:$0x280];
	_ =	sdelay $0x4  }
0x285: {  	[tilespmem:v20+s22+$0x0] =	vst.idx.msk $0xffff, v19  }
0x286: {  	v20 =	vor.u32 $0x205, v6;
	v19 =	vld [tilespmem:$0x290];
	_ =	sdelay $0x4  }
0x287: {  	[tilespmem:v20+s22+$0x0] =	vst.idx.msk $0xffff, v19  }
0x288: {  	v20 =	vor.u32 $0x405, v6;
	v19 =	vld [tilespmem:$0x2A0];
	_ =	sdelay $0x4  }
0x289: {  	[tilespmem:v20+s22+$0x0] =	vst.idx.msk $0xffff, v19  }
0x28a: {  	v20 =	vor.u32 $0x605, v6;
	v19 =	vld [tilespmem:$0x2B0];
	_ =	sdelay $0x4  }
0x28b: {  	[tilespmem:v20+s22+$0x0] =	vst.idx.msk $0xffff, v19  }
0x28c: {  	v20 =	vor.u32 $0x6, v6;
	v19 =	vld [tilespmem:$0x300];
	_ =	sdelay $0x4  }
0x28d: {  	[tilespmem:v20+s22+$0x0] =	vst.idx.msk $0xffff, v19  }
0x28e: {  	v20 =	vor.u32 $0x206, v6;
	v19 =	vld [tilespmem:$0x310];
	_ =	sdelay $0x4  }
0x28f: {  	[tilespmem:v20+s22+$0x0] =	vst.idx.msk $0xffff, v19  }
0x290: {  	v20 =	vor.u32 $0x406, v6;
	v19 =	vld [tilespmem:$0x320];
	_ =	sdelay $0x4  }
0x291: {  	[tilespmem:v20+s22+$0x0] =	vst.idx.msk $0xffff, v19  }
0x292: {  	v20 =	vor.u32 $0x606, v6;
	v19 =	vld [tilespmem:$0x330];
	_ =	sdelay $0x4  }
0x293: {  	[tilespmem:v20+s22+$0x0] =	vst.idx.msk $0xffff, v19  }
0x294: {  	v20 =	vor.u32 $0x7, v6;
	v19 =	vld [tilespmem:$0x380];
	_ =	sdelay $0x4  }
0x295: {  	[tilespmem:v20+s22+$0x0] =	vst.idx.msk $0xffff, v19  }
0x296: {  	v20 =	vor.u32 $0x207, v6;
	v19 =	vld [tilespmem:$0x390];
	_ =	sdelay $0x4  }
0x297: {  	[tilespmem:v20+s22+$0x0] =	vst.idx.msk $0xffff, v19  }
0x298: {  	v20 =	vor.u32 $0x407, v6;
	v19 =	vld [tilespmem:$0x3A0];
	_ =	sdelay $0x4  }
0x299: {  	[tilespmem:v20+s22+$0x0] =	vst.idx.msk $0xffff, v19  }
0x29a: {  	v20 =	vor.u32 $0x607, v6;
	v19 =	vld [tilespmem:$0x3B0];
	_ =	sdelay $0x4  }
0x29b: {  	[tilespmem:v20+s22+$0x0] =	vst.idx.msk $0xffff, v19  }
0x29c: {  	v20 =	vor.u32 $0x8, v6;
	v19 =	vld [tilespmem:$0x400];
	_ =	sdelay $0x4  }
0x29d: {  	[tilespmem:v20+s22+$0x0] =	vst.idx.msk $0xffff, v19  }
0x29e: {  	v20 =	vor.u32 $0x208, v6;
	v19 =	vld [tilespmem:$0x410];
	_ =	sdelay $0x4  }
0x29f: {  	[tilespmem:v20+s22+$0x0] =	vst.idx.msk $0xffff, v19  }
0x2a0: {  	v20 =	vor.u32 $0x408, v6;
	v19 =	vld [tilespmem:$0x420];
	_ =	sdelay $0x4  }
0x2a1: {  	[tilespmem:v20+s22+$0x0] =	vst.idx.msk $0xffff, v19  }
0x2a2: {  	v20 =	vor.u32 $0x608, v6;
	v19 =	vld [tilespmem:$0x430];
	_ =	sdelay $0x4  }
0x2a3: {  	[tilespmem:v20+s22+$0x0] =	vst.idx.msk $0xffff, v19  }
0x2a4: {  	v20 =	vor.u32 $0x9, v6;
	v19 =	vld [tilespmem:$0x480];
	_ =	sdelay $0x4  }
0x2a5: {  	[tilespmem:v20+s22+$0x0] =	vst.idx.msk $0xffff, v19  }
0x2a6: {  	v20 =	vor.u32 $0x209, v6;
	v19 =	vld [tilespmem:$0x490];
	_ =	sdelay $0x4  }
0x2a7: {  	[tilespmem:v20+s22+$0x0] =	vst.idx.msk $0xffff, v19  }
0x2a8: {  	v20 =	vor.u32 $0x409, v6;
	v19 =	vld [tilespmem:$0x4A0];
	_ =	sdelay $0x4  }
0x2a9: {  	[tilespmem:v20+s22+$0x0] =	vst.idx.msk $0xffff, v19  }
0x2aa: {  	v20 =	vor.u32 $0x609, v6;
	v19 =	vld [tilespmem:$0x4B0];
	_ =	sdelay $0x4  }
0x2ab: {  	[tilespmem:v20+s22+$0x0] =	vst.idx.msk $0xffff, v19  }
0x2ac: {  	v20 =	vor.u32 $0xA, v6;
	v19 =	vld [tilespmem:$0x500];
	_ =	sdelay $0x4  }
0x2ad: {  	[tilespmem:v20+s22+$0x0] =	vst.idx.msk $0xffff, v19  }
0x2ae: {  	v20 =	vor.u32 $0x20A, v6;
	v19 =	vld [tilespmem:$0x510];
	_ =	sdelay $0x4  }
0x2af: {  	[tilespmem:v20+s22+$0x0] =	vst.idx.msk $0xffff, v19  }
0x2b0: {  	v20 =	vor.u32 $0x40A, v6;
	v19 =	vld [tilespmem:$0x520];
	_ =	sdelay $0x4  }
0x2b1: {  	[tilespmem:v20+s22+$0x0] =	vst.idx.msk $0xffff, v19  }
0x2b2: {  	v20 =	vor.u32 $0x60A, v6;
	v19 =	vld [tilespmem:$0x530];
	_ =	sdelay $0x4  }
0x2b3: {  	[tilespmem:v20+s22+$0x0] =	vst.idx.msk $0xffff, v19  }
0x2b4: {  	v20 =	vor.u32 $0xB, v6;
	v19 =	vld [tilespmem:$0x580];
	_ =	sdelay $0x4  }
0x2b5: {  	[tilespmem:v20+s22+$0x0] =	vst.idx.msk $0xffff, v19  }
0x2b6: {  	v20 =	vor.u32 $0x20B, v6;
	v19 =	vld [tilespmem:$0x590];
	_ =	sdelay $0x4  }
0x2b7: {  	[tilespmem:v20+s22+$0x0] =	vst.idx.msk $0xffff, v19  }
0x2b8: {  	v20 =	vor.u32 $0x40B, v6;
	v19 =	vld [tilespmem:$0x5A0];
	_ =	sdelay $0x4  }
0x2b9: {  	[tilespmem:v20+s22+$0x0] =	vst.idx.msk $0xffff, v19  }
0x2ba: {  	v20 =	vor.u32 $0x60B, v6;
	v19 =	vld [tilespmem:$0x5B0];
	_ =	sdelay $0x4  }
0x2bb: {  	[tilespmem:v20+s22+$0x0] =	vst.idx.msk $0xffff, v19  }
0x2bc: {  	v20 =	vor.u32 $0xC, v6;
	v19 =	vld [tilespmem:$0x600];
	_ =	sdelay $0x4  }
0x2bd: {  	[tilespmem:v20+s22+$0x0] =	vst.idx.msk $0xffff, v19  }
0x2be: {  	v20 =	vor.u32 $0x20C, v6;
	v19 =	vld [tilespmem:$0x610];
	_ =	sdelay $0x4  }
0x2bf: {  	[tilespmem:v20+s22+$0x0] =	vst.idx.msk $0xffff, v19  }
0x2c0: {  	v20 =	vor.u32 $0x40C, v6;
	v19 =	vld [tilespmem:$0x620];
	_ =	sdelay $0x4  }
0x2c1: {  	[tilespmem:v20+s22+$0x0] =	vst.idx.msk $0xffff, v19  }
0x2c2: {  	v20 =	vor.u32 $0x60C, v6;
	v19 =	vld [tilespmem:$0x630];
	_ =	sdelay $0x4  }
0x2c3: {  	[tilespmem:v20+s22+$0x0] =	vst.idx.msk $0xffff, v19  }
0x2c4: {  	v20 =	vor.u32 $0xD, v6;
	v19 =	vld [tilespmem:$0x680];
	_ =	sdelay $0x4  }
0x2c5: {  	[tilespmem:v20+s22+$0x0] =	vst.idx.msk $0xffff, v19  }
0x2c6: {  	v20 =	vor.u32 $0x20D, v6;
	v19 =	vld [tilespmem:$0x690];
	_ =	sdelay $0x4  }
0x2c7: {  	[tilespmem:v20+s22+$0x0] =	vst.idx.msk $0xffff, v19  }
0x2c8: {  	v20 =	vor.u32 $0x40D, v6;
	v19 =	vld [tilespmem:$0x6A0];
	_ =	sdelay $0x4  }
0x2c9: {  	[tilespmem:v20+s22+$0x0] =	vst.idx.msk $0xffff, v19  }
0x2ca: {  	v20 =	vor.u32 $0x60D, v6;
	v19 =	vld [tilespmem:$0x6B0];
	_ =	sdelay $0x4  }
0x2cb: {  	[tilespmem:v20+s22+$0x0] =	vst.idx.msk $0xffff, v19  }
0x2cc: {  	v20 =	vor.u32 $0xE, v6;
	v19 =	vld [tilespmem:$0x700];
	_ =	sdelay $0x4  }
0x2cd: {  	[tilespmem:v20+s22+$0x0] =	vst.idx.msk $0xffff, v19  }
0x2ce: {  	v20 =	vor.u32 $0x20E, v6;
	v19 =	vld [tilespmem:$0x710];
	_ =	sdelay $0x4  }
0x2cf: {  	[tilespmem:v20+s22+$0x0] =	vst.idx.msk $0xffff, v19  }
0x2d0: {  	v20 =	vor.u32 $0x40E, v6;
	v19 =	vld [tilespmem:$0x720];
	_ =	sdelay $0x4  }
0x2d1: {  	[tilespmem:v20+s22+$0x0] =	vst.idx.msk $0xffff, v19  }
0x2d2: {  	v20 =	vor.u32 $0x60E, v6;
	v19 =	vld [tilespmem:$0x730];
	_ =	sdelay $0x4  }
0x2d3: {  	[tilespmem:v20+s22+$0x0] =	vst.idx.msk $0xffff, v19  }
0x2d4: {  	v20 =	vor.u32 $0xF, v6;
	v19 =	vld [tilespmem:$0x780];
	_ =	sdelay $0x4  }
0x2d5: {  	[tilespmem:v20+s22+$0x0] =	vst.idx.msk $0xffff, v19  }
0x2d6: {  	v20 =	vor.u32 $0x20F, v6;
	v19 =	vld [tilespmem:$0x790];
	_ =	sdelay $0x4  }
0x2d7: {  	[tilespmem:v20+s22+$0x0] =	vst.idx.msk $0xffff, v19  }
0x2d8: {  	v20 =	vor.u32 $0x40F, v6;
	v19 =	vld [tilespmem:$0x7A0];
	_ =	sdelay $0x4  }
0x2d9: {  	[tilespmem:v20+s22+$0x0] =	vst.idx.msk $0xffff, v19  }
0x2da: {  	v20 =	vor.u32 $0x60F, v6;
	v19 =	vld [tilespmem:$0x7B0];
	_ =	sdelay $0x4  }
0x2db: {  	[tilespmem:v20+s22+$0x0] =	vst.idx.msk $0xffff, v19  }
0x2dc: {  	v20 =	vor.u32 $0x10, v6;
	v19 =	vld [tilespmem:$0x800];
	_ =	sdelay $0x4  }
0x2dd: {  	[tilespmem:v20+s22+$0x0] =	vst.idx.msk $0xffff, v19  }
0x2de: {  	v20 =	vor.u32 $0x210, v6;
	v19 =	vld [tilespmem:$0x810];
	_ =	sdelay $0x4  }
0x2df: {  	[tilespmem:v20+s22+$0x0] =	vst.idx.msk $0xffff, v19  }
0x2e0: {  	v20 =	vor.u32 $0x410, v6;
	v19 =	vld [tilespmem:$0x820];
	_ =	sdelay $0x4  }
0x2e1: {  	[tilespmem:v20+s22+$0x0] =	vst.idx.msk $0xffff, v19  }
0x2e2: {  	v20 =	vor.u32 $0x610, v6;
	v19 =	vld [tilespmem:$0x830];
	_ =	sdelay $0x4  }
0x2e3: {  	[tilespmem:v20+s22+$0x0] =	vst.idx.msk $0xffff, v19  }
0x2e4: {  	v20 =	vor.u32 $0x11, v6;
	v19 =	vld [tilespmem:$0x880];
	_ =	sdelay $0x4  }
0x2e5: {  	[tilespmem:v20+s22+$0x0] =	vst.idx.msk $0xffff, v19  }
0x2e6: {  	v20 =	vor.u32 $0x211, v6;
	v19 =	vld [tilespmem:$0x890];
	_ =	sdelay $0x4  }
0x2e7: {  	[tilespmem:v20+s22+$0x0] =	vst.idx.msk $0xffff, v19  }
0x2e8: {  	v20 =	vor.u32 $0x411, v6;
	v19 =	vld [tilespmem:$0x8A0];
	_ =	sdelay $0x4  }
0x2e9: {  	[tilespmem:v20+s22+$0x0] =	vst.idx.msk $0xffff, v19  }
0x2ea: {  	v20 =	vor.u32 $0x611, v6;
	v19 =	vld [tilespmem:$0x8B0];
	_ =	sdelay $0x4  }
0x2eb: {  	[tilespmem:v20+s22+$0x0] =	vst.idx.msk $0xffff, v19  }
0x2ec: {  	v20 =	vor.u32 $0x12, v6;
	v19 =	vld [tilespmem:$0x900];
	_ =	sdelay $0x4  }
0x2ed: {  	[tilespmem:v20+s22+$0x0] =	vst.idx.msk $0xffff, v19  }
0x2ee: {  	v20 =	vor.u32 $0x212, v6;
	v19 =	vld [tilespmem:$0x910];
	_ =	sdelay $0x4  }
0x2ef: {  	[tilespmem:v20+s22+$0x0] =	vst.idx.msk $0xffff, v19  }
0x2f0: {  	v20 =	vor.u32 $0x412, v6;
	v19 =	vld [tilespmem:$0x920];
	_ =	sdelay $0x4  }
0x2f1: {  	[tilespmem:v20+s22+$0x0] =	vst.idx.msk $0xffff, v19  }
0x2f2: {  	v20 =	vor.u32 $0x612, v6;
	v19 =	vld [tilespmem:$0x930];
	_ =	sdelay $0x4  }
0x2f3: {  	[tilespmem:v20+s22+$0x0] =	vst.idx.msk $0xffff, v19  }
0x2f4: {  	v20 =	vor.u32 $0x13, v6;
	v19 =	vld [tilespmem:$0x980];
	_ =	sdelay $0x4  }
0x2f5: {  	[tilespmem:v20+s22+$0x0] =	vst.idx.msk $0xffff, v19  }
0x2f6: {  	v20 =	vor.u32 $0x213, v6;
	v19 =	vld [tilespmem:$0x990];
	_ =	sdelay $0x4  }
0x2f7: {  	[tilespmem:v20+s22+$0x0] =	vst.idx.msk $0xffff, v19  }
0x2f8: {  	v20 =	vor.u32 $0x413, v6;
	v19 =	vld [tilespmem:$0x9A0];
	_ =	sdelay $0x4  }
0x2f9: {  	[tilespmem:v20+s22+$0x0] =	vst.idx.msk $0xffff, v19  }
0x2fa: {  	v20 =	vor.u32 $0x613, v6;
	v19 =	vld [tilespmem:$0x9B0];
	_ =	sdelay $0x4  }
0x2fb: {  	[tilespmem:v20+s22+$0x0] =	vst.idx.msk $0xffff, v19  }
0x2fc: {  	v20 =	vor.u32 $0x14, v6;
	v19 =	vld [tilespmem:$0xA00];
	_ =	sdelay $0x4  }
0x2fd: {  	[tilespmem:v20+s22+$0x0] =	vst.idx.msk $0xffff, v19  }
0x2fe: {  	v20 =	vor.u32 $0x214, v6;
	v19 =	vld [tilespmem:$0xA10];
	_ =	sdelay $0x4  }
0x2ff: {  	[tilespmem:v20+s22+$0x0] =	vst.idx.msk $0xffff, v19  }
0x300: {  	v20 =	vor.u32 $0x414, v6;
	v19 =	vld [tilespmem:$0xA20];
	_ =	sdelay $0x4  }
0x301: {  	[tilespmem:v20+s22+$0x0] =	vst.idx.msk $0xffff, v19  }
0x302: {  	v20 =	vor.u32 $0x614, v6;
	v19 =	vld [tilespmem:$0xA30];
	_ =	sdelay $0x4  }
0x303: {  	[tilespmem:v20+s22+$0x0] =	vst.idx.msk $0xffff, v19  }
0x304: {  	v20 =	vor.u32 $0x15, v6;
	v19 =	vld [tilespmem:$0xA80];
	_ =	sdelay $0x4  }
0x305: {  	[tilespmem:v20+s22+$0x0] =	vst.idx.msk $0xffff, v19  }
0x306: {  	v20 =	vor.u32 $0x215, v6;
	v19 =	vld [tilespmem:$0xA90];
	_ =	sdelay $0x4  }
0x307: {  	[tilespmem:v20+s22+$0x0] =	vst.idx.msk $0xffff, v19  }
0x308: {  	v20 =	vor.u32 $0x415, v6;
	v19 =	vld [tilespmem:$0xAA0];
	_ =	sdelay $0x4  }
0x309: {  	[tilespmem:v20+s22+$0x0] =	vst.idx.msk $0xffff, v19  }
0x30a: {  	v20 =	vor.u32 $0x615, v6;
	v19 =	vld [tilespmem:$0xAB0];
	_ =	sdelay $0x4  }
0x30b: {  	[tilespmem:v20+s22+$0x0] =	vst.idx.msk $0xffff, v19  }
0x30c: {  	v20 =	vor.u32 $0x16, v6;
	v19 =	vld [tilespmem:$0xB00];
	_ =	sdelay $0x4  }
0x30d: {  	[tilespmem:v20+s22+$0x0] =	vst.idx.msk $0xffff, v19  }
0x30e: {  	v20 =	vor.u32 $0x216, v6;
	v19 =	vld [tilespmem:$0xB10];
	_ =	sdelay $0x4  }
0x30f: {  	[tilespmem:v20+s22+$0x0] =	vst.idx.msk $0xffff, v19  }
0x310: {  	v20 =	vor.u32 $0x416, v6;
	v19 =	vld [tilespmem:$0xB20];
	_ =	sdelay $0x4  }
0x311: {  	[tilespmem:v20+s22+$0x0] =	vst.idx.msk $0xffff, v19  }
0x312: {  	v20 =	vor.u32 $0x616, v6;
	v19 =	vld [tilespmem:$0xB30];
	_ =	sdelay $0x4  }
0x313: {  	[tilespmem:v20+s22+$0x0] =	vst.idx.msk $0xffff, v19  }
0x314: {  	v20 =	vor.u32 $0x17, v6;
	v19 =	vld [tilespmem:$0xB80];
	_ =	sdelay $0x4  }
0x315: {  	[tilespmem:v20+s22+$0x0] =	vst.idx.msk $0xffff, v19  }
0x316: {  	v20 =	vor.u32 $0x217, v6;
	v19 =	vld [tilespmem:$0xB90];
	_ =	sdelay $0x4  }
0x317: {  	[tilespmem:v20+s22+$0x0] =	vst.idx.msk $0xffff, v19  }
0x318: {  	v20 =	vor.u32 $0x417, v6;
	v19 =	vld [tilespmem:$0xBA0];
	_ =	sdelay $0x4  }
0x319: {  	[tilespmem:v20+s22+$0x0] =	vst.idx.msk $0xffff, v19  }
0x31a: {  	v20 =	vor.u32 $0x617, v6;
	v19 =	vld [tilespmem:$0xBB0];
	_ =	sdelay $0x4  }
0x31b: {  	[tilespmem:v20+s22+$0x0] =	vst.idx.msk $0xffff, v19  }
0x31c: {  	v20 =	vor.u32 $0x18, v6;
	v19 =	vld [tilespmem:$0xC00];
	_ =	sdelay $0x4  }
0x31d: {  	[tilespmem:v20+s22+$0x0] =	vst.idx.msk $0xffff, v19  }
0x31e: {  	v20 =	vor.u32 $0x218, v6;
	v19 =	vld [tilespmem:$0xC10];
	_ =	sdelay $0x4  }
0x31f: {  	[tilespmem:v20+s22+$0x0] =	vst.idx.msk $0xffff, v19  }
0x320: {  	v20 =	vor.u32 $0x418, v6;
	v19 =	vld [tilespmem:$0xC20];
	_ =	sdelay $0x4  }
0x321: {  	[tilespmem:v20+s22+$0x0] =	vst.idx.msk $0xffff, v19  }
0x322: {  	v20 =	vor.u32 $0x618, v6;
	v19 =	vld [tilespmem:$0xC30];
	_ =	sdelay $0x4  }
0x323: {  	[tilespmem:v20+s22+$0x0] =	vst.idx.msk $0xffff, v19  }
0x324: {  	v20 =	vor.u32 $0x19, v6;
	v19 =	vld [tilespmem:$0xC80];
	_ =	sdelay $0x4  }
0x325: {  	[tilespmem:v20+s22+$0x0] =	vst.idx.msk $0xffff, v19  }
0x326: {  	v20 =	vor.u32 $0x219, v6;
	v19 =	vld [tilespmem:$0xC90];
	_ =	sdelay $0x4  }
0x327: {  	[tilespmem:v20+s22+$0x0] =	vst.idx.msk $0xffff, v19  }
0x328: {  	v20 =	vor.u32 $0x419, v6;
	v19 =	vld [tilespmem:$0xCA0];
	_ =	sdelay $0x4  }
0x329: {  	[tilespmem:v20+s22+$0x0] =	vst.idx.msk $0xffff, v19  }
0x32a: {  	v20 =	vor.u32 $0x619, v6;
	v19 =	vld [tilespmem:$0xCB0];
	_ =	sdelay $0x4  }
0x32b: {  	[tilespmem:v20+s22+$0x0] =	vst.idx.msk $0xffff, v19  }
0x32c: {  	v20 =	vor.u32 $0x1A, v6;
	v19 =	vld [tilespmem:$0xD00];
	_ =	sdelay $0x4  }
0x32d: {  	[tilespmem:v20+s22+$0x0] =	vst.idx.msk $0xffff, v19  }
0x32e: {  	v20 =	vor.u32 $0x21A, v6;
	v19 =	vld [tilespmem:$0xD10];
	_ =	sdelay $0x4  }
0x32f: {  	[tilespmem:v20+s22+$0x0] =	vst.idx.msk $0xffff, v19  }
0x330: {  	v20 =	vor.u32 $0x41A, v6;
	v19 =	vld [tilespmem:$0xD20];
	_ =	sdelay $0x4  }
0x331: {  	[tilespmem:v20+s22+$0x0] =	vst.idx.msk $0xffff, v19  }
0x332: {  	v20 =	vor.u32 $0x61A, v6;
	v19 =	vld [tilespmem:$0xD30];
	_ =	sdelay $0x4  }
0x333: {  	[tilespmem:v20+s22+$0x0] =	vst.idx.msk $0xffff, v19  }
0x334: {  	v20 =	vor.u32 $0x1B, v6;
	v19 =	vld [tilespmem:$0xD80];
	_ =	sdelay $0x4  }
0x335: {  	[tilespmem:v20+s22+$0x0] =	vst.idx.msk $0xffff, v19  }
0x336: {  	v20 =	vor.u32 $0x21B, v6;
	v19 =	vld [tilespmem:$0xD90];
	_ =	sdelay $0x4  }
0x337: {  	[tilespmem:v20+s22+$0x0] =	vst.idx.msk $0xffff, v19  }
0x338: {  	v20 =	vor.u32 $0x41B, v6;
	v19 =	vld [tilespmem:$0xDA0];
	_ =	sdelay $0x4  }
0x339: {  	[tilespmem:v20+s22+$0x0] =	vst.idx.msk $0xffff, v19  }
0x33a: {  	v20 =	vor.u32 $0x61B, v6;
	v19 =	vld [tilespmem:$0xDB0];
	_ =	sdelay $0x4  }
0x33b: {  	[tilespmem:v20+s22+$0x0] =	vst.idx.msk $0xffff, v19  }
0x33c: {  	v20 =	vor.u32 $0x1C, v6;
	v19 =	vld [tilespmem:$0xE00];
	_ =	sdelay $0x4  }
0x33d: {  	[tilespmem:v20+s22+$0x0] =	vst.idx.msk $0xffff, v19  }
0x33e: {  	v20 =	vor.u32 $0x21C, v6;
	v19 =	vld [tilespmem:$0xE10];
	_ =	sdelay $0x4  }
0x33f: {  	[tilespmem:v20+s22+$0x0] =	vst.idx.msk $0xffff, v19  }
0x340: {  	v20 =	vor.u32 $0x41C, v6;
	v19 =	vld [tilespmem:$0xE20];
	_ =	sdelay $0x4  }
0x341: {  	[tilespmem:v20+s22+$0x0] =	vst.idx.msk $0xffff, v19  }
0x342: {  	v20 =	vor.u32 $0x61C, v6;
	v19 =	vld [tilespmem:$0xE30];
	_ =	sdelay $0x4  }
0x343: {  	[tilespmem:v20+s22+$0x0] =	vst.idx.msk $0xffff, v19  }
0x344: {  	v20 =	vor.u32 $0x1D, v6;
	v19 =	vld [tilespmem:$0xE80];
	_ =	sdelay $0x4  }
0x345: {  	[tilespmem:v20+s22+$0x0] =	vst.idx.msk $0xffff, v19  }
0x346: {  	v20 =	vor.u32 $0x21D, v6;
	v19 =	vld [tilespmem:$0xE90];
	_ =	sdelay $0x4  }
0x347: {  	[tilespmem:v20+s22+$0x0] =	vst.idx.msk $0xffff, v19  }
0x348: {  	v20 =	vor.u32 $0x41D, v6;
	v19 =	vld [tilespmem:$0xEA0];
	_ =	sdelay $0x4  }
0x349: {  	[tilespmem:v20+s22+$0x0] =	vst.idx.msk $0xffff, v19  }
0x34a: {  	v20 =	vor.u32 $0x61D, v6;
	v19 =	vld [tilespmem:$0xEB0];
	_ =	sdelay $0x4  }
0x34b: {  	[tilespmem:v20+s22+$0x0] =	vst.idx.msk $0xffff, v19  }
0x34c: {  	v20 =	vor.u32 $0x1E, v6;
	v19 =	vld [tilespmem:$0xF00];
	_ =	sdelay $0x4  }
0x34d: {  	[tilespmem:v20+s22+$0x0] =	vst.idx.msk $0xffff, v19  }
0x34e: {  	v20 =	vor.u32 $0x21E, v6;
	v19 =	vld [tilespmem:$0xF10];
	_ =	sdelay $0x4  }
0x34f: {  	[tilespmem:v20+s22+$0x0] =	vst.idx.msk $0xffff, v19  }
0x350: {  	v20 =	vor.u32 $0x41E, v6;
	v19 =	vld [tilespmem:$0xF20];
	_ =	sdelay $0x4  }
0x351: {  	[tilespmem:v20+s22+$0x0] =	vst.idx.msk $0xffff, v19  }
0x352: {  	v20 =	vor.u32 $0x61E, v6;
	v19 =	vld [tilespmem:$0xF30];
	_ =	sdelay $0x4  }
0x353: {  	[tilespmem:v20+s22+$0x0] =	vst.idx.msk $0xffff, v19  }
0x354: {  	v20 =	vor.u32 $0x1F, v6;
	v19 =	vld [tilespmem:$0xF80];
	_ =	sdelay $0x4  }
0x355: {  	[tilespmem:v20+s22+$0x0] =	vst.idx.msk $0xffff, v19  }
0x356: {  	v20 =	vor.u32 $0x21F, v6;
	v19 =	vld [tilespmem:$0xF90];
	_ =	sdelay $0x4  }
0x357: {  	[tilespmem:v20+s22+$0x0] =	vst.idx.msk $0xffff, v19  }
0x358: {  	v20 =	vor.u32 $0x41F, v6;
	v19 =	vld [tilespmem:$0xFA0];
	_ =	sdelay $0x4  }
0x359: {  	[tilespmem:v20+s22+$0x0] =	vst.idx.msk $0xffff, v19  }
0x35a: {  	v20 =	vor.u32 $0x61F, v6;
	v19 =	vld [tilespmem:$0xFB0];
	_ =	sdelay $0x4  }
.Ltmp7:
0x35b: {  	s29 =	rddreg [dreg:$0xd];
	[tilespmem:v20+s22+$0x0] =	vst.idx.msk $0xffff, v19;
	(pc) =	sbr.rel .LBB2_11-.Ltmp7, $4  }
0x35c: {  	[hbm4b:s29+s3] =	stream.linear.scatter [tilespmem:s22], [sflag:$0x3], $0x800, $0x38;
	[tilespmem:$0x8000] =	vst v63  }
0x35d: {  	_ =	swait.ge [sflag:s23], $0x800  }
0x35e: {  	[sflag:s23] =	ssyncset.done $0x0  }
0x35f: {  	[sflag:s23] =	ssyncadd.s32 $0xFFFFF800  }
.LBB2_12:
0x360: {  	_ =	sfence.sel $0x180000  }
0x361: {  	[bflag:$0x0] =	sbarrier.arrive $0xFFFF  }
0x362: {  	_ =	strace $0x90000047  }
0x363: {  	s0 =	stileid.u32;
	[bflag:$0x2] =	sbarrier.arrive $0xFFFF  }
0x364: {  	p0 =	sne.s32 s0, $0x0;
	s0 =	rddreg [dreg:$0x2]  }
0x365: {  	s0 =	sadd.s32 @!p0 $0x100000, s0  }
0x366: {  	[sflag:s0] =	ssyncadd.tile.s32 @!p0 $0x1;
	_ =	shalt  }
.Lfunc_end2:
_tile_overlayer_lowered:
.L_overlay_start_2:
0x367: {  	(tag) =	ssettag $0x2  }
0x368: {  	s0 =	rddreg [dreg:$0x0];
	s2 =	stileid.u32  }
0x369: {  	s1 =	rddreg [dreg:$0x1];
	p0 =	sne.s32 s2, $0x0  }
0x36a: {  	s3 =	rddreg [dreg:$0x2];
	[bflag:$0x3] =	sbarrier.arrive $0xFFFF;
	s2 =	simm.s32 @!p0 $0x1C05  }
0x36b: {  	[timem:s3], [sflag:s2] =	dma.local @!p0 [hbm:s0], s1  }
0x36c: {  	s0 =	simm.s32 @!p0 $0x5  }
0x36d: {  	_ =	swait.ge @!p0 [sflag:s0], s1  }
0x36e: {  	s1 =	ssub.s32 @!p0 $0x0, s1;
	[sflag:s0] =	ssyncset.done @!p0 $0x0  }
0x36f: {  	[sflag:s0] =	ssyncadd.s32 @!p0 s1  }
0x370: {  	[bflag:$0x3] =	sbarrier.arrive $0xFFFF  }
0x371: {  	_ =	shalt  }

// kernel: kernel.7.cloned.1.call-start
scs
__scs_entry_jumppad:
0x0: {  	(pc) =	sbr.rel $0x88, $3  }
0x1: {  	(tag) =	ssettag $0x0;
	lr =	simm.s32 $0x1  }
0x2: {  	[smem:$0x3F9F] =	sst lr;
	_ =	strace $0xD0000000  }
0x3: {  	_ = 	snop  }
0x4: {  	_ = 	snop  }
0x5: {  	_ = 	snop  }
0x6: {  	_ = 	snop  }
0x7: {  	_ = 	snop  }
__scs_overlays_trampoline_lowered:
0x8: {  	[smem:$0x3FAE] =	sst s0  }
0x9: {  	[smem:$0x3FAF] =	sst s1  }
0xa: {  	[smem:$0x3FB0] =	sst s2  }
0xb: {  	[smem:$0x3FB1] =	sst s3  }
0xc: {  	[smem:$0x3FB2] =	sst s4  }
0xd: {  	[smem:$0x3FB3] =	sst s5  }
0xe: {  	[smem:$0x3FB4] =	sst s6  }
0xf: {  	[smem:$0x3FB5] =	sst s7  }
0x10: {  	[smem:$0x3FB6] =	sst s8  }
0x11: {  	[smem:$0x3FB7] =	sst s9;
	s0 =	simm.s32 @!p0 $0x0  }
0x12: {  	s1 =	sld [smem:$0x3F9D];
	s0 =	simm.s32 @p0 $0x1  }
0x13: {  	[smem:$0x3FB8] =	sst s0;
	s0 =	simm.s32 @!p1 $0x0  }
0x14: {  	s2 =	sld [smem:$0x3F9C];
	s0 =	simm.s32 @p1 $0x1  }
0x15: {  	[smem:$0x3FB9] =	sst s0;
	s0 =	simm.s32 @!p2 $0x0  }
0x16: {  	s3 =	sld [smem:$0x3FDB];
	s0 =	simm.s32 @p2 $0x1  }
0x17: {  	s4 =	simm.s32 $0x1BF5;
	[smem:$0x3FBB] =	sst s0  }
0x18: {  	s0 =	sld [smem:$0x3F9E];
	_ =	swait.ge [sflag:s4], $0x0  }
0x19: {  	s7 =	sld [smem:$0x3F9F]  }
0x1a: {  	s8 =	sadd.s32 $0xFFFFE003, lr  }
0x1b: {  	s9 =	sadd.s32 $0xFFFFFEF7, lr;
	s5 =	simm.s32 $0xFFFFFFFF;
	p2 =	slt.u32 s8, $0xFFFFF086  }
0x1c: {  	p1 =	slt.u32 s9, $0xF7A;
	s5 =	simm.s32 @!p2 $0x0  }
0x1d: {  	s5 =	simm.s32 @p1 $0x1;
	p0 =	seq.s32 s7, s2  }
0x1e: {  	s7 =	smul.u32 @!p0 $0xF7A, s2;
	p2 =	seq.s32 @!p0 s5, $0x0  }
0x1f: {  	s9 =	smul.u32 $0xF7A, s1;
	s8 =	simm.s32 @!p0 $0x1BF5;
	p2 =	por !p2, p0  }
0x20: {  	[sflag:s8] =	ssyncset.s32 @!p0 $0xFFFFF086;
	s6 =	sadd.s32 @!p0 s3, s7;
	s7 =	simm.s32 @!p0 $0x108  }
0x21: {  	s3 =	sadd.s32 s3, s9;
	s6 =	sadd.s32 @!p0 $0x88, s6;
	s7 =	simm.s32 @p2 $0x1082  }
0x22: {  	[simem:s7], [sflag:s8] =	dma.local @!p0 [hbm:s6], $0xF7A  }
0x23: {  	s9 =	sor.u32 $0xD0000000, s2;
	s6 =	simm.s32 $0x108;
	_ =	swait.ge @!p0 [sflag:s8], $0x0  }
0x24: {  	s3 =	sadd.s32 $0x88, s3;
	s6 =	simm.s32 @!p1 $0x1082;
	[sflag:s4] =	ssyncset.s32 $0xFFFFF086  }
0x25: {  	[simem:s6], [sflag:s4] =	dma.local [hbm:s3], $0xF7A  }
0x26: {  	[smem:$0x3F9F] =	sst s1;
	(tag) =	ssettag s2;
	_ =	strace s9  }
0x27: {  	s1 =	sld [smem:$0x3FAF]  }
0x28: {  	s2 =	sld [smem:$0x3FB0]  }
0x29: {  	s4 =	sld [smem:$0x3FB2]  }
0x2a: {  	p0 =	seq.s32 s5, $0x0;
	s5 =	sld [smem:$0x3FB3]  }
0x2b: {  	s6 =	sld [smem:$0x3FB4]  }
0x2c: {  	s7 =	sld [smem:$0x3FB5]  }
0x2d: {  	s3 =	simm.s32 $0x108;
	s8 =	sld [smem:$0x3FB6]  }
0x2e: {  	s3 =	simm.s32 @!p0 $0x1082;
	s9 =	sld [smem:$0x3FB7]  }
0x2f: {  	lr =	sadd.s32 s0, s3;
	s0 =	sld [smem:$0x3FAE]  }
0x30: {  	s3 =	sld [smem:$0x3FB1]  }
0x31: {  	[smem:$0x3FBA] =	sst s10  }
0x32: {  	s10 =	sld [smem:$0x3FB8];
	_ =	sdelay $0x3  }
0x33: {  	p0 =	seq.s32 s10, $0x1;
	s10 =	sld [smem:$0x3FBA];
	_ =	sdelay $0x3  }
0x34: {  	[smem:$0x3FBA] =	sst s10  }
0x35: {  	s10 =	sld [smem:$0x3FB9];
	_ =	sdelay $0x3  }
0x36: {  	p1 =	seq.s32 s10, $0x1;
	s10 =	sld [smem:$0x3FBA];
	_ =	sdelay $0x3  }
0x37: {  	[smem:$0x3FBA] =	sst s10  }
0x38: {  	s10 =	sld [smem:$0x3FBB]  }
0x39: {  	_ = 	snop;
	(pc) =	sbr.ind lr, $3  }
0x3a: {  	_ = 	snop  }
0x3b: {  	_ = 	snop  }
0x3c: {  	p2 =	seq.s32 s10, $0x1;
	s10 =	sld [smem:$0x3FBA]  }
0x3d: {  	_ =	shalt  }
0x3e: {  	_ =	shalt  }
0x3f: {  	_ =	shalt  }
0x40: {  	_ =	shalt  }
0x41: {  	_ =	shalt  }
0x42: {  	_ =	shalt  }
0x43: {  	_ =	shalt  }
0x44: {  	_ =	shalt  }
0x45: {  	_ =	shalt  }
0x46: {  	_ =	shalt  }
0x47: {  	_ =	shalt  }
0x48: {  	_ =	shalt  }
0x49: {  	_ =	shalt  }
0x4a: {  	_ =	shalt  }
0x4b: {  	_ =	shalt  }
0x4c: {  	_ =	shalt  }
0x4d: {  	_ =	shalt  }
0x4e: {  	_ =	shalt  }
0x4f: {  	_ =	shalt  }
0x50: {  	_ =	shalt  }
0x51: {  	_ =	shalt  }
0x52: {  	_ =	shalt  }
0x53: {  	_ =	shalt  }
0x54: {  	_ =	shalt  }
0x55: {  	_ =	shalt  }
0x56: {  	_ =	shalt  }
0x57: {  	_ =	shalt  }
0x58: {  	_ =	shalt  }
0x59: {  	_ =	shalt  }
0x5a: {  	_ =	shalt  }
0x5b: {  	_ =	shalt  }
0x5c: {  	_ =	shalt  }
0x5d: {  	_ =	shalt  }
0x5e: {  	_ =	shalt  }
0x5f: {  	_ =	shalt  }
0x60: {  	_ =	shalt  }
0x61: {  	_ =	shalt  }
0x62: {  	_ =	shalt  }
0x63: {  	_ =	shalt  }
0x64: {  	_ =	shalt  }
0x65: {  	_ =	shalt  }
0x66: {  	_ =	shalt  }
0x67: {  	_ =	shalt  }
0x68: {  	_ =	shalt  }
0x69: {  	_ =	shalt  }
0x6a: {  	_ =	shalt  }
0x6b: {  	_ =	shalt  }
0x6c: {  	_ =	shalt  }
0x6d: {  	_ =	shalt  }
0x6e: {  	_ =	shalt  }
0x6f: {  	_ =	shalt  }
0x70: {  	_ =	shalt  }
0x71: {  	_ =	shalt  }
0x72: {  	_ =	shalt  }
0x73: {  	_ =	shalt  }
0x74: {  	_ =	shalt  }
0x75: {  	_ =	shalt  }
0x76: {  	_ =	shalt  }
0x77: {  	_ =	shalt  }
0x78: {  	_ =	shalt  }
0x79: {  	_ =	shalt  }
0x7a: {  	_ =	shalt  }
0x7b: {  	_ =	shalt  }
0x7c: {  	_ =	shalt  }
0x7d: {  	_ =	shalt  }
0x7e: {  	_ =	shalt  }
0x7f: {  	_ =	shalt  }
0x80: {  	_ =	shalt  }
0x81: {  	_ =	shalt  }
0x82: {  	_ =	shalt  }
0x83: {  	_ =	shalt  }
0x84: {  	_ =	shalt  }
0x85: {  	_ =	shalt  }
0x86: {  	_ =	shalt  }
0x87: {  	_ =	shalt  }
.Lfunc_end0:
.L_simem_size_0:
called_computation.1_lowered:
.L_overlay_start_0:
0x88: {  	s2 =	sld [smem:$0x3FD9]  }
0x89: {  	s3 =	sld [smem:$0x3FFE];
	_ =	sdelay $0x1  }
0x8a: {  	s1 =	srdreg.scid  }
0x8b: {  	s0 =	sand.u32 $0x1, s1  }
0x8c: {  	s17 =	sshll.u32 s0, $0xA;
	s2 =	sadd.s32 s3, s2  }
0x8d: {  	s2 =	sadd.s32 s2, s17  }
0x8e: {  	[smem:$0x3FC6] =	sst s2  }
0x8f: {  	_ = 	snop  }
0x90: {  	s2 =	sld [smem:$0x3FC9]  }
0x91: {  	s18 =	sld [smem:$0x3FD0];
	(tm) =	ssettm $0x1  }
0x92: {  	s4 =	sld [smem:$0x3FFB];
	_ =	sdelay $0x3  }
0x93: {  	_ =	strace s4  }
0x94: {  	s4 =	sld [smem:$0x3FFC];
	_ =	sdelay $0x3  }
0x95: {  	_ =	strace s4  }
0x96: {  	s4 =	sld [smem:$0x3FFD];
	_ =	sdelay $0x3  }
0x97: {  	_ =	strace s4  }
0x98: {  	_ =	strace $0x8FFFFFFF  }
0x99: {  	s19 =	sld [smem:$0x3FDB];
	_ =	sdelay $0x1  }
0x9a: {  	s5 =	simm.s32 $_scs_section_size  }
0x9b: {  	s6 =	simm.s32 $_size__tile_overlayer_lowered;
	s7 =	simm.s32 $_tile_overlayer_lowered  }
0x9c: {  	s22 =	simm.s32 $0x1BFF;
	s21 =	sshll.u32 s7, $0x1;
	s4 =	sadd.s32 s5, s19  }
0x9d: {  	s8 =	simm.s32 $0x0;
	s20 =	sshll.u32 s6, $0x1;
	s6 =	sadd.s32 s21, s4  }
0x9e: {  	[timem:s8], [sflag:s22] =	dma.local [hbm:s6], s20  }
0x9f: {  	_ =	swait.ge [sflag:s22], s20  }
0xa0: {  	s5 =	ssub.s32 $0x0, s20;
	[sflag:s22] =	ssyncset.done $0x0  }
0xa1: {  	[sflag:s22] =	ssyncadd.s32 s5;
	_ =	sdelay $0x1  }
0xa2: {  	s23 =	simm.s32 $0x1B8B  }
0xa3: {  	_ =	swait.ge [sflag:s23], $0x1  }
0xa4: {  	[sflag:s23] =	ssyncset.done $0x0  }
0xa5: {  	s25 =	simm.s32 $0x1B8E;
	s24 =	sld [smem:$0x3FFE];
	[sflag:s23] =	ssyncadd.s32 $0xFFFFFFFF  }
0xa6: {  	s26 =	simm.s32 $execute0_lowered;
	[smem:$0x3FD2] =	sst s25  }
0xa7: {  	s6 =	sshll.u32 s26, $0x1;
	_ =	strace $0x80000049;
	[dreg:$0x1] =	wrdreg $0xFFFFFFFF  }
0xa8: {  	s28 =	simm.s32 $_size_execute0_lowered;
	s4 =	sadd.s32 s4, s6;
	[dreg:$0x0] =	wrdreg $0x0  }
0xa9: {  	s6 =	sshll.u32 s28, $0x1;
	[dreg:$0x2] =	wrdreg s4  }
0xaa: {  	[dreg:$0x3] =	wrdreg s6  }
0xab: {  	[dreg:$0x4] =	wrdreg $0xC0  }
0xac: {  	_ =	task [dreg:s8], $0x5FFFF  }
0xad: {  	[dreg:$0x1] =	wrdreg $0xFFFFFFFF  }
0xae: {  	[dreg:$0x0] =	wrdreg $0x60  }
0xaf: {  	[dreg:$0x2] =	wrdreg s2  }
0xb0: {  	[dreg:$0x3] =	wrdreg s24  }
0xb1: {  	[dreg:$0x4] =	wrdreg s18  }
0xb2: {  	[dreg:$0x5] =	wrdreg $0x9  }
0xb3: {  	_ =	task.clear_ibuf [dreg:s8], $0x6FFFF;
	_ =	strace $0x90000049  }
0xb4: {  	s29 =	simm.s32 $0x9;
	_ =	strace $0x8000004B  }
0xb5: {  	_ =	swait.ge [sflag:s29], $0x1  }
0xb6: {  	[sflag:s29] =	ssyncadd.s32 $0xFFFFFFFF  }
0xb7: {  	_ =	strace $0x9000004B  }
0xb8: {  	_ =	sfence  }
0xb9: {  	s30 =	sld [smem:$0x0];
	_ =	sdelay $0x2  }
0xba: {  	s31 =	sshll.u32 s1, $0xD;
	s1 =	sshrl.u32 s1, $0x2  }
0xbb: {  	s3 =	sand.u32 $0x4000, s31;
	s1 =	sadd.s32 s1, s30  }
0xbc: {  	s0 =	sor.u32 s3, s0;
	s1 =	sshll.u32 s1, $0x11  }
0xbd: {  	s0 =	sor.u32 s1, s0  }
0xbe: {  	s0 =	sadd.s32 $0x8F2B, s0  }
0xbf: {  	[sflag:s0] =	ssyncadd.remote.s32 $0x1  }
0xc0: {  	_ =	sfence.sel $0xFFFF  }
0xc1: {  	[dreg:$0x0] =	wrdreg $0xFFFFFFFF;
	(pc) =	sbr.abs _section_cstart, $3  }
0xc2: {  	[dreg:$0x1] =	wrdreg $0xFFFFFFFF  }
0xc3: {  	_ =	task.clear_ibuf [dreg:s8], $0x2FFFF;
	_ =	strace $0x9FFFFFFF  }
0xc4: {  	(tm) =	ssettm $0x7FFFFFFF  }
0xc5: {  	_ =	shalt  }
tec
execute0_lowered:
.L_overlay_start_1:
0x0: {  	(tag) =	ssettag $0x1  }
0x1: {  	s2 =	rddreg [dreg:$0x0]  }
0x2: {  	s0 =	srdreg.scid;
	s6 =	rddreg [dreg:$0x1]  }
0x3: {  	s1 =	stileid.u32;
	s3 =	rddreg [dreg:$0x2]  }
0x4: {  	s12 =	simm.s32 $0x80;
	s13 =	simm.s32 $0x1;
	s14 =	simm.s32 $0x100  }
0x5: {  	s15 =	simm.s32 $0x300;
	s16 =	simm.s32 $0x2;
	s17 =	simm.s32 $0x180  }
0x6: {  	s18 =	simm.s32 $0x4300;
	s0 =	sand.u32 $0x1, s0;
	s1 =	sshll.u32 s1, $0x1  }
0x7: {  	s19 =	simm.s32 $0x3;
	s20 =	simm.s32 $0x400;
	s1 =	sor.u32 s0, s1  }
0x8: {  	s21 =	simm.s32 $0x20000;
	s22 =	simm.s32 $0x8300;
	s5 =	smul.u32 $0x6400, s1  }
0x9: {  	s23 =	simm.s32 $0x4;
	s24 =	simm.s32 $0x6;
	s7 =	smul.u32 $0x12000, s1  }
0xa: {  	s25 =	simm.s32 $0x9300;
	s6 =	sadd.s32 $0x800, s6;
	s4 =	smul.u32 $0xC8, s1  }
0xb: {  	s0 =	ssub.s32 $0x2, s0;
	s30 =	sand.u32 $0xE0000, s5;
	s7 =	sand.u32 $0x1E000, s7  }
0xc: {  	v0 =	vlaneseq.u32;
	s8 =	sshrl.u32 s0, $0x1;
	s31 =	sand.u32 $0x380, s4;
	s1 =	sor.u32 s7, s30  }
0xd: {  	v0 =	vmul.u32 $0x80, v0;
	s0 =	ssub.s32 s0, s8;
	s5 =	simm.s32 $0x0;
	s1 =	sor.u32 s31, s1  }
0xe: {  	s0 =	smax.u32 s0, $0x1;
	[smem:$0x7FF] =	sst s5;
	s1 =	sshrl.u32 s1, $0x3  }
0xf: {  	v1 =	vor.u32 $0x800, v0;
	_ =	strace $0x8000004A;
	[dreg:$0x6] =	wrdreg s0;
	s1 =	sadd.s32 s2, s1  }
0x10: {  	v2 =	vor.u32 $0x1000, v0;
	v3 =	vor.u32 $0x1800, v0;
	v4 =	vor.u32 $0x2000, v0;
	s9 =	sor.u32 $0x2, s4;
	[dreg:$0x4] =	wrdreg s1;
	s1 =	sadd.s32 $0x80, s1  }
0x11: {  	v5 =	vor.u32 $0x2800, v0;
	v6 =	vor.u32 $0x3000, v0;
	v7 =	vor.u32 $0x3800, v0;
	s10 =	sor.u32 $0x3, s4;
	[dreg:$0x5] =	wrdreg s1;
	s1 =	simm.s32 $0x0  }
.LBB2_1:
0x12: {  	[dreg:$0x7] =	wrdreg s1  }
0x13: {  	s0 =	rddreg [dreg:$0x4]  }
0x14: {  	[tilespmem:s5], [sflag:$0x1] =	stream.linear.gather [hbm4b:s0+s5], $0x80, $0x38;
	[tilespmem:$0xA300] =	vst v63  }
0x15: {  	s31 =	rddreg [dreg:$0x5]  }
0x16: {  	[tilespmem:s12], [sflag:$0x2] =	stream.linear.gather [hbm4b:s31+s5], $0x80, $0x38;
	[tilespmem:$0xA300] =	vst v63  }
0x17: {  	_ =	swait.ge [sflag:s13], $0x80  }
0x18: {  	[sflag:s13] =	ssyncset.done $0x0  }
0x19: {  	[sflag:s13] =	ssyncadd.s32 $0xFFFFFF80  }
0x1a: {  	v8 =	vld [tilespmem:$0x0];
	_ =	sdelay $0x1  }
0x1b: {  	v9 =	vld [tilespmem:$0x10];
	_ =	sdelay $0x1  }
0x1c: {  	v10 =	vld [tilespmem:$0x20]  }
0x1d: {  	v11 =	vshrl.u32 v8, $0x2;
	v8 =	vshll.u32 v8, $0x5  }
0x1e: {  	v58 =	vld [tilespmem:$0x30];
	[tilespmem:$0x100] =	vst v11;
	v8 =	vand.u32 $0x60, v8  }
0x1f: {  	[tilespmem:$0x200] =	vst v8;
	v8 =	vshrl.u32 v9, $0x2;
	v9 =	vshll.u32 v9, $0x5  }
0x20: {  	v59 =	vld [tilespmem:$0x40];
	[tilespmem:$0x110] =	vst v8;
	v8 =	vand.u32 $0x60, v9  }
0x21: {  	[tilespmem:$0x210] =	vst v8;
	v8 =	vshrl.u32 v10, $0x2;
	v10 =	vshll.u32 v10, $0x5  }
0x22: {  	v60 =	vld [tilespmem:$0x50];
	[tilespmem:$0x120] =	vst v8;
	v8 =	vand.u32 $0x60, v10  }
0x23: {  	v11 =	vshll.u32 v58, $0x5;
	[tilespmem:$0x220] =	vst v8;
	v8 =	vshrl.u32 v58, $0x2  }
0x24: {  	v61 =	vld [tilespmem:$0x60];
	[tilespmem:$0x130] =	vst v8;
	v8 =	vand.u32 $0x60, v11  }
0x25: {  	v9 =	vshll.u32 v59, $0x5;
	[tilespmem:$0x230] =	vst v8;
	v8 =	vshrl.u32 v59, $0x2  }
0x26: {  	v62 =	vld [tilespmem:$0x70];
	[tilespmem:$0x140] =	vst v8;
	v8 =	vand.u32 $0x60, v9  }
0x27: {  	v10 =	vshll.u32 v60, $0x5;
	[tilespmem:$0x240] =	vst v8;
	v8 =	vshrl.u32 v60, $0x2  }
0x28: {  	[tilespmem:$0x150] =	vst v8;
	v8 =	vand.u32 $0x60, v10  }
0x29: {  	v63 =	vshll.u32 v61, $0x5;
	[tilespmem:$0x250] =	vst v8;
	v8 =	vshrl.u32 v61, $0x2  }
0x2a: {  	[tilespmem:$0x160] =	vst v8;
	v8 =	vand.u32 $0x60, v63  }
0x2b: {  	v9 =	vshll.u32 v62, $0x5;
	[tilespmem:$0x260] =	vst v8;
	v8 =	vshrl.u32 v62, $0x2  }
0x2c: {  	[tilespmem:$0x170] =	vst v8;
	v8 =	vand.u32 $0x60, v9  }
0x2d: {  	s29 =	simm.s32 $0x0;
	[tilespmem:$0x270] =	vst v8  }
0x2e: {  	[tilespmem:s15], [sflag:$0x3] =	stream.indirect.gather [hbm4b:s6+s12], $0x80, s14, s12, $0xb8;
	[tilespmem:$0xA300] =	vst v63  }
.LBB2_2:
0x2f: {  	_ =	swait.ge [sflag:s16], $0x80  }
0x30: {  	[sflag:s16] =	ssyncset.done $0x0  }
0x31: {  	[sflag:s16] =	ssyncadd.s32 $0xFFFFFF80  }
0x32: {  	v8 =	vld [tilespmem:$0x80];
	_ =	sdelay $0x1  }
0x33: {  	v9 =	vld [tilespmem:$0x90];
	_ =	sdelay $0x1  }
0x34: {  	v10 =	vld [tilespmem:$0xA0]  }
0x35: {  	v11 =	vshrl.u32 v8, $0x2;
	v8 =	vshll.u32 v8, $0x5  }
0x36: {  	[tilespmem:$0x180] =	vst v11;
	v8 =	vand.u32 $0x60, v8;
	v11 =	vld [tilespmem:$0xB0]  }
0x37: {  	[tilespmem:$0x280] =	vst v8;
	v8 =	vshrl.u32 v9, $0x2;
	v9 =	vshll.u32 v9, $0x5  }
0x38: {  	[tilespmem:$0x190] =	vst v8;
	v8 =	vand.u32 $0x60, v9;
	v9 =	vld [tilespmem:$0xC0]  }
0x39: {  	[tilespmem:$0x290] =	vst v8;
	v8 =	vshrl.u32 v10, $0x2;
	v10 =	vshll.u32 v10, $0x5  }
0x3a: {  	[tilespmem:$0x1A0] =	vst v8;
	v8 =	vand.u32 $0x60, v10;
	v10 =	vld [tilespmem:$0xD0]  }
0x3b: {  	[tilespmem:$0x2A0] =	vst v8;
	v8 =	vshrl.u32 v11, $0x2;
	v11 =	vshll.u32 v11, $0x5  }
0x3c: {  	[tilespmem:$0x1B0] =	vst v8;
	v8 =	vand.u32 $0x60, v11;
	v11 =	vld [tilespmem:$0xE0]  }
0x3d: {  	[tilespmem:$0x2B0] =	vst v8;
	v8 =	vshrl.u32 v9, $0x2;
	v9 =	vshll.u32 v9, $0x5  }
0x3e: {  	s30 =	sshll.u32 s29, $0x1;
	p0 =	seq.s32 s29, $0x63;
	[tilespmem:$0x1C0] =	vst v8;
	v8 =	vand.u32 $0x60, v9;
	v9 =	vld [tilespmem:$0xF0]  }
0x3f: {  	s0 =	sadd.s32 @!p0 s30, s9;
	[tilespmem:$0x2C0] =	vst v8;
	v8 =	vshrl.u32 v10, $0x2;
	v10 =	vshll.u32 v10, $0x5  }
0x40: {  	s1 =	sshll.u32 @!p0 s0, $0xA;
	[tilespmem:$0x1D0] =	vst v8;
	v8 =	vand.u32 $0x60, v10  }
0x41: {  	s31 =	sshll.u32 @!p0 s0, $0x7;
	s0 =	sand.u32 @!p0 $0x380, s0;
	s1 =	sand.u32 @!p0 $0x1F800, s1;
	[tilespmem:$0x2D0] =	vst v8;
	v8 =	vshrl.u32 v11, $0x2;
	v10 =	vshll.u32 v11, $0x5  }
0x42: {  	s31 =	sand.u32 @!p0 $0x7FFE0000, s31;
	s0 =	sor.u32 @!p0 s0, s1;
	[tilespmem:$0x1E0] =	vst v8;
	v8 =	vand.u32 $0x60, v10  }
0x43: {  	s0 =	sor.u32 @!p0 s31, s0;
	[tilespmem:$0x2E0] =	vst v8;
	v8 =	vshrl.u32 v9, $0x2;
	v9 =	vshll.u32 v9, $0x5  }
0x44: {  	s0 =	sshrl.u32 @!p0 s0, $0x3;
	[tilespmem:$0x1F0] =	vst v8;
	v8 =	vand.u32 $0x60, v9  }
0x45: {  	s1 =	simm.s32 @!p0 $0x0;
	s0 =	sadd.s32 @!p0 s2, s0;
	[tilespmem:$0x2F0] =	vst v8  }
0x46: {  	[tilespmem:s1], [sflag:$0x1] =	stream.linear.gather @!p0 [hbm4b:s0+s1], $0x80, $0x38;
	[tilespmem:$0xA300] =	vst v63  }
0x47: {  	_ = 	snop  }
0x48: {  	[tilespmem:s18], [sflag:$0x4] =	stream.indirect.gather [hbm4b:s6+s12], $0x80, s17, s12, $0xb8;
	[tilespmem:$0xA300] =	vst v63  }
0x49: {  	_ =	swait.ge [sflag:s19], $0x4000  }
0x4a: {  	p0 =	seq.s32 s29, $0x0;
	[sflag:s19] =	ssyncset.done $0x0  }
0x4b: {  	s0 =	simm.s32 @!p0 $0x5;
	[sflag:s19] =	ssyncadd.s32 $0xFFFFC000  }
0x4c: {  	_ =	swait.ge @!p0 [sflag:s0], $0x1000  }
0x4d: {  	[sflag:s0] =	ssyncset.done @!p0 $0x0  }
0x4e: {  	[sflag:s0] =	ssyncadd.s32 @!p0 $0xFFFFF000  }
0x4f: {  	v8 =	vld [tilespmem:$0x200];
	_ =	sdelay $0x3  }
0x50: {  	s8 =	simm.s32 $0x0  }
0x51: {  	s11 =	simm.s32 $0x6;
	v9 =	vadd.s32 s8, v8  }
0x52: {  	s26 =	simm.s32 $0x7;
	v10 =	vadd.s32 s11, v8;
	v9 =	vadd.s32 v0, v9  }
0x53: {  	s7 =	simm.s32 $0x5;
	v11 =	vadd.s32 s26, v8;
	v10 =	vadd.s32 v0, v10  }
0x54: {  	s28 =	simm.s32 $0x4;
	v13 =	vadd.s32 s7, v8;
	v11 =	vadd.s32 v0, v11  }
0x55: {  	v12 =	vadd.s32 s28, v8;
	s11 =	simm.s32 $0x3;
	v13 =	vadd.s32 v0, v13  }
0x56: {  	s8 =	simm.s32 $0x1;
	v12 =	vadd.s32 v0, v12;
	v15 =	vadd.s32 s11, v8  }
0x57: {  	s26 =	simm.s32 $0x2;
	v14 =	vadd.s32 s8, v8;
	v15 =	vadd.s32 v0, v15;
	v16 =	vld.idx.msk [tilespmem:v9+s15+$0x0], $0xffff  }
0x58: {  	s7 =	simm.s32 $0xF;
	v14 =	vadd.s32 v0, v14;
	v9 =	vadd.s32 s26, v8;
	v19 =	vld.idx.msk [tilespmem:v10+s15+$0x0], $0xffff  }
0x59: {  	s28 =	simm.s32 $0x8;
	v18 =	vadd.s32 s7, v8;
	v23 =	vld.idx.msk [tilespmem:v11+s15+$0x0], $0xffff;
	v22 =	vadd.s32 v0, v9  }
0x5a: {  	s1 =	simm.s32 $0xE;
	s8 =	simm.s32 $0xC;
	v20 =	vadd.s32 v0, v18;
	v10 =	vadd.s32 s28, v8;
	v11 =	vld.idx.msk [tilespmem:v13+s15+$0x0], $0xffff  }
0x5b: {  	s31 =	simm.s32 $0x8500;
	v13 =	vadd.s32 s8, v8;
	s26 =	simm.s32 $0x9;
	v9 =	vld.idx.msk [tilespmem:v12+s15+$0x0], $0xffff;
	v10 =	vadd.s32 v0, v10;
	v12 =	vadd.s32 s1, v8  }
0x5c: {  	s11 =	simm.s32 $0xD;
	s28 =	simm.s32 $0xB;
	v13 =	vadd.s32 v0, v13;
	v18 =	vld.idx.msk [tilespmem:v15+s15+$0x0], $0xffff;
	v15 =	vadd.s32 s26, v8;
	v17 =	vadd.s32 v0, v12;
	[tilespmem:s31+$0xFFFFFE00] =	vst v16  }
0x5d: {  	v14 =	vld.idx.msk [tilespmem:v14+s15+$0x0], $0xffff;
	v24 =	vadd.s32 s28, v8;
	v12 =	vadd.s32 s11, v8;
	s11 =	simm.s32 $0xA;
	v15 =	vadd.s32 v0, v15;
	[tilespmem:s31+$0x100] =	vst v19  }
0x5e: {  	s0 =	simm.s32 $0x10;
	s1 =	simm.s32 $0x8500;
	v21 =	vadd.s32 s11, v8;
	v16 =	vadd.s32 v0, v12;
	v12 =	vadd.s32 v0, v24;
	[tilespmem:s31+$0x180] =	vst v23;
	v19 =	vld.idx.msk [tilespmem:v22+s15+$0x0], $0xffff  }
.LBB2_3:
0x5f: {  	p1 =	slt.u32 s0, $0x18  }
0x60: {  	v22 =	vld.idx.msk [tilespmem:v10+s15+$0x0], $0xffff;
	[tilespmem:s31+$0x0] =	vst v9;
	s1 =	sadd.s32 $0x400, s1;
	s8 =	smov.u32 s0;
	s0 =	sadd.s32 $0x8, s0  }
0x61: {  	v23 =	vadd.s32 v0, v21;
	v24 =	vld.idx.msk [tilespmem:v17+s15+$0x0], $0xffff;
	[tilespmem:s31+$0x80] =	vst v11  }
0x62: {  	v25 =	vld.idx.msk [tilespmem:v20+s15+$0x0], $0xffff;
	[tilespmem:s31+$0xFFFFFE80] =	vst v14  }
0x63: {  	v10 =	vadd.s32 s8, v8;
	s11 =	sadd.s32 $0x6, s8;
	s7 =	sadd.s32 $0x7, s8;
	v9 =	vld.idx.msk [tilespmem:v13+s15+$0x0], $0xffff;
	[tilespmem:s31+$0xFFFFFF80] =	vst v18  }
.Ltmp0:
0x64: {  	s26 =	sadd.s32 $0x4, s8;
	s28 =	sadd.s32 $0x5, s8;
	v10 =	vadd.s32 v0, v10;
	v13 =	vadd.s32 s11, v8;
	v18 =	vadd.s32 s7, v8;
	v11 =	vld.idx.msk [tilespmem:v16+s15+$0x0], $0xffff;
	[tilespmem:s31+$0xFFFFFF00] =	vst v19;
	(pc) =	sbr.rel @p1 .LBB2_3-.Ltmp0, $4  }
0x65: {  	s7 =	sadd.s32 $0x1, s8;
	s11 =	sadd.s32 $0x2, s8;
	s8 =	sadd.s32 $0x3, s8;
	v16 =	vadd.s32 s26, v8;
	v19 =	vadd.s32 s28, v8;
	v17 =	vadd.s32 v0, v13;
	v14 =	vld.idx.msk [tilespmem:v15+s15+$0x0], $0xffff  }
0x66: {  	v21 =	vadd.s32 s11, v8;
	v20 =	vadd.s32 v0, v18;
	s31 =	smov.u32 s1;
	v13 =	vadd.s32 v0, v16;
	[tilespmem:s1+$0xFFFFFE00] =	vst v22;
	v18 =	vld.idx.msk [tilespmem:v12+s15+$0x0], $0xffff  }
0x67: {  	v16 =	vadd.s32 v0, v19;
	v12 =	vadd.s32 s7, v8;
	v22 =	vadd.s32 s8, v8;
	v19 =	vld.idx.msk [tilespmem:v23+s15+$0x0], $0xffff;
	[tilespmem:s1+$0x100] =	vst v24  }
0x68: {  	v15 =	vadd.s32 v0, v12;
	v12 =	vadd.s32 v0, v22;
	[tilespmem:s1+$0x180] =	vst v25  }
0x69: {  	_ =	sdelay $0x3  }
0x6a: {  	v8 =	vld.idx.msk [tilespmem:v10+s15+$0x0], $0xffff;
	[tilespmem:s31+$0x0] =	vst v9  }
0x6b: {  	v9 =	vld.idx.msk [tilespmem:v17+s15+$0x0], $0xffff;
	[tilespmem:s31+$0x80] =	vst v11  }
0x6c: {  	v10 =	vadd.s32 v0, v21;
	v11 =	vld.idx.msk [tilespmem:v20+s15+$0x0], $0xffff;
	[tilespmem:s31+$0xFFFFFE80] =	vst v14  }
0x6d: {  	v13 =	vld.idx.msk [tilespmem:v13+s15+$0x0], $0xffff;
	[tilespmem:s31+$0xFFFFFF80] =	vst v18  }
0x6e: {  	s0 =	sadd.s32 $0x400, s1;
	v15 =	vld.idx.msk [tilespmem:v15+s15+$0x0], $0xffff;
	[tilespmem:s31+$0xFFFFFF00] =	vst v19  }
0x6f: {  	v14 =	vld.idx.msk [tilespmem:v16+s15+$0x0], $0xffff;
	[tilespmem:s0+$0xFFFFFE00] =	vst v8  }
0x70: {  	v8 =	vld.idx.msk [tilespmem:v12+s15+$0x0], $0xffff;
	[tilespmem:s0+$0x100] =	vst v9  }
0x71: {  	v9 =	vld.idx.msk [tilespmem:v10+s15+$0x0], $0xffff;
	[tilespmem:s0+$0x180] =	vst v11  }
0x72: {  	[tilespmem:s0+$0x0] =	vst v13  }
0x73: {  	[tilespmem:s0+$0xFFFFFE80] =	vst v15  }
0x74: {  	[tilespmem:s0+$0x80] =	vst v14  }
0x75: {  	[tilespmem:s0+$0xFFFFFF80] =	vst v8  }
0x76: {  	[tilespmem:s0+$0xFFFFFF00] =	vst v9  }
0x77: {  	v8 =	vld [tilespmem:$0x210];
	_ =	sdelay $0x3  }
0x78: {  	s8 =	simm.s32 $0x0  }
0x79: {  	s11 =	simm.s32 $0x6;
	v9 =	vadd.s32 s8, v8  }
0x7a: {  	s26 =	simm.s32 $0x7;
	v10 =	vadd.s32 s11, v8;
	v9 =	vadd.s32 v1, v9  }
0x7b: {  	s7 =	simm.s32 $0x5;
	v11 =	vadd.s32 s26, v8;
	v10 =	vadd.s32 v1, v10  }
0x7c: {  	s28 =	simm.s32 $0x4;
	v13 =	vadd.s32 s7, v8;
	v11 =	vadd.s32 v1, v11  }
0x7d: {  	v12 =	vadd.s32 s28, v8;
	s11 =	simm.s32 $0x3;
	v13 =	vadd.s32 v1, v13  }
0x7e: {  	s8 =	simm.s32 $0x1;
	v12 =	vadd.s32 v1, v12;
	v15 =	vadd.s32 s11, v8  }
0x7f: {  	s26 =	simm.s32 $0x2;
	v14 =	vadd.s32 s8, v8;
	v15 =	vadd.s32 v1, v15;
	v16 =	vld.idx.msk [tilespmem:v9+s15+$0x0], $0xffff  }
0x80: {  	s8 =	simm.s32 $0xF;
	v14 =	vadd.s32 v1, v14;
	v9 =	vadd.s32 s26, v8;
	v19 =	vld.idx.msk [tilespmem:v10+s15+$0x0], $0xffff  }
0x81: {  	s28 =	simm.s32 $0x8;
	v18 =	vadd.s32 s8, v8;
	v23 =	vld.idx.msk [tilespmem:v11+s15+$0x0], $0xffff;
	v22 =	vadd.s32 v1, v9  }
0x82: {  	s1 =	simm.s32 $0xE;
	s7 =	simm.s32 $0xC;
	v20 =	vadd.s32 v1, v18;
	v10 =	vadd.s32 s28, v8;
	v11 =	vld.idx.msk [tilespmem:v13+s15+$0x0], $0xffff  }
0x83: {  	s31 =	simm.s32 $0x8510;
	v13 =	vadd.s32 s7, v8;
	s26 =	simm.s32 $0x9;
	v9 =	vld.idx.msk [tilespmem:v12+s15+$0x0], $0xffff;
	v10 =	vadd.s32 v1, v10;
	v12 =	vadd.s32 s1, v8  }
0x84: {  	s11 =	simm.s32 $0xD;
	s28 =	simm.s32 $0xB;
	v13 =	vadd.s32 v1, v13;
	v18 =	vld.idx.msk [tilespmem:v15+s15+$0x0], $0xffff;
	v15 =	vadd.s32 s26, v8;
	v17 =	vadd.s32 v1, v12;
	[tilespmem:s31+$0xFFFFFE00] =	vst v16  }
0x85: {  	s8 =	simm.s32 $0xA;
	v14 =	vld.idx.msk [tilespmem:v14+s15+$0x0], $0xffff;
	v24 =	vadd.s32 s28, v8;
	v12 =	vadd.s32 s11, v8;
	v15 =	vadd.s32 v1, v15;
	[tilespmem:s31+$0x100] =	vst v19  }
0x86: {  	s0 =	simm.s32 $0x10;
	v21 =	vadd.s32 s8, v8;
	s1 =	simm.s32 $0x8510;
	v16 =	vadd.s32 v1, v12;
	v12 =	vadd.s32 v1, v24;
	[tilespmem:s31+$0x180] =	vst v23;
	v19 =	vld.idx.msk [tilespmem:v22+s15+$0x0], $0xffff  }
.LBB2_5:
0x87: {  	p1 =	slt.u32 s0, $0x18  }
0x88: {  	v22 =	vld.idx.msk [tilespmem:v10+s15+$0x0], $0xffff;
	[tilespmem:s31+$0x0] =	vst v9;
	s1 =	sadd.s32 $0x400, s1;
	s7 =	smov.u32 s0;
	s0 =	sadd.s32 $0x8, s0  }
0x89: {  	v23 =	vadd.s32 v1, v21;
	v24 =	vld.idx.msk [tilespmem:v17+s15+$0x0], $0xffff;
	[tilespmem:s31+$0x80] =	vst v11  }
0x8a: {  	v25 =	vld.idx.msk [tilespmem:v20+s15+$0x0], $0xffff;
	[tilespmem:s31+$0xFFFFFE80] =	vst v14  }
0x8b: {  	v10 =	vadd.s32 s7, v8;
	s8 =	sadd.s32 $0x6, s7;
	s11 =	sadd.s32 $0x7, s7;
	v9 =	vld.idx.msk [tilespmem:v13+s15+$0x0], $0xffff;
	[tilespmem:s31+$0xFFFFFF80] =	vst v18  }
.Ltmp1:
0x8c: {  	s26 =	sadd.s32 $0x4, s7;
	s28 =	sadd.s32 $0x5, s7;
	v10 =	vadd.s32 v1, v10;
	v13 =	vadd.s32 s8, v8;
	v18 =	vadd.s32 s11, v8;
	v11 =	vld.idx.msk [tilespmem:v16+s15+$0x0], $0xffff;
	[tilespmem:s31+$0xFFFFFF00] =	vst v19;
	(pc) =	sbr.rel @p1 .LBB2_5-.Ltmp1, $4  }
0x8d: {  	s8 =	sadd.s32 $0x1, s7;
	s11 =	sadd.s32 $0x2, s7;
	s7 =	sadd.s32 $0x3, s7;
	v16 =	vadd.s32 s26, v8;
	v19 =	vadd.s32 s28, v8;
	v17 =	vadd.s32 v1, v13;
	v14 =	vld.idx.msk [tilespmem:v15+s15+$0x0], $0xffff  }
0x8e: {  	v21 =	vadd.s32 s11, v8;
	v20 =	vadd.s32 v1, v18;
	s31 =	smov.u32 s1;
	v13 =	vadd.s32 v1, v16;
	[tilespmem:s1+$0xFFFFFE00] =	vst v22;
	v18 =	vld.idx.msk [tilespmem:v12+s15+$0x0], $0xffff  }
0x8f: {  	v16 =	vadd.s32 v1, v19;
	v12 =	vadd.s32 s8, v8;
	v22 =	vadd.s32 s7, v8;
	v19 =	vld.idx.msk [tilespmem:v23+s15+$0x0], $0xffff;
	[tilespmem:s1+$0x100] =	vst v24  }
0x90: {  	v15 =	vadd.s32 v1, v12;
	v12 =	vadd.s32 v1, v22;
	[tilespmem:s1+$0x180] =	vst v25  }
0x91: {  	_ =	sdelay $0x3  }
0x92: {  	v8 =	vld.idx.msk [tilespmem:v10+s15+$0x0], $0xffff;
	[tilespmem:s31+$0x0] =	vst v9  }
0x93: {  	v9 =	vld.idx.msk [tilespmem:v17+s15+$0x0], $0xffff;
	[tilespmem:s31+$0x80] =	vst v11  }
0x94: {  	v10 =	vadd.s32 v1, v21;
	v11 =	vld.idx.msk [tilespmem:v20+s15+$0x0], $0xffff;
	[tilespmem:s31+$0xFFFFFE80] =	vst v14  }
0x95: {  	v13 =	vld.idx.msk [tilespmem:v13+s15+$0x0], $0xffff;
	[tilespmem:s31+$0xFFFFFF80] =	vst v18  }
0x96: {  	s0 =	sadd.s32 $0x400, s1;
	v15 =	vld.idx.msk [tilespmem:v15+s15+$0x0], $0xffff;
	[tilespmem:s31+$0xFFFFFF00] =	vst v19  }
0x97: {  	v14 =	vld.idx.msk [tilespmem:v16+s15+$0x0], $0xffff;
	[tilespmem:s0+$0xFFFFFE00] =	vst v8  }
0x98: {  	v8 =	vld.idx.msk [tilespmem:v12+s15+$0x0], $0xffff;
	[tilespmem:s0+$0x100] =	vst v9  }
0x99: {  	v9 =	vld.idx.msk [tilespmem:v10+s15+$0x0], $0xffff;
	[tilespmem:s0+$0x180] =	vst v11  }
0x9a: {  	[tilespmem:s0+$0x0] =	vst v13  }
0x9b: {  	[tilespmem:s0+$0xFFFFFE80] =	vst v15  }
0x9c: {  	[tilespmem:s0+$0x80] =	vst v14  }
0x9d: {  	[tilespmem:s0+$0xFFFFFF80] =	vst v8  }
0x9e: {  	[tilespmem:s0+$0xFFFFFF00] =	vst v9  }
0x9f: {  	v8 =	vld [tilespmem:$0x220];
	_ =	sdelay $0x3  }
0xa0: {  	s8 =	simm.s32 $0x0  }
0xa1: {  	s11 =	simm.s32 $0x6;
	v9 =	vadd.s32 s8, v8  }
0xa2: {  	s26 =	simm.s32 $0x7;
	v10 =	vadd.s32 s11, v8;
	v9 =	vadd.s32 v2, v9  }
0xa3: {  	s7 =	simm.s32 $0x5;
	v11 =	vadd.s32 s26, v8;
	v10 =	vadd.s32 v2, v10  }
0xa4: {  	s28 =	simm.s32 $0x4;
	v13 =	vadd.s32 s7, v8;
	v11 =	vadd.s32 v2, v11  }
0xa5: {  	v12 =	vadd.s32 s28, v8;
	s11 =	simm.s32 $0x3;
	v13 =	vadd.s32 v2, v13  }
0xa6: {  	s8 =	simm.s32 $0x1;
	v12 =	vadd.s32 v2, v12;
	v15 =	vadd.s32 s11, v8  }
0xa7: {  	s26 =	simm.s32 $0x2;
	v14 =	vadd.s32 s8, v8;
	v15 =	vadd.s32 v2, v15;
	v16 =	vld.idx.msk [tilespmem:v9+s15+$0x0], $0xffff  }
0xa8: {  	s8 =	simm.s32 $0xF;
	v14 =	vadd.s32 v2, v14;
	v9 =	vadd.s32 s26, v8;
	v19 =	vld.idx.msk [tilespmem:v10+s15+$0x0], $0xffff  }
0xa9: {  	s28 =	simm.s32 $0x8;
	v18 =	vadd.s32 s8, v8;
	v23 =	vld.idx.msk [tilespmem:v11+s15+$0x0], $0xffff;
	v22 =	vadd.s32 v2, v9  }
0xaa: {  	s1 =	simm.s32 $0xE;
	s7 =	simm.s32 $0xC;
	v20 =	vadd.s32 v2, v18;
	v10 =	vadd.s32 s28, v8;
	v11 =	vld.idx.msk [tilespmem:v13+s15+$0x0], $0xffff  }
0xab: {  	s31 =	simm.s32 $0x8520;
	v13 =	vadd.s32 s7, v8;
	s26 =	simm.s32 $0x9;
	v9 =	vld.idx.msk [tilespmem:v12+s15+$0x0], $0xffff;
	v10 =	vadd.s32 v2, v10;
	v12 =	vadd.s32 s1, v8  }
0xac: {  	s11 =	simm.s32 $0xD;
	s28 =	simm.s32 $0xB;
	v13 =	vadd.s32 v2, v13;
	v18 =	vld.idx.msk [tilespmem:v15+s15+$0x0], $0xffff;
	v15 =	vadd.s32 s26, v8;
	v17 =	vadd.s32 v2, v12;
	[tilespmem:s31+$0xFFFFFE00] =	vst v16  }
0xad: {  	s8 =	simm.s32 $0xA;
	v14 =	vld.idx.msk [tilespmem:v14+s15+$0x0], $0xffff;
	v24 =	vadd.s32 s28, v8;
	v12 =	vadd.s32 s11, v8;
	v15 =	vadd.s32 v2, v15;
	[tilespmem:s31+$0x100] =	vst v19  }
0xae: {  	s0 =	simm.s32 $0x10;
	v21 =	vadd.s32 s8, v8;
	s1 =	simm.s32 $0x8520;
	v16 =	vadd.s32 v2, v12;
	v12 =	vadd.s32 v2, v24;
	[tilespmem:s31+$0x180] =	vst v23;
	v19 =	vld.idx.msk [tilespmem:v22+s15+$0x0], $0xffff  }
.LBB2_7:
0xaf: {  	p1 =	slt.u32 s0, $0x18  }
0xb0: {  	v22 =	vld.idx.msk [tilespmem:v10+s15+$0x0], $0xffff;
	[tilespmem:s31+$0x0] =	vst v9;
	s1 =	sadd.s32 $0x400, s1;
	s7 =	smov.u32 s0;
	s0 =	sadd.s32 $0x8, s0  }
0xb1: {  	v23 =	vadd.s32 v2, v21;
	v24 =	vld.idx.msk [tilespmem:v17+s15+$0x0], $0xffff;
	[tilespmem:s31+$0x80] =	vst v11  }
0xb2: {  	v25 =	vld.idx.msk [tilespmem:v20+s15+$0x0], $0xffff;
	[tilespmem:s31+$0xFFFFFE80] =	vst v14  }
0xb3: {  	v10 =	vadd.s32 s7, v8;
	s8 =	sadd.s32 $0x6, s7;
	s11 =	sadd.s32 $0x7, s7;
	v9 =	vld.idx.msk [tilespmem:v13+s15+$0x0], $0xffff;
	[tilespmem:s31+$0xFFFFFF80] =	vst v18  }
.Ltmp2:
0xb4: {  	s26 =	sadd.s32 $0x4, s7;
	s28 =	sadd.s32 $0x5, s7;
	v10 =	vadd.s32 v2, v10;
	v13 =	vadd.s32 s8, v8;
	v18 =	vadd.s32 s11, v8;
	v11 =	vld.idx.msk [tilespmem:v16+s15+$0x0], $0xffff;
	[tilespmem:s31+$0xFFFFFF00] =	vst v19;
	(pc) =	sbr.rel @p1 .LBB2_7-.Ltmp2, $4  }
0xb5: {  	s8 =	sadd.s32 $0x1, s7;
	s11 =	sadd.s32 $0x2, s7;
	s7 =	sadd.s32 $0x3, s7;
	v16 =	vadd.s32 s26, v8;
	v19 =	vadd.s32 s28, v8;
	v17 =	vadd.s32 v2, v13;
	v14 =	vld.idx.msk [tilespmem:v15+s15+$0x0], $0xffff  }
0xb6: {  	v21 =	vadd.s32 s11, v8;
	v20 =	vadd.s32 v2, v18;
	s31 =	smov.u32 s1;
	v13 =	vadd.s32 v2, v16;
	[tilespmem:s1+$0xFFFFFE00] =	vst v22;
	v18 =	vld.idx.msk [tilespmem:v12+s15+$0x0], $0xffff  }
0xb7: {  	v16 =	vadd.s32 v2, v19;
	v12 =	vadd.s32 s8, v8;
	v22 =	vadd.s32 s7, v8;
	v19 =	vld.idx.msk [tilespmem:v23+s15+$0x0], $0xffff;
	[tilespmem:s1+$0x100] =	vst v24  }
0xb8: {  	v15 =	vadd.s32 v2, v12;
	v12 =	vadd.s32 v2, v22;
	[tilespmem:s1+$0x180] =	vst v25  }
0xb9: {  	_ =	sdelay $0x3  }
0xba: {  	v8 =	vld.idx.msk [tilespmem:v10+s15+$0x0], $0xffff;
	[tilespmem:s31+$0x0] =	vst v9  }
0xbb: {  	v9 =	vld.idx.msk [tilespmem:v17+s15+$0x0], $0xffff;
	[tilespmem:s31+$0x80] =	vst v11  }
0xbc: {  	v10 =	vadd.s32 v2, v21;
	v11 =	vld.idx.msk [tilespmem:v20+s15+$0x0], $0xffff;
	[tilespmem:s31+$0xFFFFFE80] =	vst v14  }
0xbd: {  	v13 =	vld.idx.msk [tilespmem:v13+s15+$0x0], $0xffff;
	[tilespmem:s31+$0xFFFFFF80] =	vst v18  }
0xbe: {  	s0 =	sadd.s32 $0x400, s1;
	v15 =	vld.idx.msk [tilespmem:v15+s15+$0x0], $0xffff;
	[tilespmem:s31+$0xFFFFFF00] =	vst v19  }
0xbf: {  	v14 =	vld.idx.msk [tilespmem:v16+s15+$0x0], $0xffff;
	[tilespmem:s0+$0xFFFFFE00] =	vst v8  }
0xc0: {  	v8 =	vld.idx.msk [tilespmem:v12+s15+$0x0], $0xffff;
	[tilespmem:s0+$0x100] =	vst v9  }
0xc1: {  	v9 =	vld.idx.msk [tilespmem:v10+s15+$0x0], $0xffff;
	[tilespmem:s0+$0x180] =	vst v11  }
0xc2: {  	[tilespmem:s0+$0x0] =	vst v13  }
0xc3: {  	[tilespmem:s0+$0xFFFFFE80] =	vst v15  }
0xc4: {  	[tilespmem:s0+$0x80] =	vst v14  }
0xc5: {  	[tilespmem:s0+$0xFFFFFF80] =	vst v8  }
0xc6: {  	[tilespmem:s0+$0xFFFFFF00] =	vst v9  }
0xc7: {  	v8 =	vld [tilespmem:$0x230];
	_ =	sdelay $0x3  }
0xc8: {  	s8 =	simm.s32 $0x0  }
0xc9: {  	s11 =	simm.s32 $0x6;
	v9 =	vadd.s32 s8, v8  }
0xca: {  	s26 =	simm.s32 $0x7;
	v10 =	vadd.s32 s11, v8;
	v9 =	vadd.s32 v3, v9  }
0xcb: {  	s7 =	simm.s32 $0x5;
	v11 =	vadd.s32 s26, v8;
	v10 =	vadd.s32 v3, v10  }
0xcc: {  	s28 =	simm.s32 $0x4;
	v13 =	vadd.s32 s7, v8;
	v11 =	vadd.s32 v3, v11  }
0xcd: {  	v12 =	vadd.s32 s28, v8;
	s11 =	simm.s32 $0x3;
	v13 =	vadd.s32 v3, v13  }
0xce: {  	s8 =	simm.s32 $0x1;
	v12 =	vadd.s32 v3, v12;
	v15 =	vadd.s32 s11, v8  }
0xcf: {  	s26 =	simm.s32 $0x2;
	v14 =	vadd.s32 s8, v8;
	v15 =	vadd.s32 v3, v15;
	v16 =	vld.idx.msk [tilespmem:v9+s15+$0x0], $0xffff  }
0xd0: {  	s8 =	simm.s32 $0xF;
	v14 =	vadd.s32 v3, v14;
	v9 =	vadd.s32 s26, v8;
	v19 =	vld.idx.msk [tilespmem:v10+s15+$0x0], $0xffff  }
0xd1: {  	s28 =	simm.s32 $0x8;
	v18 =	vadd.s32 s8, v8;
	v23 =	vld.idx.msk [tilespmem:v11+s15+$0x0], $0xffff;
	v22 =	vadd.s32 v3, v9  }
0xd2: {  	s1 =	simm.s32 $0xE;
	s7 =	simm.s32 $0xC;
	v20 =	vadd.s32 v3, v18;
	v10 =	vadd.s32 s28, v8;
	v11 =	vld.idx.msk [tilespmem:v13+s15+$0x0], $0xffff  }
0xd3: {  	s31 =	simm.s32 $0x8530;
	v13 =	vadd.s32 s7, v8;
	s26 =	simm.s32 $0x9;
	v9 =	vld.idx.msk [tilespmem:v12+s15+$0x0], $0xffff;
	v10 =	vadd.s32 v3, v10;
	v12 =	vadd.s32 s1, v8  }
0xd4: {  	s11 =	simm.s32 $0xD;
	s28 =	simm.s32 $0xB;
	v13 =	vadd.s32 v3, v13;
	v18 =	vld.idx.msk [tilespmem:v15+s15+$0x0], $0xffff;
	v15 =	vadd.s32 s26, v8;
	v17 =	vadd.s32 v3, v12;
	[tilespmem:s31+$0xFFFFFE00] =	vst v16  }
0xd5: {  	s8 =	simm.s32 $0xA;
	v14 =	vld.idx.msk [tilespmem:v14+s15+$0x0], $0xffff;
	v24 =	vadd.s32 s28, v8;
	v12 =	vadd.s32 s11, v8;
	v15 =	vadd.s32 v3, v15;
	[tilespmem:s31+$0x100] =	vst v19  }
0xd6: {  	s0 =	simm.s32 $0x10;
	v21 =	vadd.s32 s8, v8;
	s1 =	simm.s32 $0x8530;
	v16 =	vadd.s32 v3, v12;
	v12 =	vadd.s32 v3, v24;
	[tilespmem:s31+$0x180] =	vst v23;
	v19 =	vld.idx.msk [tilespmem:v22+s15+$0x0], $0xffff  }
.LBB2_9:
0xd7: {  	p1 =	slt.u32 s0, $0x18  }
0xd8: {  	v22 =	vld.idx.msk [tilespmem:v10+s15+$0x0], $0xffff;
	[tilespmem:s31+$0x0] =	vst v9;
	s1 =	sadd.s32 $0x400, s1;
	s7 =	smov.u32 s0;
	s0 =	sadd.s32 $0x8, s0  }
0xd9: {  	v23 =	vadd.s32 v3, v21;
	v24 =	vld.idx.msk [tilespmem:v17+s15+$0x0], $0xffff;
	[tilespmem:s31+$0x80] =	vst v11  }
0xda: {  	v25 =	vld.idx.msk [tilespmem:v20+s15+$0x0], $0xffff;
	[tilespmem:s31+$0xFFFFFE80] =	vst v14  }
0xdb: {  	v10 =	vadd.s32 s7, v8;
	s8 =	sadd.s32 $0x6, s7;
	s11 =	sadd.s32 $0x7, s7;
	v9 =	vld.idx.msk [tilespmem:v13+s15+$0x0], $0xffff;
	[tilespmem:s31+$0xFFFFFF80] =	vst v18  }
.Ltmp3:
0xdc: {  	s26 =	sadd.s32 $0x4, s7;
	s28 =	sadd.s32 $0x5, s7;
	v10 =	vadd.s32 v3, v10;
	v13 =	vadd.s32 s8, v8;
	v18 =	vadd.s32 s11, v8;
	v11 =	vld.idx.msk [tilespmem:v16+s15+$0x0], $0xffff;
	[tilespmem:s31+$0xFFFFFF00] =	vst v19;
	(pc) =	sbr.rel @p1 .LBB2_9-.Ltmp3, $4  }
0xdd: {  	s8 =	sadd.s32 $0x1, s7;
	s11 =	sadd.s32 $0x2, s7;
	s7 =	sadd.s32 $0x3, s7;
	v16 =	vadd.s32 s26, v8;
	v19 =	vadd.s32 s28, v8;
	v17 =	vadd.s32 v3, v13;
	v14 =	vld.idx.msk [tilespmem:v15+s15+$0x0], $0xffff  }
0xde: {  	v21 =	vadd.s32 s11, v8;
	v20 =	vadd.s32 v3, v18;
	s31 =	smov.u32 s1;
	v13 =	vadd.s32 v3, v16;
	[tilespmem:s1+$0xFFFFFE00] =	vst v22;
	v18 =	vld.idx.msk [tilespmem:v12+s15+$0x0], $0xffff  }
0xdf: {  	v16 =	vadd.s32 v3, v19;
	v12 =	vadd.s32 s8, v8;
	v22 =	vadd.s32 s7, v8;
	v19 =	vld.idx.msk [tilespmem:v23+s15+$0x0], $0xffff;
	[tilespmem:s1+$0x100] =	vst v24  }
0xe0: {  	v15 =	vadd.s32 v3, v12;
	v12 =	vadd.s32 v3, v22;
	[tilespmem:s1+$0x180] =	vst v25  }
0xe1: {  	_ =	sdelay $0x3  }
0xe2: {  	v8 =	vld.idx.msk [tilespmem:v10+s15+$0x0], $0xffff;
	[tilespmem:s31+$0x0] =	vst v9  }
0xe3: {  	v9 =	vld.idx.msk [tilespmem:v17+s15+$0x0], $0xffff;
	[tilespmem:s31+$0x80] =	vst v11  }
0xe4: {  	v10 =	vadd.s32 v3, v21;
	v11 =	vld.idx.msk [tilespmem:v20+s15+$0x0], $0xffff;
	[tilespmem:s31+$0xFFFFFE80] =	vst v14  }
0xe5: {  	v13 =	vld.idx.msk [tilespmem:v13+s15+$0x0], $0xffff;
	[tilespmem:s31+$0xFFFFFF80] =	vst v18  }
0xe6: {  	s0 =	sadd.s32 $0x400, s1;
	v15 =	vld.idx.msk [tilespmem:v15+s15+$0x0], $0xffff;
	[tilespmem:s31+$0xFFFFFF00] =	vst v19  }
0xe7: {  	v14 =	vld.idx.msk [tilespmem:v16+s15+$0x0], $0xffff;
	[tilespmem:s0+$0xFFFFFE00] =	vst v8  }
0xe8: {  	v8 =	vld.idx.msk [tilespmem:v12+s15+$0x0], $0xffff;
	[tilespmem:s0+$0x100] =	vst v9  }
0xe9: {  	v9 =	vld.idx.msk [tilespmem:v10+s15+$0x0], $0xffff;
	[tilespmem:s0+$0x180] =	vst v11  }
0xea: {  	[tilespmem:s0+$0x0] =	vst v13  }
0xeb: {  	[tilespmem:s0+$0xFFFFFE80] =	vst v15  }
0xec: {  	[tilespmem:s0+$0x80] =	vst v14  }
0xed: {  	[tilespmem:s0+$0xFFFFFF80] =	vst v8  }
0xee: {  	[tilespmem:s0+$0xFFFFFF00] =	vst v9  }
0xef: {  	v8 =	vld [tilespmem:$0x240];
	_ =	sdelay $0x3  }
0xf0: {  	s8 =	simm.s32 $0x0  }
0xf1: {  	s11 =	simm.s32 $0x6;
	v9 =	vadd.s32 s8, v8  }
0xf2: {  	s26 =	simm.s32 $0x7;
	v10 =	vadd.s32 s11, v8;
	v9 =	vadd.s32 v4, v9  }
0xf3: {  	s7 =	simm.s32 $0x5;
	v11 =	vadd.s32 s26, v8;
	v10 =	vadd.s32 v4, v10  }
0xf4: {  	s28 =	simm.s32 $0x4;
	v13 =	vadd.s32 s7, v8;
	v11 =	vadd.s32 v4, v11  }
0xf5: {  	v12 =	vadd.s32 s28, v8;
	s11 =	simm.s32 $0x3;
	v13 =	vadd.s32 v4, v13  }
0xf6: {  	s8 =	simm.s32 $0x1;
	v12 =	vadd.s32 v4, v12;
	v15 =	vadd.s32 s11, v8  }
0xf7: {  	s26 =	simm.s32 $0x2;
	v14 =	vadd.s32 s8, v8;
	v15 =	vadd.s32 v4, v15;
	v16 =	vld.idx.msk [tilespmem:v9+s15+$0x0], $0xffff  }
0xf8: {  	s8 =	simm.s32 $0xF;
	v14 =	vadd.s32 v4, v14;
	v9 =	vadd.s32 s26, v8;
	v19 =	vld.idx.msk [tilespmem:v10+s15+$0x0], $0xffff  }
0xf9: {  	s28 =	simm.s32 $0x8;
	v18 =	vadd.s32 s8, v8;
	v23 =	vld.idx.msk [tilespmem:v11+s15+$0x0], $0xffff;
	v22 =	vadd.s32 v4, v9  }
0xfa: {  	s1 =	simm.s32 $0xE;
	s7 =	simm.s32 $0xC;
	v20 =	vadd.s32 v4, v18;
	v10 =	vadd.s32 s28, v8;
	v11 =	vld.idx.msk [tilespmem:v13+s15+$0x0], $0xffff  }
0xfb: {  	s31 =	simm.s32 $0x8540;
	v13 =	vadd.s32 s7, v8;
	s26 =	simm.s32 $0x9;
	v9 =	vld.idx.msk [tilespmem:v12+s15+$0x0], $0xffff;
	v10 =	vadd.s32 v4, v10;
	v12 =	vadd.s32 s1, v8  }
0xfc: {  	s11 =	simm.s32 $0xD;
	s28 =	simm.s32 $0xB;
	v13 =	vadd.s32 v4, v13;
	v18 =	vld.idx.msk [tilespmem:v15+s15+$0x0], $0xffff;
	v15 =	vadd.s32 s26, v8;
	v17 =	vadd.s32 v4, v12;
	[tilespmem:s31+$0xFFFFFE00] =	vst v16  }
0xfd: {  	s8 =	simm.s32 $0xA;
	v14 =	vld.idx.msk [tilespmem:v14+s15+$0x0], $0xffff;
	v24 =	vadd.s32 s28, v8;
	v12 =	vadd.s32 s11, v8;
	v15 =	vadd.s32 v4, v15;
	[tilespmem:s31+$0x100] =	vst v19  }
0xfe: {  	s0 =	simm.s32 $0x10;
	v21 =	vadd.s32 s8, v8;
	s1 =	simm.s32 $0x8540;
	v16 =	vadd.s32 v4, v12;
	v12 =	vadd.s32 v4, v24;
	[tilespmem:s31+$0x180] =	vst v23;
	v19 =	vld.idx.msk [tilespmem:v22+s15+$0x0], $0xffff  }
.LBB2_11:
0xff: {  	p1 =	slt.u32 s0, $0x18  }
0x100: {  	v22 =	vld.idx.msk [tilespmem:v10+s15+$0x0], $0xffff;
	[tilespmem:s31+$0x0] =	vst v9;
	s1 =	sadd.s32 $0x400, s1;
	s7 =	smov.u32 s0;
	s0 =	sadd.s32 $0x8, s0  }
0x101: {  	v23 =	vadd.s32 v4, v21;
	v24 =	vld.idx.msk [tilespmem:v17+s15+$0x0], $0xffff;
	[tilespmem:s31+$0x80] =	vst v11  }
0x102: {  	v25 =	vld.idx.msk [tilespmem:v20+s15+$0x0], $0xffff;
	[tilespmem:s31+$0xFFFFFE80] =	vst v14  }
0x103: {  	v10 =	vadd.s32 s7, v8;
	s8 =	sadd.s32 $0x6, s7;
	s11 =	sadd.s32 $0x7, s7;
	v9 =	vld.idx.msk [tilespmem:v13+s15+$0x0], $0xffff;
	[tilespmem:s31+$0xFFFFFF80] =	vst v18  }
.Ltmp4:
0x104: {  	s26 =	sadd.s32 $0x4, s7;
	s28 =	sadd.s32 $0x5, s7;
	v10 =	vadd.s32 v4, v10;
	v13 =	vadd.s32 s8, v8;
	v18 =	vadd.s32 s11, v8;
	v11 =	vld.idx.msk [tilespmem:v16+s15+$0x0], $0xffff;
	[tilespmem:s31+$0xFFFFFF00] =	vst v19;
	(pc) =	sbr.rel @p1 .LBB2_11-.Ltmp4, $4  }
0x105: {  	s8 =	sadd.s32 $0x1, s7;
	s11 =	sadd.s32 $0x2, s7;
	s7 =	sadd.s32 $0x3, s7;
	v16 =	vadd.s32 s26, v8;
	v19 =	vadd.s32 s28, v8;
	v17 =	vadd.s32 v4, v13;
	v14 =	vld.idx.msk [tilespmem:v15+s15+$0x0], $0xffff  }
0x106: {  	v21 =	vadd.s32 s11, v8;
	v20 =	vadd.s32 v4, v18;
	s31 =	smov.u32 s1;
	v13 =	vadd.s32 v4, v16;
	[tilespmem:s1+$0xFFFFFE00] =	vst v22;
	v18 =	vld.idx.msk [tilespmem:v12+s15+$0x0], $0xffff  }
0x107: {  	v16 =	vadd.s32 v4, v19;
	v12 =	vadd.s32 s8, v8;
	v22 =	vadd.s32 s7, v8;
	v19 =	vld.idx.msk [tilespmem:v23+s15+$0x0], $0xffff;
	[tilespmem:s1+$0x100] =	vst v24  }
0x108: {  	v15 =	vadd.s32 v4, v12;
	v12 =	vadd.s32 v4, v22;
	[tilespmem:s1+$0x180] =	vst v25  }
0x109: {  	_ =	sdelay $0x3  }
0x10a: {  	v8 =	vld.idx.msk [tilespmem:v10+s15+$0x0], $0xffff;
	[tilespmem:s31+$0x0] =	vst v9  }
0x10b: {  	v9 =	vld.idx.msk [tilespmem:v17+s15+$0x0], $0xffff;
	[tilespmem:s31+$0x80] =	vst v11  }
0x10c: {  	v10 =	vadd.s32 v4, v21;
	v11 =	vld.idx.msk [tilespmem:v20+s15+$0x0], $0xffff;
	[tilespmem:s31+$0xFFFFFE80] =	vst v14  }
0x10d: {  	v13 =	vld.idx.msk [tilespmem:v13+s15+$0x0], $0xffff;
	[tilespmem:s31+$0xFFFFFF80] =	vst v18  }
0x10e: {  	s0 =	sadd.s32 $0x400, s1;
	v15 =	vld.idx.msk [tilespmem:v15+s15+$0x0], $0xffff;
	[tilespmem:s31+$0xFFFFFF00] =	vst v19  }
0x10f: {  	v14 =	vld.idx.msk [tilespmem:v16+s15+$0x0], $0xffff;
	[tilespmem:s0+$0xFFFFFE00] =	vst v8  }
0x110: {  	v8 =	vld.idx.msk [tilespmem:v12+s15+$0x0], $0xffff;
	[tilespmem:s0+$0x100] =	vst v9  }
0x111: {  	v9 =	vld.idx.msk [tilespmem:v10+s15+$0x0], $0xffff;
	[tilespmem:s0+$0x180] =	vst v11  }
0x112: {  	[tilespmem:s0+$0x0] =	vst v13  }
0x113: {  	[tilespmem:s0+$0xFFFFFE80] =	vst v15  }
0x114: {  	[tilespmem:s0+$0x80] =	vst v14  }
0x115: {  	[tilespmem:s0+$0xFFFFFF80] =	vst v8  }
0x116: {  	[tilespmem:s0+$0xFFFFFF00] =	vst v9  }
0x117: {  	v8 =	vld [tilespmem:$0x250];
	_ =	sdelay $0x3  }
0x118: {  	s8 =	simm.s32 $0x0  }
0x119: {  	s11 =	simm.s32 $0x6;
	v9 =	vadd.s32 s8, v8  }
0x11a: {  	s26 =	simm.s32 $0x7;
	v10 =	vadd.s32 s11, v8;
	v9 =	vadd.s32 v5, v9  }
0x11b: {  	s7 =	simm.s32 $0x5;
	v11 =	vadd.s32 s26, v8;
	v10 =	vadd.s32 v5, v10  }
0x11c: {  	s28 =	simm.s32 $0x4;
	v13 =	vadd.s32 s7, v8;
	v11 =	vadd.s32 v5, v11  }
0x11d: {  	v12 =	vadd.s32 s28, v8;
	s11 =	simm.s32 $0x3;
	v13 =	vadd.s32 v5, v13  }
0x11e: {  	s8 =	simm.s32 $0x1;
	v12 =	vadd.s32 v5, v12;
	v15 =	vadd.s32 s11, v8  }
0x11f: {  	s26 =	simm.s32 $0x2;
	v14 =	vadd.s32 s8, v8;
	v15 =	vadd.s32 v5, v15;
	v16 =	vld.idx.msk [tilespmem:v9+s15+$0x0], $0xffff  }
0x120: {  	s8 =	simm.s32 $0xF;
	v14 =	vadd.s32 v5, v14;
	v9 =	vadd.s32 s26, v8;
	v19 =	vld.idx.msk [tilespmem:v10+s15+$0x0], $0xffff  }
0x121: {  	s28 =	simm.s32 $0x8;
	v18 =	vadd.s32 s8, v8;
	v23 =	vld.idx.msk [tilespmem:v11+s15+$0x0], $0xffff;
	v22 =	vadd.s32 v5, v9  }
0x122: {  	s1 =	simm.s32 $0xE;
	s7 =	simm.s32 $0xC;
	v20 =	vadd.s32 v5, v18;
	v10 =	vadd.s32 s28, v8;
	v11 =	vld.idx.msk [tilespmem:v13+s15+$0x0], $0xffff  }
0x123: {  	s31 =	simm.s32 $0x8550;
	v13 =	vadd.s32 s7, v8;
	s26 =	simm.s32 $0x9;
	v9 =	vld.idx.msk [tilespmem:v12+s15+$0x0], $0xffff;
	v10 =	vadd.s32 v5, v10;
	v12 =	vadd.s32 s1, v8  }
0x124: {  	s11 =	simm.s32 $0xD;
	s28 =	simm.s32 $0xB;
	v13 =	vadd.s32 v5, v13;
	v18 =	vld.idx.msk [tilespmem:v15+s15+$0x0], $0xffff;
	v15 =	vadd.s32 s26, v8;
	v17 =	vadd.s32 v5, v12;
	[tilespmem:s31+$0xFFFFFE00] =	vst v16  }
0x125: {  	s8 =	simm.s32 $0xA;
	v14 =	vld.idx.msk [tilespmem:v14+s15+$0x0], $0xffff;
	v24 =	vadd.s32 s28, v8;
	v12 =	vadd.s32 s11, v8;
	v15 =	vadd.s32 v5, v15;
	[tilespmem:s31+$0x100] =	vst v19  }
0x126: {  	s0 =	simm.s32 $0x10;
	v21 =	vadd.s32 s8, v8;
	s1 =	simm.s32 $0x8550;
	v16 =	vadd.s32 v5, v12;
	v12 =	vadd.s32 v5, v24;
	[tilespmem:s31+$0x180] =	vst v23;
	v19 =	vld.idx.msk [tilespmem:v22+s15+$0x0], $0xffff  }
.LBB2_13:
0x127: {  	p1 =	slt.u32 s0, $0x18  }
0x128: {  	v22 =	vld.idx.msk [tilespmem:v10+s15+$0x0], $0xffff;
	[tilespmem:s31+$0x0] =	vst v9;
	s1 =	sadd.s32 $0x400, s1;
	s7 =	smov.u32 s0;
	s0 =	sadd.s32 $0x8, s0  }
0x129: {  	v23 =	vadd.s32 v5, v21;
	v24 =	vld.idx.msk [tilespmem:v17+s15+$0x0], $0xffff;
	[tilespmem:s31+$0x80] =	vst v11  }
0x12a: {  	v25 =	vld.idx.msk [tilespmem:v20+s15+$0x0], $0xffff;
	[tilespmem:s31+$0xFFFFFE80] =	vst v14  }
0x12b: {  	v10 =	vadd.s32 s7, v8;
	s8 =	sadd.s32 $0x6, s7;
	s11 =	sadd.s32 $0x7, s7;
	v9 =	vld.idx.msk [tilespmem:v13+s15+$0x0], $0xffff;
	[tilespmem:s31+$0xFFFFFF80] =	vst v18  }
.Ltmp5:
0x12c: {  	s26 =	sadd.s32 $0x4, s7;
	s28 =	sadd.s32 $0x5, s7;
	v10 =	vadd.s32 v5, v10;
	v13 =	vadd.s32 s8, v8;
	v18 =	vadd.s32 s11, v8;
	v11 =	vld.idx.msk [tilespmem:v16+s15+$0x0], $0xffff;
	[tilespmem:s31+$0xFFFFFF00] =	vst v19;
	(pc) =	sbr.rel @p1 .LBB2_13-.Ltmp5, $4  }
0x12d: {  	s8 =	sadd.s32 $0x1, s7;
	s11 =	sadd.s32 $0x2, s7;
	s7 =	sadd.s32 $0x3, s7;
	v16 =	vadd.s32 s26, v8;
	v19 =	vadd.s32 s28, v8;
	v17 =	vadd.s32 v5, v13;
	v14 =	vld.idx.msk [tilespmem:v15+s15+$0x0], $0xffff  }
0x12e: {  	v21 =	vadd.s32 s11, v8;
	v20 =	vadd.s32 v5, v18;
	s31 =	smov.u32 s1;
	v13 =	vadd.s32 v5, v16;
	[tilespmem:s1+$0xFFFFFE00] =	vst v22;
	v18 =	vld.idx.msk [tilespmem:v12+s15+$0x0], $0xffff  }
0x12f: {  	v16 =	vadd.s32 v5, v19;
	v12 =	vadd.s32 s8, v8;
	v22 =	vadd.s32 s7, v8;
	v19 =	vld.idx.msk [tilespmem:v23+s15+$0x0], $0xffff;
	[tilespmem:s1+$0x100] =	vst v24  }
0x130: {  	v15 =	vadd.s32 v5, v12;
	v12 =	vadd.s32 v5, v22;
	[tilespmem:s1+$0x180] =	vst v25  }
0x131: {  	_ =	sdelay $0x3  }
0x132: {  	v8 =	vld.idx.msk [tilespmem:v10+s15+$0x0], $0xffff;
	[tilespmem:s31+$0x0] =	vst v9  }
0x133: {  	v9 =	vld.idx.msk [tilespmem:v17+s15+$0x0], $0xffff;
	[tilespmem:s31+$0x80] =	vst v11  }
0x134: {  	v10 =	vadd.s32 v5, v21;
	v11 =	vld.idx.msk [tilespmem:v20+s15+$0x0], $0xffff;
	[tilespmem:s31+$0xFFFFFE80] =	vst v14  }
0x135: {  	v13 =	vld.idx.msk [tilespmem:v13+s15+$0x0], $0xffff;
	[tilespmem:s31+$0xFFFFFF80] =	vst v18  }
0x136: {  	s0 =	sadd.s32 $0x400, s1;
	v15 =	vld.idx.msk [tilespmem:v15+s15+$0x0], $0xffff;
	[tilespmem:s31+$0xFFFFFF00] =	vst v19  }
0x137: {  	v14 =	vld.idx.msk [tilespmem:v16+s15+$0x0], $0xffff;
	[tilespmem:s0+$0xFFFFFE00] =	vst v8  }
0x138: {  	v8 =	vld.idx.msk [tilespmem:v12+s15+$0x0], $0xffff;
	[tilespmem:s0+$0x100] =	vst v9  }
0x139: {  	v9 =	vld.idx.msk [tilespmem:v10+s15+$0x0], $0xffff;
	[tilespmem:s0+$0x180] =	vst v11  }
0x13a: {  	[tilespmem:s0+$0x0] =	vst v13  }
0x13b: {  	[tilespmem:s0+$0xFFFFFE80] =	vst v15  }
0x13c: {  	[tilespmem:s0+$0x80] =	vst v14  }
0x13d: {  	[tilespmem:s0+$0xFFFFFF80] =	vst v8  }
0x13e: {  	[tilespmem:s0+$0xFFFFFF00] =	vst v9  }
0x13f: {  	v8 =	vld [tilespmem:$0x260];
	_ =	sdelay $0x3  }
0x140: {  	s8 =	simm.s32 $0x0  }
0x141: {  	s11 =	simm.s32 $0x6;
	v9 =	vadd.s32 s8, v8  }
0x142: {  	s26 =	simm.s32 $0x7;
	v10 =	vadd.s32 s11, v8;
	v9 =	vadd.s32 v6, v9  }
0x143: {  	s7 =	simm.s32 $0x5;
	v11 =	vadd.s32 s26, v8;
	v10 =	vadd.s32 v6, v10  }
0x144: {  	s28 =	simm.s32 $0x4;
	v13 =	vadd.s32 s7, v8;
	v11 =	vadd.s32 v6, v11  }
0x145: {  	v12 =	vadd.s32 s28, v8;
	s11 =	simm.s32 $0x3;
	v13 =	vadd.s32 v6, v13  }
0x146: {  	s8 =	simm.s32 $0x1;
	v12 =	vadd.s32 v6, v12;
	v15 =	vadd.s32 s11, v8  }
0x147: {  	s26 =	simm.s32 $0x2;
	v14 =	vadd.s32 s8, v8;
	v15 =	vadd.s32 v6, v15;
	v16 =	vld.idx.msk [tilespmem:v9+s15+$0x0], $0xffff  }
0x148: {  	s8 =	simm.s32 $0xF;
	v14 =	vadd.s32 v6, v14;
	v9 =	vadd.s32 s26, v8;
	v19 =	vld.idx.msk [tilespmem:v10+s15+$0x0], $0xffff  }
0x149: {  	s28 =	simm.s32 $0x8;
	v18 =	vadd.s32 s8, v8;
	v23 =	vld.idx.msk [tilespmem:v11+s15+$0x0], $0xffff;
	v22 =	vadd.s32 v6, v9  }
0x14a: {  	s1 =	simm.s32 $0xE;
	s7 =	simm.s32 $0xC;
	v20 =	vadd.s32 v6, v18;
	v10 =	vadd.s32 s28, v8;
	v11 =	vld.idx.msk [tilespmem:v13+s15+$0x0], $0xffff  }
0x14b: {  	s31 =	simm.s32 $0x8560;
	v13 =	vadd.s32 s7, v8;
	s26 =	simm.s32 $0x9;
	v9 =	vld.idx.msk [tilespmem:v12+s15+$0x0], $0xffff;
	v10 =	vadd.s32 v6, v10;
	v12 =	vadd.s32 s1, v8  }
0x14c: {  	s11 =	simm.s32 $0xD;
	s28 =	simm.s32 $0xB;
	v13 =	vadd.s32 v6, v13;
	v18 =	vld.idx.msk [tilespmem:v15+s15+$0x0], $0xffff;
	v15 =	vadd.s32 s26, v8;
	v17 =	vadd.s32 v6, v12;
	[tilespmem:s31+$0xFFFFFE00] =	vst v16  }
0x14d: {  	s8 =	simm.s32 $0xA;
	v14 =	vld.idx.msk [tilespmem:v14+s15+$0x0], $0xffff;
	v24 =	vadd.s32 s28, v8;
	v12 =	vadd.s32 s11, v8;
	v15 =	vadd.s32 v6, v15;
	[tilespmem:s31+$0x100] =	vst v19  }
0x14e: {  	s0 =	simm.s32 $0x10;
	v21 =	vadd.s32 s8, v8;
	s1 =	simm.s32 $0x8560;
	v16 =	vadd.s32 v6, v12;
	v12 =	vadd.s32 v6, v24;
	[tilespmem:s31+$0x180] =	vst v23;
	v19 =	vld.idx.msk [tilespmem:v22+s15+$0x0], $0xffff  }
.LBB2_15:
0x14f: {  	p1 =	slt.u32 s0, $0x18  }
0x150: {  	v22 =	vld.idx.msk [tilespmem:v10+s15+$0x0], $0xffff;
	[tilespmem:s31+$0x0] =	vst v9;
	s1 =	sadd.s32 $0x400, s1;
	s7 =	smov.u32 s0;
	s0 =	sadd.s32 $0x8, s0  }
0x151: {  	v23 =	vadd.s32 v6, v21;
	v24 =	vld.idx.msk [tilespmem:v17+s15+$0x0], $0xffff;
	[tilespmem:s31+$0x80] =	vst v11  }
0x152: {  	v25 =	vld.idx.msk [tilespmem:v20+s15+$0x0], $0xffff;
	[tilespmem:s31+$0xFFFFFE80] =	vst v14  }
0x153: {  	v10 =	vadd.s32 s7, v8;
	s8 =	sadd.s32 $0x6, s7;
	s11 =	sadd.s32 $0x7, s7;
	v9 =	vld.idx.msk [tilespmem:v13+s15+$0x0], $0xffff;
	[tilespmem:s31+$0xFFFFFF80] =	vst v18  }
.Ltmp6:
0x154: {  	s26 =	sadd.s32 $0x4, s7;
	s28 =	sadd.s32 $0x5, s7;
	v10 =	vadd.s32 v6, v10;
	v13 =	vadd.s32 s8, v8;
	v18 =	vadd.s32 s11, v8;
	v11 =	vld.idx.msk [tilespmem:v16+s15+$0x0], $0xffff;
	[tilespmem:s31+$0xFFFFFF00] =	vst v19;
	(pc) =	sbr.rel @p1 .LBB2_15-.Ltmp6, $4  }
0x155: {  	s8 =	sadd.s32 $0x1, s7;
	s11 =	sadd.s32 $0x2, s7;
	s7 =	sadd.s32 $0x3, s7;
	v16 =	vadd.s32 s26, v8;
	v19 =	vadd.s32 s28, v8;
	v17 =	vadd.s32 v6, v13;
	v14 =	vld.idx.msk [tilespmem:v15+s15+$0x0], $0xffff  }
0x156: {  	v21 =	vadd.s32 s11, v8;
	v20 =	vadd.s32 v6, v18;
	s31 =	smov.u32 s1;
	v13 =	vadd.s32 v6, v16;
	[tilespmem:s1+$0xFFFFFE00] =	vst v22;
	v18 =	vld.idx.msk [tilespmem:v12+s15+$0x0], $0xffff  }
0x157: {  	v16 =	vadd.s32 v6, v19;
	v12 =	vadd.s32 s8, v8;
	v22 =	vadd.s32 s7, v8;
	v19 =	vld.idx.msk [tilespmem:v23+s15+$0x0], $0xffff;
	[tilespmem:s1+$0x100] =	vst v24  }
0x158: {  	v15 =	vadd.s32 v6, v12;
	v12 =	vadd.s32 v6, v22;
	[tilespmem:s1+$0x180] =	vst v25  }
0x159: {  	_ =	sdelay $0x3  }
0x15a: {  	v8 =	vld.idx.msk [tilespmem:v10+s15+$0x0], $0xffff;
	[tilespmem:s31+$0x0] =	vst v9  }
0x15b: {  	v9 =	vld.idx.msk [tilespmem:v17+s15+$0x0], $0xffff;
	[tilespmem:s31+$0x80] =	vst v11  }
0x15c: {  	v10 =	vadd.s32 v6, v21;
	v11 =	vld.idx.msk [tilespmem:v20+s15+$0x0], $0xffff;
	[tilespmem:s31+$0xFFFFFE80] =	vst v14  }
0x15d: {  	v13 =	vld.idx.msk [tilespmem:v13+s15+$0x0], $0xffff;
	[tilespmem:s31+$0xFFFFFF80] =	vst v18  }
0x15e: {  	s0 =	sadd.s32 $0x400, s1;
	v15 =	vld.idx.msk [tilespmem:v15+s15+$0x0], $0xffff;
	[tilespmem:s31+$0xFFFFFF00] =	vst v19  }
0x15f: {  	v14 =	vld.idx.msk [tilespmem:v16+s15+$0x0], $0xffff;
	[tilespmem:s0+$0xFFFFFE00] =	vst v8  }
0x160: {  	v8 =	vld.idx.msk [tilespmem:v12+s15+$0x0], $0xffff;
	[tilespmem:s0+$0x100] =	vst v9  }
0x161: {  	v9 =	vld.idx.msk [tilespmem:v10+s15+$0x0], $0xffff;
	[tilespmem:s0+$0x180] =	vst v11  }
0x162: {  	[tilespmem:s0+$0x0] =	vst v13  }
0x163: {  	[tilespmem:s0+$0xFFFFFE80] =	vst v15  }
0x164: {  	[tilespmem:s0+$0x80] =	vst v14  }
0x165: {  	[tilespmem:s0+$0xFFFFFF80] =	vst v8  }
0x166: {  	[tilespmem:s0+$0xFFFFFF00] =	vst v9  }
0x167: {  	v8 =	vld [tilespmem:$0x270];
	_ =	sdelay $0x3  }
0x168: {  	s8 =	simm.s32 $0x0  }
0x169: {  	s11 =	simm.s32 $0x6;
	v9 =	vadd.s32 s8, v8  }
0x16a: {  	s26 =	simm.s32 $0x7;
	v10 =	vadd.s32 s11, v8;
	v9 =	vadd.s32 v7, v9  }
0x16b: {  	s7 =	simm.s32 $0x5;
	v11 =	vadd.s32 s26, v8;
	v10 =	vadd.s32 v7, v10  }
0x16c: {  	s28 =	simm.s32 $0x4;
	v13 =	vadd.s32 s7, v8;
	v11 =	vadd.s32 v7, v11  }
0x16d: {  	v12 =	vadd.s32 s28, v8;
	s11 =	simm.s32 $0x3;
	v13 =	vadd.s32 v7, v13  }
0x16e: {  	s8 =	simm.s32 $0x1;
	v12 =	vadd.s32 v7, v12;
	v15 =	vadd.s32 s11, v8  }
0x16f: {  	s26 =	simm.s32 $0x2;
	v14 =	vadd.s32 s8, v8;
	v15 =	vadd.s32 v7, v15;
	v16 =	vld.idx.msk [tilespmem:v9+s15+$0x0], $0xffff  }
0x170: {  	s8 =	simm.s32 $0xF;
	v14 =	vadd.s32 v7, v14;
	v9 =	vadd.s32 s26, v8;
	v19 =	vld.idx.msk [tilespmem:v10+s15+$0x0], $0xffff  }
0x171: {  	s28 =	simm.s32 $0x8;
	v18 =	vadd.s32 s8, v8;
	v23 =	vld.idx.msk [tilespmem:v11+s15+$0x0], $0xffff;
	v22 =	vadd.s32 v7, v9  }
0x172: {  	s1 =	simm.s32 $0xE;
	s7 =	simm.s32 $0xC;
	v20 =	vadd.s32 v7, v18;
	v10 =	vadd.s32 s28, v8;
	v11 =	vld.idx.msk [tilespmem:v13+s15+$0x0], $0xffff  }
0x173: {  	s31 =	simm.s32 $0x8570;
	v13 =	vadd.s32 s7, v8;
	s26 =	simm.s32 $0x9;
	v9 =	vld.idx.msk [tilespmem:v12+s15+$0x0], $0xffff;
	v10 =	vadd.s32 v7, v10;
	v12 =	vadd.s32 s1, v8  }
0x174: {  	s11 =	simm.s32 $0xD;
	s28 =	simm.s32 $0xB;
	v13 =	vadd.s32 v7, v13;
	v18 =	vld.idx.msk [tilespmem:v15+s15+$0x0], $0xffff;
	v15 =	vadd.s32 s26, v8;
	v17 =	vadd.s32 v7, v12;
	[tilespmem:s31+$0xFFFFFE00] =	vst v16  }
0x175: {  	s8 =	simm.s32 $0xA;
	v14 =	vld.idx.msk [tilespmem:v14+s15+$0x0], $0xffff;
	v24 =	vadd.s32 s28, v8;
	v12 =	vadd.s32 s11, v8;
	v15 =	vadd.s32 v7, v15;
	[tilespmem:s31+$0x100] =	vst v19  }
0x176: {  	s0 =	simm.s32 $0x10;
	v21 =	vadd.s32 s8, v8;
	s1 =	simm.s32 $0x8570;
	v16 =	vadd.s32 v7, v12;
	v12 =	vadd.s32 v7, v24;
	[tilespmem:s31+$0x180] =	vst v23;
	v19 =	vld.idx.msk [tilespmem:v22+s15+$0x0], $0xffff  }
.LBB2_17:
0x177: {  	p1 =	slt.u32 s0, $0x18  }
0x178: {  	v22 =	vld.idx.msk [tilespmem:v10+s15+$0x0], $0xffff;
	[tilespmem:s31+$0x0] =	vst v9;
	s1 =	sadd.s32 $0x400, s1;
	s7 =	smov.u32 s0;
	s0 =	sadd.s32 $0x8, s0  }
0x179: {  	v23 =	vadd.s32 v7, v21;
	v24 =	vld.idx.msk [tilespmem:v17+s15+$0x0], $0xffff;
	[tilespmem:s31+$0x80] =	vst v11  }
0x17a: {  	v25 =	vld.idx.msk [tilespmem:v20+s15+$0x0], $0xffff;
	[tilespmem:s31+$0xFFFFFE80] =	vst v14  }
0x17b: {  	v10 =	vadd.s32 s7, v8;
	s8 =	sadd.s32 $0x6, s7;
	s11 =	sadd.s32 $0x7, s7;
	v9 =	vld.idx.msk [tilespmem:v13+s15+$0x0], $0xffff;
	[tilespmem:s31+$0xFFFFFF80] =	vst v18  }
.Ltmp7:
0x17c: {  	s26 =	sadd.s32 $0x4, s7;
	s28 =	sadd.s32 $0x5, s7;
	v10 =	vadd.s32 v7, v10;
	v13 =	vadd.s32 s8, v8;
	v18 =	vadd.s32 s11, v8;
	v11 =	vld.idx.msk [tilespmem:v16+s15+$0x0], $0xffff;
	[tilespmem:s31+$0xFFFFFF00] =	vst v19;
	(pc) =	sbr.rel @p1 .LBB2_17-.Ltmp7, $4  }
0x17d: {  	s8 =	sadd.s32 $0x1, s7;
	s11 =	sadd.s32 $0x2, s7;
	s7 =	sadd.s32 $0x3, s7;
	v16 =	vadd.s32 s26, v8;
	v19 =	vadd.s32 s28, v8;
	v17 =	vadd.s32 v7, v13;
	v14 =	vld.idx.msk [tilespmem:v15+s15+$0x0], $0xffff  }
0x17e: {  	v21 =	vadd.s32 s11, v8;
	v20 =	vadd.s32 v7, v18;
	s31 =	smov.u32 s1;
	v13 =	vadd.s32 v7, v16;
	[tilespmem:s1+$0xFFFFFE00] =	vst v22;
	v18 =	vld.idx.msk [tilespmem:v12+s15+$0x0], $0xffff  }
0x17f: {  	v16 =	vadd.s32 v7, v19;
	v12 =	vadd.s32 s8, v8;
	v22 =	vadd.s32 s7, v8;
	v19 =	vld.idx.msk [tilespmem:v23+s15+$0x0], $0xffff;
	[tilespmem:s1+$0x100] =	vst v24  }
0x180: {  	v15 =	vadd.s32 v7, v12;
	v12 =	vadd.s32 v7, v22;
	[tilespmem:s1+$0x180] =	vst v25  }
0x181: {  	_ =	sdelay $0x3  }
0x182: {  	v8 =	vld.idx.msk [tilespmem:v10+s15+$0x0], $0xffff;
	[tilespmem:s31+$0x0] =	vst v9  }
0x183: {  	v59 =	vld.idx.msk [tilespmem:v17+s15+$0x0], $0xffff;
	[tilespmem:s31+$0x80] =	vst v11  }
0x184: {  	v60 =	vadd.s32 v7, v21;
	v61 =	vld.idx.msk [tilespmem:v20+s15+$0x0], $0xffff;
	[tilespmem:s31+$0xFFFFFE80] =	vst v14  }
0x185: {  	v13 =	vld.idx.msk [tilespmem:v13+s15+$0x0], $0xffff;
	[tilespmem:s31+$0xFFFFFF80] =	vst v18  }
0x186: {  	s0 =	sadd.s32 $0x400, s1;
	v62 =	vld.idx.msk [tilespmem:v16+s15+$0x0], $0xffff;
	[tilespmem:s31+$0xFFFFFF00] =	vst v19  }
0x187: {  	v15 =	vld.idx.msk [tilespmem:v15+s15+$0x0], $0xffff;
	[tilespmem:s0+$0xFFFFFE00] =	vst v8  }
0x188: {  	v8 =	vld.idx.msk [tilespmem:v12+s15+$0x0], $0xffff;
	[tilespmem:s0+$0x100] =	vst v59  }
0x189: {  	v63 =	vld.idx.msk [tilespmem:v60+s15+$0x0], $0xffff;
	[tilespmem:s0+$0x180] =	vst v61  }
0x18a: {  	s28 =	sadd.s32 s4, s30;
	p1 =	sne.s32 s29, $0x63;
	[tilespmem:s0+$0x0] =	vst v13  }
.Ltmp8:
0x18b: {  	s7 =	sshll.u32 s28, $0x7;
	[tilespmem:s0+$0x80] =	vst v62;
	(pc) =	sbr.rel @p1 .LBB2_20-.Ltmp8, $4  }
0x18c: {  	s1 =	sshll.u32 s28, $0x9;
	s7 =	sand.u32 $0x3F00, s7;
	[tilespmem:s0+$0xFFFFFE80] =	vst v15  }
0x18d: {  	s1 =	sand.u32 $0xFFF0000, s1;
	s7 =	sadd.s32 s3, s7;
	[tilespmem:s0+$0xFFFFFF80] =	vst v8  }
0x18e: {  	s31 =	sadd.s32 s1, s7;
	[tilespmem:s0+$0xFFFFFF00] =	vst v63  }
0x18f: {  	[hbm4b:s31+s20] =	stream.strided.scatter [tilespmem:s22], [sflag:$0x5], $0x1000, s21, s20, $0x38;
	[tilespmem:$0xA300] =	vst v63  }
.Ltmp9:
0x190: {  	(pc) =	sbr.rel .LBB2_21-.Ltmp9, $4  }
0x191: {  	_ = 	snop  }
0x192: {  	_ =	swait.ge [sflag:s23], $0x4000  }
0x193: {  	[sflag:s23] =	ssyncset.done $0x0  }
0x194: {  	[sflag:s23] =	ssyncadd.s32 $0xFFFFC000  }
.LBB2_20:
0x195: {  	_ =	swait.ge [sflag:s13], $0x80  }
0x196: {  	[sflag:s13] =	ssyncset.done $0x0  }
0x197: {  	[sflag:s13] =	ssyncadd.s32 $0xFFFFFF80  }
0x198: {  	v8 =	vld [tilespmem:$0x0];
	_ =	sdelay $0x1  }
0x199: {  	v9 =	vld [tilespmem:$0x10];
	_ =	sdelay $0x1  }
0x19a: {  	v10 =	vld [tilespmem:$0x20]  }
0x19b: {  	v11 =	vshrl.u32 v8, $0x2;
	v8 =	vshll.u32 v8, $0x5  }
0x19c: {  	v58 =	vld [tilespmem:$0x30];
	[tilespmem:$0x100] =	vst v11;
	v8 =	vand.u32 $0x60, v8  }
0x19d: {  	[tilespmem:$0x200] =	vst v8;
	v8 =	vshrl.u32 v9, $0x2;
	v9 =	vshll.u32 v9, $0x5  }
0x19e: {  	v59 =	vld [tilespmem:$0x40];
	[tilespmem:$0x110] =	vst v8;
	v8 =	vand.u32 $0x60, v9  }
0x19f: {  	[tilespmem:$0x210] =	vst v8;
	v8 =	vshrl.u32 v10, $0x2;
	v10 =	vshll.u32 v10, $0x5  }
0x1a0: {  	v60 =	vld [tilespmem:$0x50];
	[tilespmem:$0x120] =	vst v8;
	v8 =	vand.u32 $0x60, v10  }
0x1a1: {  	v11 =	vshll.u32 v58, $0x5;
	[tilespmem:$0x220] =	vst v8;
	v8 =	vshrl.u32 v58, $0x2  }
0x1a2: {  	v61 =	vld [tilespmem:$0x60];
	[tilespmem:$0x130] =	vst v8;
	v8 =	vand.u32 $0x60, v11  }
0x1a3: {  	v9 =	vshll.u32 v59, $0x5;
	[tilespmem:$0x230] =	vst v8;
	v8 =	vshrl.u32 v59, $0x2  }
0x1a4: {  	v62 =	vld [tilespmem:$0x70];
	[tilespmem:$0x140] =	vst v8;
	v8 =	vand.u32 $0x60, v9  }
0x1a5: {  	v10 =	vshll.u32 v60, $0x5;
	[tilespmem:$0x240] =	vst v8;
	v8 =	vshrl.u32 v60, $0x2  }
0x1a6: {  	s0 =	sadd.s32 s30, s10;
	[tilespmem:$0x150] =	vst v8;
	v8 =	vand.u32 $0x60, v10  }
0x1a7: {  	s1 =	sshll.u32 s0, $0xA;
	v63 =	vshll.u32 v61, $0x5;
	[tilespmem:$0x250] =	vst v8;
	v8 =	vshrl.u32 v61, $0x2  }
0x1a8: {  	s7 =	sshll.u32 s0, $0x7;
	s0 =	sand.u32 $0x380, s0;
	s1 =	sand.u32 $0x1FC00, s1;
	[tilespmem:$0x160] =	vst v8;
	v8 =	vand.u32 $0x60, v63  }
0x1a9: {  	s7 =	sand.u32 $0x7FFE0000, s7;
	s0 =	sor.u32 s0, s1;
	v9 =	vshll.u32 v62, $0x5;
	[tilespmem:$0x260] =	vst v8;
	v8 =	vshrl.u32 v62, $0x2  }
0x1aa: {  	s0 =	sor.u32 s7, s0;
	[tilespmem:$0x170] =	vst v8;
	v8 =	vand.u32 $0x60, v9  }
0x1ab: {  	s0 =	sshrl.u32 s0, $0x3;
	[tilespmem:$0x270] =	vst v8  }
0x1ac: {  	[tilespmem:s15], [sflag:$0x3] =	stream.indirect.gather [hbm4b:s6+s12], $0x80, s14, s12, $0xb8;
	[tilespmem:$0xA300] =	vst v63  }
.Ltmp10:
0x1ad: {  	s0 =	sadd.s32 s2, s0;
	(pc) =	sbr.rel @p0 .LBB2_22-.Ltmp10, $4  }
0x1ae: {  	[tilespmem:s12], [sflag:$0x2] =	stream.linear.gather [hbm4b:s0+s5], $0x80, $0x38;
	[tilespmem:$0xA300] =	vst v63  }
0x1af: {  	_ =	swait.ge [sflag:s23], $0x4000  }
0x1b0: {  	[sflag:s23] =	ssyncset.done $0x0  }
0x1b1: {  	[sflag:s23] =	ssyncadd.s32 $0xFFFFC000  }
.LBB2_21:
0x1b2: {  	_ =	swait.ge [sflag:s24], $0x1000  }
0x1b3: {  	[sflag:s24] =	ssyncset.done $0x0  }
0x1b4: {  	[sflag:s24] =	ssyncadd.s32 $0xFFFFF000  }
.LBB2_22:
0x1b5: {  	v8 =	vld [tilespmem:$0x280];
	_ =	sdelay $0x3  }
0x1b6: {  	s0 =	simm.s32 $0x0  }
0x1b7: {  	s26 =	simm.s32 $0x6;
	v9 =	vadd.s32 s0, v8  }
0x1b8: {  	s1 =	simm.s32 $0x7;
	v10 =	vadd.s32 s26, v8;
	v9 =	vadd.s32 v0, v9  }
0x1b9: {  	s7 =	simm.s32 $0x5;
	v11 =	vadd.s32 s1, v8;
	v10 =	vadd.s32 v0, v10  }
0x1ba: {  	s28 =	simm.s32 $0x4;
	v13 =	vadd.s32 s7, v8;
	v11 =	vadd.s32 v0, v11  }
0x1bb: {  	s11 =	simm.s32 $0x3;
	v12 =	vadd.s32 s28, v8;
	v13 =	vadd.s32 v0, v13  }
0x1bc: {  	s8 =	simm.s32 $0x1;
	v15 =	vadd.s32 s11, v8;
	v12 =	vadd.s32 v0, v12  }
0x1bd: {  	v14 =	vadd.s32 s8, v8;
	s26 =	simm.s32 $0x2;
	v15 =	vadd.s32 v0, v15;
	v16 =	vld.idx.msk [tilespmem:v9+s18+$0x0], $0xffff  }
0x1be: {  	s8 =	simm.s32 $0xF;
	v14 =	vadd.s32 v0, v14;
	v9 =	vadd.s32 s26, v8;
	v19 =	vld.idx.msk [tilespmem:v10+s18+$0x0], $0xffff  }
0x1bf: {  	s28 =	simm.s32 $0x8;
	v18 =	vadd.s32 s8, v8;
	v23 =	vld.idx.msk [tilespmem:v11+s18+$0x0], $0xffff;
	v22 =	vadd.s32 v0, v9  }
0x1c0: {  	s1 =	simm.s32 $0xE;
	s7 =	simm.s32 $0xC;
	v20 =	vadd.s32 v0, v18;
	v10 =	vadd.s32 s28, v8;
	v11 =	vld.idx.msk [tilespmem:v13+s18+$0x0], $0xffff  }
0x1c1: {  	s31 =	simm.s32 $0x9500;
	v13 =	vadd.s32 s7, v8;
	s26 =	simm.s32 $0x9;
	v9 =	vld.idx.msk [tilespmem:v12+s18+$0x0], $0xffff;
	v10 =	vadd.s32 v0, v10;
	v12 =	vadd.s32 s1, v8  }
0x1c2: {  	s11 =	simm.s32 $0xD;
	s28 =	simm.s32 $0xB;
	v18 =	vld.idx.msk [tilespmem:v15+s18+$0x0], $0xffff;
	v13 =	vadd.s32 v0, v13;
	v15 =	vadd.s32 s26, v8;
	v17 =	vadd.s32 v0, v12;
	[tilespmem:s31+$0xFFFFFE00] =	vst v16  }
0x1c3: {  	s8 =	simm.s32 $0xA;
	v14 =	vld.idx.msk [tilespmem:v14+s18+$0x0], $0xffff;
	v24 =	vadd.s32 s28, v8;
	v12 =	vadd.s32 s11, v8;
	v15 =	vadd.s32 v0, v15;
	[tilespmem:s31+$0x100] =	vst v19  }
0x1c4: {  	s0 =	simm.s32 $0x10;
	v21 =	vadd.s32 s8, v8;
	s1 =	simm.s32 $0x9500;
	v16 =	vadd.s32 v0, v12;
	v12 =	vadd.s32 v0, v24;
	[tilespmem:s31+$0x180] =	vst v23;
	v19 =	vld.idx.msk [tilespmem:v22+s18+$0x0], $0xffff  }
.LBB2_23:
0x1c5: {  	p0 =	slt.u32 s0, $0x18  }
0x1c6: {  	v22 =	vld.idx.msk [tilespmem:v10+s18+$0x0], $0xffff;
	[tilespmem:s31+$0x0] =	vst v9;
	s1 =	sadd.s32 $0x400, s1;
	s7 =	smov.u32 s0;
	s0 =	sadd.s32 $0x8, s0  }
0x1c7: {  	v23 =	vadd.s32 v0, v21;
	v24 =	vld.idx.msk [tilespmem:v17+s18+$0x0], $0xffff;
	[tilespmem:s31+$0x80] =	vst v11  }
0x1c8: {  	v25 =	vld.idx.msk [tilespmem:v20+s18+$0x0], $0xffff;
	[tilespmem:s31+$0xFFFFFE80] =	vst v14  }
0x1c9: {  	v10 =	vadd.s32 s7, v8;
	s8 =	sadd.s32 $0x6, s7;
	s11 =	sadd.s32 $0x7, s7;
	v9 =	vld.idx.msk [tilespmem:v13+s18+$0x0], $0xffff;
	[tilespmem:s31+$0xFFFFFF80] =	vst v18  }
.Ltmp11:
0x1ca: {  	s26 =	sadd.s32 $0x4, s7;
	s28 =	sadd.s32 $0x5, s7;
	v10 =	vadd.s32 v0, v10;
	v13 =	vadd.s32 s8, v8;
	v18 =	vadd.s32 s11, v8;
	v11 =	vld.idx.msk [tilespmem:v16+s18+$0x0], $0xffff;
	[tilespmem:s31+$0xFFFFFF00] =	vst v19;
	(pc) =	sbr.rel @p0 .LBB2_23-.Ltmp11, $4  }
0x1cb: {  	s8 =	sadd.s32 $0x1, s7;
	s11 =	sadd.s32 $0x2, s7;
	s7 =	sadd.s32 $0x3, s7;
	v16 =	vadd.s32 s26, v8;
	v19 =	vadd.s32 s28, v8;
	v17 =	vadd.s32 v0, v13;
	v14 =	vld.idx.msk [tilespmem:v15+s18+$0x0], $0xffff  }
0x1cc: {  	v21 =	vadd.s32 s11, v8;
	v20 =	vadd.s32 v0, v18;
	s31 =	smov.u32 s1;
	v13 =	vadd.s32 v0, v16;
	[tilespmem:s1+$0xFFFFFE00] =	vst v22;
	v18 =	vld.idx.msk [tilespmem:v12+s18+$0x0], $0xffff  }
0x1cd: {  	v16 =	vadd.s32 v0, v19;
	v12 =	vadd.s32 s8, v8;
	v22 =	vadd.s32 s7, v8;
	v19 =	vld.idx.msk [tilespmem:v23+s18+$0x0], $0xffff;
	[tilespmem:s1+$0x100] =	vst v24  }
0x1ce: {  	v15 =	vadd.s32 v0, v12;
	v12 =	vadd.s32 v0, v22;
	[tilespmem:s1+$0x180] =	vst v25  }
0x1cf: {  	_ =	sdelay $0x3  }
0x1d0: {  	v8 =	vld.idx.msk [tilespmem:v10+s18+$0x0], $0xffff;
	[tilespmem:s31+$0x0] =	vst v9  }
0x1d1: {  	v9 =	vld.idx.msk [tilespmem:v17+s18+$0x0], $0xffff;
	[tilespmem:s31+$0x80] =	vst v11  }
0x1d2: {  	v10 =	vadd.s32 v0, v21;
	v11 =	vld.idx.msk [tilespmem:v20+s18+$0x0], $0xffff;
	[tilespmem:s31+$0xFFFFFE80] =	vst v14  }
0x1d3: {  	v13 =	vld.idx.msk [tilespmem:v13+s18+$0x0], $0xffff;
	[tilespmem:s31+$0xFFFFFF80] =	vst v18  }
0x1d4: {  	s0 =	sadd.s32 $0x400, s1;
	v15 =	vld.idx.msk [tilespmem:v15+s18+$0x0], $0xffff;
	[tilespmem:s31+$0xFFFFFF00] =	vst v19  }
0x1d5: {  	v14 =	vld.idx.msk [tilespmem:v16+s18+$0x0], $0xffff;
	[tilespmem:s0+$0xFFFFFE00] =	vst v8  }
0x1d6: {  	v8 =	vld.idx.msk [tilespmem:v12+s18+$0x0], $0xffff;
	[tilespmem:s0+$0x100] =	vst v9  }
0x1d7: {  	v9 =	vld.idx.msk [tilespmem:v10+s18+$0x0], $0xffff;
	[tilespmem:s0+$0x180] =	vst v11  }
0x1d8: {  	[tilespmem:s0+$0x0] =	vst v13  }
0x1d9: {  	[tilespmem:s0+$0xFFFFFE80] =	vst v15  }
0x1da: {  	[tilespmem:s0+$0x80] =	vst v14  }
0x1db: {  	[tilespmem:s0+$0xFFFFFF80] =	vst v8  }
0x1dc: {  	[tilespmem:s0+$0xFFFFFF00] =	vst v9  }
0x1dd: {  	v8 =	vld [tilespmem:$0x290];
	_ =	sdelay $0x3  }
0x1de: {  	s8 =	simm.s32 $0x0  }
0x1df: {  	s11 =	simm.s32 $0x6;
	v9 =	vadd.s32 s8, v8  }
0x1e0: {  	s26 =	simm.s32 $0x7;
	v10 =	vadd.s32 s11, v8;
	v9 =	vadd.s32 v1, v9  }
0x1e1: {  	s7 =	simm.s32 $0x5;
	v11 =	vadd.s32 s26, v8;
	v10 =	vadd.s32 v1, v10  }
0x1e2: {  	s28 =	simm.s32 $0x4;
	v13 =	vadd.s32 s7, v8;
	v11 =	vadd.s32 v1, v11  }
0x1e3: {  	v12 =	vadd.s32 s28, v8;
	s11 =	simm.s32 $0x3;
	v13 =	vadd.s32 v1, v13  }
0x1e4: {  	s8 =	simm.s32 $0x1;
	v12 =	vadd.s32 v1, v12;
	v15 =	vadd.s32 s11, v8  }
0x1e5: {  	s26 =	simm.s32 $0x2;
	v14 =	vadd.s32 s8, v8;
	v15 =	vadd.s32 v1, v15;
	v16 =	vld.idx.msk [tilespmem:v9+s18+$0x0], $0xffff  }
0x1e6: {  	s8 =	simm.s32 $0xF;
	v14 =	vadd.s32 v1, v14;
	v9 =	vadd.s32 s26, v8;
	v19 =	vld.idx.msk [tilespmem:v10+s18+$0x0], $0xffff  }
0x1e7: {  	s28 =	simm.s32 $0x8;
	v18 =	vadd.s32 s8, v8;
	v23 =	vld.idx.msk [tilespmem:v11+s18+$0x0], $0xffff;
	v22 =	vadd.s32 v1, v9  }
0x1e8: {  	s1 =	simm.s32 $0xE;
	s7 =	simm.s32 $0xC;
	v20 =	vadd.s32 v1, v18;
	v10 =	vadd.s32 s28, v8;
	v11 =	vld.idx.msk [tilespmem:v13+s18+$0x0], $0xffff  }
0x1e9: {  	s31 =	simm.s32 $0x9510;
	v13 =	vadd.s32 s7, v8;
	s26 =	simm.s32 $0x9;
	v9 =	vld.idx.msk [tilespmem:v12+s18+$0x0], $0xffff;
	v10 =	vadd.s32 v1, v10;
	v12 =	vadd.s32 s1, v8  }
0x1ea: {  	s11 =	simm.s32 $0xD;
	s28 =	simm.s32 $0xB;
	v13 =	vadd.s32 v1, v13;
	v18 =	vld.idx.msk [tilespmem:v15+s18+$0x0], $0xffff;
	v15 =	vadd.s32 s26, v8;
	v17 =	vadd.s32 v1, v12;
	[tilespmem:s31+$0xFFFFFE00] =	vst v16  }
0x1eb: {  	s8 =	simm.s32 $0xA;
	v14 =	vld.idx.msk [tilespmem:v14+s18+$0x0], $0xffff;
	v24 =	vadd.s32 s28, v8;
	v12 =	vadd.s32 s11, v8;
	v15 =	vadd.s32 v1, v15;
	[tilespmem:s31+$0x100] =	vst v19  }
0x1ec: {  	s0 =	simm.s32 $0x10;
	v21 =	vadd.s32 s8, v8;
	s1 =	simm.s32 $0x9510;
	v16 =	vadd.s32 v1, v12;
	v12 =	vadd.s32 v1, v24;
	[tilespmem:s31+$0x180] =	vst v23;
	v19 =	vld.idx.msk [tilespmem:v22+s18+$0x0], $0xffff  }
.LBB2_25:
0x1ed: {  	p0 =	slt.u32 s0, $0x18  }
0x1ee: {  	v22 =	vld.idx.msk [tilespmem:v10+s18+$0x0], $0xffff;
	[tilespmem:s31+$0x0] =	vst v9;
	s1 =	sadd.s32 $0x400, s1;
	s7 =	smov.u32 s0;
	s0 =	sadd.s32 $0x8, s0  }
0x1ef: {  	v23 =	vadd.s32 v1, v21;
	v24 =	vld.idx.msk [tilespmem:v17+s18+$0x0], $0xffff;
	[tilespmem:s31+$0x80] =	vst v11  }
0x1f0: {  	v25 =	vld.idx.msk [tilespmem:v20+s18+$0x0], $0xffff;
	[tilespmem:s31+$0xFFFFFE80] =	vst v14  }
0x1f1: {  	v10 =	vadd.s32 s7, v8;
	s8 =	sadd.s32 $0x6, s7;
	s11 =	sadd.s32 $0x7, s7;
	v9 =	vld.idx.msk [tilespmem:v13+s18+$0x0], $0xffff;
	[tilespmem:s31+$0xFFFFFF80] =	vst v18  }
.Ltmp12:
0x1f2: {  	s26 =	sadd.s32 $0x4, s7;
	s28 =	sadd.s32 $0x5, s7;
	v10 =	vadd.s32 v1, v10;
	v13 =	vadd.s32 s8, v8;
	v18 =	vadd.s32 s11, v8;
	v11 =	vld.idx.msk [tilespmem:v16+s18+$0x0], $0xffff;
	[tilespmem:s31+$0xFFFFFF00] =	vst v19;
	(pc) =	sbr.rel @p0 .LBB2_25-.Ltmp12, $4  }
0x1f3: {  	s8 =	sadd.s32 $0x1, s7;
	s11 =	sadd.s32 $0x2, s7;
	s7 =	sadd.s32 $0x3, s7;
	v16 =	vadd.s32 s26, v8;
	v19 =	vadd.s32 s28, v8;
	v17 =	vadd.s32 v1, v13;
	v14 =	vld.idx.msk [tilespmem:v15+s18+$0x0], $0xffff  }
0x1f4: {  	v21 =	vadd.s32 s11, v8;
	v20 =	vadd.s32 v1, v18;
	s31 =	smov.u32 s1;
	v13 =	vadd.s32 v1, v16;
	[tilespmem:s1+$0xFFFFFE00] =	vst v22;
	v18 =	vld.idx.msk [tilespmem:v12+s18+$0x0], $0xffff  }
0x1f5: {  	v16 =	vadd.s32 v1, v19;
	v12 =	vadd.s32 s8, v8;
	v22 =	vadd.s32 s7, v8;
	v19 =	vld.idx.msk [tilespmem:v23+s18+$0x0], $0xffff;
	[tilespmem:s1+$0x100] =	vst v24  }
0x1f6: {  	v15 =	vadd.s32 v1, v12;
	v12 =	vadd.s32 v1, v22;
	[tilespmem:s1+$0x180] =	vst v25  }
0x1f7: {  	_ =	sdelay $0x3  }
0x1f8: {  	v8 =	vld.idx.msk [tilespmem:v10+s18+$0x0], $0xffff;
	[tilespmem:s31+$0x0] =	vst v9  }
0x1f9: {  	v9 =	vld.idx.msk [tilespmem:v17+s18+$0x0], $0xffff;
	[tilespmem:s31+$0x80] =	vst v11  }
0x1fa: {  	v10 =	vadd.s32 v1, v21;
	v11 =	vld.idx.msk [tilespmem:v20+s18+$0x0], $0xffff;
	[tilespmem:s31+$0xFFFFFE80] =	vst v14  }
0x1fb: {  	v13 =	vld.idx.msk [tilespmem:v13+s18+$0x0], $0xffff;
	[tilespmem:s31+$0xFFFFFF80] =	vst v18  }
0x1fc: {  	s0 =	sadd.s32 $0x400, s1;
	v15 =	vld.idx.msk [tilespmem:v15+s18+$0x0], $0xffff;
	[tilespmem:s31+$0xFFFFFF00] =	vst v19  }
0x1fd: {  	v14 =	vld.idx.msk [tilespmem:v16+s18+$0x0], $0xffff;
	[tilespmem:s0+$0xFFFFFE00] =	vst v8  }
0x1fe: {  	v8 =	vld.idx.msk [tilespmem:v12+s18+$0x0], $0xffff;
	[tilespmem:s0+$0x100] =	vst v9  }
0x1ff: {  	v9 =	vld.idx.msk [tilespmem:v10+s18+$0x0], $0xffff;
	[tilespmem:s0+$0x180] =	vst v11  }
0x200: {  	[tilespmem:s0+$0x0] =	vst v13  }
0x201: {  	[tilespmem:s0+$0xFFFFFE80] =	vst v15  }
0x202: {  	[tilespmem:s0+$0x80] =	vst v14  }
0x203: {  	[tilespmem:s0+$0xFFFFFF80] =	vst v8  }
0x204: {  	[tilespmem:s0+$0xFFFFFF00] =	vst v9  }
0x205: {  	v8 =	vld [tilespmem:$0x2A0];
	_ =	sdelay $0x3  }
0x206: {  	s8 =	simm.s32 $0x0  }
0x207: {  	s11 =	simm.s32 $0x6;
	v9 =	vadd.s32 s8, v8  }
0x208: {  	s26 =	simm.s32 $0x7;
	v10 =	vadd.s32 s11, v8;
	v9 =	vadd.s32 v2, v9  }
0x209: {  	s7 =	simm.s32 $0x5;
	v11 =	vadd.s32 s26, v8;
	v10 =	vadd.s32 v2, v10  }
0x20a: {  	s28 =	simm.s32 $0x4;
	v13 =	vadd.s32 s7, v8;
	v11 =	vadd.s32 v2, v11  }
0x20b: {  	v12 =	vadd.s32 s28, v8;
	s11 =	simm.s32 $0x3;
	v13 =	vadd.s32 v2, v13  }
0x20c: {  	s8 =	simm.s32 $0x1;
	v12 =	vadd.s32 v2, v12;
	v15 =	vadd.s32 s11, v8  }
0x20d: {  	s26 =	simm.s32 $0x2;
	v14 =	vadd.s32 s8, v8;
	v15 =	vadd.s32 v2, v15;
	v16 =	vld.idx.msk [tilespmem:v9+s18+$0x0], $0xffff  }
0x20e: {  	s8 =	simm.s32 $0xF;
	v14 =	vadd.s32 v2, v14;
	v9 =	vadd.s32 s26, v8;
	v19 =	vld.idx.msk [tilespmem:v10+s18+$0x0], $0xffff  }
0x20f: {  	s28 =	simm.s32 $0x8;
	v18 =	vadd.s32 s8, v8;
	v23 =	vld.idx.msk [tilespmem:v11+s18+$0x0], $0xffff;
	v22 =	vadd.s32 v2, v9  }
0x210: {  	s1 =	simm.s32 $0xE;
	s7 =	simm.s32 $0xC;
	v20 =	vadd.s32 v2, v18;
	v10 =	vadd.s32 s28, v8;
	v11 =	vld.idx.msk [tilespmem:v13+s18+$0x0], $0xffff  }
0x211: {  	s31 =	simm.s32 $0x9520;
	v13 =	vadd.s32 s7, v8;
	s26 =	simm.s32 $0x9;
	v9 =	vld.idx.msk [tilespmem:v12+s18+$0x0], $0xffff;
	v10 =	vadd.s32 v2, v10;
	v12 =	vadd.s32 s1, v8  }
0x212: {  	s11 =	simm.s32 $0xD;
	s28 =	simm.s32 $0xB;
	v13 =	vadd.s32 v2, v13;
	v18 =	vld.idx.msk [tilespmem:v15+s18+$0x0], $0xffff;
	v15 =	vadd.s32 s26, v8;
	v17 =	vadd.s32 v2, v12;
	[tilespmem:s31+$0xFFFFFE00] =	vst v16  }
0x213: {  	s8 =	simm.s32 $0xA;
	v14 =	vld.idx.msk [tilespmem:v14+s18+$0x0], $0xffff;
	v24 =	vadd.s32 s28, v8;
	v12 =	vadd.s32 s11, v8;
	v15 =	vadd.s32 v2, v15;
	[tilespmem:s31+$0x100] =	vst v19  }
0x214: {  	s0 =	simm.s32 $0x10;
	v21 =	vadd.s32 s8, v8;
	s1 =	simm.s32 $0x9520;
	v16 =	vadd.s32 v2, v12;
	v12 =	vadd.s32 v2, v24;
	[tilespmem:s31+$0x180] =	vst v23;
	v19 =	vld.idx.msk [tilespmem:v22+s18+$0x0], $0xffff  }
.LBB2_27:
0x215: {  	p0 =	slt.u32 s0, $0x18  }
0x216: {  	v22 =	vld.idx.msk [tilespmem:v10+s18+$0x0], $0xffff;
	[tilespmem:s31+$0x0] =	vst v9;
	s1 =	sadd.s32 $0x400, s1;
	s7 =	smov.u32 s0;
	s0 =	sadd.s32 $0x8, s0  }
0x217: {  	v23 =	vadd.s32 v2, v21;
	v24 =	vld.idx.msk [tilespmem:v17+s18+$0x0], $0xffff;
	[tilespmem:s31+$0x80] =	vst v11  }
0x218: {  	v25 =	vld.idx.msk [tilespmem:v20+s18+$0x0], $0xffff;
	[tilespmem:s31+$0xFFFFFE80] =	vst v14  }
0x219: {  	v10 =	vadd.s32 s7, v8;
	s8 =	sadd.s32 $0x6, s7;
	s11 =	sadd.s32 $0x7, s7;
	v9 =	vld.idx.msk [tilespmem:v13+s18+$0x0], $0xffff;
	[tilespmem:s31+$0xFFFFFF80] =	vst v18  }
.Ltmp13:
0x21a: {  	s26 =	sadd.s32 $0x4, s7;
	s28 =	sadd.s32 $0x5, s7;
	v10 =	vadd.s32 v2, v10;
	v13 =	vadd.s32 s8, v8;
	v18 =	vadd.s32 s11, v8;
	v11 =	vld.idx.msk [tilespmem:v16+s18+$0x0], $0xffff;
	[tilespmem:s31+$0xFFFFFF00] =	vst v19;
	(pc) =	sbr.rel @p0 .LBB2_27-.Ltmp13, $4  }
0x21b: {  	s8 =	sadd.s32 $0x1, s7;
	s11 =	sadd.s32 $0x2, s7;
	s7 =	sadd.s32 $0x3, s7;
	v16 =	vadd.s32 s26, v8;
	v19 =	vadd.s32 s28, v8;
	v17 =	vadd.s32 v2, v13;
	v14 =	vld.idx.msk [tilespmem:v15+s18+$0x0], $0xffff  }
0x21c: {  	v21 =	vadd.s32 s11, v8;
	v20 =	vadd.s32 v2, v18;
	s31 =	smov.u32 s1;
	v13 =	vadd.s32 v2, v16;
	[tilespmem:s1+$0xFFFFFE00] =	vst v22;
	v18 =	vld.idx.msk [tilespmem:v12+s18+$0x0], $0xffff  }
0x21d: {  	v16 =	vadd.s32 v2, v19;
	v12 =	vadd.s32 s8, v8;
	v22 =	vadd.s32 s7, v8;
	v19 =	vld.idx.msk [tilespmem:v23+s18+$0x0], $0xffff;
	[tilespmem:s1+$0x100] =	vst v24  }
0x21e: {  	v15 =	vadd.s32 v2, v12;
	v12 =	vadd.s32 v2, v22;
	[tilespmem:s1+$0x180] =	vst v25  }
0x21f: {  	_ =	sdelay $0x3  }
0x220: {  	v8 =	vld.idx.msk [tilespmem:v10+s18+$0x0], $0xffff;
	[tilespmem:s31+$0x0] =	vst v9  }
0x221: {  	v9 =	vld.idx.msk [tilespmem:v17+s18+$0x0], $0xffff;
	[tilespmem:s31+$0x80] =	vst v11  }
0x222: {  	v10 =	vadd.s32 v2, v21;
	v11 =	vld.idx.msk [tilespmem:v20+s18+$0x0], $0xffff;
	[tilespmem:s31+$0xFFFFFE80] =	vst v14  }
0x223: {  	v13 =	vld.idx.msk [tilespmem:v13+s18+$0x0], $0xffff;
	[tilespmem:s31+$0xFFFFFF80] =	vst v18  }
0x224: {  	s0 =	sadd.s32 $0x400, s1;
	v15 =	vld.idx.msk [tilespmem:v15+s18+$0x0], $0xffff;
	[tilespmem:s31+$0xFFFFFF00] =	vst v19  }
0x225: {  	v14 =	vld.idx.msk [tilespmem:v16+s18+$0x0], $0xffff;
	[tilespmem:s0+$0xFFFFFE00] =	vst v8  }
0x226: {  	v8 =	vld.idx.msk [tilespmem:v12+s18+$0x0], $0xffff;
	[tilespmem:s0+$0x100] =	vst v9  }
0x227: {  	v9 =	vld.idx.msk [tilespmem:v10+s18+$0x0], $0xffff;
	[tilespmem:s0+$0x180] =	vst v11  }
0x228: {  	[tilespmem:s0+$0x0] =	vst v13  }
0x229: {  	[tilespmem:s0+$0xFFFFFE80] =	vst v15  }
0x22a: {  	[tilespmem:s0+$0x80] =	vst v14  }
0x22b: {  	[tilespmem:s0+$0xFFFFFF80] =	vst v8  }
0x22c: {  	[tilespmem:s0+$0xFFFFFF00] =	vst v9  }
0x22d: {  	v8 =	vld [tilespmem:$0x2B0];
	_ =	sdelay $0x3  }
0x22e: {  	s8 =	simm.s32 $0x0  }
0x22f: {  	s11 =	simm.s32 $0x6;
	v9 =	vadd.s32 s8, v8  }
0x230: {  	s26 =	simm.s32 $0x7;
	v10 =	vadd.s32 s11, v8;
	v9 =	vadd.s32 v3, v9  }
0x231: {  	s7 =	simm.s32 $0x5;
	v11 =	vadd.s32 s26, v8;
	v10 =	vadd.s32 v3, v10  }
0x232: {  	s28 =	simm.s32 $0x4;
	v13 =	vadd.s32 s7, v8;
	v11 =	vadd.s32 v3, v11  }
0x233: {  	v12 =	vadd.s32 s28, v8;
	s11 =	simm.s32 $0x3;
	v13 =	vadd.s32 v3, v13  }
0x234: {  	s8 =	simm.s32 $0x1;
	v12 =	vadd.s32 v3, v12;
	v15 =	vadd.s32 s11, v8  }
0x235: {  	s26 =	simm.s32 $0x2;
	v14 =	vadd.s32 s8, v8;
	v15 =	vadd.s32 v3, v15;
	v16 =	vld.idx.msk [tilespmem:v9+s18+$0x0], $0xffff  }
0x236: {  	s8 =	simm.s32 $0xF;
	v14 =	vadd.s32 v3, v14;
	v9 =	vadd.s32 s26, v8;
	v19 =	vld.idx.msk [tilespmem:v10+s18+$0x0], $0xffff  }
0x237: {  	s28 =	simm.s32 $0x8;
	v18 =	vadd.s32 s8, v8;
	v23 =	vld.idx.msk [tilespmem:v11+s18+$0x0], $0xffff;
	v22 =	vadd.s32 v3, v9  }
0x238: {  	s1 =	simm.s32 $0xE;
	s7 =	simm.s32 $0xC;
	v20 =	vadd.s32 v3, v18;
	v10 =	vadd.s32 s28, v8;
	v11 =	vld.idx.msk [tilespmem:v13+s18+$0x0], $0xffff  }
0x239: {  	s31 =	simm.s32 $0x9530;
	v13 =	vadd.s32 s7, v8;
	s26 =	simm.s32 $0x9;
	v9 =	vld.idx.msk [tilespmem:v12+s18+$0x0], $0xffff;
	v10 =	vadd.s32 v3, v10;
	v12 =	vadd.s32 s1, v8  }
0x23a: {  	s11 =	simm.s32 $0xD;
	s28 =	simm.s32 $0xB;
	v13 =	vadd.s32 v3, v13;
	v18 =	vld.idx.msk [tilespmem:v15+s18+$0x0], $0xffff;
	v15 =	vadd.s32 s26, v8;
	v17 =	vadd.s32 v3, v12;
	[tilespmem:s31+$0xFFFFFE00] =	vst v16  }
0x23b: {  	s8 =	simm.s32 $0xA;
	v14 =	vld.idx.msk [tilespmem:v14+s18+$0x0], $0xffff;
	v24 =	vadd.s32 s28, v8;
	v12 =	vadd.s32 s11, v8;
	v15 =	vadd.s32 v3, v15;
	[tilespmem:s31+$0x100] =	vst v19  }
0x23c: {  	s0 =	simm.s32 $0x10;
	v21 =	vadd.s32 s8, v8;
	s1 =	simm.s32 $0x9530;
	v16 =	vadd.s32 v3, v12;
	v12 =	vadd.s32 v3, v24;
	[tilespmem:s31+$0x180] =	vst v23;
	v19 =	vld.idx.msk [tilespmem:v22+s18+$0x0], $0xffff  }
.LBB2_29:
0x23d: {  	p0 =	slt.u32 s0, $0x18  }
0x23e: {  	v22 =	vld.idx.msk [tilespmem:v10+s18+$0x0], $0xffff;
	[tilespmem:s31+$0x0] =	vst v9;
	s1 =	sadd.s32 $0x400, s1;
	s7 =	smov.u32 s0;
	s0 =	sadd.s32 $0x8, s0  }
0x23f: {  	v23 =	vadd.s32 v3, v21;
	v24 =	vld.idx.msk [tilespmem:v17+s18+$0x0], $0xffff;
	[tilespmem:s31+$0x80] =	vst v11  }
0x240: {  	v25 =	vld.idx.msk [tilespmem:v20+s18+$0x0], $0xffff;
	[tilespmem:s31+$0xFFFFFE80] =	vst v14  }
0x241: {  	v10 =	vadd.s32 s7, v8;
	s8 =	sadd.s32 $0x6, s7;
	s11 =	sadd.s32 $0x7, s7;
	v9 =	vld.idx.msk [tilespmem:v13+s18+$0x0], $0xffff;
	[tilespmem:s31+$0xFFFFFF80] =	vst v18  }
.Ltmp14:
0x242: {  	s26 =	sadd.s32 $0x4, s7;
	s28 =	sadd.s32 $0x5, s7;
	v10 =	vadd.s32 v3, v10;
	v13 =	vadd.s32 s8, v8;
	v18 =	vadd.s32 s11, v8;
	v11 =	vld.idx.msk [tilespmem:v16+s18+$0x0], $0xffff;
	[tilespmem:s31+$0xFFFFFF00] =	vst v19;
	(pc) =	sbr.rel @p0 .LBB2_29-.Ltmp14, $4  }
0x243: {  	s8 =	sadd.s32 $0x1, s7;
	s11 =	sadd.s32 $0x2, s7;
	s7 =	sadd.s32 $0x3, s7;
	v16 =	vadd.s32 s26, v8;
	v19 =	vadd.s32 s28, v8;
	v17 =	vadd.s32 v3, v13;
	v14 =	vld.idx.msk [tilespmem:v15+s18+$0x0], $0xffff  }
0x244: {  	v21 =	vadd.s32 s11, v8;
	v20 =	vadd.s32 v3, v18;
	s31 =	smov.u32 s1;
	v13 =	vadd.s32 v3, v16;
	[tilespmem:s1+$0xFFFFFE00] =	vst v22;
	v18 =	vld.idx.msk [tilespmem:v12+s18+$0x0], $0xffff  }
0x245: {  	v16 =	vadd.s32 v3, v19;
	v12 =	vadd.s32 s8, v8;
	v22 =	vadd.s32 s7, v8;
	v19 =	vld.idx.msk [tilespmem:v23+s18+$0x0], $0xffff;
	[tilespmem:s1+$0x100] =	vst v24  }
0x246: {  	v15 =	vadd.s32 v3, v12;
	v12 =	vadd.s32 v3, v22;
	[tilespmem:s1+$0x180] =	vst v25  }
0x247: {  	_ =	sdelay $0x3  }
0x248: {  	v8 =	vld.idx.msk [tilespmem:v10+s18+$0x0], $0xffff;
	[tilespmem:s31+$0x0] =	vst v9  }
0x249: {  	v9 =	vld.idx.msk [tilespmem:v17+s18+$0x0], $0xffff;
	[tilespmem:s31+$0x80] =	vst v11  }
0x24a: {  	v10 =	vadd.s32 v3, v21;
	v11 =	vld.idx.msk [tilespmem:v20+s18+$0x0], $0xffff;
	[tilespmem:s31+$0xFFFFFE80] =	vst v14  }
0x24b: {  	v13 =	vld.idx.msk [tilespmem:v13+s18+$0x0], $0xffff;
	[tilespmem:s31+$0xFFFFFF80] =	vst v18  }
0x24c: {  	s0 =	sadd.s32 $0x400, s1;
	v15 =	vld.idx.msk [tilespmem:v15+s18+$0x0], $0xffff;
	[tilespmem:s31+$0xFFFFFF00] =	vst v19  }
0x24d: {  	v14 =	vld.idx.msk [tilespmem:v16+s18+$0x0], $0xffff;
	[tilespmem:s0+$0xFFFFFE00] =	vst v8  }
0x24e: {  	v8 =	vld.idx.msk [tilespmem:v12+s18+$0x0], $0xffff;
	[tilespmem:s0+$0x100] =	vst v9  }
0x24f: {  	v9 =	vld.idx.msk [tilespmem:v10+s18+$0x0], $0xffff;
	[tilespmem:s0+$0x180] =	vst v11  }
0x250: {  	[tilespmem:s0+$0x0] =	vst v13  }
0x251: {  	[tilespmem:s0+$0xFFFFFE80] =	vst v15  }
0x252: {  	[tilespmem:s0+$0x80] =	vst v14  }
0x253: {  	[tilespmem:s0+$0xFFFFFF80] =	vst v8  }
0x254: {  	[tilespmem:s0+$0xFFFFFF00] =	vst v9  }
0x255: {  	v8 =	vld [tilespmem:$0x2C0];
	_ =	sdelay $0x3  }
0x256: {  	s8 =	simm.s32 $0x0  }
0x257: {  	s11 =	simm.s32 $0x6;
	v9 =	vadd.s32 s8, v8  }
0x258: {  	s26 =	simm.s32 $0x7;
	v10 =	vadd.s32 s11, v8;
	v9 =	vadd.s32 v4, v9  }
0x259: {  	s7 =	simm.s32 $0x5;
	v11 =	vadd.s32 s26, v8;
	v10 =	vadd.s32 v4, v10  }
0x25a: {  	s28 =	simm.s32 $0x4;
	v13 =	vadd.s32 s7, v8;
	v11 =	vadd.s32 v4, v11  }
0x25b: {  	v12 =	vadd.s32 s28, v8;
	s11 =	simm.s32 $0x3;
	v13 =	vadd.s32 v4, v13  }
0x25c: {  	s8 =	simm.s32 $0x1;
	v12 =	vadd.s32 v4, v12;
	v15 =	vadd.s32 s11, v8  }
0x25d: {  	s26 =	simm.s32 $0x2;
	v14 =	vadd.s32 s8, v8;
	v15 =	vadd.s32 v4, v15;
	v16 =	vld.idx.msk [tilespmem:v9+s18+$0x0], $0xffff  }
0x25e: {  	s8 =	simm.s32 $0xF;
	v14 =	vadd.s32 v4, v14;
	v9 =	vadd.s32 s26, v8;
	v19 =	vld.idx.msk [tilespmem:v10+s18+$0x0], $0xffff  }
0x25f: {  	s28 =	simm.s32 $0x8;
	v18 =	vadd.s32 s8, v8;
	v23 =	vld.idx.msk [tilespmem:v11+s18+$0x0], $0xffff;
	v22 =	vadd.s32 v4, v9  }
0x260: {  	s1 =	simm.s32 $0xE;
	s7 =	simm.s32 $0xC;
	v20 =	vadd.s32 v4, v18;
	v10 =	vadd.s32 s28, v8;
	v11 =	vld.idx.msk [tilespmem:v13+s18+$0x0], $0xffff  }
0x261: {  	s31 =	simm.s32 $0x9540;
	v13 =	vadd.s32 s7, v8;
	s26 =	simm.s32 $0x9;
	v9 =	vld.idx.msk [tilespmem:v12+s18+$0x0], $0xffff;
	v10 =	vadd.s32 v4, v10;
	v12 =	vadd.s32 s1, v8  }
0x262: {  	s11 =	simm.s32 $0xD;
	s28 =	simm.s32 $0xB;
	v13 =	vadd.s32 v4, v13;
	v18 =	vld.idx.msk [tilespmem:v15+s18+$0x0], $0xffff;
	v15 =	vadd.s32 s26, v8;
	v17 =	vadd.s32 v4, v12;
	[tilespmem:s31+$0xFFFFFE00] =	vst v16  }
0x263: {  	s8 =	simm.s32 $0xA;
	v14 =	vld.idx.msk [tilespmem:v14+s18+$0x0], $0xffff;
	v24 =	vadd.s32 s28, v8;
	v12 =	vadd.s32 s11, v8;
	v15 =	vadd.s32 v4, v15;
	[tilespmem:s31+$0x100] =	vst v19  }
0x264: {  	s0 =	simm.s32 $0x10;
	v21 =	vadd.s32 s8, v8;
	s1 =	simm.s32 $0x9540;
	v16 =	vadd.s32 v4, v12;
	v12 =	vadd.s32 v4, v24;
	[tilespmem:s31+$0x180] =	vst v23;
	v19 =	vld.idx.msk [tilespmem:v22+s18+$0x0], $0xffff  }
.LBB2_31:
0x265: {  	p0 =	slt.u32 s0, $0x18  }
0x266: {  	v22 =	vld.idx.msk [tilespmem:v10+s18+$0x0], $0xffff;
	[tilespmem:s31+$0x0] =	vst v9;
	s1 =	sadd.s32 $0x400, s1;
	s7 =	smov.u32 s0;
	s0 =	sadd.s32 $0x8, s0  }
0x267: {  	v23 =	vadd.s32 v4, v21;
	v24 =	vld.idx.msk [tilespmem:v17+s18+$0x0], $0xffff;
	[tilespmem:s31+$0x80] =	vst v11  }
0x268: {  	v25 =	vld.idx.msk [tilespmem:v20+s18+$0x0], $0xffff;
	[tilespmem:s31+$0xFFFFFE80] =	vst v14  }
0x269: {  	v10 =	vadd.s32 s7, v8;
	s8 =	sadd.s32 $0x6, s7;
	s11 =	sadd.s32 $0x7, s7;
	v9 =	vld.idx.msk [tilespmem:v13+s18+$0x0], $0xffff;
	[tilespmem:s31+$0xFFFFFF80] =	vst v18  }
.Ltmp15:
0x26a: {  	s26 =	sadd.s32 $0x4, s7;
	s28 =	sadd.s32 $0x5, s7;
	v10 =	vadd.s32 v4, v10;
	v13 =	vadd.s32 s8, v8;
	v18 =	vadd.s32 s11, v8;
	v11 =	vld.idx.msk [tilespmem:v16+s18+$0x0], $0xffff;
	[tilespmem:s31+$0xFFFFFF00] =	vst v19;
	(pc) =	sbr.rel @p0 .LBB2_31-.Ltmp15, $4  }
0x26b: {  	s8 =	sadd.s32 $0x1, s7;
	s11 =	sadd.s32 $0x2, s7;
	s7 =	sadd.s32 $0x3, s7;
	v16 =	vadd.s32 s26, v8;
	v19 =	vadd.s32 s28, v8;
	v17 =	vadd.s32 v4, v13;
	v14 =	vld.idx.msk [tilespmem:v15+s18+$0x0], $0xffff  }
0x26c: {  	v21 =	vadd.s32 s11, v8;
	v20 =	vadd.s32 v4, v18;
	s31 =	smov.u32 s1;
	v13 =	vadd.s32 v4, v16;
	[tilespmem:s1+$0xFFFFFE00] =	vst v22;
	v18 =	vld.idx.msk [tilespmem:v12+s18+$0x0], $0xffff  }
0x26d: {  	v16 =	vadd.s32 v4, v19;
	v12 =	vadd.s32 s8, v8;
	v22 =	vadd.s32 s7, v8;
	v19 =	vld.idx.msk [tilespmem:v23+s18+$0x0], $0xffff;
	[tilespmem:s1+$0x100] =	vst v24  }
0x26e: {  	v15 =	vadd.s32 v4, v12;
	v12 =	vadd.s32 v4, v22;
	[tilespmem:s1+$0x180] =	vst v25  }
0x26f: {  	_ =	sdelay $0x3  }
0x270: {  	v8 =	vld.idx.msk [tilespmem:v10+s18+$0x0], $0xffff;
	[tilespmem:s31+$0x0] =	vst v9  }
0x271: {  	v9 =	vld.idx.msk [tilespmem:v17+s18+$0x0], $0xffff;
	[tilespmem:s31+$0x80] =	vst v11  }
0x272: {  	v10 =	vadd.s32 v4, v21;
	v11 =	vld.idx.msk [tilespmem:v20+s18+$0x0], $0xffff;
	[tilespmem:s31+$0xFFFFFE80] =	vst v14  }
0x273: {  	v13 =	vld.idx.msk [tilespmem:v13+s18+$0x0], $0xffff;
	[tilespmem:s31+$0xFFFFFF80] =	vst v18  }
0x274: {  	s0 =	sadd.s32 $0x400, s1;
	v15 =	vld.idx.msk [tilespmem:v15+s18+$0x0], $0xffff;
	[tilespmem:s31+$0xFFFFFF00] =	vst v19  }
0x275: {  	v14 =	vld.idx.msk [tilespmem:v16+s18+$0x0], $0xffff;
	[tilespmem:s0+$0xFFFFFE00] =	vst v8  }
0x276: {  	v8 =	vld.idx.msk [tilespmem:v12+s18+$0x0], $0xffff;
	[tilespmem:s0+$0x100] =	vst v9  }
0x277: {  	v9 =	vld.idx.msk [tilespmem:v10+s18+$0x0], $0xffff;
	[tilespmem:s0+$0x180] =	vst v11  }
0x278: {  	[tilespmem:s0+$0x0] =	vst v13  }
0x279: {  	[tilespmem:s0+$0xFFFFFE80] =	vst v15  }
0x27a: {  	[tilespmem:s0+$0x80] =	vst v14  }
0x27b: {  	[tilespmem:s0+$0xFFFFFF80] =	vst v8  }
0x27c: {  	[tilespmem:s0+$0xFFFFFF00] =	vst v9  }
0x27d: {  	v8 =	vld [tilespmem:$0x2D0];
	_ =	sdelay $0x3  }
0x27e: {  	s8 =	simm.s32 $0x0  }
0x27f: {  	s11 =	simm.s32 $0x6;
	v9 =	vadd.s32 s8, v8  }
0x280: {  	s26 =	simm.s32 $0x7;
	v10 =	vadd.s32 s11, v8;
	v9 =	vadd.s32 v5, v9  }
0x281: {  	s7 =	simm.s32 $0x5;
	v11 =	vadd.s32 s26, v8;
	v10 =	vadd.s32 v5, v10  }
0x282: {  	s28 =	simm.s32 $0x4;
	v13 =	vadd.s32 s7, v8;
	v11 =	vadd.s32 v5, v11  }
0x283: {  	v12 =	vadd.s32 s28, v8;
	s11 =	simm.s32 $0x3;
	v13 =	vadd.s32 v5, v13  }
0x284: {  	s8 =	simm.s32 $0x1;
	v12 =	vadd.s32 v5, v12;
	v15 =	vadd.s32 s11, v8  }
0x285: {  	s26 =	simm.s32 $0x2;
	v14 =	vadd.s32 s8, v8;
	v15 =	vadd.s32 v5, v15;
	v16 =	vld.idx.msk [tilespmem:v9+s18+$0x0], $0xffff  }
0x286: {  	s8 =	simm.s32 $0xF;
	v14 =	vadd.s32 v5, v14;
	v9 =	vadd.s32 s26, v8;
	v19 =	vld.idx.msk [tilespmem:v10+s18+$0x0], $0xffff  }
0x287: {  	s28 =	simm.s32 $0x8;
	v18 =	vadd.s32 s8, v8;
	v23 =	vld.idx.msk [tilespmem:v11+s18+$0x0], $0xffff;
	v22 =	vadd.s32 v5, v9  }
0x288: {  	s1 =	simm.s32 $0xE;
	s7 =	simm.s32 $0xC;
	v20 =	vadd.s32 v5, v18;
	v10 =	vadd.s32 s28, v8;
	v11 =	vld.idx.msk [tilespmem:v13+s18+$0x0], $0xffff  }
0x289: {  	s31 =	simm.s32 $0x9550;
	v13 =	vadd.s32 s7, v8;
	s26 =	simm.s32 $0x9;
	v9 =	vld.idx.msk [tilespmem:v12+s18+$0x0], $0xffff;
	v10 =	vadd.s32 v5, v10;
	v12 =	vadd.s32 s1, v8  }
0x28a: {  	s11 =	simm.s32 $0xD;
	s28 =	simm.s32 $0xB;
	v13 =	vadd.s32 v5, v13;
	v18 =	vld.idx.msk [tilespmem:v15+s18+$0x0], $0xffff;
	v15 =	vadd.s32 s26, v8;
	v17 =	vadd.s32 v5, v12;
	[tilespmem:s31+$0xFFFFFE00] =	vst v16  }
0x28b: {  	s8 =	simm.s32 $0xA;
	v14 =	vld.idx.msk [tilespmem:v14+s18+$0x0], $0xffff;
	v24 =	vadd.s32 s28, v8;
	v12 =	vadd.s32 s11, v8;
	v15 =	vadd.s32 v5, v15;
	[tilespmem:s31+$0x100] =	vst v19  }
0x28c: {  	s0 =	simm.s32 $0x10;
	v21 =	vadd.s32 s8, v8;
	s1 =	simm.s32 $0x9550;
	v16 =	vadd.s32 v5, v12;
	v12 =	vadd.s32 v5, v24;
	[tilespmem:s31+$0x180] =	vst v23;
	v19 =	vld.idx.msk [tilespmem:v22+s18+$0x0], $0xffff  }
.LBB2_33:
0x28d: {  	p0 =	slt.u32 s0, $0x18  }
0x28e: {  	v22 =	vld.idx.msk [tilespmem:v10+s18+$0x0], $0xffff;
	[tilespmem:s31+$0x0] =	vst v9;
	s1 =	sadd.s32 $0x400, s1;
	s7 =	smov.u32 s0;
	s0 =	sadd.s32 $0x8, s0  }
0x28f: {  	v23 =	vadd.s32 v5, v21;
	v24 =	vld.idx.msk [tilespmem:v17+s18+$0x0], $0xffff;
	[tilespmem:s31+$0x80] =	vst v11  }
0x290: {  	v25 =	vld.idx.msk [tilespmem:v20+s18+$0x0], $0xffff;
	[tilespmem:s31+$0xFFFFFE80] =	vst v14  }
0x291: {  	v10 =	vadd.s32 s7, v8;
	s8 =	sadd.s32 $0x6, s7;
	s11 =	sadd.s32 $0x7, s7;
	v9 =	vld.idx.msk [tilespmem:v13+s18+$0x0], $0xffff;
	[tilespmem:s31+$0xFFFFFF80] =	vst v18  }
.Ltmp16:
0x292: {  	s26 =	sadd.s32 $0x4, s7;
	s28 =	sadd.s32 $0x5, s7;
	v10 =	vadd.s32 v5, v10;
	v13 =	vadd.s32 s8, v8;
	v18 =	vadd.s32 s11, v8;
	v11 =	vld.idx.msk [tilespmem:v16+s18+$0x0], $0xffff;
	[tilespmem:s31+$0xFFFFFF00] =	vst v19;
	(pc) =	sbr.rel @p0 .LBB2_33-.Ltmp16, $4  }
0x293: {  	s8 =	sadd.s32 $0x1, s7;
	s11 =	sadd.s32 $0x2, s7;
	s7 =	sadd.s32 $0x3, s7;
	v16 =	vadd.s32 s26, v8;
	v19 =	vadd.s32 s28, v8;
	v17 =	vadd.s32 v5, v13;
	v14 =	vld.idx.msk [tilespmem:v15+s18+$0x0], $0xffff  }
0x294: {  	v21 =	vadd.s32 s11, v8;
	v20 =	vadd.s32 v5, v18;
	s31 =	smov.u32 s1;
	v13 =	vadd.s32 v5, v16;
	[tilespmem:s1+$0xFFFFFE00] =	vst v22;
	v18 =	vld.idx.msk [tilespmem:v12+s18+$0x0], $0xffff  }
0x295: {  	v16 =	vadd.s32 v5, v19;
	v12 =	vadd.s32 s8, v8;
	v22 =	vadd.s32 s7, v8;
	v19 =	vld.idx.msk [tilespmem:v23+s18+$0x0], $0xffff;
	[tilespmem:s1+$0x100] =	vst v24  }
0x296: {  	v15 =	vadd.s32 v5, v12;
	v12 =	vadd.s32 v5, v22;
	[tilespmem:s1+$0x180] =	vst v25  }
0x297: {  	_ =	sdelay $0x3  }
0x298: {  	v8 =	vld.idx.msk [tilespmem:v10+s18+$0x0], $0xffff;
	[tilespmem:s31+$0x0] =	vst v9  }
0x299: {  	v9 =	vld.idx.msk [tilespmem:v17+s18+$0x0], $0xffff;
	[tilespmem:s31+$0x80] =	vst v11  }
0x29a: {  	v10 =	vadd.s32 v5, v21;
	v11 =	vld.idx.msk [tilespmem:v20+s18+$0x0], $0xffff;
	[tilespmem:s31+$0xFFFFFE80] =	vst v14  }
0x29b: {  	v13 =	vld.idx.msk [tilespmem:v13+s18+$0x0], $0xffff;
	[tilespmem:s31+$0xFFFFFF80] =	vst v18  }
0x29c: {  	s0 =	sadd.s32 $0x400, s1;
	v15 =	vld.idx.msk [tilespmem:v15+s18+$0x0], $0xffff;
	[tilespmem:s31+$0xFFFFFF00] =	vst v19  }
0x29d: {  	v14 =	vld.idx.msk [tilespmem:v16+s18+$0x0], $0xffff;
	[tilespmem:s0+$0xFFFFFE00] =	vst v8  }
0x29e: {  	v8 =	vld.idx.msk [tilespmem:v12+s18+$0x0], $0xffff;
	[tilespmem:s0+$0x100] =	vst v9  }
0x29f: {  	v9 =	vld.idx.msk [tilespmem:v10+s18+$0x0], $0xffff;
	[tilespmem:s0+$0x180] =	vst v11  }
0x2a0: {  	[tilespmem:s0+$0x0] =	vst v13  }
0x2a1: {  	[tilespmem:s0+$0xFFFFFE80] =	vst v15  }
0x2a2: {  	[tilespmem:s0+$0x80] =	vst v14  }
0x2a3: {  	[tilespmem:s0+$0xFFFFFF80] =	vst v8  }
0x2a4: {  	[tilespmem:s0+$0xFFFFFF00] =	vst v9  }
0x2a5: {  	v8 =	vld [tilespmem:$0x2E0];
	_ =	sdelay $0x3  }
0x2a6: {  	s8 =	simm.s32 $0x0  }
0x2a7: {  	s11 =	simm.s32 $0x6;
	v9 =	vadd.s32 s8, v8  }
0x2a8: {  	s26 =	simm.s32 $0x7;
	v10 =	vadd.s32 s11, v8;
	v9 =	vadd.s32 v6, v9  }
0x2a9: {  	s7 =	simm.s32 $0x5;
	v11 =	vadd.s32 s26, v8;
	v10 =	vadd.s32 v6, v10  }
0x2aa: {  	s28 =	simm.s32 $0x4;
	v13 =	vadd.s32 s7, v8;
	v11 =	vadd.s32 v6, v11  }
0x2ab: {  	v12 =	vadd.s32 s28, v8;
	s11 =	simm.s32 $0x3;
	v13 =	vadd.s32 v6, v13  }
0x2ac: {  	s8 =	simm.s32 $0x1;
	v12 =	vadd.s32 v6, v12;
	v15 =	vadd.s32 s11, v8  }
0x2ad: {  	s26 =	simm.s32 $0x2;
	v14 =	vadd.s32 s8, v8;
	v15 =	vadd.s32 v6, v15;
	v16 =	vld.idx.msk [tilespmem:v9+s18+$0x0], $0xffff  }
0x2ae: {  	s8 =	simm.s32 $0xF;
	v14 =	vadd.s32 v6, v14;
	v9 =	vadd.s32 s26, v8;
	v19 =	vld.idx.msk [tilespmem:v10+s18+$0x0], $0xffff  }
0x2af: {  	s28 =	simm.s32 $0x8;
	v18 =	vadd.s32 s8, v8;
	v23 =	vld.idx.msk [tilespmem:v11+s18+$0x0], $0xffff;
	v22 =	vadd.s32 v6, v9  }
0x2b0: {  	s1 =	simm.s32 $0xE;
	s7 =	simm.s32 $0xC;
	v20 =	vadd.s32 v6, v18;
	v10 =	vadd.s32 s28, v8;
	v11 =	vld.idx.msk [tilespmem:v13+s18+$0x0], $0xffff  }
0x2b1: {  	s31 =	simm.s32 $0x9560;
	v13 =	vadd.s32 s7, v8;
	s26 =	simm.s32 $0x9;
	v9 =	vld.idx.msk [tilespmem:v12+s18+$0x0], $0xffff;
	v10 =	vadd.s32 v6, v10;
	v12 =	vadd.s32 s1, v8  }
0x2b2: {  	s11 =	simm.s32 $0xD;
	s28 =	simm.s32 $0xB;
	v13 =	vadd.s32 v6, v13;
	v18 =	vld.idx.msk [tilespmem:v15+s18+$0x0], $0xffff;
	v15 =	vadd.s32 s26, v8;
	v17 =	vadd.s32 v6, v12;
	[tilespmem:s31+$0xFFFFFE00] =	vst v16  }
0x2b3: {  	s8 =	simm.s32 $0xA;
	v14 =	vld.idx.msk [tilespmem:v14+s18+$0x0], $0xffff;
	v24 =	vadd.s32 s28, v8;
	v12 =	vadd.s32 s11, v8;
	v15 =	vadd.s32 v6, v15;
	[tilespmem:s31+$0x100] =	vst v19  }
0x2b4: {  	s0 =	simm.s32 $0x10;
	v21 =	vadd.s32 s8, v8;
	s1 =	simm.s32 $0x9560;
	v16 =	vadd.s32 v6, v12;
	v12 =	vadd.s32 v6, v24;
	[tilespmem:s31+$0x180] =	vst v23;
	v19 =	vld.idx.msk [tilespmem:v22+s18+$0x0], $0xffff  }
.LBB2_35:
0x2b5: {  	p0 =	slt.u32 s0, $0x18  }
0x2b6: {  	v22 =	vld.idx.msk [tilespmem:v10+s18+$0x0], $0xffff;
	[tilespmem:s31+$0x0] =	vst v9;
	s1 =	sadd.s32 $0x400, s1;
	s7 =	smov.u32 s0;
	s0 =	sadd.s32 $0x8, s0  }
0x2b7: {  	v23 =	vadd.s32 v6, v21;
	v24 =	vld.idx.msk [tilespmem:v17+s18+$0x0], $0xffff;
	[tilespmem:s31+$0x80] =	vst v11  }
0x2b8: {  	v25 =	vld.idx.msk [tilespmem:v20+s18+$0x0], $0xffff;
	[tilespmem:s31+$0xFFFFFE80] =	vst v14  }
0x2b9: {  	v10 =	vadd.s32 s7, v8;
	s8 =	sadd.s32 $0x6, s7;
	s11 =	sadd.s32 $0x7, s7;
	v9 =	vld.idx.msk [tilespmem:v13+s18+$0x0], $0xffff;
	[tilespmem:s31+$0xFFFFFF80] =	vst v18  }
.Ltmp17:
0x2ba: {  	s26 =	sadd.s32 $0x4, s7;
	s28 =	sadd.s32 $0x5, s7;
	v10 =	vadd.s32 v6, v10;
	v13 =	vadd.s32 s8, v8;
	v18 =	vadd.s32 s11, v8;
	v11 =	vld.idx.msk [tilespmem:v16+s18+$0x0], $0xffff;
	[tilespmem:s31+$0xFFFFFF00] =	vst v19;
	(pc) =	sbr.rel @p0 .LBB2_35-.Ltmp17, $4  }
0x2bb: {  	s8 =	sadd.s32 $0x1, s7;
	s11 =	sadd.s32 $0x2, s7;
	s7 =	sadd.s32 $0x3, s7;
	v16 =	vadd.s32 s26, v8;
	v19 =	vadd.s32 s28, v8;
	v17 =	vadd.s32 v6, v13;
	v14 =	vld.idx.msk [tilespmem:v15+s18+$0x0], $0xffff  }
0x2bc: {  	v21 =	vadd.s32 s11, v8;
	v20 =	vadd.s32 v6, v18;
	s31 =	smov.u32 s1;
	v13 =	vadd.s32 v6, v16;
	[tilespmem:s1+$0xFFFFFE00] =	vst v22;
	v18 =	vld.idx.msk [tilespmem:v12+s18+$0x0], $0xffff  }
0x2bd: {  	v16 =	vadd.s32 v6, v19;
	v12 =	vadd.s32 s8, v8;
	v22 =	vadd.s32 s7, v8;
	v19 =	vld.idx.msk [tilespmem:v23+s18+$0x0], $0xffff;
	[tilespmem:s1+$0x100] =	vst v24  }
0x2be: {  	v15 =	vadd.s32 v6, v12;
	v12 =	vadd.s32 v6, v22;
	[tilespmem:s1+$0x180] =	vst v25  }
0x2bf: {  	_ =	sdelay $0x3  }
0x2c0: {  	v8 =	vld.idx.msk [tilespmem:v10+s18+$0x0], $0xffff;
	[tilespmem:s31+$0x0] =	vst v9  }
0x2c1: {  	v9 =	vld.idx.msk [tilespmem:v17+s18+$0x0], $0xffff;
	[tilespmem:s31+$0x80] =	vst v11  }
0x2c2: {  	v10 =	vadd.s32 v6, v21;
	v11 =	vld.idx.msk [tilespmem:v20+s18+$0x0], $0xffff;
	[tilespmem:s31+$0xFFFFFE80] =	vst v14  }
0x2c3: {  	v13 =	vld.idx.msk [tilespmem:v13+s18+$0x0], $0xffff;
	[tilespmem:s31+$0xFFFFFF80] =	vst v18  }
0x2c4: {  	s0 =	sadd.s32 $0x400, s1;
	v15 =	vld.idx.msk [tilespmem:v15+s18+$0x0], $0xffff;
	[tilespmem:s31+$0xFFFFFF00] =	vst v19  }
0x2c5: {  	v14 =	vld.idx.msk [tilespmem:v16+s18+$0x0], $0xffff;
	[tilespmem:s0+$0xFFFFFE00] =	vst v8  }
0x2c6: {  	v8 =	vld.idx.msk [tilespmem:v12+s18+$0x0], $0xffff;
	[tilespmem:s0+$0x100] =	vst v9  }
0x2c7: {  	v9 =	vld.idx.msk [tilespmem:v10+s18+$0x0], $0xffff;
	[tilespmem:s0+$0x180] =	vst v11  }
0x2c8: {  	[tilespmem:s0+$0x0] =	vst v13  }
0x2c9: {  	[tilespmem:s0+$0xFFFFFE80] =	vst v15  }
0x2ca: {  	[tilespmem:s0+$0x80] =	vst v14  }
0x2cb: {  	[tilespmem:s0+$0xFFFFFF80] =	vst v8  }
0x2cc: {  	[tilespmem:s0+$0xFFFFFF00] =	vst v9  }
0x2cd: {  	v8 =	vld [tilespmem:$0x2F0];
	_ =	sdelay $0x3  }
0x2ce: {  	s8 =	simm.s32 $0x0  }
0x2cf: {  	s11 =	simm.s32 $0x6;
	v9 =	vadd.s32 s8, v8  }
0x2d0: {  	s26 =	simm.s32 $0x7;
	v10 =	vadd.s32 s11, v8;
	v9 =	vadd.s32 v7, v9  }
0x2d1: {  	s7 =	simm.s32 $0x5;
	v11 =	vadd.s32 s26, v8;
	v10 =	vadd.s32 v7, v10  }
0x2d2: {  	s28 =	simm.s32 $0x4;
	v13 =	vadd.s32 s7, v8;
	v11 =	vadd.s32 v7, v11  }
0x2d3: {  	v12 =	vadd.s32 s28, v8;
	s11 =	simm.s32 $0x3;
	v13 =	vadd.s32 v7, v13  }
0x2d4: {  	s8 =	simm.s32 $0x1;
	v12 =	vadd.s32 v7, v12;
	v15 =	vadd.s32 s11, v8  }
0x2d5: {  	s26 =	simm.s32 $0x2;
	v14 =	vadd.s32 s8, v8;
	v15 =	vadd.s32 v7, v15;
	v16 =	vld.idx.msk [tilespmem:v9+s18+$0x0], $0xffff  }
0x2d6: {  	s8 =	simm.s32 $0xF;
	v14 =	vadd.s32 v7, v14;
	v9 =	vadd.s32 s26, v8;
	v19 =	vld.idx.msk [tilespmem:v10+s18+$0x0], $0xffff  }
0x2d7: {  	s28 =	simm.s32 $0x8;
	v18 =	vadd.s32 s8, v8;
	v23 =	vld.idx.msk [tilespmem:v11+s18+$0x0], $0xffff;
	v22 =	vadd.s32 v7, v9  }
0x2d8: {  	s1 =	simm.s32 $0xE;
	s7 =	simm.s32 $0xC;
	v20 =	vadd.s32 v7, v18;
	v10 =	vadd.s32 s28, v8;
	v11 =	vld.idx.msk [tilespmem:v13+s18+$0x0], $0xffff  }
0x2d9: {  	s31 =	simm.s32 $0x9570;
	v13 =	vadd.s32 s7, v8;
	s26 =	simm.s32 $0x9;
	v9 =	vld.idx.msk [tilespmem:v12+s18+$0x0], $0xffff;
	v10 =	vadd.s32 v7, v10;
	v12 =	vadd.s32 s1, v8  }
0x2da: {  	s11 =	simm.s32 $0xD;
	s28 =	simm.s32 $0xB;
	v13 =	vadd.s32 v7, v13;
	v18 =	vld.idx.msk [tilespmem:v15+s18+$0x0], $0xffff;
	v15 =	vadd.s32 s26, v8;
	v17 =	vadd.s32 v7, v12;
	[tilespmem:s31+$0xFFFFFE00] =	vst v16  }
0x2db: {  	s8 =	simm.s32 $0xA;
	v14 =	vld.idx.msk [tilespmem:v14+s18+$0x0], $0xffff;
	v24 =	vadd.s32 s28, v8;
	v12 =	vadd.s32 s11, v8;
	v15 =	vadd.s32 v7, v15;
	[tilespmem:s31+$0x100] =	vst v19  }
0x2dc: {  	s0 =	simm.s32 $0x10;
	v21 =	vadd.s32 s8, v8;
	s1 =	simm.s32 $0x9570;
	v16 =	vadd.s32 v7, v12;
	v12 =	vadd.s32 v7, v24;
	[tilespmem:s31+$0x180] =	vst v23;
	v19 =	vld.idx.msk [tilespmem:v22+s18+$0x0], $0xffff  }
.LBB2_37:
0x2dd: {  	p0 =	slt.u32 s0, $0x18  }
0x2de: {  	v22 =	vld.idx.msk [tilespmem:v10+s18+$0x0], $0xffff;
	[tilespmem:s31+$0x0] =	vst v9;
	s1 =	sadd.s32 $0x400, s1;
	s7 =	smov.u32 s0;
	s0 =	sadd.s32 $0x8, s0  }
0x2df: {  	v23 =	vadd.s32 v7, v21;
	v24 =	vld.idx.msk [tilespmem:v17+s18+$0x0], $0xffff;
	[tilespmem:s31+$0x80] =	vst v11  }
0x2e0: {  	v25 =	vld.idx.msk [tilespmem:v20+s18+$0x0], $0xffff;
	[tilespmem:s31+$0xFFFFFE80] =	vst v14  }
0x2e1: {  	v10 =	vadd.s32 s7, v8;
	s8 =	sadd.s32 $0x6, s7;
	s11 =	sadd.s32 $0x7, s7;
	v9 =	vld.idx.msk [tilespmem:v13+s18+$0x0], $0xffff;
	[tilespmem:s31+$0xFFFFFF80] =	vst v18  }
.Ltmp18:
0x2e2: {  	s26 =	sadd.s32 $0x4, s7;
	s28 =	sadd.s32 $0x5, s7;
	v10 =	vadd.s32 v7, v10;
	v13 =	vadd.s32 s8, v8;
	v18 =	vadd.s32 s11, v8;
	v11 =	vld.idx.msk [tilespmem:v16+s18+$0x0], $0xffff;
	[tilespmem:s31+$0xFFFFFF00] =	vst v19;
	(pc) =	sbr.rel @p0 .LBB2_37-.Ltmp18, $4  }
0x2e3: {  	s8 =	sadd.s32 $0x1, s7;
	s11 =	sadd.s32 $0x2, s7;
	s7 =	sadd.s32 $0x3, s7;
	v16 =	vadd.s32 s26, v8;
	v19 =	vadd.s32 s28, v8;
	v17 =	vadd.s32 v7, v13;
	v14 =	vld.idx.msk [tilespmem:v15+s18+$0x0], $0xffff  }
0x2e4: {  	v21 =	vadd.s32 s11, v8;
	v20 =	vadd.s32 v7, v18;
	s31 =	smov.u32 s1;
	v13 =	vadd.s32 v7, v16;
	[tilespmem:s1+$0xFFFFFE00] =	vst v22;
	v18 =	vld.idx.msk [tilespmem:v12+s18+$0x0], $0xffff  }
0x2e5: {  	v16 =	vadd.s32 v7, v19;
	v12 =	vadd.s32 s8, v8;
	v22 =	vadd.s32 s7, v8;
	v19 =	vld.idx.msk [tilespmem:v23+s18+$0x0], $0xffff;
	[tilespmem:s1+$0x100] =	vst v24  }
0x2e6: {  	v15 =	vadd.s32 v7, v12;
	v12 =	vadd.s32 v7, v22;
	[tilespmem:s1+$0x180] =	vst v25  }
0x2e7: {  	_ =	sdelay $0x3  }
0x2e8: {  	v8 =	vld.idx.msk [tilespmem:v10+s18+$0x0], $0xffff;
	[tilespmem:s31+$0x0] =	vst v9  }
0x2e9: {  	v59 =	vld.idx.msk [tilespmem:v17+s18+$0x0], $0xffff;
	[tilespmem:s31+$0x80] =	vst v11  }
0x2ea: {  	v60 =	vadd.s32 v7, v21;
	v61 =	vld.idx.msk [tilespmem:v20+s18+$0x0], $0xffff;
	[tilespmem:s31+$0xFFFFFE80] =	vst v14  }
0x2eb: {  	v13 =	vld.idx.msk [tilespmem:v13+s18+$0x0], $0xffff;
	[tilespmem:s31+$0xFFFFFF80] =	vst v18  }
0x2ec: {  	s0 =	sadd.s32 $0x400, s1;
	v62 =	vld.idx.msk [tilespmem:v16+s18+$0x0], $0xffff;
	[tilespmem:s31+$0xFFFFFF00] =	vst v19  }
0x2ed: {  	v15 =	vld.idx.msk [tilespmem:v15+s18+$0x0], $0xffff;
	[tilespmem:s0+$0xFFFFFE00] =	vst v8  }
0x2ee: {  	v8 =	vld.idx.msk [tilespmem:v12+s18+$0x0], $0xffff;
	[tilespmem:s0+$0x100] =	vst v59  }
0x2ef: {  	s30 =	sadd.s32 s30, s4;
	s29 =	sadd.s32 $0x1, s29;
	v63 =	vld.idx.msk [tilespmem:v60+s18+$0x0], $0xffff;
	[tilespmem:s0+$0x180] =	vst v61  }
0x2f0: {  	s1 =	sadd.s32 $0x1, s30;
	p0 =	sne.s32 s29, $0x64;
	[tilespmem:s0+$0x0] =	vst v13  }
.Ltmp19:
0x2f1: {  	s7 =	sshll.u32 s1, $0x7;
	[tilespmem:s0+$0x80] =	vst v62;
	(pc) =	sbr.rel @p0 .LBB2_2-.Ltmp19, $4  }
0x2f2: {  	s1 =	sshll.u32 s1, $0x9;
	s7 =	sand.u32 $0x3F80, s7;
	[tilespmem:s0+$0xFFFFFE80] =	vst v15  }
0x2f3: {  	s1 =	sand.u32 $0xFFF0000, s1;
	s7 =	sadd.s32 s3, s7;
	[tilespmem:s0+$0xFFFFFF80] =	vst v8  }
0x2f4: {  	s31 =	sadd.s32 s1, s7;
	[tilespmem:s0+$0xFFFFFF00] =	vst v63  }
0x2f5: {  	[hbm4b:s31+s20] =	stream.strided.scatter [tilespmem:s25], [sflag:$0x6], $0x1000, s21, s20, $0x38;
	[tilespmem:$0xA300] =	vst v63  }
0x2f6: {  	s0 =	simm.s32 $0x5  }
0x2f7: {  	_ =	swait.ge [sflag:s0], $0x1000  }
0x2f8: {  	[sflag:s0] =	ssyncset.done $0x0  }
0x2f9: {  	[sflag:s0] =	ssyncadd.s32 $0xFFFFF000  }
0x2fa: {  	_ =	swait.ge [sflag:s24], $0x1000  }
0x2fb: {  	s1 =	rddreg [dreg:$0x7]  }
0x2fc: {  	s31 =	rddreg [dreg:$0x6];
	s1 =	sadd.s32 $0x1, s1  }
0x2fd: {  	p0 =	sne.s32 s1, s31  }
.Ltmp20:
0x2fe: {  	_ = 	snop;
	(pc) =	sbr.rel @p0 .LBB2_1-.Ltmp20, $3  }
0x2ff: {  	_ =	sdelay $0x1  }
0x300: {  	[sflag:s24] =	ssyncset.done $0x0  }
0x301: {  	[sflag:s24] =	ssyncadd.s32 $0xFFFFF000  }
0x302: {  	_ =	sfence.sel $0x180000  }
0x303: {  	[bflag:$0x0] =	sbarrier.arrive $0xFFFF  }
0x304: {  	_ =	strace $0x9000004A  }
0x305: {  	s0 =	stileid.u32;
	[bflag:$0x2] =	sbarrier.arrive $0xFFFF  }
0x306: {  	p0 =	sne.s32 s0, $0x0;
	s0 =	rddreg [dreg:$0x3]  }
0x307: {  	s0 =	sadd.s32 @!p0 $0x100000, s0  }
0x308: {  	[sflag:s0] =	ssyncadd.tile.s32 @!p0 $0x1;
	_ =	shalt  }
.Lfunc_end2:
_tile_overlayer_lowered:
.L_overlay_start_2:
0x309: {  	(tag) =	ssettag $0x2  }
0x30a: {  	s0 =	rddreg [dreg:$0x0];
	s2 =	stileid.u32  }
0x30b: {  	s1 =	rddreg [dreg:$0x1];
	p0 =	sne.s32 s2, $0x0  }
0x30c: {  	s3 =	rddreg [dreg:$0x2];
	[bflag:$0x3] =	sbarrier.arrive $0xFFFF;
	s2 =	simm.s32 @!p0 $0x1C07  }
0x30d: {  	[timem:s3], [sflag:s2] =	dma.local @!p0 [hbm:s0], s1  }
0x30e: {  	s0 =	simm.s32 @!p0 $0x7  }
0x30f: {  	_ =	swait.ge @!p0 [sflag:s0], s1  }
0x310: {  	s1 =	ssub.s32 @!p0 $0x0, s1;
	[sflag:s0] =	ssyncset.done @!p0 $0x0  }
0x311: {  	[sflag:s0] =	ssyncadd.s32 @!p0 s1  }
0x312: {  	[bflag:$0x3] =	sbarrier.arrive $0xFFFF  }
0x313: {  	_ =	shalt  }

</sc_bundles>
